<compile_context>
chip_gen: v7x
topology: tpu7x:2x2x1
jax: 0.10.2.dev20260603
libtpu: 0.0.44.dev20260713+nightly
codegen_flags: <defaults>
</compile_context>

<pallas_src>
import functools

import jax
import jax.numpy as jnp
from jax import lax
from jax.experimental import pallas as pl
from jax.experimental.pallas import tpu as pltpu
from jax.experimental.pallas import tpu_sc as plsc

N_FACTORS = 32
BATCH = 16384
NC, NS, L = 2, 16, 16
NW = NC * NS
BPW = BATCH // NW
NGROUP = BPW // L
TCOL = 128
SB = 4
NSB = L // SB


def _body(data_hbm, uf_hbm, if_hbm, out_hbm,
          data_v, ustart, istart, ulane, ilane,
          ubuf, vbuf, pbuf, out_v, sem_u0, sem_u1, sem_v0, sem_v1):
  wid = lax.axis_index("s") * NC + lax.axis_index("c")
  base = wid * BPW

  pltpu.sync_copy(data_hbm.at[pl.ds(2 * base, 2 * BPW)], data_v)

  iot = lax.iota(jnp.int32, L)
  zeros = jnp.zeros((L,), jnp.int32)

  for g in range(NGROUP):
    rows2 = (iot + iot) + (2 * g * L)
    u_i = plsc.load_gather(data_v, [rows2])
    v_i = plsc.load_gather(data_v, [rows2 + 1])
    s = pl.ds(g * L, L)
    ustart[s] = u_i - (u_i & (TCOL - 1))
    ulane[s] = u_i & (TCOL - 1)
    istart[s] = v_i - (v_i & (TCOL - 1))
    ilane[s] = v_i & (TCOL - 1)

  u_sems = (sem_u0, sem_u1)
  v_sems = (sem_v0, sem_v1)

  def fire(suv, siv, sb):
    p = sb % 2
    for k in range(SB):
      su = pl.multiple_of(suv[SB * sb + k], TCOL)
      si = pl.multiple_of(siv[SB * sb + k], TCOL)
      pltpu.async_copy(uf_hbm.at[:, pl.ds(su, TCOL)], ubuf.at[p, k],
                       u_sems[p])
      pltpu.async_copy(if_hbm.at[:, pl.ds(si, TCOL)], vbuf.at[p, k],
                       v_sems[p])

  def drain(sb):
    p = sb % 2
    for k in range(SB):
      pltpu.make_async_copy(uf_hbm.at[:, pl.ds(0, TCOL)], ubuf.at[p, k],
                            u_sems[p]).wait()
      pltpu.make_async_copy(if_hbm.at[:, pl.ds(0, TCOL)], vbuf.at[p, k],
                            v_sems[p]).wait()

  def compute(quv, qvv, sb):
    p = sb % 2
    for k in range(SB):
      qu = quv[SB * sb + k] + zeros
      qv = qvv[SB * sb + k] + zeros
      ul = plsc.load_gather(ubuf.at[p, k], [iot, qu])
      uh = plsc.load_gather(ubuf.at[p, k], [iot + L, qu])
      vl = plsc.load_gather(vbuf.at[p, k], [iot, qv])
      vh = plsc.load_gather(vbuf.at[p, k], [iot + L, qv])
      pbuf[SB * sb + k, :] = ul * vl + uh * vh

  def group_body(g, carry):
    s = pl.ds(g * L, L)
    suv = ustart[s]
    siv = istart[s]
    quv = ulane[s]
    qvv = ilane[s]
    fire(suv, siv, 0)
    fire(suv, siv, 1)
    for sb in range(NSB):
      drain(sb)
      if sb + 2 < NSB:
        fire(suv, siv, sb + 2)
      compute(quv, qvv, sb)
    accv = jnp.zeros((L,), jnp.float32)
    for d in range(L):
      dcol = jnp.full((L,), d, jnp.int32)
      accv = accv + plsc.load_gather(pbuf, [iot, dcol])
    out_v[s] = accv
    return carry

  lax.fori_loop(0, NGROUP, group_body, 0)

  pltpu.sync_copy(out_v, out_hbm.at[pl.ds(base, BPW)])


_mesh = plsc.VectorSubcoreMesh(core_axis_name="c", subcore_axis_name="s")

_sc_call = functools.partial(
    pl.kernel,
    out_type=jax.ShapeDtypeStruct((BATCH,), jnp.float32),
    mesh=_mesh,
    compiler_params=pltpu.CompilerParams(needs_layout_passes=False),
    scratch_types=[
        pltpu.VMEM((2 * BPW,), jnp.int32),
        pltpu.VMEM((BPW,), jnp.int32),
        pltpu.VMEM((BPW,), jnp.int32),
        pltpu.VMEM((BPW,), jnp.int32),
        pltpu.VMEM((BPW,), jnp.int32),
        pltpu.VMEM((2, SB, N_FACTORS, TCOL), jnp.float32),
        pltpu.VMEM((2, SB, N_FACTORS, TCOL), jnp.float32),
        pltpu.VMEM((L, L), jnp.float32),
        pltpu.VMEM((BPW,), jnp.float32),
        pltpu.SemaphoreType.DMA,
        pltpu.SemaphoreType.DMA,
        pltpu.SemaphoreType.DMA,
        pltpu.SemaphoreType.DMA,
    ],
)(_body)


@jax.jit
def kernel(data, user_factors, item_factors):
  flat = data.astype(jnp.int32).reshape(-1)
  return _sc_call(flat, user_factors.T, item_factors.T)

# --- scband reference (transcript-rebuilt; emitter-appended) ---
"""Pipeline reference for scband-matrix-factorization-14705968022353 (READ-ONLY COPY).

The authoritative reference and input builder live on the scoring server;
editing this copy changes nothing except your own understanding.
"""

import jax, jax.numpy as jnp
import numpy as np

N_USERS = 1000000
N_ITEMS = 1000000
N_FACTORS = 32
BATCH = 16384

def setup_inputs(seed: int = 0) -> dict:
    key = jax.random.key(seed)
    k1, k2, k3 = jax.random.split(key, 3)
    data = jax.random.randint(k1, (BATCH, 2), 0, N_USERS, dtype=jnp.int64) if jax.config.jax_enable_x64 else jax.random.randint(k1, (BATCH, 2), 0, N_USERS, dtype=jnp.int32)
    user_factors = jax.random.uniform(k2, (N_USERS, N_FACTORS), dtype=jnp.float32) * 0.05
    item_factors = jax.random.uniform(k3, (N_ITEMS, N_FACTORS), dtype=jnp.float32) * 0.05
    return {"data": data, "user_factors": user_factors, "item_factors": item_factors}

def reference(data, user_factors, item_factors):
    users = data[:, 0]
    items = data[:, 1]
    u = jnp.take(user_factors, users, axis=0)
    v = jnp.take(item_factors, items, axis=0)
    return (u * v).sum(axis=1)

if __name__ == "__main__":
    import jax
    _d = setup_inputs()
    print(jax.jit(kernel)(*tuple(_d.values())))

</pallas_src>

<mosaic_0001>
#map = affine_map<(d0, d1) -> (0)>
#map1 = affine_map<(d0, d1) -> (0, 0)>
module attributes {stable_mosaic.version = 14 : i64} {
  func.func @_body(%arg0: i32, %arg1: i32, %arg2: memref<32768xi32, #tpu.memory_space<hbm>>, %arg3: memref<32x1000000xf32, #tpu.memory_space<hbm>>, %arg4: memref<32x1000000xf32, #tpu.memory_space<hbm>>, %arg5: memref<16384xf32, #tpu.memory_space<hbm>>, %arg6: memref<1024xi32, #tpu.memory_space<vmem>>, %arg7: memref<512xi32, #tpu.memory_space<vmem>>, %arg8: memref<512xi32, #tpu.memory_space<vmem>>, %arg9: memref<512xi32, #tpu.memory_space<vmem>>, %arg10: memref<512xi32, #tpu.memory_space<vmem>>, %arg11: memref<2x4x32x128xf32, #tpu.memory_space<vmem>>, %arg12: memref<2x4x32x128xf32, #tpu.memory_space<vmem>>, %arg13: memref<16x16xf32, #tpu.memory_space<vmem>>, %arg14: memref<512xf32, #tpu.memory_space<vmem>>, %arg15: memref<!tpu.dma_semaphore, #tpu.memory_space<semaphore_mem>>, %arg16: memref<!tpu.dma_semaphore, #tpu.memory_space<semaphore_mem>>, %arg17: memref<!tpu.dma_semaphore, #tpu.memory_space<semaphore_mem>>, %arg18: memref<!tpu.dma_semaphore, #tpu.memory_space<semaphore_mem>>) attributes {dimension_semantics = [#tpu.dimension_semantics<core_parallel>, #tpu.dimension_semantics<subcore_parallel>], iteration_bounds = array<i64: 2, 16>, scalar_prefetch = 0 : i64, scratch_operands = 13 : i64, tpu.core_type = #tpu.core_type<sc_vector_subcore>, window_params = [{transform_indices = #map}, {transform_indices = #map1}, {transform_indices = #map1}, {transform_indices = #map}]} {
    %mul3A = arith.constant 2 : i32
    %mul3A_0 = arith.muli %arg1, %mul3A : i32
    %add3A = arith.addi %mul3A_0, %arg0 : i32
    %mul3A_1 = arith.constant 512 : i32
    %mul3A_2 = arith.muli %add3A, %mul3A_1 : i32
    %mul3A_3 = arith.constant 2 : i32
    %mul3A_4 = arith.muli %mul3A_3, %mul3A_2 : i32
    "tpu.region"() ({
      %run_scoped3A = tpu.sem_alloc : memref<!tpu.dma_semaphore, #tpu.memory_space<semaphore_mem>>
      %dma_start3A = tpu.memref_slice %arg2[%mul3A_4] : memref<32768xi32, #tpu.memory_space<hbm>> -> memref<1024xi32, #tpu.memory_space<hbm>>
      %dma_start3A_999 = tpu.memref_slice %arg2[%mul3A_4] : memref<32768xi32, #tpu.memory_space<hbm>> -> memref<1024xi32, #tpu.memory_space<hbm>>
      tpu.enqueue_dma source(%dma_start3A_999 : memref<1024xi32, #tpu.memory_space<hbm>>) target(%arg6 : memref<1024xi32, #tpu.memory_space<vmem>>) target_semaphore(%run_scoped3A : memref<!tpu.dma_semaphore, #tpu.memory_space<semaphore_mem>>)
      %dma_wait3A = tpu.memref_slice %arg2[%mul3A_4] : memref<32768xi32, #tpu.memory_space<hbm>> -> memref<1024xi32, #tpu.memory_space<hbm>>
      %dma_wait3A_1000 = tpu.memref_slice %arg2[%mul3A_4] : memref<32768xi32, #tpu.memory_space<hbm>> -> memref<1024xi32, #tpu.memory_space<hbm>>
      tpu.wait_dma2 semaphore(%run_scoped3A : memref<!tpu.dma_semaphore, #tpu.memory_space<semaphore_mem>>) src(%dma_wait3A_1000 : memref<1024xi32, #tpu.memory_space<hbm>>) dst(%arg6 : memref<1024xi32, #tpu.memory_space<vmem>>)
      tpu.yield
    }) : () -> ()
    %iota3A = tpu.iota {dimensions = array<i32: 0>} : vector<16xi32>
    %broadcast_in_dim3A = arith.constant 0 : i32
    %broadcast_in_dim3A_5 = vector.broadcast %broadcast_in_dim3A : i32 to vector<16xi32>
    %add3A_6 = arith.addi %iota3A, %iota3A : vector<16xi32>
    %add3A_7 = arith.constant 0 : i32
    %add3A_8 = vector.broadcast %add3A_7 : i32 to vector<16xi32>
    %add3A_9 = arith.addi %add3A_6, %add3A_8 : vector<16xi32>
    %gather3A = tpu.vector_load_idx %arg6[%add3A_9] : memref<1024xi32, #tpu.memory_space<vmem>>[vector<16xi32>], vector<16xi32>,
    %add3A_10 = arith.constant 1 : i32
    %add3A_11 = vector.broadcast %add3A_10 : i32 to vector<16xi32>
    %add3A_12 = arith.addi %add3A_9, %add3A_11 : vector<16xi32>
    %gather3A_13 = tpu.vector_load_idx %arg6[%add3A_12] : memref<1024xi32, #tpu.memory_space<vmem>>[vector<16xi32>], vector<16xi32>,
    %and3A = arith.constant 127 : i32
    %and3A_14 = vector.broadcast %and3A : i32 to vector<16xi32>
    %and3A_15 = arith.andi %gather3A, %and3A_14 : vector<16xi32>
    %sub3A = arith.subi %gather3A, %and3A_15 : vector<16xi32>
    %swap3A = arith.constant 0 : index
    %swap3A_16 = tpu.vector_load %arg7[%swap3A] {strides = array<i32>} : memref<512xi32, #tpu.memory_space<vmem>>, vector<16xi32>,
    tpu.vector_store %arg7[%swap3A], %sub3A {strides = array<i32>} : memref<512xi32, #tpu.memory_space<vmem>>, vector<16xi32>,
    %and3A_17 = arith.constant 127 : i32
    %and3A_18 = vector.broadcast %and3A_17 : i32 to vector<16xi32>
    %and3A_19 = arith.andi %gather3A, %and3A_18 : vector<16xi32>
    %swap3A_20 = arith.constant 0 : index
    %swap3A_21 = tpu.vector_load %arg9[%swap3A_20] {strides = array<i32>} : memref<512xi32, #tpu.memory_space<vmem>>, vector<16xi32>,
    tpu.vector_store %arg9[%swap3A_20], %and3A_19 {strides = array<i32>} : memref<512xi32, #tpu.memory_space<vmem>>, vector<16xi32>,
    %and3A_22 = arith.constant 127 : i32
    %and3A_23 = vector.broadcast %and3A_22 : i32 to vector<16xi32>
    %and3A_24 = arith.andi %gather3A_13, %and3A_23 : vector<16xi32>
    %sub3A_25 = arith.subi %gather3A_13, %and3A_24 : vector<16xi32>
    %swap3A_26 = arith.constant 0 : index
    %swap3A_27 = tpu.vector_load %arg8[%swap3A_26] {strides = array<i32>} : memref<512xi32, #tpu.memory_space<vmem>>, vector<16xi32>,
    tpu.vector_store %arg8[%swap3A_26], %sub3A_25 {strides = array<i32>} : memref<512xi32, #tpu.memory_space<vmem>>, vector<16xi32>,
    %and3A_28 = arith.constant 127 : i32
    %and3A_29 = vector.broadcast %and3A_28 : i32 to vector<16xi32>
    %and3A_30 = arith.andi %gather3A_13, %and3A_29 : vector<16xi32>
    %swap3A_31 = arith.constant 0 : index
    %swap3A_32 = tpu.vector_load %arg10[%swap3A_31] {strides = array<i32>} : memref<512xi32, #tpu.memory_space<vmem>>, vector<16xi32>,
    tpu.vector_store %arg10[%swap3A_31], %and3A_30 {strides = array<i32>} : memref<512xi32, #tpu.memory_space<vmem>>, vector<16xi32>,
    %add3A_33 = arith.addi %iota3A, %iota3A : vector<16xi32>
    %add3A_34 = arith.constant 32 : i32
    %add3A_35 = vector.broadcast %add3A_34 : i32 to vector<16xi32>
    %add3A_36 = arith.addi %add3A_33, %add3A_35 : vector<16xi32>
    %gather3A_37 = tpu.vector_load_idx %arg6[%add3A_36] : memref<1024xi32, #tpu.memory_space<vmem>>[vector<16xi32>], vector<16xi32>,
    %add3A_38 = arith.constant 1 : i32
    %add3A_39 = vector.broadcast %add3A_38 : i32 to vector<16xi32>
    %add3A_40 = arith.addi %add3A_36, %add3A_39 : vector<16xi32>
    %gather3A_41 = tpu.vector_load_idx %arg6[%add3A_40] : memref<1024xi32, #tpu.memory_space<vmem>>[vector<16xi32>], vector<16xi32>,
    %and3A_42 = arith.constant 127 : i32
    %and3A_43 = vector.broadcast %and3A_42 : i32 to vector<16xi32>
    %and3A_44 = arith.andi %gather3A_37, %and3A_43 : vector<16xi32>
    %sub3A_45 = arith.subi %gather3A_37, %and3A_44 : vector<16xi32>
    %swap3A_46 = arith.constant 16 : index
    %swap3A_47 = tpu.vector_load %arg7[%swap3A_46] {strides = array<i32>} : memref<512xi32, #tpu.memory_space<vmem>>, vector<16xi32>,
    tpu.vector_store %arg7[%swap3A_46], %sub3A_45 {strides = array<i32>} : memref<512xi32, #tpu.memory_space<vmem>>, vector<16xi32>,
    %and3A_48 = arith.constant 127 : i32
    %and3A_49 = vector.broadcast %and3A_48 : i32 to vector<16xi32>
    %and3A_50 = arith.andi %gather3A_37, %and3A_49 : vector<16xi32>
    %swap3A_51 = arith.constant 16 : index
    %swap3A_52 = tpu.vector_load %arg9[%swap3A_51] {strides = array<i32>} : memref<512xi32, #tpu.memory_space<vmem>>, vector<16xi32>,
    tpu.vector_store %arg9[%swap3A_51], %and3A_50 {strides = array<i32>} : memref<512xi32, #tpu.memory_space<vmem>>, vector<16xi32>,
    %and3A_53 = arith.constant 127 : i32
    %and3A_54 = vector.broadcast %and3A_53 : i32 to vector<16xi32>
    %and3A_55 = arith.andi %gather3A_41, %and3A_54 : vector<16xi32>
    %sub3A_56 = arith.subi %gather3A_41, %and3A_55 : vector<16xi32>
    %swap3A_57 = arith.constant 16 : index
    %swap3A_58 = tpu.vector_load %arg8[%swap3A_57] {strides = array<i32>} : memref<512xi32, #tpu.memory_space<vmem>>, vector<16xi32>,
    tpu.vector_store %arg8[%swap3A_57], %sub3A_56 {strides = array<i32>} : memref<512xi32, #tpu.memory_space<vmem>>, vector<16xi32>,
    %and3A_59 = arith.constant 127 : i32
    %and3A_60 = vector.broadcast %and3A_59 : i32 to vector<16xi32>
    %and3A_61 = arith.andi %gather3A_41, %and3A_60 : vector<16xi32>
    %swap3A_62 = arith.constant 16 : index
    %swap3A_63 = tpu.vector_load %arg10[%swap3A_62] {strides = array<i32>} : memref<512xi32, #tpu.memory_space<vmem>>, vector<16xi32>,
    tpu.vector_store %arg10[%swap3A_62], %and3A_61 {strides = array<i32>} : memref<512xi32, #tpu.memory_space<vmem>>, vector<16xi32>,
    %add3A_64 = arith.addi %iota3A, %iota3A : vector<16xi32>
    %add3A_65 = arith.constant 64 : i32
    %add3A_66 = vector.broadcast %add3A_65 : i32 to vector<16xi32>
    %add3A_67 = arith.addi %add3A_64, %add3A_66 : vector<16xi32>
    %gather3A_68 = tpu.vector_load_idx %arg6[%add3A_67] : memref<1024xi32, #tpu.memory_space<vmem>>[vector<16xi32>], vector<16xi32>,
    %add3A_69 = arith.constant 1 : i32
    %add3A_70 = vector.broadcast %add3A_69 : i32 to vector<16xi32>
    %add3A_71 = arith.addi %add3A_67, %add3A_70 : vector<16xi32>
    %gather3A_72 = tpu.vector_load_idx %arg6[%add3A_71] : memref<1024xi32, #tpu.memory_space<vmem>>[vector<16xi32>], vector<16xi32>,
    %and3A_73 = arith.constant 127 : i32
    %and3A_74 = vector.broadcast %and3A_73 : i32 to vector<16xi32>
    %and3A_75 = arith.andi %gather3A_68, %and3A_74 : vector<16xi32>
    %sub3A_76 = arith.subi %gather3A_68, %and3A_75 : vector<16xi32>
    %swap3A_77 = arith.constant 32 : index
    %swap3A_78 = tpu.vector_load %arg7[%swap3A_77] {strides = array<i32>} : memref<512xi32, #tpu.memory_space<vmem>>, vector<16xi32>,
    tpu.vector_store %arg7[%swap3A_77], %sub3A_76 {strides = array<i32>} : memref<512xi32, #tpu.memory_space<vmem>>, vector<16xi32>,
    %and3A_79 = arith.constant 127 : i32
    %and3A_80 = vector.broadcast %and3A_79 : i32 to vector<16xi32>
    %and3A_81 = arith.andi %gather3A_68, %and3A_80 : vector<16xi32>
    %swap3A_82 = arith.constant 32 : index
    %swap3A_83 = tpu.vector_load %arg9[%swap3A_82] {strides = array<i32>} : memref<512xi32, #tpu.memory_space<vmem>>, vector<16xi32>,
    tpu.vector_store %arg9[%swap3A_82], %and3A_81 {strides = array<i32>} : memref<512xi32, #tpu.memory_space<vmem>>, vector<16xi32>,
    %and3A_84 = arith.constant 127 : i32
    %and3A_85 = vector.broadcast %and3A_84 : i32 to vector<16xi32>
    %and3A_86 = arith.andi %gather3A_72, %and3A_85 : vector<16xi32>
    %sub3A_87 = arith.subi %gather3A_72, %and3A_86 : vector<16xi32>
    %swap3A_88 = arith.constant 32 : index
    %swap3A_89 = tpu.vector_load %arg8[%swap3A_88] {strides = array<i32>} : memref<512xi32, #tpu.memory_space<vmem>>, vector<16xi32>,
    tpu.vector_store %arg8[%swap3A_88], %sub3A_87 {strides = array<i32>} : memref<512xi32, #tpu.memory_space<vmem>>, vector<16xi32>,
    %and3A_90 = arith.constant 127 : i32
    %and3A_91 = vector.broadcast %and3A_90 : i32 to vector<16xi32>
    %and3A_92 = arith.andi %gather3A_72, %and3A_91 : vector<16xi32>
    %swap3A_93 = arith.constant 32 : index
    %swap3A_94 = tpu.vector_load %arg10[%swap3A_93] {strides = array<i32>} : memref<512xi32, #tpu.memory_space<vmem>>, vector<16xi32>,
    tpu.vector_store %arg10[%swap3A_93], %and3A_92 {strides = array<i32>} : memref<512xi32, #tpu.memory_space<vmem>>, vector<16xi32>,
    %add3A_95 = arith.addi %iota3A, %iota3A : vector<16xi32>
    %add3A_96 = arith.constant 96 : i32
    %add3A_97 = vector.broadcast %add3A_96 : i32 to vector<16xi32>
    %add3A_98 = arith.addi %add3A_95, %add3A_97 : vector<16xi32>
    %gather3A_99 = tpu.vector_load_idx %arg6[%add3A_98] : memref<1024xi32, #tpu.memory_space<vmem>>[vector<16xi32>], vector<16xi32>,
    %add3A_100 = arith.constant 1 : i32
    %add3A_101 = vector.broadcast %add3A_100 : i32 to vector<16xi32>
    %add3A_102 = arith.addi %add3A_98, %add3A_101 : vector<16xi32>
    %gather3A_103 = tpu.vector_load_idx %arg6[%add3A_102] : memref<1024xi32, #tpu.memory_space<vmem>>[vector<16xi32>], vector<16xi32>,
    %and3A_104 = arith.constant 127 : i32
    %and3A_105 = vector.broadcast %and3A_104 : i32 to vector<16xi32>
    %and3A_106 = arith.andi %gather3A_99, %and3A_105 : vector<16xi32>
    %sub3A_107 = arith.subi %gather3A_99, %and3A_106 : vector<16xi32>
    %swap3A_108 = arith.constant 48 : index
    %swap3A_109 = tpu.vector_load %arg7[%swap3A_108] {strides = array<i32>} : memref<512xi32, #tpu.memory_space<vmem>>, vector<16xi32>,
    tpu.vector_store %arg7[%swap3A_108], %sub3A_107 {strides = array<i32>} : memref<512xi32, #tpu.memory_space<vmem>>, vector<16xi32>,
    %and3A_110 = arith.constant 127 : i32
    %and3A_111 = vector.broadcast %and3A_110 : i32 to vector<16xi32>
    %and3A_112 = arith.andi %gather3A_99, %and3A_111 : vector<16xi32>
    %swap3A_113 = arith.constant 48 : index
    %swap3A_114 = tpu.vector_load %arg9[%swap3A_113] {strides = array<i32>} : memref<512xi32, #tpu.memory_space<vmem>>, vector<16xi32>,
    tpu.vector_store %arg9[%swap3A_113], %and3A_112 {strides = array<i32>} : memref<512xi32, #tpu.memory_space<vmem>>, vector<16xi32>,
    %and3A_115 = arith.constant 127 : i32
    %and3A_116 = vector.broadcast %and3A_115 : i32 to vector<16xi32>
    %and3A_117 = arith.andi %gather3A_103, %and3A_116 : vector<16xi32>
    %sub3A_118 = arith.subi %gather3A_103, %and3A_117 : vector<16xi32>
    %swap3A_119 = arith.constant 48 : index
    %swap3A_120 = tpu.vector_load %arg8[%swap3A_119] {strides = array<i32>} : memref<512xi32, #tpu.memory_space<vmem>>, vector<16xi32>,
    tpu.vector_store %arg8[%swap3A_119], %sub3A_118 {strides = array<i32>} : memref<512xi32, #tpu.memory_space<vmem>>, vector<16xi32>,
    %and3A_121 = arith.constant 127 : i32
    %and3A_122 = vector.broadcast %and3A_121 : i32 to vector<16xi32>
    %and3A_123 = arith.andi %gather3A_103, %and3A_122 : vector<16xi32>
    %swap3A_124 = arith.constant 48 : index
    %swap3A_125 = tpu.vector_load %arg10[%swap3A_124] {strides = array<i32>} : memref<512xi32, #tpu.memory_space<vmem>>, vector<16xi32>,
    tpu.vector_store %arg10[%swap3A_124], %and3A_123 {strides = array<i32>} : memref<512xi32, #tpu.memory_space<vmem>>, vector<16xi32>,
    %add3A_126 = arith.addi %iota3A, %iota3A : vector<16xi32>
    %add3A_127 = arith.constant 128 : i32
    %add3A_128 = vector.broadcast %add3A_127 : i32 to vector<16xi32>
    %add3A_129 = arith.addi %add3A_126, %add3A_128 : vector<16xi32>
    %gather3A_130 = tpu.vector_load_idx %arg6[%add3A_129] : memref<1024xi32, #tpu.memory_space<vmem>>[vector<16xi32>], vector<16xi32>,
    %add3A_131 = arith.constant 1 : i32
    %add3A_132 = vector.broadcast %add3A_131 : i32 to vector<16xi32>
    %add3A_133 = arith.addi %add3A_129, %add3A_132 : vector<16xi32>
    %gather3A_134 = tpu.vector_load_idx %arg6[%add3A_133] : memref<1024xi32, #tpu.memory_space<vmem>>[vector<16xi32>], vector<16xi32>,
    %and3A_135 = arith.constant 127 : i32
    %and3A_136 = vector.broadcast %and3A_135 : i32 to vector<16xi32>
    %and3A_137 = arith.andi %gather3A_130, %and3A_136 : vector<16xi32>
    %sub3A_138 = arith.subi %gather3A_130, %and3A_137 : vector<16xi32>
    %swap3A_139 = arith.constant 64 : index
    %swap3A_140 = tpu.vector_load %arg7[%swap3A_139] {strides = array<i32>} : memref<512xi32, #tpu.memory_space<vmem>>, vector<16xi32>,
    tpu.vector_store %arg7[%swap3A_139], %sub3A_138 {strides = array<i32>} : memref<512xi32, #tpu.memory_space<vmem>>, vector<16xi32>,
    %and3A_141 = arith.constant 127 : i32
    %and3A_142 = vector.broadcast %and3A_141 : i32 to vector<16xi32>
    %and3A_143 = arith.andi %gather3A_130, %and3A_142 : vector<16xi32>
    %swap3A_144 = arith.constant 64 : index
    %swap3A_145 = tpu.vector_load %arg9[%swap3A_144] {strides = array<i32>} : memref<512xi32, #tpu.memory_space<vmem>>, vector<16xi32>,
    tpu.vector_store %arg9[%swap3A_144], %and3A_143 {strides = array<i32>} : memref<512xi32, #tpu.memory_space<vmem>>, vector<16xi32>,
    %and3A_146 = arith.constant 127 : i32
    %and3A_147 = vector.broadcast %and3A_146 : i32 to vector<16xi32>
    %and3A_148 = arith.andi %gather3A_134, %and3A_147 : vector<16xi32>
    %sub3A_149 = arith.subi %gather3A_134, %and3A_148 : vector<16xi32>
    %swap3A_150 = arith.constant 64 : index
    %swap3A_151 = tpu.vector_load %arg8[%swap3A_150] {strides = array<i32>} : memref<512xi32, #tpu.memory_space<vmem>>, vector<16xi32>,
    tpu.vector_store %arg8[%swap3A_150], %sub3A_149 {strides = array<i32>} : memref<512xi32, #tpu.memory_space<vmem>>, vector<16xi32>,
    %and3A_152 = arith.constant 127 : i32
    %and3A_153 = vector.broadcast %and3A_152 : i32 to vector<16xi32>
    %and3A_154 = arith.andi %gather3A_134, %and3A_153 : vector<16xi32>
    %swap3A_155 = arith.constant 64 : index
    %swap3A_156 = tpu.vector_load %arg10[%swap3A_155] {strides = array<i32>} : memref<512xi32, #tpu.memory_space<vmem>>, vector<16xi32>,
    tpu.vector_store %arg10[%swap3A_155], %and3A_154 {strides = array<i32>} : memref<512xi32, #tpu.memory_space<vmem>>, vector<16xi32>,
    %add3A_157 = arith.addi %iota3A, %iota3A : vector<16xi32>
    %add3A_158 = arith.constant 160 : i32
    %add3A_159 = vector.broadcast %add3A_158 : i32 to vector<16xi32>
    %add3A_160 = arith.addi %add3A_157, %add3A_159 : vector<16xi32>
    %gather3A_161 = tpu.vector_load_idx %arg6[%add3A_160] : memref<1024xi32, #tpu.memory_space<vmem>>[vector<16xi32>], vector<16xi32>,
    %add3A_162 = arith.constant 1 : i32
    %add3A_163 = vector.broadcast %add3A_162 : i32 to vector<16xi32>
    %add3A_164 = arith.addi %add3A_160, %add3A_163 : vector<16xi32>
    %gather3A_165 = tpu.vector_load_idx %arg6[%add3A_164] : memref<1024xi32, #tpu.memory_space<vmem>>[vector<16xi32>], vector<16xi32>,
    %and3A_166 = arith.constant 127 : i32
    %and3A_167 = vector.broadcast %and3A_166 : i32 to vector<16xi32>
    %and3A_168 = arith.andi %gather3A_161, %and3A_167 : vector<16xi32>
    %sub3A_169 = arith.subi %gather3A_161, %and3A_168 : vector<16xi32>
    %swap3A_170 = arith.constant 80 : index
    %swap3A_171 = tpu.vector_load %arg7[%swap3A_170] {strides = array<i32>} : memref<512xi32, #tpu.memory_space<vmem>>, vector<16xi32>,
    tpu.vector_store %arg7[%swap3A_170], %sub3A_169 {strides = array<i32>} : memref<512xi32, #tpu.memory_space<vmem>>, vector<16xi32>,
    %and3A_172 = arith.constant 127 : i32
    %and3A_173 = vector.broadcast %and3A_172 : i32 to vector<16xi32>
    %and3A_174 = arith.andi %gather3A_161, %and3A_173 : vector<16xi32>
    %swap3A_175 = arith.constant 80 : index
    %swap3A_176 = tpu.vector_load %arg9[%swap3A_175] {strides = array<i32>} : memref<512xi32, #tpu.memory_space<vmem>>, vector<16xi32>,
    tpu.vector_store %arg9[%swap3A_175], %and3A_174 {strides = array<i32>} : memref<512xi32, #tpu.memory_space<vmem>>, vector<16xi32>,
    %and3A_177 = arith.constant 127 : i32
    %and3A_178 = vector.broadcast %and3A_177 : i32 to vector<16xi32>
    %and3A_179 = arith.andi %gather3A_165, %and3A_178 : vector<16xi32>
    %sub3A_180 = arith.subi %gather3A_165, %and3A_179 : vector<16xi32>
    %swap3A_181 = arith.constant 80 : index
    %swap3A_182 = tpu.vector_load %arg8[%swap3A_181] {strides = array<i32>} : memref<512xi32, #tpu.memory_space<vmem>>, vector<16xi32>,
    tpu.vector_store %arg8[%swap3A_181], %sub3A_180 {strides = array<i32>} : memref<512xi32, #tpu.memory_space<vmem>>, vector<16xi32>,
    %and3A_183 = arith.constant 127 : i32
    %and3A_184 = vector.broadcast %and3A_183 : i32 to vector<16xi32>
    %and3A_185 = arith.andi %gather3A_165, %and3A_184 : vector<16xi32>
    %swap3A_186 = arith.constant 80 : index
    %swap3A_187 = tpu.vector_load %arg10[%swap3A_186] {strides = array<i32>} : memref<512xi32, #tpu.memory_space<vmem>>, vector<16xi32>,
    tpu.vector_store %arg10[%swap3A_186], %and3A_185 {strides = array<i32>} : memref<512xi32, #tpu.memory_space<vmem>>, vector<16xi32>,
    %add3A_188 = arith.addi %iota3A, %iota3A : vector<16xi32>
    %add3A_189 = arith.constant 192 : i32
    %add3A_190 = vector.broadcast %add3A_189 : i32 to vector<16xi32>
    %add3A_191 = arith.addi %add3A_188, %add3A_190 : vector<16xi32>
    %gather3A_192 = tpu.vector_load_idx %arg6[%add3A_191] : memref<1024xi32, #tpu.memory_space<vmem>>[vector<16xi32>], vector<16xi32>,
    %add3A_193 = arith.constant 1 : i32
    %add3A_194 = vector.broadcast %add3A_193 : i32 to vector<16xi32>
    %add3A_195 = arith.addi %add3A_191, %add3A_194 : vector<16xi32>
    %gather3A_196 = tpu.vector_load_idx %arg6[%add3A_195] : memref<1024xi32, #tpu.memory_space<vmem>>[vector<16xi32>], vector<16xi32>,
    %and3A_197 = arith.constant 127 : i32
    %and3A_198 = vector.broadcast %and3A_197 : i32 to vector<16xi32>
    %and3A_199 = arith.andi %gather3A_192, %and3A_198 : vector<16xi32>
    %sub3A_200 = arith.subi %gather3A_192, %and3A_199 : vector<16xi32>
    %swap3A_201 = arith.constant 96 : index
    %swap3A_202 = tpu.vector_load %arg7[%swap3A_201] {strides = array<i32>} : memref<512xi32, #tpu.memory_space<vmem>>, vector<16xi32>,
    tpu.vector_store %arg7[%swap3A_201], %sub3A_200 {strides = array<i32>} : memref<512xi32, #tpu.memory_space<vmem>>, vector<16xi32>,
    %and3A_203 = arith.constant 127 : i32
    %and3A_204 = vector.broadcast %and3A_203 : i32 to vector<16xi32>
    %and3A_205 = arith.andi %gather3A_192, %and3A_204 : vector<16xi32>
    %swap3A_206 = arith.constant 96 : index
    %swap3A_207 = tpu.vector_load %arg9[%swap3A_206] {strides = array<i32>} : memref<512xi32, #tpu.memory_space<vmem>>, vector<16xi32>,
    tpu.vector_store %arg9[%swap3A_206], %and3A_205 {strides = array<i32>} : memref<512xi32, #tpu.memory_space<vmem>>, vector<16xi32>,
    %and3A_208 = arith.constant 127 : i32
    %and3A_209 = vector.broadcast %and3A_208 : i32 to vector<16xi32>
    %and3A_210 = arith.andi %gather3A_196, %and3A_209 : vector<16xi32>
    %sub3A_211 = arith.subi %gather3A_196, %and3A_210 : vector<16xi32>
    %swap3A_212 = arith.constant 96 : index
    %swap3A_213 = tpu.vector_load %arg8[%swap3A_212] {strides = array<i32>} : memref<512xi32, #tpu.memory_space<vmem>>, vector<16xi32>,
    tpu.vector_store %arg8[%swap3A_212], %sub3A_211 {strides = array<i32>} : memref<512xi32, #tpu.memory_space<vmem>>, vector<16xi32>,
    %and3A_214 = arith.constant 127 : i32
    %and3A_215 = vector.broadcast %and3A_214 : i32 to vector<16xi32>
    %and3A_216 = arith.andi %gather3A_196, %and3A_215 : vector<16xi32>
    %swap3A_217 = arith.constant 96 : index
    %swap3A_218 = tpu.vector_load %arg10[%swap3A_217] {strides = array<i32>} : memref<512xi32, #tpu.memory_space<vmem>>, vector<16xi32>,
    tpu.vector_store %arg10[%swap3A_217], %and3A_216 {strides = array<i32>} : memref<512xi32, #tpu.memory_space<vmem>>, vector<16xi32>,
    %add3A_219 = arith.addi %iota3A, %iota3A : vector<16xi32>
    %add3A_220 = arith.constant 224 : i32
    %add3A_221 = vector.broadcast %add3A_220 : i32 to vector<16xi32>
    %add3A_222 = arith.addi %add3A_219, %add3A_221 : vector<16xi32>
    %gather3A_223 = tpu.vector_load_idx %arg6[%add3A_222] : memref<1024xi32, #tpu.memory_space<vmem>>[vector<16xi32>], vector<16xi32>,
    %add3A_224 = arith.constant 1 : i32
    %add3A_225 = vector.broadcast %add3A_224 : i32 to vector<16xi32>
    %add3A_226 = arith.addi %add3A_222, %add3A_225 : vector<16xi32>
    %gather3A_227 = tpu.vector_load_idx %arg6[%add3A_226] : memref<1024xi32, #tpu.memory_space<vmem>>[vector<16xi32>], vector<16xi32>,
    %and3A_228 = arith.constant 127 : i32
    %and3A_229 = vector.broadcast %and3A_228 : i32 to vector<16xi32>
    %and3A_230 = arith.andi %gather3A_223, %and3A_229 : vector<16xi32>
    %sub3A_231 = arith.subi %gather3A_223, %and3A_230 : vector<16xi32>
    %swap3A_232 = arith.constant 112 : index
    %swap3A_233 = tpu.vector_load %arg7[%swap3A_232] {strides = array<i32>} : memref<512xi32, #tpu.memory_space<vmem>>, vector<16xi32>,
    tpu.vector_store %arg7[%swap3A_232], %sub3A_231 {strides = array<i32>} : memref<512xi32, #tpu.memory_space<vmem>>, vector<16xi32>,
    %and3A_234 = arith.constant 127 : i32
    %and3A_235 = vector.broadcast %and3A_234 : i32 to vector<16xi32>
    %and3A_236 = arith.andi %gather3A_223, %and3A_235 : vector<16xi32>
    %swap3A_237 = arith.constant 112 : index
    %swap3A_238 = tpu.vector_load %arg9[%swap3A_237] {strides = array<i32>} : memref<512xi32, #tpu.memory_space<vmem>>, vector<16xi32>,
    tpu.vector_store %arg9[%swap3A_237], %and3A_236 {strides = array<i32>} : memref<512xi32, #tpu.memory_space<vmem>>, vector<16xi32>,
    %and3A_239 = arith.constant 127 : i32
    %and3A_240 = vector.broadcast %and3A_239 : i32 to vector<16xi32>
    %and3A_241 = arith.andi %gather3A_227, %and3A_240 : vector<16xi32>
    %sub3A_242 = arith.subi %gather3A_227, %and3A_241 : vector<16xi32>
    %swap3A_243 = arith.constant 112 : index
    %swap3A_244 = tpu.vector_load %arg8[%swap3A_243] {strides = array<i32>} : memref<512xi32, #tpu.memory_space<vmem>>, vector<16xi32>,
    tpu.vector_store %arg8[%swap3A_243], %sub3A_242 {strides = array<i32>} : memref<512xi32, #tpu.memory_space<vmem>>, vector<16xi32>,
    %and3A_245 = arith.constant 127 : i32
    %and3A_246 = vector.broadcast %and3A_245 : i32 to vector<16xi32>
    %and3A_247 = arith.andi %gather3A_227, %and3A_246 : vector<16xi32>
    %swap3A_248 = arith.constant 112 : index
    %swap3A_249 = tpu.vector_load %arg10[%swap3A_248] {strides = array<i32>} : memref<512xi32, #tpu.memory_space<vmem>>, vector<16xi32>,
    tpu.vector_store %arg10[%swap3A_248], %and3A_247 {strides = array<i32>} : memref<512xi32, #tpu.memory_space<vmem>>, vector<16xi32>,
    %add3A_250 = arith.addi %iota3A, %iota3A : vector<16xi32>
    %add3A_251 = arith.constant 256 : i32
    %add3A_252 = vector.broadcast %add3A_251 : i32 to vector<16xi32>
    %add3A_253 = arith.addi %add3A_250, %add3A_252 : vector<16xi32>
    %gather3A_254 = tpu.vector_load_idx %arg6[%add3A_253] : memref<1024xi32, #tpu.memory_space<vmem>>[vector<16xi32>], vector<16xi32>,
    %add3A_255 = arith.constant 1 : i32
    %add3A_256 = vector.broadcast %add3A_255 : i32 to vector<16xi32>
    %add3A_257 = arith.addi %add3A_253, %add3A_256 : vector<16xi32>
    %gather3A_258 = tpu.vector_load_idx %arg6[%add3A_257] : memref<1024xi32, #tpu.memory_space<vmem>>[vector<16xi32>], vector<16xi32>,
    %and3A_259 = arith.constant 127 : i32
    %and3A_260 = vector.broadcast %and3A_259 : i32 to vector<16xi32>
    %and3A_261 = arith.andi %gather3A_254, %and3A_260 : vector<16xi32>
    %sub3A_262 = arith.subi %gather3A_254, %and3A_261 : vector<16xi32>
    %swap3A_263 = arith.constant 128 : index
    %swap3A_264 = tpu.vector_load %arg7[%swap3A_263] {strides = array<i32>} : memref<512xi32, #tpu.memory_space<vmem>>, vector<16xi32>,
    tpu.vector_store %arg7[%swap3A_263], %sub3A_262 {strides = array<i32>} : memref<512xi32, #tpu.memory_space<vmem>>, vector<16xi32>,
    %and3A_265 = arith.constant 127 : i32
    %and3A_266 = vector.broadcast %and3A_265 : i32 to vector<16xi32>
    %and3A_267 = arith.andi %gather3A_254, %and3A_266 : vector<16xi32>
    %swap3A_268 = arith.constant 128 : index
    %swap3A_269 = tpu.vector_load %arg9[%swap3A_268] {strides = array<i32>} : memref<512xi32, #tpu.memory_space<vmem>>, vector<16xi32>,
    tpu.vector_store %arg9[%swap3A_268], %and3A_267 {strides = array<i32>} : memref<512xi32, #tpu.memory_space<vmem>>, vector<16xi32>,
    %and3A_270 = arith.constant 127 : i32
    %and3A_271 = vector.broadcast %and3A_270 : i32 to vector<16xi32>
    %and3A_272 = arith.andi %gather3A_258, %and3A_271 : vector<16xi32>
    %sub3A_273 = arith.subi %gather3A_258, %and3A_272 : vector<16xi32>
    %swap3A_274 = arith.constant 128 : index
    %swap3A_275 = tpu.vector_load %arg8[%swap3A_274] {strides = array<i32>} : memref<512xi32, #tpu.memory_space<vmem>>, vector<16xi32>,
    tpu.vector_store %arg8[%swap3A_274], %sub3A_273 {strides = array<i32>} : memref<512xi32, #tpu.memory_space<vmem>>, vector<16xi32>,
    %and3A_276 = arith.constant 127 : i32
    %and3A_277 = vector.broadcast %and3A_276 : i32 to vector<16xi32>
    %and3A_278 = arith.andi %gather3A_258, %and3A_277 : vector<16xi32>
    %swap3A_279 = arith.constant 128 : index
    %swap3A_280 = tpu.vector_load %arg10[%swap3A_279] {strides = array<i32>} : memref<512xi32, #tpu.memory_space<vmem>>, vector<16xi32>,
    tpu.vector_store %arg10[%swap3A_279], %and3A_278 {strides = array<i32>} : memref<512xi32, #tpu.memory_space<vmem>>, vector<16xi32>,
    %add3A_281 = arith.addi %iota3A, %iota3A : vector<16xi32>
    %add3A_282 = arith.constant 288 : i32
    %add3A_283 = vector.broadcast %add3A_282 : i32 to vector<16xi32>
    %add3A_284 = arith.addi %add3A_281, %add3A_283 : vector<16xi32>
    %gather3A_285 = tpu.vector_load_idx %arg6[%add3A_284] : memref<1024xi32, #tpu.memory_space<vmem>>[vector<16xi32>], vector<16xi32>,
    %add3A_286 = arith.constant 1 : i32
    %add3A_287 = vector.broadcast %add3A_286 : i32 to vector<16xi32>
    %add3A_288 = arith.addi %add3A_284, %add3A_287 : vector<16xi32>
    %gather3A_289 = tpu.vector_load_idx %arg6[%add3A_288] : memref<1024xi32, #tpu.memory_space<vmem>>[vector<16xi32>], vector<16xi32>,
    %and3A_290 = arith.constant 127 : i32
    %and3A_291 = vector.broadcast %and3A_290 : i32 to vector<16xi32>
    %and3A_292 = arith.andi %gather3A_285, %and3A_291 : vector<16xi32>
    %sub3A_293 = arith.subi %gather3A_285, %and3A_292 : vector<16xi32>
    %swap3A_294 = arith.constant 144 : index
    %swap3A_295 = tpu.vector_load %arg7[%swap3A_294] {strides = array<i32>} : memref<512xi32, #tpu.memory_space<vmem>>, vector<16xi32>,
    tpu.vector_store %arg7[%swap3A_294], %sub3A_293 {strides = array<i32>} : memref<512xi32, #tpu.memory_space<vmem>>, vector<16xi32>,
    %and3A_296 = arith.constant 127 : i32
    %and3A_297 = vector.broadcast %and3A_296 : i32 to vector<16xi32>
    %and3A_298 = arith.andi %gather3A_285, %and3A_297 : vector<16xi32>
    %swap3A_299 = arith.constant 144 : index
    %swap3A_300 = tpu.vector_load %arg9[%swap3A_299] {strides = array<i32>} : memref<512xi32, #tpu.memory_space<vmem>>, vector<16xi32>,
    tpu.vector_store %arg9[%swap3A_299], %and3A_298 {strides = array<i32>} : memref<512xi32, #tpu.memory_space<vmem>>, vector<16xi32>,
    %and3A_301 = arith.constant 127 : i32
    %and3A_302 = vector.broadcast %and3A_301 : i32 to vector<16xi32>
    %and3A_303 = arith.andi %gather3A_289, %and3A_302 : vector<16xi32>
    %sub3A_304 = arith.subi %gather3A_289, %and3A_303 : vector<16xi32>
    %swap3A_305 = arith.constant 144 : index
    %swap3A_306 = tpu.vector_load %arg8[%swap3A_305] {strides = array<i32>} : memref<512xi32, #tpu.memory_space<vmem>>, vector<16xi32>,
    tpu.vector_store %arg8[%swap3A_305], %sub3A_304 {strides = array<i32>} : memref<512xi32, #tpu.memory_space<vmem>>, vector<16xi32>,
    %and3A_307 = arith.constant 127 : i32
    %and3A_308 = vector.broadcast %and3A_307 : i32 to vector<16xi32>
    %and3A_309 = arith.andi %gather3A_289, %and3A_308 : vector<16xi32>
    %swap3A_310 = arith.constant 144 : index
    %swap3A_311 = tpu.vector_load %arg10[%swap3A_310] {strides = array<i32>} : memref<512xi32, #tpu.memory_space<vmem>>, vector<16xi32>,
    tpu.vector_store %arg10[%swap3A_310], %and3A_309 {strides = array<i32>} : memref<512xi32, #tpu.memory_space<vmem>>, vector<16xi32>,
    %add3A_312 = arith.addi %iota3A, %iota3A : vector<16xi32>
    %add3A_313 = arith.constant 320 : i32
    %add3A_314 = vector.broadcast %add3A_313 : i32 to vector<16xi32>
    %add3A_315 = arith.addi %add3A_312, %add3A_314 : vector<16xi32>
    %gather3A_316 = tpu.vector_load_idx %arg6[%add3A_315] : memref<1024xi32, #tpu.memory_space<vmem>>[vector<16xi32>], vector<16xi32>,
    %add3A_317 = arith.constant 1 : i32
    %add3A_318 = vector.broadcast %add3A_317 : i32 to vector<16xi32>
    %add3A_319 = arith.addi %add3A_315, %add3A_318 : vector<16xi32>
    %gather3A_320 = tpu.vector_load_idx %arg6[%add3A_319] : memref<1024xi32, #tpu.memory_space<vmem>>[vector<16xi32>], vector<16xi32>,
    %and3A_321 = arith.constant 127 : i32
    %and3A_322 = vector.broadcast %and3A_321 : i32 to vector<16xi32>
    %and3A_323 = arith.andi %gather3A_316, %and3A_322 : vector<16xi32>
    %sub3A_324 = arith.subi %gather3A_316, %and3A_323 : vector<16xi32>
    %swap3A_325 = arith.constant 160 : index
    %swap3A_326 = tpu.vector_load %arg7[%swap3A_325] {strides = array<i32>} : memref<512xi32, #tpu.memory_space<vmem>>, vector<16xi32>,
    tpu.vector_store %arg7[%swap3A_325], %sub3A_324 {strides = array<i32>} : memref<512xi32, #tpu.memory_space<vmem>>, vector<16xi32>,
    %and3A_327 = arith.constant 127 : i32
    %and3A_328 = vector.broadcast %and3A_327 : i32 to vector<16xi32>
    %and3A_329 = arith.andi %gather3A_316, %and3A_328 : vector<16xi32>
    %swap3A_330 = arith.constant 160 : index
    %swap3A_331 = tpu.vector_load %arg9[%swap3A_330] {strides = array<i32>} : memref<512xi32, #tpu.memory_space<vmem>>, vector<16xi32>,
    tpu.vector_store %arg9[%swap3A_330], %and3A_329 {strides = array<i32>} : memref<512xi32, #tpu.memory_space<vmem>>, vector<16xi32>,
    %and3A_332 = arith.constant 127 : i32
    %and3A_333 = vector.broadcast %and3A_332 : i32 to vector<16xi32>
    %and3A_334 = arith.andi %gather3A_320, %and3A_333 : vector<16xi32>
    %sub3A_335 = arith.subi %gather3A_320, %and3A_334 : vector<16xi32>
    %swap3A_336 = arith.constant 160 : index
    %swap3A_337 = tpu.vector_load %arg8[%swap3A_336] {strides = array<i32>} : memref<512xi32, #tpu.memory_space<vmem>>, vector<16xi32>,
    tpu.vector_store %arg8[%swap3A_336], %sub3A_335 {strides = array<i32>} : memref<512xi32, #tpu.memory_space<vmem>>, vector<16xi32>,
    %and3A_338 = arith.constant 127 : i32
    %and3A_339 = vector.broadcast %and3A_338 : i32 to vector<16xi32>
    %and3A_340 = arith.andi %gather3A_320, %and3A_339 : vector<16xi32>
    %swap3A_341 = arith.constant 160 : index
    %swap3A_342 = tpu.vector_load %arg10[%swap3A_341] {strides = array<i32>} : memref<512xi32, #tpu.memory_space<vmem>>, vector<16xi32>,
    tpu.vector_store %arg10[%swap3A_341], %and3A_340 {strides = array<i32>} : memref<512xi32, #tpu.memory_space<vmem>>, vector<16xi32>,
    %add3A_343 = arith.addi %iota3A, %iota3A : vector<16xi32>
    %add3A_344 = arith.constant 352 : i32
    %add3A_345 = vector.broadcast %add3A_344 : i32 to vector<16xi32>
    %add3A_346 = arith.addi %add3A_343, %add3A_345 : vector<16xi32>
    %gather3A_347 = tpu.vector_load_idx %arg6[%add3A_346] : memref<1024xi32, #tpu.memory_space<vmem>>[vector<16xi32>], vector<16xi32>,
    %add3A_348 = arith.constant 1 : i32
    %add3A_349 = vector.broadcast %add3A_348 : i32 to vector<16xi32>
    %add3A_350 = arith.addi %add3A_346, %add3A_349 : vector<16xi32>
    %gather3A_351 = tpu.vector_load_idx %arg6[%add3A_350] : memref<1024xi32, #tpu.memory_space<vmem>>[vector<16xi32>], vector<16xi32>,
    %and3A_352 = arith.constant 127 : i32
    %and3A_353 = vector.broadcast %and3A_352 : i32 to vector<16xi32>
    %and3A_354 = arith.andi %gather3A_347, %and3A_353 : vector<16xi32>
    %sub3A_355 = arith.subi %gather3A_347, %and3A_354 : vector<16xi32>
    %swap3A_356 = arith.constant 176 : index
    %swap3A_357 = tpu.vector_load %arg7[%swap3A_356] {strides = array<i32>} : memref<512xi32, #tpu.memory_space<vmem>>, vector<16xi32>,
    tpu.vector_store %arg7[%swap3A_356], %sub3A_355 {strides = array<i32>} : memref<512xi32, #tpu.memory_space<vmem>>, vector<16xi32>,
    %and3A_358 = arith.constant 127 : i32
    %and3A_359 = vector.broadcast %and3A_358 : i32 to vector<16xi32>
    %and3A_360 = arith.andi %gather3A_347, %and3A_359 : vector<16xi32>
    %swap3A_361 = arith.constant 176 : index
    %swap3A_362 = tpu.vector_load %arg9[%swap3A_361] {strides = array<i32>} : memref<512xi32, #tpu.memory_space<vmem>>, vector<16xi32>,
    tpu.vector_store %arg9[%swap3A_361], %and3A_360 {strides = array<i32>} : memref<512xi32, #tpu.memory_space<vmem>>, vector<16xi32>,
    %and3A_363 = arith.constant 127 : i32
    %and3A_364 = vector.broadcast %and3A_363 : i32 to vector<16xi32>
    %and3A_365 = arith.andi %gather3A_351, %and3A_364 : vector<16xi32>
    %sub3A_366 = arith.subi %gather3A_351, %and3A_365 : vector<16xi32>
    %swap3A_367 = arith.constant 176 : index
    %swap3A_368 = tpu.vector_load %arg8[%swap3A_367] {strides = array<i32>} : memref<512xi32, #tpu.memory_space<vmem>>, vector<16xi32>,
    tpu.vector_store %arg8[%swap3A_367], %sub3A_366 {strides = array<i32>} : memref<512xi32, #tpu.memory_space<vmem>>, vector<16xi32>,
    %and3A_369 = arith.constant 127 : i32
    %and3A_370 = vector.broadcast %and3A_369 : i32 to vector<16xi32>
    %and3A_371 = arith.andi %gather3A_351, %and3A_370 : vector<16xi32>
    %swap3A_372 = arith.constant 176 : index
    %swap3A_373 = tpu.vector_load %arg10[%swap3A_372] {strides = array<i32>} : memref<512xi32, #tpu.memory_space<vmem>>, vector<16xi32>,
    tpu.vector_store %arg10[%swap3A_372], %and3A_371 {strides = array<i32>} : memref<512xi32, #tpu.memory_space<vmem>>, vector<16xi32>,
    %add3A_374 = arith.addi %iota3A, %iota3A : vector<16xi32>
    %add3A_375 = arith.constant 384 : i32
    %add3A_376 = vector.broadcast %add3A_375 : i32 to vector<16xi32>
    %add3A_377 = arith.addi %add3A_374, %add3A_376 : vector<16xi32>
    %gather3A_378 = tpu.vector_load_idx %arg6[%add3A_377] : memref<1024xi32, #tpu.memory_space<vmem>>[vector<16xi32>], vector<16xi32>,
    %add3A_379 = arith.constant 1 : i32
    %add3A_380 = vector.broadcast %add3A_379 : i32 to vector<16xi32>
    %add3A_381 = arith.addi %add3A_377, %add3A_380 : vector<16xi32>
    %gather3A_382 = tpu.vector_load_idx %arg6[%add3A_381] : memref<1024xi32, #tpu.memory_space<vmem>>[vector<16xi32>], vector<16xi32>,
    %and3A_383 = arith.constant 127 : i32
    %and3A_384 = vector.broadcast %and3A_383 : i32 to vector<16xi32>
    %and3A_385 = arith.andi %gather3A_378, %and3A_384 : vector<16xi32>
    %sub3A_386 = arith.subi %gather3A_378, %and3A_385 : vector<16xi32>
    %swap3A_387 = arith.constant 192 : index
    %swap3A_388 = tpu.vector_load %arg7[%swap3A_387] {strides = array<i32>} : memref<512xi32, #tpu.memory_space<vmem>>, vector<16xi32>,
    tpu.vector_store %arg7[%swap3A_387], %sub3A_386 {strides = array<i32>} : memref<512xi32, #tpu.memory_space<vmem>>, vector<16xi32>,
    %and3A_389 = arith.constant 127 : i32
    %and3A_390 = vector.broadcast %and3A_389 : i32 to vector<16xi32>
    %and3A_391 = arith.andi %gather3A_378, %and3A_390 : vector<16xi32>
    %swap3A_392 = arith.constant 192 : index
    %swap3A_393 = tpu.vector_load %arg9[%swap3A_392] {strides = array<i32>} : memref<512xi32, #tpu.memory_space<vmem>>, vector<16xi32>,
    tpu.vector_store %arg9[%swap3A_392], %and3A_391 {strides = array<i32>} : memref<512xi32, #tpu.memory_space<vmem>>, vector<16xi32>,
    %and3A_394 = arith.constant 127 : i32
    %and3A_395 = vector.broadcast %and3A_394 : i32 to vector<16xi32>
    %and3A_396 = arith.andi %gather3A_382, %and3A_395 : vector<16xi32>
    %sub3A_397 = arith.subi %gather3A_382, %and3A_396 : vector<16xi32>
    %swap3A_398 = arith.constant 192 : index
    %swap3A_399 = tpu.vector_load %arg8[%swap3A_398] {strides = array<i32>} : memref<512xi32, #tpu.memory_space<vmem>>, vector<16xi32>,
    tpu.vector_store %arg8[%swap3A_398], %sub3A_397 {strides = array<i32>} : memref<512xi32, #tpu.memory_space<vmem>>, vector<16xi32>,
    %and3A_400 = arith.constant 127 : i32
    %and3A_401 = vector.broadcast %and3A_400 : i32 to vector<16xi32>
    %and3A_402 = arith.andi %gather3A_382, %and3A_401 : vector<16xi32>
    %swap3A_403 = arith.constant 192 : index
    %swap3A_404 = tpu.vector_load %arg10[%swap3A_403] {strides = array<i32>} : memref<512xi32, #tpu.memory_space<vmem>>, vector<16xi32>,
    tpu.vector_store %arg10[%swap3A_403], %and3A_402 {strides = array<i32>} : memref<512xi32, #tpu.memory_space<vmem>>, vector<16xi32>,
    %add3A_405 = arith.addi %iota3A, %iota3A : vector<16xi32>
    %add3A_406 = arith.constant 416 : i32
    %add3A_407 = vector.broadcast %add3A_406 : i32 to vector<16xi32>
    %add3A_408 = arith.addi %add3A_405, %add3A_407 : vector<16xi32>
    %gather3A_409 = tpu.vector_load_idx %arg6[%add3A_408] : memref<1024xi32, #tpu.memory_space<vmem>>[vector<16xi32>], vector<16xi32>,
    %add3A_410 = arith.constant 1 : i32
    %add3A_411 = vector.broadcast %add3A_410 : i32 to vector<16xi32>
    %add3A_412 = arith.addi %add3A_408, %add3A_411 : vector<16xi32>
    %gather3A_413 = tpu.vector_load_idx %arg6[%add3A_412] : memref<1024xi32, #tpu.memory_space<vmem>>[vector<16xi32>], vector<16xi32>,
    %and3A_414 = arith.constant 127 : i32
    %and3A_415 = vector.broadcast %and3A_414 : i32 to vector<16xi32>
    %and3A_416 = arith.andi %gather3A_409, %and3A_415 : vector<16xi32>
    %sub3A_417 = arith.subi %gather3A_409, %and3A_416 : vector<16xi32>
    %swap3A_418 = arith.constant 208 : index
    %swap3A_419 = tpu.vector_load %arg7[%swap3A_418] {strides = array<i32>} : memref<512xi32, #tpu.memory_space<vmem>>, vector<16xi32>,
    tpu.vector_store %arg7[%swap3A_418], %sub3A_417 {strides = array<i32>} : memref<512xi32, #tpu.memory_space<vmem>>, vector<16xi32>,
    %and3A_420 = arith.constant 127 : i32
    %and3A_421 = vector.broadcast %and3A_420 : i32 to vector<16xi32>
    %and3A_422 = arith.andi %gather3A_409, %and3A_421 : vector<16xi32>
    %swap3A_423 = arith.constant 208 : index
    %swap3A_424 = tpu.vector_load %arg9[%swap3A_423] {strides = array<i32>} : memref<512xi32, #tpu.memory_space<vmem>>, vector<16xi32>,
    tpu.vector_store %arg9[%swap3A_423], %and3A_422 {strides = array<i32>} : memref<512xi32, #tpu.memory_space<vmem>>, vector<16xi32>,
    %and3A_425 = arith.constant 127 : i32
    %and3A_426 = vector.broadcast %and3A_425 : i32 to vector<16xi32>
    %and3A_427 = arith.andi %gather3A_413, %and3A_426 : vector<16xi32>
    %sub3A_428 = arith.subi %gather3A_413, %and3A_427 : vector<16xi32>
    %swap3A_429 = arith.constant 208 : index
    %swap3A_430 = tpu.vector_load %arg8[%swap3A_429] {strides = array<i32>} : memref<512xi32, #tpu.memory_space<vmem>>, vector<16xi32>,
    tpu.vector_store %arg8[%swap3A_429], %sub3A_428 {strides = array<i32>} : memref<512xi32, #tpu.memory_space<vmem>>, vector<16xi32>,
    %and3A_431 = arith.constant 127 : i32
    %and3A_432 = vector.broadcast %and3A_431 : i32 to vector<16xi32>
    %and3A_433 = arith.andi %gather3A_413, %and3A_432 : vector<16xi32>
    %swap3A_434 = arith.constant 208 : index
    %swap3A_435 = tpu.vector_load %arg10[%swap3A_434] {strides = array<i32>} : memref<512xi32, #tpu.memory_space<vmem>>, vector<16xi32>,
    tpu.vector_store %arg10[%swap3A_434], %and3A_433 {strides = array<i32>} : memref<512xi32, #tpu.memory_space<vmem>>, vector<16xi32>,
    %add3A_436 = arith.addi %iota3A, %iota3A : vector<16xi32>
    %add3A_437 = arith.constant 448 : i32
    %add3A_438 = vector.broadcast %add3A_437 : i32 to vector<16xi32>
    %add3A_439 = arith.addi %add3A_436, %add3A_438 : vector<16xi32>
    %gather3A_440 = tpu.vector_load_idx %arg6[%add3A_439] : memref<1024xi32, #tpu.memory_space<vmem>>[vector<16xi32>], vector<16xi32>,
    %add3A_441 = arith.constant 1 : i32
    %add3A_442 = vector.broadcast %add3A_441 : i32 to vector<16xi32>
    %add3A_443 = arith.addi %add3A_439, %add3A_442 : vector<16xi32>
    %gather3A_444 = tpu.vector_load_idx %arg6[%add3A_443] : memref<1024xi32, #tpu.memory_space<vmem>>[vector<16xi32>], vector<16xi32>,
    %and3A_445 = arith.constant 127 : i32
    %and3A_446 = vector.broadcast %and3A_445 : i32 to vector<16xi32>
    %and3A_447 = arith.andi %gather3A_440, %and3A_446 : vector<16xi32>
    %sub3A_448 = arith.subi %gather3A_440, %and3A_447 : vector<16xi32>
    %swap3A_449 = arith.constant 224 : index
    %swap3A_450 = tpu.vector_load %arg7[%swap3A_449] {strides = array<i32>} : memref<512xi32, #tpu.memory_space<vmem>>, vector<16xi32>,
    tpu.vector_store %arg7[%swap3A_449], %sub3A_448 {strides = array<i32>} : memref<512xi32, #tpu.memory_space<vmem>>, vector<16xi32>,
    %and3A_451 = arith.constant 127 : i32
    %and3A_452 = vector.broadcast %and3A_451 : i32 to vector<16xi32>
    %and3A_453 = arith.andi %gather3A_440, %and3A_452 : vector<16xi32>
    %swap3A_454 = arith.constant 224 : index
    %swap3A_455 = tpu.vector_load %arg9[%swap3A_454] {strides = array<i32>} : memref<512xi32, #tpu.memory_space<vmem>>, vector<16xi32>,
    tpu.vector_store %arg9[%swap3A_454], %and3A_453 {strides = array<i32>} : memref<512xi32, #tpu.memory_space<vmem>>, vector<16xi32>,
    %and3A_456 = arith.constant 127 : i32
    %and3A_457 = vector.broadcast %and3A_456 : i32 to vector<16xi32>
    %and3A_458 = arith.andi %gather3A_444, %and3A_457 : vector<16xi32>
    %sub3A_459 = arith.subi %gather3A_444, %and3A_458 : vector<16xi32>
    %swap3A_460 = arith.constant 224 : index
    %swap3A_461 = tpu.vector_load %arg8[%swap3A_460] {strides = array<i32>} : memref<512xi32, #tpu.memory_space<vmem>>, vector<16xi32>,
    tpu.vector_store %arg8[%swap3A_460], %sub3A_459 {strides = array<i32>} : memref<512xi32, #tpu.memory_space<vmem>>, vector<16xi32>,
    %and3A_462 = arith.constant 127 : i32
    %and3A_463 = vector.broadcast %and3A_462 : i32 to vector<16xi32>
    %and3A_464 = arith.andi %gather3A_444, %and3A_463 : vector<16xi32>
    %swap3A_465 = arith.constant 224 : index
    %swap3A_466 = tpu.vector_load %arg10[%swap3A_465] {strides = array<i32>} : memref<512xi32, #tpu.memory_space<vmem>>, vector<16xi32>,
    tpu.vector_store %arg10[%swap3A_465], %and3A_464 {strides = array<i32>} : memref<512xi32, #tpu.memory_space<vmem>>, vector<16xi32>,
    %add3A_467 = arith.addi %iota3A, %iota3A : vector<16xi32>
    %add3A_468 = arith.constant 480 : i32
    %add3A_469 = vector.broadcast %add3A_468 : i32 to vector<16xi32>
    %add3A_470 = arith.addi %add3A_467, %add3A_469 : vector<16xi32>
    %gather3A_471 = tpu.vector_load_idx %arg6[%add3A_470] : memref<1024xi32, #tpu.memory_space<vmem>>[vector<16xi32>], vector<16xi32>,
    %add3A_472 = arith.constant 1 : i32
    %add3A_473 = vector.broadcast %add3A_472 : i32 to vector<16xi32>
    %add3A_474 = arith.addi %add3A_470, %add3A_473 : vector<16xi32>
    %gather3A_475 = tpu.vector_load_idx %arg6[%add3A_474] : memref<1024xi32, #tpu.memory_space<vmem>>[vector<16xi32>], vector<16xi32>,
    %and3A_476 = arith.constant 127 : i32
    %and3A_477 = vector.broadcast %and3A_476 : i32 to vector<16xi32>
    %and3A_478 = arith.andi %gather3A_471, %and3A_477 : vector<16xi32>
    %sub3A_479 = arith.subi %gather3A_471, %and3A_478 : vector<16xi32>
    %swap3A_480 = arith.constant 240 : index
    %swap3A_481 = tpu.vector_load %arg7[%swap3A_480] {strides = array<i32>} : memref<512xi32, #tpu.memory_space<vmem>>, vector<16xi32>,
    tpu.vector_store %arg7[%swap3A_480], %sub3A_479 {strides = array<i32>} : memref<512xi32, #tpu.memory_space<vmem>>, vector<16xi32>,
    %and3A_482 = arith.constant 127 : i32
    %and3A_483 = vector.broadcast %and3A_482 : i32 to vector<16xi32>
    %and3A_484 = arith.andi %gather3A_471, %and3A_483 : vector<16xi32>
    %swap3A_485 = arith.constant 240 : index
    %swap3A_486 = tpu.vector_load %arg9[%swap3A_485] {strides = array<i32>} : memref<512xi32, #tpu.memory_space<vmem>>, vector<16xi32>,
    tpu.vector_store %arg9[%swap3A_485], %and3A_484 {strides = array<i32>} : memref<512xi32, #tpu.memory_space<vmem>>, vector<16xi32>,
    %and3A_487 = arith.constant 127 : i32
    %and3A_488 = vector.broadcast %and3A_487 : i32 to vector<16xi32>
    %and3A_489 = arith.andi %gather3A_475, %and3A_488 : vector<16xi32>
    %sub3A_490 = arith.subi %gather3A_475, %and3A_489 : vector<16xi32>
    %swap3A_491 = arith.constant 240 : index
    %swap3A_492 = tpu.vector_load %arg8[%swap3A_491] {strides = array<i32>} : memref<512xi32, #tpu.memory_space<vmem>>, vector<16xi32>,
    tpu.vector_store %arg8[%swap3A_491], %sub3A_490 {strides = array<i32>} : memref<512xi32, #tpu.memory_space<vmem>>, vector<16xi32>,
    %and3A_493 = arith.constant 127 : i32
    %and3A_494 = vector.broadcast %and3A_493 : i32 to vector<16xi32>
    %and3A_495 = arith.andi %gather3A_475, %and3A_494 : vector<16xi32>
    %swap3A_496 = arith.constant 240 : index
    %swap3A_497 = tpu.vector_load %arg10[%swap3A_496] {strides = array<i32>} : memref<512xi32, #tpu.memory_space<vmem>>, vector<16xi32>,
    tpu.vector_store %arg10[%swap3A_496], %and3A_495 {strides = array<i32>} : memref<512xi32, #tpu.memory_space<vmem>>, vector<16xi32>,
    %add3A_498 = arith.addi %iota3A, %iota3A : vector<16xi32>
    %add3A_499 = arith.constant 512 : i32
    %add3A_500 = vector.broadcast %add3A_499 : i32 to vector<16xi32>
    %add3A_501 = arith.addi %add3A_498, %add3A_500 : vector<16xi32>
    %gather3A_502 = tpu.vector_load_idx %arg6[%add3A_501] : memref<1024xi32, #tpu.memory_space<vmem>>[vector<16xi32>], vector<16xi32>,
    %add3A_503 = arith.constant 1 : i32
    %add3A_504 = vector.broadcast %add3A_503 : i32 to vector<16xi32>
    %add3A_505 = arith.addi %add3A_501, %add3A_504 : vector<16xi32>
    %gather3A_506 = tpu.vector_load_idx %arg6[%add3A_505] : memref<1024xi32, #tpu.memory_space<vmem>>[vector<16xi32>], vector<16xi32>,
    %and3A_507 = arith.constant 127 : i32
    %and3A_508 = vector.broadcast %and3A_507 : i32 to vector<16xi32>
    %and3A_509 = arith.andi %gather3A_502, %and3A_508 : vector<16xi32>
    %sub3A_510 = arith.subi %gather3A_502, %and3A_509 : vector<16xi32>
    %swap3A_511 = arith.constant 256 : index
    %swap3A_512 = tpu.vector_load %arg7[%swap3A_511] {strides = array<i32>} : memref<512xi32, #tpu.memory_space<vmem>>, vector<16xi32>,
    tpu.vector_store %arg7[%swap3A_511], %sub3A_510 {strides = array<i32>} : memref<512xi32, #tpu.memory_space<vmem>>, vector<16xi32>,
    %and3A_513 = arith.constant 127 : i32
    %and3A_514 = vector.broadcast %and3A_513 : i32 to vector<16xi32>
    %and3A_515 = arith.andi %gather3A_502, %and3A_514 : vector<16xi32>
    %swap3A_516 = arith.constant 256 : index
    %swap3A_517 = tpu.vector_load %arg9[%swap3A_516] {strides = array<i32>} : memref<512xi32, #tpu.memory_space<vmem>>, vector<16xi32>,
    tpu.vector_store %arg9[%swap3A_516], %and3A_515 {strides = array<i32>} : memref<512xi32, #tpu.memory_space<vmem>>, vector<16xi32>,
    %and3A_518 = arith.constant 127 : i32
    %and3A_519 = vector.broadcast %and3A_518 : i32 to vector<16xi32>
    %and3A_520 = arith.andi %gather3A_506, %and3A_519 : vector<16xi32>
    %sub3A_521 = arith.subi %gather3A_506, %and3A_520 : vector<16xi32>
    %swap3A_522 = arith.constant 256 : index
    %swap3A_523 = tpu.vector_load %arg8[%swap3A_522] {strides = array<i32>} : memref<512xi32, #tpu.memory_space<vmem>>, vector<16xi32>,
    tpu.vector_store %arg8[%swap3A_522], %sub3A_521 {strides = array<i32>} : memref<512xi32, #tpu.memory_space<vmem>>, vector<16xi32>,
    %and3A_524 = arith.constant 127 : i32
    %and3A_525 = vector.broadcast %and3A_524 : i32 to vector<16xi32>
    %and3A_526 = arith.andi %gather3A_506, %and3A_525 : vector<16xi32>
    %swap3A_527 = arith.constant 256 : index
    %swap3A_528 = tpu.vector_load %arg10[%swap3A_527] {strides = array<i32>} : memref<512xi32, #tpu.memory_space<vmem>>, vector<16xi32>,
    tpu.vector_store %arg10[%swap3A_527], %and3A_526 {strides = array<i32>} : memref<512xi32, #tpu.memory_space<vmem>>, vector<16xi32>,
    %add3A_529 = arith.addi %iota3A, %iota3A : vector<16xi32>
    %add3A_530 = arith.constant 544 : i32
    %add3A_531 = vector.broadcast %add3A_530 : i32 to vector<16xi32>
    %add3A_532 = arith.addi %add3A_529, %add3A_531 : vector<16xi32>
    %gather3A_533 = tpu.vector_load_idx %arg6[%add3A_532] : memref<1024xi32, #tpu.memory_space<vmem>>[vector<16xi32>], vector<16xi32>,
    %add3A_534 = arith.constant 1 : i32
    %add3A_535 = vector.broadcast %add3A_534 : i32 to vector<16xi32>
    %add3A_536 = arith.addi %add3A_532, %add3A_535 : vector<16xi32>
    %gather3A_537 = tpu.vector_load_idx %arg6[%add3A_536] : memref<1024xi32, #tpu.memory_space<vmem>>[vector<16xi32>], vector<16xi32>,
    %and3A_538 = arith.constant 127 : i32
    %and3A_539 = vector.broadcast %and3A_538 : i32 to vector<16xi32>
    %and3A_540 = arith.andi %gather3A_533, %and3A_539 : vector<16xi32>
    %sub3A_541 = arith.subi %gather3A_533, %and3A_540 : vector<16xi32>
    %swap3A_542 = arith.constant 272 : index
    %swap3A_543 = tpu.vector_load %arg7[%swap3A_542] {strides = array<i32>} : memref<512xi32, #tpu.memory_space<vmem>>, vector<16xi32>,
    tpu.vector_store %arg7[%swap3A_542], %sub3A_541 {strides = array<i32>} : memref<512xi32, #tpu.memory_space<vmem>>, vector<16xi32>,
    %and3A_544 = arith.constant 127 : i32
    %and3A_545 = vector.broadcast %and3A_544 : i32 to vector<16xi32>
    %and3A_546 = arith.andi %gather3A_533, %and3A_545 : vector<16xi32>
    %swap3A_547 = arith.constant 272 : index
    %swap3A_548 = tpu.vector_load %arg9[%swap3A_547] {strides = array<i32>} : memref<512xi32, #tpu.memory_space<vmem>>, vector<16xi32>,
    tpu.vector_store %arg9[%swap3A_547], %and3A_546 {strides = array<i32>} : memref<512xi32, #tpu.memory_space<vmem>>, vector<16xi32>,
    %and3A_549 = arith.constant 127 : i32
    %and3A_550 = vector.broadcast %and3A_549 : i32 to vector<16xi32>
    %and3A_551 = arith.andi %gather3A_537, %and3A_550 : vector<16xi32>
    %sub3A_552 = arith.subi %gather3A_537, %and3A_551 : vector<16xi32>
    %swap3A_553 = arith.constant 272 : index
    %swap3A_554 = tpu.vector_load %arg8[%swap3A_553] {strides = array<i32>} : memref<512xi32, #tpu.memory_space<vmem>>, vector<16xi32>,
    tpu.vector_store %arg8[%swap3A_553], %sub3A_552 {strides = array<i32>} : memref<512xi32, #tpu.memory_space<vmem>>, vector<16xi32>,
    %and3A_555 = arith.constant 127 : i32
    %and3A_556 = vector.broadcast %and3A_555 : i32 to vector<16xi32>
    %and3A_557 = arith.andi %gather3A_537, %and3A_556 : vector<16xi32>
    %swap3A_558 = arith.constant 272 : index
    %swap3A_559 = tpu.vector_load %arg10[%swap3A_558] {strides = array<i32>} : memref<512xi32, #tpu.memory_space<vmem>>, vector<16xi32>,
    tpu.vector_store %arg10[%swap3A_558], %and3A_557 {strides = array<i32>} : memref<512xi32, #tpu.memory_space<vmem>>, vector<16xi32>,
    %add3A_560 = arith.addi %iota3A, %iota3A : vector<16xi32>
    %add3A_561 = arith.constant 576 : i32
    %add3A_562 = vector.broadcast %add3A_561 : i32 to vector<16xi32>
    %add3A_563 = arith.addi %add3A_560, %add3A_562 : vector<16xi32>
    %gather3A_564 = tpu.vector_load_idx %arg6[%add3A_563] : memref<1024xi32, #tpu.memory_space<vmem>>[vector<16xi32>], vector<16xi32>,
    %add3A_565 = arith.constant 1 : i32
    %add3A_566 = vector.broadcast %add3A_565 : i32 to vector<16xi32>
    %add3A_567 = arith.addi %add3A_563, %add3A_566 : vector<16xi32>
    %gather3A_568 = tpu.vector_load_idx %arg6[%add3A_567] : memref<1024xi32, #tpu.memory_space<vmem>>[vector<16xi32>], vector<16xi32>,
    %and3A_569 = arith.constant 127 : i32
    %and3A_570 = vector.broadcast %and3A_569 : i32 to vector<16xi32>
    %and3A_571 = arith.andi %gather3A_564, %and3A_570 : vector<16xi32>
    %sub3A_572 = arith.subi %gather3A_564, %and3A_571 : vector<16xi32>
    %swap3A_573 = arith.constant 288 : index
    %swap3A_574 = tpu.vector_load %arg7[%swap3A_573] {strides = array<i32>} : memref<512xi32, #tpu.memory_space<vmem>>, vector<16xi32>,
    tpu.vector_store %arg7[%swap3A_573], %sub3A_572 {strides = array<i32>} : memref<512xi32, #tpu.memory_space<vmem>>, vector<16xi32>,
    %and3A_575 = arith.constant 127 : i32
    %and3A_576 = vector.broadcast %and3A_575 : i32 to vector<16xi32>
    %and3A_577 = arith.andi %gather3A_564, %and3A_576 : vector<16xi32>
    %swap3A_578 = arith.constant 288 : index
    %swap3A_579 = tpu.vector_load %arg9[%swap3A_578] {strides = array<i32>} : memref<512xi32, #tpu.memory_space<vmem>>, vector<16xi32>,
    tpu.vector_store %arg9[%swap3A_578], %and3A_577 {strides = array<i32>} : memref<512xi32, #tpu.memory_space<vmem>>, vector<16xi32>,
    %and3A_580 = arith.constant 127 : i32
    %and3A_581 = vector.broadcast %and3A_580 : i32 to vector<16xi32>
    %and3A_582 = arith.andi %gather3A_568, %and3A_581 : vector<16xi32>
    %sub3A_583 = arith.subi %gather3A_568, %and3A_582 : vector<16xi32>
    %swap3A_584 = arith.constant 288 : index
    %swap3A_585 = tpu.vector_load %arg8[%swap3A_584] {strides = array<i32>} : memref<512xi32, #tpu.memory_space<vmem>>, vector<16xi32>,
    tpu.vector_store %arg8[%swap3A_584], %sub3A_583 {strides = array<i32>} : memref<512xi32, #tpu.memory_space<vmem>>, vector<16xi32>,
    %and3A_586 = arith.constant 127 : i32
    %and3A_587 = vector.broadcast %and3A_586 : i32 to vector<16xi32>
    %and3A_588 = arith.andi %gather3A_568, %and3A_587 : vector<16xi32>
    %swap3A_589 = arith.constant 288 : index
    %swap3A_590 = tpu.vector_load %arg10[%swap3A_589] {strides = array<i32>} : memref<512xi32, #tpu.memory_space<vmem>>, vector<16xi32>,
    tpu.vector_store %arg10[%swap3A_589], %and3A_588 {strides = array<i32>} : memref<512xi32, #tpu.memory_space<vmem>>, vector<16xi32>,
    %add3A_591 = arith.addi %iota3A, %iota3A : vector<16xi32>
    %add3A_592 = arith.constant 608 : i32
    %add3A_593 = vector.broadcast %add3A_592 : i32 to vector<16xi32>
    %add3A_594 = arith.addi %add3A_591, %add3A_593 : vector<16xi32>
    %gather3A_595 = tpu.vector_load_idx %arg6[%add3A_594] : memref<1024xi32, #tpu.memory_space<vmem>>[vector<16xi32>], vector<16xi32>,
    %add3A_596 = arith.constant 1 : i32
    %add3A_597 = vector.broadcast %add3A_596 : i32 to vector<16xi32>
    %add3A_598 = arith.addi %add3A_594, %add3A_597 : vector<16xi32>
    %gather3A_599 = tpu.vector_load_idx %arg6[%add3A_598] : memref<1024xi32, #tpu.memory_space<vmem>>[vector<16xi32>], vector<16xi32>,
    %and3A_600 = arith.constant 127 : i32
    %and3A_601 = vector.broadcast %and3A_600 : i32 to vector<16xi32>
    %and3A_602 = arith.andi %gather3A_595, %and3A_601 : vector<16xi32>
    %sub3A_603 = arith.subi %gather3A_595, %and3A_602 : vector<16xi32>
    %swap3A_604 = arith.constant 304 : index
    %swap3A_605 = tpu.vector_load %arg7[%swap3A_604] {strides = array<i32>} : memref<512xi32, #tpu.memory_space<vmem>>, vector<16xi32>,
    tpu.vector_store %arg7[%swap3A_604], %sub3A_603 {strides = array<i32>} : memref<512xi32, #tpu.memory_space<vmem>>, vector<16xi32>,
    %and3A_606 = arith.constant 127 : i32
    %and3A_607 = vector.broadcast %and3A_606 : i32 to vector<16xi32>
    %and3A_608 = arith.andi %gather3A_595, %and3A_607 : vector<16xi32>
    %swap3A_609 = arith.constant 304 : index
    %swap3A_610 = tpu.vector_load %arg9[%swap3A_609] {strides = array<i32>} : memref<512xi32, #tpu.memory_space<vmem>>, vector<16xi32>,
    tpu.vector_store %arg9[%swap3A_609], %and3A_608 {strides = array<i32>} : memref<512xi32, #tpu.memory_space<vmem>>, vector<16xi32>,
    %and3A_611 = arith.constant 127 : i32
    %and3A_612 = vector.broadcast %and3A_611 : i32 to vector<16xi32>
    %and3A_613 = arith.andi %gather3A_599, %and3A_612 : vector<16xi32>
    %sub3A_614 = arith.subi %gather3A_599, %and3A_613 : vector<16xi32>
    %swap3A_615 = arith.constant 304 : index
    %swap3A_616 = tpu.vector_load %arg8[%swap3A_615] {strides = array<i32>} : memref<512xi32, #tpu.memory_space<vmem>>, vector<16xi32>,
    tpu.vector_store %arg8[%swap3A_615], %sub3A_614 {strides = array<i32>} : memref<512xi32, #tpu.memory_space<vmem>>, vector<16xi32>,
    %and3A_617 = arith.constant 127 : i32
    %and3A_618 = vector.broadcast %and3A_617 : i32 to vector<16xi32>
    %and3A_619 = arith.andi %gather3A_599, %and3A_618 : vector<16xi32>
    %swap3A_620 = arith.constant 304 : index
    %swap3A_621 = tpu.vector_load %arg10[%swap3A_620] {strides = array<i32>} : memref<512xi32, #tpu.memory_space<vmem>>, vector<16xi32>,
    tpu.vector_store %arg10[%swap3A_620], %and3A_619 {strides = array<i32>} : memref<512xi32, #tpu.memory_space<vmem>>, vector<16xi32>,
    %add3A_622 = arith.addi %iota3A, %iota3A : vector<16xi32>
    %add3A_623 = arith.constant 640 : i32
    %add3A_624 = vector.broadcast %add3A_623 : i32 to vector<16xi32>
    %add3A_625 = arith.addi %add3A_622, %add3A_624 : vector<16xi32>
    %gather3A_626 = tpu.vector_load_idx %arg6[%add3A_625] : memref<1024xi32, #tpu.memory_space<vmem>>[vector<16xi32>], vector<16xi32>,
    %add3A_627 = arith.constant 1 : i32
    %add3A_628 = vector.broadcast %add3A_627 : i32 to vector<16xi32>
    %add3A_629 = arith.addi %add3A_625, %add3A_628 : vector<16xi32>
    %gather3A_630 = tpu.vector_load_idx %arg6[%add3A_629] : memref<1024xi32, #tpu.memory_space<vmem>>[vector<16xi32>], vector<16xi32>,
    %and3A_631 = arith.constant 127 : i32
    %and3A_632 = vector.broadcast %and3A_631 : i32 to vector<16xi32>
    %and3A_633 = arith.andi %gather3A_626, %and3A_632 : vector<16xi32>
    %sub3A_634 = arith.subi %gather3A_626, %and3A_633 : vector<16xi32>
    %swap3A_635 = arith.constant 320 : index
    %swap3A_636 = tpu.vector_load %arg7[%swap3A_635] {strides = array<i32>} : memref<512xi32, #tpu.memory_space<vmem>>, vector<16xi32>,
    tpu.vector_store %arg7[%swap3A_635], %sub3A_634 {strides = array<i32>} : memref<512xi32, #tpu.memory_space<vmem>>, vector<16xi32>,
    %and3A_637 = arith.constant 127 : i32
    %and3A_638 = vector.broadcast %and3A_637 : i32 to vector<16xi32>
    %and3A_639 = arith.andi %gather3A_626, %and3A_638 : vector<16xi32>
    %swap3A_640 = arith.constant 320 : index
    %swap3A_641 = tpu.vector_load %arg9[%swap3A_640] {strides = array<i32>} : memref<512xi32, #tpu.memory_space<vmem>>, vector<16xi32>,
    tpu.vector_store %arg9[%swap3A_640], %and3A_639 {strides = array<i32>} : memref<512xi32, #tpu.memory_space<vmem>>, vector<16xi32>,
    %and3A_642 = arith.constant 127 : i32
    %and3A_643 = vector.broadcast %and3A_642 : i32 to vector<16xi32>
    %and3A_644 = arith.andi %gather3A_630, %and3A_643 : vector<16xi32>
    %sub3A_645 = arith.subi %gather3A_630, %and3A_644 : vector<16xi32>
    %swap3A_646 = arith.constant 320 : index
    %swap3A_647 = tpu.vector_load %arg8[%swap3A_646] {strides = array<i32>} : memref<512xi32, #tpu.memory_space<vmem>>, vector<16xi32>,
    tpu.vector_store %arg8[%swap3A_646], %sub3A_645 {strides = array<i32>} : memref<512xi32, #tpu.memory_space<vmem>>, vector<16xi32>,
    %and3A_648 = arith.constant 127 : i32
    %and3A_649 = vector.broadcast %and3A_648 : i32 to vector<16xi32>
    %and3A_650 = arith.andi %gather3A_630, %and3A_649 : vector<16xi32>
    %swap3A_651 = arith.constant 320 : index
    %swap3A_652 = tpu.vector_load %arg10[%swap3A_651] {strides = array<i32>} : memref<512xi32, #tpu.memory_space<vmem>>, vector<16xi32>,
    tpu.vector_store %arg10[%swap3A_651], %and3A_650 {strides = array<i32>} : memref<512xi32, #tpu.memory_space<vmem>>, vector<16xi32>,
    %add3A_653 = arith.addi %iota3A, %iota3A : vector<16xi32>
    %add3A_654 = arith.constant 672 : i32
    %add3A_655 = vector.broadcast %add3A_654 : i32 to vector<16xi32>
    %add3A_656 = arith.addi %add3A_653, %add3A_655 : vector<16xi32>
    %gather3A_657 = tpu.vector_load_idx %arg6[%add3A_656] : memref<1024xi32, #tpu.memory_space<vmem>>[vector<16xi32>], vector<16xi32>,
    %add3A_658 = arith.constant 1 : i32
    %add3A_659 = vector.broadcast %add3A_658 : i32 to vector<16xi32>
    %add3A_660 = arith.addi %add3A_656, %add3A_659 : vector<16xi32>
    %gather3A_661 = tpu.vector_load_idx %arg6[%add3A_660] : memref<1024xi32, #tpu.memory_space<vmem>>[vector<16xi32>], vector<16xi32>,
    %and3A_662 = arith.constant 127 : i32
    %and3A_663 = vector.broadcast %and3A_662 : i32 to vector<16xi32>
    %and3A_664 = arith.andi %gather3A_657, %and3A_663 : vector<16xi32>
    %sub3A_665 = arith.subi %gather3A_657, %and3A_664 : vector<16xi32>
    %swap3A_666 = arith.constant 336 : index
    %swap3A_667 = tpu.vector_load %arg7[%swap3A_666] {strides = array<i32>} : memref<512xi32, #tpu.memory_space<vmem>>, vector<16xi32>,
    tpu.vector_store %arg7[%swap3A_666], %sub3A_665 {strides = array<i32>} : memref<512xi32, #tpu.memory_space<vmem>>, vector<16xi32>,
    %and3A_668 = arith.constant 127 : i32
    %and3A_669 = vector.broadcast %and3A_668 : i32 to vector<16xi32>
    %and3A_670 = arith.andi %gather3A_657, %and3A_669 : vector<16xi32>
    %swap3A_671 = arith.constant 336 : index
    %swap3A_672 = tpu.vector_load %arg9[%swap3A_671] {strides = array<i32>} : memref<512xi32, #tpu.memory_space<vmem>>, vector<16xi32>,
    tpu.vector_store %arg9[%swap3A_671], %and3A_670 {strides = array<i32>} : memref<512xi32, #tpu.memory_space<vmem>>, vector<16xi32>,
    %and3A_673 = arith.constant 127 : i32
    %and3A_674 = vector.broadcast %and3A_673 : i32 to vector<16xi32>
    %and3A_675 = arith.andi %gather3A_661, %and3A_674 : vector<16xi32>
    %sub3A_676 = arith.subi %gather3A_661, %and3A_675 : vector<16xi32>
    %swap3A_677 = arith.constant 336 : index
    %swap3A_678 = tpu.vector_load %arg8[%swap3A_677] {strides = array<i32>} : memref<512xi32, #tpu.memory_space<vmem>>, vector<16xi32>,
    tpu.vector_store %arg8[%swap3A_677], %sub3A_676 {strides = array<i32>} : memref<512xi32, #tpu.memory_space<vmem>>, vector<16xi32>,
    %and3A_679 = arith.constant 127 : i32
    %and3A_680 = vector.broadcast %and3A_679 : i32 to vector<16xi32>
    %and3A_681 = arith.andi %gather3A_661, %and3A_680 : vector<16xi32>
    %swap3A_682 = arith.constant 336 : index
    %swap3A_683 = tpu.vector_load %arg10[%swap3A_682] {strides = array<i32>} : memref<512xi32, #tpu.memory_space<vmem>>, vector<16xi32>,
    tpu.vector_store %arg10[%swap3A_682], %and3A_681 {strides = array<i32>} : memref<512xi32, #tpu.memory_space<vmem>>, vector<16xi32>,
    %add3A_684 = arith.addi %iota3A, %iota3A : vector<16xi32>
    %add3A_685 = arith.constant 704 : i32
    %add3A_686 = vector.broadcast %add3A_685 : i32 to vector<16xi32>
    %add3A_687 = arith.addi %add3A_684, %add3A_686 : vector<16xi32>
    %gather3A_688 = tpu.vector_load_idx %arg6[%add3A_687] : memref<1024xi32, #tpu.memory_space<vmem>>[vector<16xi32>], vector<16xi32>,
    %add3A_689 = arith.constant 1 : i32
    %add3A_690 = vector.broadcast %add3A_689 : i32 to vector<16xi32>
    %add3A_691 = arith.addi %add3A_687, %add3A_690 : vector<16xi32>
    %gather3A_692 = tpu.vector_load_idx %arg6[%add3A_691] : memref<1024xi32, #tpu.memory_space<vmem>>[vector<16xi32>], vector<16xi32>,
    %and3A_693 = arith.constant 127 : i32
    %and3A_694 = vector.broadcast %and3A_693 : i32 to vector<16xi32>
    %and3A_695 = arith.andi %gather3A_688, %and3A_694 : vector<16xi32>
    %sub3A_696 = arith.subi %gather3A_688, %and3A_695 : vector<16xi32>
    %swap3A_697 = arith.constant 352 : index
    %swap3A_698 = tpu.vector_load %arg7[%swap3A_697] {strides = array<i32>} : memref<512xi32, #tpu.memory_space<vmem>>, vector<16xi32>,
    tpu.vector_store %arg7[%swap3A_697], %sub3A_696 {strides = array<i32>} : memref<512xi32, #tpu.memory_space<vmem>>, vector<16xi32>,
    %and3A_699 = arith.constant 127 : i32
    %and3A_700 = vector.broadcast %and3A_699 : i32 to vector<16xi32>
    %and3A_701 = arith.andi %gather3A_688, %and3A_700 : vector<16xi32>
    %swap3A_702 = arith.constant 352 : index
    %swap3A_703 = tpu.vector_load %arg9[%swap3A_702] {strides = array<i32>} : memref<512xi32, #tpu.memory_space<vmem>>, vector<16xi32>,
    tpu.vector_store %arg9[%swap3A_702], %and3A_701 {strides = array<i32>} : memref<512xi32, #tpu.memory_space<vmem>>, vector<16xi32>,
    %and3A_704 = arith.constant 127 : i32
    %and3A_705 = vector.broadcast %and3A_704 : i32 to vector<16xi32>
    %and3A_706 = arith.andi %gather3A_692, %and3A_705 : vector<16xi32>
    %sub3A_707 = arith.subi %gather3A_692, %and3A_706 : vector<16xi32>
    %swap3A_708 = arith.constant 352 : index
    %swap3A_709 = tpu.vector_load %arg8[%swap3A_708] {strides = array<i32>} : memref<512xi32, #tpu.memory_space<vmem>>, vector<16xi32>,
    tpu.vector_store %arg8[%swap3A_708], %sub3A_707 {strides = array<i32>} : memref<512xi32, #tpu.memory_space<vmem>>, vector<16xi32>,
    %and3A_710 = arith.constant 127 : i32
    %and3A_711 = vector.broadcast %and3A_710 : i32 to vector<16xi32>
    %and3A_712 = arith.andi %gather3A_692, %and3A_711 : vector<16xi32>
    %swap3A_713 = arith.constant 352 : index
    %swap3A_714 = tpu.vector_load %arg10[%swap3A_713] {strides = array<i32>} : memref<512xi32, #tpu.memory_space<vmem>>, vector<16xi32>,
    tpu.vector_store %arg10[%swap3A_713], %and3A_712 {strides = array<i32>} : memref<512xi32, #tpu.memory_space<vmem>>, vector<16xi32>,
    %add3A_715 = arith.addi %iota3A, %iota3A : vector<16xi32>
    %add3A_716 = arith.constant 736 : i32
    %add3A_717 = vector.broadcast %add3A_716 : i32 to vector<16xi32>
    %add3A_718 = arith.addi %add3A_715, %add3A_717 : vector<16xi32>
    %gather3A_719 = tpu.vector_load_idx %arg6[%add3A_718] : memref<1024xi32, #tpu.memory_space<vmem>>[vector<16xi32>], vector<16xi32>,
    %add3A_720 = arith.constant 1 : i32
    %add3A_721 = vector.broadcast %add3A_720 : i32 to vector<16xi32>
    %add3A_722 = arith.addi %add3A_718, %add3A_721 : vector<16xi32>
    %gather3A_723 = tpu.vector_load_idx %arg6[%add3A_722] : memref<1024xi32, #tpu.memory_space<vmem>>[vector<16xi32>], vector<16xi32>,
    %and3A_724 = arith.constant 127 : i32
    %and3A_725 = vector.broadcast %and3A_724 : i32 to vector<16xi32>
    %and3A_726 = arith.andi %gather3A_719, %and3A_725 : vector<16xi32>
    %sub3A_727 = arith.subi %gather3A_719, %and3A_726 : vector<16xi32>
    %swap3A_728 = arith.constant 368 : index
    %swap3A_729 = tpu.vector_load %arg7[%swap3A_728] {strides = array<i32>} : memref<512xi32, #tpu.memory_space<vmem>>, vector<16xi32>,
    tpu.vector_store %arg7[%swap3A_728], %sub3A_727 {strides = array<i32>} : memref<512xi32, #tpu.memory_space<vmem>>, vector<16xi32>,
    %and3A_730 = arith.constant 127 : i32
    %and3A_731 = vector.broadcast %and3A_730 : i32 to vector<16xi32>
    %and3A_732 = arith.andi %gather3A_719, %and3A_731 : vector<16xi32>
    %swap3A_733 = arith.constant 368 : index
    %swap3A_734 = tpu.vector_load %arg9[%swap3A_733] {strides = array<i32>} : memref<512xi32, #tpu.memory_space<vmem>>, vector<16xi32>,
    tpu.vector_store %arg9[%swap3A_733], %and3A_732 {strides = array<i32>} : memref<512xi32, #tpu.memory_space<vmem>>, vector<16xi32>,
    %and3A_735 = arith.constant 127 : i32
    %and3A_736 = vector.broadcast %and3A_735 : i32 to vector<16xi32>
    %and3A_737 = arith.andi %gather3A_723, %and3A_736 : vector<16xi32>
    %sub3A_738 = arith.subi %gather3A_723, %and3A_737 : vector<16xi32>
    %swap3A_739 = arith.constant 368 : index
    %swap3A_740 = tpu.vector_load %arg8[%swap3A_739] {strides = array<i32>} : memref<512xi32, #tpu.memory_space<vmem>>, vector<16xi32>,
    tpu.vector_store %arg8[%swap3A_739], %sub3A_738 {strides = array<i32>} : memref<512xi32, #tpu.memory_space<vmem>>, vector<16xi32>,
    %and3A_741 = arith.constant 127 : i32
    %and3A_742 = vector.broadcast %and3A_741 : i32 to vector<16xi32>
    %and3A_743 = arith.andi %gather3A_723, %and3A_742 : vector<16xi32>
    %swap3A_744 = arith.constant 368 : index
    %swap3A_745 = tpu.vector_load %arg10[%swap3A_744] {strides = array<i32>} : memref<512xi32, #tpu.memory_space<vmem>>, vector<16xi32>,
    tpu.vector_store %arg10[%swap3A_744], %and3A_743 {strides = array<i32>} : memref<512xi32, #tpu.memory_space<vmem>>, vector<16xi32>,
    %add3A_746 = arith.addi %iota3A, %iota3A : vector<16xi32>
    %add3A_747 = arith.constant 768 : i32
    %add3A_748 = vector.broadcast %add3A_747 : i32 to vector<16xi32>
    %add3A_749 = arith.addi %add3A_746, %add3A_748 : vector<16xi32>
    %gather3A_750 = tpu.vector_load_idx %arg6[%add3A_749] : memref<1024xi32, #tpu.memory_space<vmem>>[vector<16xi32>], vector<16xi32>,
    %add3A_751 = arith.constant 1 : i32
    %add3A_752 = vector.broadcast %add3A_751 : i32 to vector<16xi32>
    %add3A_753 = arith.addi %add3A_749, %add3A_752 : vector<16xi32>
    %gather3A_754 = tpu.vector_load_idx %arg6[%add3A_753] : memref<1024xi32, #tpu.memory_space<vmem>>[vector<16xi32>], vector<16xi32>,
    %and3A_755 = arith.constant 127 : i32
    %and3A_756 = vector.broadcast %and3A_755 : i32 to vector<16xi32>
    %and3A_757 = arith.andi %gather3A_750, %and3A_756 : vector<16xi32>
    %sub3A_758 = arith.subi %gather3A_750, %and3A_757 : vector<16xi32>
    %swap3A_759 = arith.constant 384 : index
    %swap3A_760 = tpu.vector_load %arg7[%swap3A_759] {strides = array<i32>} : memref<512xi32, #tpu.memory_space<vmem>>, vector<16xi32>,
    tpu.vector_store %arg7[%swap3A_759], %sub3A_758 {strides = array<i32>} : memref<512xi32, #tpu.memory_space<vmem>>, vector<16xi32>,
    %and3A_761 = arith.constant 127 : i32
    %and3A_762 = vector.broadcast %and3A_761 : i32 to vector<16xi32>
    %and3A_763 = arith.andi %gather3A_750, %and3A_762 : vector<16xi32>
    %swap3A_764 = arith.constant 384 : index
    %swap3A_765 = tpu.vector_load %arg9[%swap3A_764] {strides = array<i32>} : memref<512xi32, #tpu.memory_space<vmem>>, vector<16xi32>,
    tpu.vector_store %arg9[%swap3A_764], %and3A_763 {strides = array<i32>} : memref<512xi32, #tpu.memory_space<vmem>>, vector<16xi32>,
    %and3A_766 = arith.constant 127 : i32
    %and3A_767 = vector.broadcast %and3A_766 : i32 to vector<16xi32>
    %and3A_768 = arith.andi %gather3A_754, %and3A_767 : vector<16xi32>
    %sub3A_769 = arith.subi %gather3A_754, %and3A_768 : vector<16xi32>
    %swap3A_770 = arith.constant 384 : index
    %swap3A_771 = tpu.vector_load %arg8[%swap3A_770] {strides = array<i32>} : memref<512xi32, #tpu.memory_space<vmem>>, vector<16xi32>,
    tpu.vector_store %arg8[%swap3A_770], %sub3A_769 {strides = array<i32>} : memref<512xi32, #tpu.memory_space<vmem>>, vector<16xi32>,
    %and3A_772 = arith.constant 127 : i32
    %and3A_773 = vector.broadcast %and3A_772 : i32 to vector<16xi32>
    %and3A_774 = arith.andi %gather3A_754, %and3A_773 : vector<16xi32>
    %swap3A_775 = arith.constant 384 : index
    %swap3A_776 = tpu.vector_load %arg10[%swap3A_775] {strides = array<i32>} : memref<512xi32, #tpu.memory_space<vmem>>, vector<16xi32>,
    tpu.vector_store %arg10[%swap3A_775], %and3A_774 {strides = array<i32>} : memref<512xi32, #tpu.memory_space<vmem>>, vector<16xi32>,
    %add3A_777 = arith.addi %iota3A, %iota3A : vector<16xi32>
    %add3A_778 = arith.constant 800 : i32
    %add3A_779 = vector.broadcast %add3A_778 : i32 to vector<16xi32>
    %add3A_780 = arith.addi %add3A_777, %add3A_779 : vector<16xi32>
    %gather3A_781 = tpu.vector_load_idx %arg6[%add3A_780] : memref<1024xi32, #tpu.memory_space<vmem>>[vector<16xi32>], vector<16xi32>,
    %add3A_782 = arith.constant 1 : i32
    %add3A_783 = vector.broadcast %add3A_782 : i32 to vector<16xi32>
    %add3A_784 = arith.addi %add3A_780, %add3A_783 : vector<16xi32>
    %gather3A_785 = tpu.vector_load_idx %arg6[%add3A_784] : memref<1024xi32, #tpu.memory_space<vmem>>[vector<16xi32>], vector<16xi32>,
    %and3A_786 = arith.constant 127 : i32
    %and3A_787 = vector.broadcast %and3A_786 : i32 to vector<16xi32>
    %and3A_788 = arith.andi %gather3A_781, %and3A_787 : vector<16xi32>
    %sub3A_789 = arith.subi %gather3A_781, %and3A_788 : vector<16xi32>
    %swap3A_790 = arith.constant 400 : index
    %swap3A_791 = tpu.vector_load %arg7[%swap3A_790] {strides = array<i32>} : memref<512xi32, #tpu.memory_space<vmem>>, vector<16xi32>,
    tpu.vector_store %arg7[%swap3A_790], %sub3A_789 {strides = array<i32>} : memref<512xi32, #tpu.memory_space<vmem>>, vector<16xi32>,
    %and3A_792 = arith.constant 127 : i32
    %and3A_793 = vector.broadcast %and3A_792 : i32 to vector<16xi32>
    %and3A_794 = arith.andi %gather3A_781, %and3A_793 : vector<16xi32>
    %swap3A_795 = arith.constant 400 : index
    %swap3A_796 = tpu.vector_load %arg9[%swap3A_795] {strides = array<i32>} : memref<512xi32, #tpu.memory_space<vmem>>, vector<16xi32>,
    tpu.vector_store %arg9[%swap3A_795], %and3A_794 {strides = array<i32>} : memref<512xi32, #tpu.memory_space<vmem>>, vector<16xi32>,
    %and3A_797 = arith.constant 127 : i32
    %and3A_798 = vector.broadcast %and3A_797 : i32 to vector<16xi32>
    %and3A_799 = arith.andi %gather3A_785, %and3A_798 : vector<16xi32>
    %sub3A_800 = arith.subi %gather3A_785, %and3A_799 : vector<16xi32>
    %swap3A_801 = arith.constant 400 : index
    %swap3A_802 = tpu.vector_load %arg8[%swap3A_801] {strides = array<i32>} : memref<512xi32, #tpu.memory_space<vmem>>, vector<16xi32>,
    tpu.vector_store %arg8[%swap3A_801], %sub3A_800 {strides = array<i32>} : memref<512xi32, #tpu.memory_space<vmem>>, vector<16xi32>,
    %and3A_803 = arith.constant 127 : i32
    %and3A_804 = vector.broadcast %and3A_803 : i32 to vector<16xi32>
    %and3A_805 = arith.andi %gather3A_785, %and3A_804 : vector<16xi32>
    %swap3A_806 = arith.constant 400 : index
    %swap3A_807 = tpu.vector_load %arg10[%swap3A_806] {strides = array<i32>} : memref<512xi32, #tpu.memory_space<vmem>>, vector<16xi32>,
    tpu.vector_store %arg10[%swap3A_806], %and3A_805 {strides = array<i32>} : memref<512xi32, #tpu.memory_space<vmem>>, vector<16xi32>,
    %add3A_808 = arith.addi %iota3A, %iota3A : vector<16xi32>
    %add3A_809 = arith.constant 832 : i32
    %add3A_810 = vector.broadcast %add3A_809 : i32 to vector<16xi32>
    %add3A_811 = arith.addi %add3A_808, %add3A_810 : vector<16xi32>
    %gather3A_812 = tpu.vector_load_idx %arg6[%add3A_811] : memref<1024xi32, #tpu.memory_space<vmem>>[vector<16xi32>], vector<16xi32>,
    %add3A_813 = arith.constant 1 : i32
    %add3A_814 = vector.broadcast %add3A_813 : i32 to vector<16xi32>
    %add3A_815 = arith.addi %add3A_811, %add3A_814 : vector<16xi32>
    %gather3A_816 = tpu.vector_load_idx %arg6[%add3A_815] : memref<1024xi32, #tpu.memory_space<vmem>>[vector<16xi32>], vector<16xi32>,
    %and3A_817 = arith.constant 127 : i32
    %and3A_818 = vector.broadcast %and3A_817 : i32 to vector<16xi32>
    %and3A_819 = arith.andi %gather3A_812, %and3A_818 : vector<16xi32>
    %sub3A_820 = arith.subi %gather3A_812, %and3A_819 : vector<16xi32>
    %swap3A_821 = arith.constant 416 : index
    %swap3A_822 = tpu.vector_load %arg7[%swap3A_821] {strides = array<i32>} : memref<512xi32, #tpu.memory_space<vmem>>, vector<16xi32>,
    tpu.vector_store %arg7[%swap3A_821], %sub3A_820 {strides = array<i32>} : memref<512xi32, #tpu.memory_space<vmem>>, vector<16xi32>,
    %and3A_823 = arith.constant 127 : i32
    %and3A_824 = vector.broadcast %and3A_823 : i32 to vector<16xi32>
    %and3A_825 = arith.andi %gather3A_812, %and3A_824 : vector<16xi32>
    %swap3A_826 = arith.constant 416 : index
    %swap3A_827 = tpu.vector_load %arg9[%swap3A_826] {strides = array<i32>} : memref<512xi32, #tpu.memory_space<vmem>>, vector<16xi32>,
    tpu.vector_store %arg9[%swap3A_826], %and3A_825 {strides = array<i32>} : memref<512xi32, #tpu.memory_space<vmem>>, vector<16xi32>,
    %and3A_828 = arith.constant 127 : i32
    %and3A_829 = vector.broadcast %and3A_828 : i32 to vector<16xi32>
    %and3A_830 = arith.andi %gather3A_816, %and3A_829 : vector<16xi32>
    %sub3A_831 = arith.subi %gather3A_816, %and3A_830 : vector<16xi32>
    %swap3A_832 = arith.constant 416 : index
    %swap3A_833 = tpu.vector_load %arg8[%swap3A_832] {strides = array<i32>} : memref<512xi32, #tpu.memory_space<vmem>>, vector<16xi32>,
    tpu.vector_store %arg8[%swap3A_832], %sub3A_831 {strides = array<i32>} : memref<512xi32, #tpu.memory_space<vmem>>, vector<16xi32>,
    %and3A_834 = arith.constant 127 : i32
    %and3A_835 = vector.broadcast %and3A_834 : i32 to vector<16xi32>
    %and3A_836 = arith.andi %gather3A_816, %and3A_835 : vector<16xi32>
    %swap3A_837 = arith.constant 416 : index
    %swap3A_838 = tpu.vector_load %arg10[%swap3A_837] {strides = array<i32>} : memref<512xi32, #tpu.memory_space<vmem>>, vector<16xi32>,
    tpu.vector_store %arg10[%swap3A_837], %and3A_836 {strides = array<i32>} : memref<512xi32, #tpu.memory_space<vmem>>, vector<16xi32>,
    %add3A_839 = arith.addi %iota3A, %iota3A : vector<16xi32>
    %add3A_840 = arith.constant 864 : i32
    %add3A_841 = vector.broadcast %add3A_840 : i32 to vector<16xi32>
    %add3A_842 = arith.addi %add3A_839, %add3A_841 : vector<16xi32>
    %gather3A_843 = tpu.vector_load_idx %arg6[%add3A_842] : memref<1024xi32, #tpu.memory_space<vmem>>[vector<16xi32>], vector<16xi32>,
    %add3A_844 = arith.constant 1 : i32
    %add3A_845 = vector.broadcast %add3A_844 : i32 to vector<16xi32>
    %add3A_846 = arith.addi %add3A_842, %add3A_845 : vector<16xi32>
    %gather3A_847 = tpu.vector_load_idx %arg6[%add3A_846] : memref<1024xi32, #tpu.memory_space<vmem>>[vector<16xi32>], vector<16xi32>,
    %and3A_848 = arith.constant 127 : i32
    %and3A_849 = vector.broadcast %and3A_848 : i32 to vector<16xi32>
    %and3A_850 = arith.andi %gather3A_843, %and3A_849 : vector<16xi32>
    %sub3A_851 = arith.subi %gather3A_843, %and3A_850 : vector<16xi32>
    %swap3A_852 = arith.constant 432 : index
    %swap3A_853 = tpu.vector_load %arg7[%swap3A_852] {strides = array<i32>} : memref<512xi32, #tpu.memory_space<vmem>>, vector<16xi32>,
    tpu.vector_store %arg7[%swap3A_852], %sub3A_851 {strides = array<i32>} : memref<512xi32, #tpu.memory_space<vmem>>, vector<16xi32>,
    %and3A_854 = arith.constant 127 : i32
    %and3A_855 = vector.broadcast %and3A_854 : i32 to vector<16xi32>
    %and3A_856 = arith.andi %gather3A_843, %and3A_855 : vector<16xi32>
    %swap3A_857 = arith.constant 432 : index
    %swap3A_858 = tpu.vector_load %arg9[%swap3A_857] {strides = array<i32>} : memref<512xi32, #tpu.memory_space<vmem>>, vector<16xi32>,
    tpu.vector_store %arg9[%swap3A_857], %and3A_856 {strides = array<i32>} : memref<512xi32, #tpu.memory_space<vmem>>, vector<16xi32>,
    %and3A_859 = arith.constant 127 : i32
    %and3A_860 = vector.broadcast %and3A_859 : i32 to vector<16xi32>
    %and3A_861 = arith.andi %gather3A_847, %and3A_860 : vector<16xi32>
    %sub3A_862 = arith.subi %gather3A_847, %and3A_861 : vector<16xi32>
    %swap3A_863 = arith.constant 432 : index
    %swap3A_864 = tpu.vector_load %arg8[%swap3A_863] {strides = array<i32>} : memref<512xi32, #tpu.memory_space<vmem>>, vector<16xi32>,
    tpu.vector_store %arg8[%swap3A_863], %sub3A_862 {strides = array<i32>} : memref<512xi32, #tpu.memory_space<vmem>>, vector<16xi32>,
    %and3A_865 = arith.constant 127 : i32
    %and3A_866 = vector.broadcast %and3A_865 : i32 to vector<16xi32>
    %and3A_867 = arith.andi %gather3A_847, %and3A_866 : vector<16xi32>
    %swap3A_868 = arith.constant 432 : index
    %swap3A_869 = tpu.vector_load %arg10[%swap3A_868] {strides = array<i32>} : memref<512xi32, #tpu.memory_space<vmem>>, vector<16xi32>,
    tpu.vector_store %arg10[%swap3A_868], %and3A_867 {strides = array<i32>} : memref<512xi32, #tpu.memory_space<vmem>>, vector<16xi32>,
    %add3A_870 = arith.addi %iota3A, %iota3A : vector<16xi32>
    %add3A_871 = arith.constant 896 : i32
    %add3A_872 = vector.broadcast %add3A_871 : i32 to vector<16xi32>
    %add3A_873 = arith.addi %add3A_870, %add3A_872 : vector<16xi32>
    %gather3A_874 = tpu.vector_load_idx %arg6[%add3A_873] : memref<1024xi32, #tpu.memory_space<vmem>>[vector<16xi32>], vector<16xi32>,
    %add3A_875 = arith.constant 1 : i32
    %add3A_876 = vector.broadcast %add3A_875 : i32 to vector<16xi32>
    %add3A_877 = arith.addi %add3A_873, %add3A_876 : vector<16xi32>
    %gather3A_878 = tpu.vector_load_idx %arg6[%add3A_877] : memref<1024xi32, #tpu.memory_space<vmem>>[vector<16xi32>], vector<16xi32>,
    %and3A_879 = arith.constant 127 : i32
    %and3A_880 = vector.broadcast %and3A_879 : i32 to vector<16xi32>
    %and3A_881 = arith.andi %gather3A_874, %and3A_880 : vector<16xi32>
    %sub3A_882 = arith.subi %gather3A_874, %and3A_881 : vector<16xi32>
    %swap3A_883 = arith.constant 448 : index
    %swap3A_884 = tpu.vector_load %arg7[%swap3A_883] {strides = array<i32>} : memref<512xi32, #tpu.memory_space<vmem>>, vector<16xi32>,
    tpu.vector_store %arg7[%swap3A_883], %sub3A_882 {strides = array<i32>} : memref<512xi32, #tpu.memory_space<vmem>>, vector<16xi32>,
    %and3A_885 = arith.constant 127 : i32
    %and3A_886 = vector.broadcast %and3A_885 : i32 to vector<16xi32>
    %and3A_887 = arith.andi %gather3A_874, %and3A_886 : vector<16xi32>
    %swap3A_888 = arith.constant 448 : index
    %swap3A_889 = tpu.vector_load %arg9[%swap3A_888] {strides = array<i32>} : memref<512xi32, #tpu.memory_space<vmem>>, vector<16xi32>,
    tpu.vector_store %arg9[%swap3A_888], %and3A_887 {strides = array<i32>} : memref<512xi32, #tpu.memory_space<vmem>>, vector<16xi32>,
    %and3A_890 = arith.constant 127 : i32
    %and3A_891 = vector.broadcast %and3A_890 : i32 to vector<16xi32>
    %and3A_892 = arith.andi %gather3A_878, %and3A_891 : vector<16xi32>
    %sub3A_893 = arith.subi %gather3A_878, %and3A_892 : vector<16xi32>
    %swap3A_894 = arith.constant 448 : index
    %swap3A_895 = tpu.vector_load %arg8[%swap3A_894] {strides = array<i32>} : memref<512xi32, #tpu.memory_space<vmem>>, vector<16xi32>,
    tpu.vector_store %arg8[%swap3A_894], %sub3A_893 {strides = array<i32>} : memref<512xi32, #tpu.memory_space<vmem>>, vector<16xi32>,
    %and3A_896 = arith.constant 127 : i32
    %and3A_897 = vector.broadcast %and3A_896 : i32 to vector<16xi32>
    %and3A_898 = arith.andi %gather3A_878, %and3A_897 : vector<16xi32>
    %swap3A_899 = arith.constant 448 : index
    %swap3A_900 = tpu.vector_load %arg10[%swap3A_899] {strides = array<i32>} : memref<512xi32, #tpu.memory_space<vmem>>, vector<16xi32>,
    tpu.vector_store %arg10[%swap3A_899], %and3A_898 {strides = array<i32>} : memref<512xi32, #tpu.memory_space<vmem>>, vector<16xi32>,
    %add3A_901 = arith.addi %iota3A, %iota3A : vector<16xi32>
    %add3A_902 = arith.constant 928 : i32
    %add3A_903 = vector.broadcast %add3A_902 : i32 to vector<16xi32>
    %add3A_904 = arith.addi %add3A_901, %add3A_903 : vector<16xi32>
    %gather3A_905 = tpu.vector_load_idx %arg6[%add3A_904] : memref<1024xi32, #tpu.memory_space<vmem>>[vector<16xi32>], vector<16xi32>,
    %add3A_906 = arith.constant 1 : i32
    %add3A_907 = vector.broadcast %add3A_906 : i32 to vector<16xi32>
    %add3A_908 = arith.addi %add3A_904, %add3A_907 : vector<16xi32>
    %gather3A_909 = tpu.vector_load_idx %arg6[%add3A_908] : memref<1024xi32, #tpu.memory_space<vmem>>[vector<16xi32>], vector<16xi32>,
    %and3A_910 = arith.constant 127 : i32
    %and3A_911 = vector.broadcast %and3A_910 : i32 to vector<16xi32>
    %and3A_912 = arith.andi %gather3A_905, %and3A_911 : vector<16xi32>
    %sub3A_913 = arith.subi %gather3A_905, %and3A_912 : vector<16xi32>
    %swap3A_914 = arith.constant 464 : index
    %swap3A_915 = tpu.vector_load %arg7[%swap3A_914] {strides = array<i32>} : memref<512xi32, #tpu.memory_space<vmem>>, vector<16xi32>,
    tpu.vector_store %arg7[%swap3A_914], %sub3A_913 {strides = array<i32>} : memref<512xi32, #tpu.memory_space<vmem>>, vector<16xi32>,
    %and3A_916 = arith.constant 127 : i32
    %and3A_917 = vector.broadcast %and3A_916 : i32 to vector<16xi32>
    %and3A_918 = arith.andi %gather3A_905, %and3A_917 : vector<16xi32>
    %swap3A_919 = arith.constant 464 : index
    %swap3A_920 = tpu.vector_load %arg9[%swap3A_919] {strides = array<i32>} : memref<512xi32, #tpu.memory_space<vmem>>, vector<16xi32>,
    tpu.vector_store %arg9[%swap3A_919], %and3A_918 {strides = array<i32>} : memref<512xi32, #tpu.memory_space<vmem>>, vector<16xi32>,
    %and3A_921 = arith.constant 127 : i32
    %and3A_922 = vector.broadcast %and3A_921 : i32 to vector<16xi32>
    %and3A_923 = arith.andi %gather3A_909, %and3A_922 : vector<16xi32>
    %sub3A_924 = arith.subi %gather3A_909, %and3A_923 : vector<16xi32>
    %swap3A_925 = arith.constant 464 : index
    %swap3A_926 = tpu.vector_load %arg8[%swap3A_925] {strides = array<i32>} : memref<512xi32, #tpu.memory_space<vmem>>, vector<16xi32>,
    tpu.vector_store %arg8[%swap3A_925], %sub3A_924 {strides = array<i32>} : memref<512xi32, #tpu.memory_space<vmem>>, vector<16xi32>,
    %and3A_927 = arith.constant 127 : i32
    %and3A_928 = vector.broadcast %and3A_927 : i32 to vector<16xi32>
    %and3A_929 = arith.andi %gather3A_909, %and3A_928 : vector<16xi32>
    %swap3A_930 = arith.constant 464 : index
    %swap3A_931 = tpu.vector_load %arg10[%swap3A_930] {strides = array<i32>} : memref<512xi32, #tpu.memory_space<vmem>>, vector<16xi32>,
    tpu.vector_store %arg10[%swap3A_930], %and3A_929 {strides = array<i32>} : memref<512xi32, #tpu.memory_space<vmem>>, vector<16xi32>,
    %add3A_932 = arith.addi %iota3A, %iota3A : vector<16xi32>
    %add3A_933 = arith.constant 960 : i32
    %add3A_934 = vector.broadcast %add3A_933 : i32 to vector<16xi32>
    %add3A_935 = arith.addi %add3A_932, %add3A_934 : vector<16xi32>
    %gather3A_936 = tpu.vector_load_idx %arg6[%add3A_935] : memref<1024xi32, #tpu.memory_space<vmem>>[vector<16xi32>], vector<16xi32>,
    %add3A_937 = arith.constant 1 : i32
    %add3A_938 = vector.broadcast %add3A_937 : i32 to vector<16xi32>
    %add3A_939 = arith.addi %add3A_935, %add3A_938 : vector<16xi32>
    %gather3A_940 = tpu.vector_load_idx %arg6[%add3A_939] : memref<1024xi32, #tpu.memory_space<vmem>>[vector<16xi32>], vector<16xi32>,
    %and3A_941 = arith.constant 127 : i32
    %and3A_942 = vector.broadcast %and3A_941 : i32 to vector<16xi32>
    %and3A_943 = arith.andi %gather3A_936, %and3A_942 : vector<16xi32>
    %sub3A_944 = arith.subi %gather3A_936, %and3A_943 : vector<16xi32>
    %swap3A_945 = arith.constant 480 : index
    %swap3A_946 = tpu.vector_load %arg7[%swap3A_945] {strides = array<i32>} : memref<512xi32, #tpu.memory_space<vmem>>, vector<16xi32>,
    tpu.vector_store %arg7[%swap3A_945], %sub3A_944 {strides = array<i32>} : memref<512xi32, #tpu.memory_space<vmem>>, vector<16xi32>,
    %and3A_947 = arith.constant 127 : i32
    %and3A_948 = vector.broadcast %and3A_947 : i32 to vector<16xi32>
    %and3A_949 = arith.andi %gather3A_936, %and3A_948 : vector<16xi32>
    %swap3A_950 = arith.constant 480 : index
    %swap3A_951 = tpu.vector_load %arg9[%swap3A_950] {strides = array<i32>} : memref<512xi32, #tpu.memory_space<vmem>>, vector<16xi32>,
    tpu.vector_store %arg9[%swap3A_950], %and3A_949 {strides = array<i32>} : memref<512xi32, #tpu.memory_space<vmem>>, vector<16xi32>,
    %and3A_952 = arith.constant 127 : i32
    %and3A_953 = vector.broadcast %and3A_952 : i32 to vector<16xi32>
    %and3A_954 = arith.andi %gather3A_940, %and3A_953 : vector<16xi32>
    %sub3A_955 = arith.subi %gather3A_940, %and3A_954 : vector<16xi32>
    %swap3A_956 = arith.constant 480 : index
    %swap3A_957 = tpu.vector_load %arg8[%swap3A_956] {strides = array<i32>} : memref<512xi32, #tpu.memory_space<vmem>>, vector<16xi32>,
    tpu.vector_store %arg8[%swap3A_956], %sub3A_955 {strides = array<i32>} : memref<512xi32, #tpu.memory_space<vmem>>, vector<16xi32>,
    %and3A_958 = arith.constant 127 : i32
    %and3A_959 = vector.broadcast %and3A_958 : i32 to vector<16xi32>
    %and3A_960 = arith.andi %gather3A_940, %and3A_959 : vector<16xi32>
    %swap3A_961 = arith.constant 480 : index
    %swap3A_962 = tpu.vector_load %arg10[%swap3A_961] {strides = array<i32>} : memref<512xi32, #tpu.memory_space<vmem>>, vector<16xi32>,
    tpu.vector_store %arg10[%swap3A_961], %and3A_960 {strides = array<i32>} : memref<512xi32, #tpu.memory_space<vmem>>, vector<16xi32>,
    %add3A_963 = arith.addi %iota3A, %iota3A : vector<16xi32>
    %add3A_964 = arith.constant 992 : i32
    %add3A_965 = vector.broadcast %add3A_964 : i32 to vector<16xi32>
    %add3A_966 = arith.addi %add3A_963, %add3A_965 : vector<16xi32>
    %gather3A_967 = tpu.vector_load_idx %arg6[%add3A_966] : memref<1024xi32, #tpu.memory_space<vmem>>[vector<16xi32>], vector<16xi32>,
    %add3A_968 = arith.constant 1 : i32
    %add3A_969 = vector.broadcast %add3A_968 : i32 to vector<16xi32>
    %add3A_970 = arith.addi %add3A_966, %add3A_969 : vector<16xi32>
    %gather3A_971 = tpu.vector_load_idx %arg6[%add3A_970] : memref<1024xi32, #tpu.memory_space<vmem>>[vector<16xi32>], vector<16xi32>,
    %and3A_972 = arith.constant 127 : i32
    %and3A_973 = vector.broadcast %and3A_972 : i32 to vector<16xi32>
    %and3A_974 = arith.andi %gather3A_967, %and3A_973 : vector<16xi32>
    %sub3A_975 = arith.subi %gather3A_967, %and3A_974 : vector<16xi32>
    %swap3A_976 = arith.constant 496 : index
    %swap3A_977 = tpu.vector_load %arg7[%swap3A_976] {strides = array<i32>} : memref<512xi32, #tpu.memory_space<vmem>>, vector<16xi32>,
    tpu.vector_store %arg7[%swap3A_976], %sub3A_975 {strides = array<i32>} : memref<512xi32, #tpu.memory_space<vmem>>, vector<16xi32>,
    %and3A_978 = arith.constant 127 : i32
    %and3A_979 = vector.broadcast %and3A_978 : i32 to vector<16xi32>
    %and3A_980 = arith.andi %gather3A_967, %and3A_979 : vector<16xi32>
    %swap3A_981 = arith.constant 496 : index
    %swap3A_982 = tpu.vector_load %arg9[%swap3A_981] {strides = array<i32>} : memref<512xi32, #tpu.memory_space<vmem>>, vector<16xi32>,
    tpu.vector_store %arg9[%swap3A_981], %and3A_980 {strides = array<i32>} : memref<512xi32, #tpu.memory_space<vmem>>, vector<16xi32>,
    %and3A_983 = arith.constant 127 : i32
    %and3A_984 = vector.broadcast %and3A_983 : i32 to vector<16xi32>
    %and3A_985 = arith.andi %gather3A_971, %and3A_984 : vector<16xi32>
    %sub3A_986 = arith.subi %gather3A_971, %and3A_985 : vector<16xi32>
    %swap3A_987 = arith.constant 496 : index
    %swap3A_988 = tpu.vector_load %arg8[%swap3A_987] {strides = array<i32>} : memref<512xi32, #tpu.memory_space<vmem>>, vector<16xi32>,
    tpu.vector_store %arg8[%swap3A_987], %sub3A_986 {strides = array<i32>} : memref<512xi32, #tpu.memory_space<vmem>>, vector<16xi32>,
    %and3A_989 = arith.constant 127 : i32
    %and3A_990 = vector.broadcast %and3A_989 : i32 to vector<16xi32>
    %and3A_991 = arith.andi %gather3A_971, %and3A_990 : vector<16xi32>
    %swap3A_992 = arith.constant 496 : index
    %swap3A_993 = tpu.vector_load %arg10[%swap3A_992] {strides = array<i32>} : memref<512xi32, #tpu.memory_space<vmem>>, vector<16xi32>,
    tpu.vector_store %arg10[%swap3A_992], %and3A_991 {strides = array<i32>} : memref<512xi32, #tpu.memory_space<vmem>>, vector<16xi32>,
    %scan3A = arith.constant 0 : i32
    %scan3A_994 = arith.constant 0 : i32
    %scan3A_995 = arith.constant 32 : i32
    %scan3A_996 = arith.addi %scan3A_994, %scan3A_995 : i32
    %scan3A_997 = arith.constant 1 : i32
    scf.for %scan3A_999 = %scan3A_994 to %scan3A_996 step %scan3A_997  : i32 {
      %mul3A_1000 = arith.constant 16 : i32
      %mul3A_1001 = arith.muli %scan3A_999, %mul3A_1000 : i32
      %get3A = arith.index_cast %mul3A_1001 : i32 to index
      %get3A_1002 = tpu.vector_load %arg7[%get3A] {strides = array<i32>} : memref<512xi32, #tpu.memory_space<vmem>>, vector<16xi32>,
      %get3A_1003 = arith.index_cast %mul3A_1001 : i32 to index
      %get3A_1004 = tpu.vector_load %arg8[%get3A_1003] {strides = array<i32>} : memref<512xi32, #tpu.memory_space<vmem>>, vector<16xi32>,
      %get3A_1005 = arith.index_cast %mul3A_1001 : i32 to index
      %get3A_1006 = tpu.vector_load %arg9[%get3A_1005] {strides = array<i32>} : memref<512xi32, #tpu.memory_space<vmem>>, vector<16xi32>,
      %get3A_1007 = arith.index_cast %mul3A_1001 : i32 to index
      %get3A_1008 = tpu.vector_load %arg10[%get3A_1007] {strides = array<i32>} : memref<512xi32, #tpu.memory_space<vmem>>, vector<16xi32>,
      %slice3A = vector.extract_strided_slice %get3A_1002 {offsets = [0], sizes = [1], strides = [1]} : vector<16xi32> to vector<1xi32>
      %squeeze3A = vector.extract %slice3A[0] : i32 from vector<1xi32>
      %multiple_of3A = tpu.assume_multiple %squeeze3A, 128 : i32
      %slice3A_1009 = vector.extract_strided_slice %get3A_1004 {offsets = [0], sizes = [1], strides = [1]} : vector<16xi32> to vector<1xi32>
      %squeeze3A_1010 = vector.extract %slice3A_1009[0] : i32 from vector<1xi32>
      %multiple_of3A_1011 = tpu.assume_multiple %squeeze3A_1010, 128 : i32
      %dma_start3A = arith.constant 0 : i32
      %dma_start3A_1012 = arith.constant 0 : i32
      %dma_start3A_1013 = arith.constant 0 : i32
      %dma_start3A_1014 = arith.constant 0 : i32
      %dma_start3A_1015 = tpu.memref_slice %arg11[%dma_start3A, %dma_start3A_1012, %dma_start3A_1013, %dma_start3A_1014] : memref<2x4x32x128xf32, #tpu.memory_space<vmem>> -> memref<1x1x32x128xf32, #tpu.memory_space<vmem>>
      %dma_start3A_1016 = tpu.memref_squeeze %dma_start3A_1015 : memref<1x1x32x128xf32, #tpu.memory_space<vmem>> -> memref<32x128xf32, #tpu.memory_space<vmem>>
      %dma_start3A_1017 = arith.constant 0 : i32
      %dma_start3A_1018 = tpu.memref_slice %arg3[%dma_start3A_1017, %multiple_of3A] : memref<32x1000000xf32, #tpu.memory_space<hbm>> -> memref<32x128xf32, #tpu.memory_space<hbm>>
      %dma_start3A_1019 = arith.constant 0 : i32
      %dma_start3A_1020 = arith.constant 0 : i32
      %dma_start3A_1021 = tpu.memref_slice %arg11[%dma_start3A, %dma_start3A_1012, %dma_start3A_1019, %dma_start3A_1020] : memref<2x4x32x128xf32, #tpu.memory_space<vmem>> -> memref<1x1x32x128xf32, #tpu.memory_space<vmem>>
      %dma_start3A_1022 = tpu.memref_squeeze %dma_start3A_1021 : memref<1x1x32x128xf32, #tpu.memory_space<vmem>> -> memref<32x128xf32, #tpu.memory_space<vmem>>
      %dma_start3A_1023 = arith.constant 0 : i32
      %dma_start3A_1024 = tpu.memref_slice %arg3[%dma_start3A_1023, %multiple_of3A] : memref<32x1000000xf32, #tpu.memory_space<hbm>> -> memref<32x128xf32, #tpu.memory_space<hbm>>
      tpu.enqueue_dma source(%dma_start3A_1024 : memref<32x128xf32, #tpu.memory_space<hbm>>) target(%dma_start3A_1022 : memref<32x128xf32, #tpu.memory_space<vmem>>) target_semaphore(%arg15 : memref<!tpu.dma_semaphore, #tpu.memory_space<semaphore_mem>>)
      %dma_start3A_1025 = arith.constant 0 : i32
      %dma_start3A_1026 = arith.constant 0 : i32
      %dma_start3A_1027 = arith.constant 0 : i32
      %dma_start3A_1028 = arith.constant 0 : i32
      %dma_start3A_1029 = tpu.memref_slice %arg12[%dma_start3A_1025, %dma_start3A_1026, %dma_start3A_1027, %dma_start3A_1028] : memref<2x4x32x128xf32, #tpu.memory_space<vmem>> -> memref<1x1x32x128xf32, #tpu.memory_space<vmem>>
      %dma_start3A_1030 = tpu.memref_squeeze %dma_start3A_1029 : memref<1x1x32x128xf32, #tpu.memory_space<vmem>> -> memref<32x128xf32, #tpu.memory_space<vmem>>
      %dma_start3A_1031 = arith.constant 0 : i32
      %dma_start3A_1032 = tpu.memref_slice %arg4[%dma_start3A_1031, %multiple_of3A_1011] : memref<32x1000000xf32, #tpu.memory_space<hbm>> -> memref<32x128xf32, #tpu.memory_space<hbm>>
      %dma_start3A_1033 = arith.constant 0 : i32
      %dma_start3A_1034 = arith.constant 0 : i32
      %dma_start3A_1035 = tpu.memref_slice %arg12[%dma_start3A_1025, %dma_start3A_1026, %dma_start3A_1033, %dma_start3A_1034] : memref<2x4x32x128xf32, #tpu.memory_space<vmem>> -> memref<1x1x32x128xf32, #tpu.memory_space<vmem>>
      %dma_start3A_1036 = tpu.memref_squeeze %dma_start3A_1035 : memref<1x1x32x128xf32, #tpu.memory_space<vmem>> -> memref<32x128xf32, #tpu.memory_space<vmem>>
      %dma_start3A_1037 = arith.constant 0 : i32
      %dma_start3A_1038 = tpu.memref_slice %arg4[%dma_start3A_1037, %multiple_of3A_1011] : memref<32x1000000xf32, #tpu.memory_space<hbm>> -> memref<32x128xf32, #tpu.memory_space<hbm>>
      tpu.enqueue_dma source(%dma_start3A_1038 : memref<32x128xf32, #tpu.memory_space<hbm>>) target(%dma_start3A_1036 : memref<32x128xf32, #tpu.memory_space<vmem>>) target_semaphore(%arg17 : memref<!tpu.dma_semaphore, #tpu.memory_space<semaphore_mem>>)
      %slice3A_1039 = vector.extract_strided_slice %get3A_1002 {offsets = [1], sizes = [1], strides = [1]} : vector<16xi32> to vector<1xi32>
      %squeeze3A_1040 = vector.extract %slice3A_1039[0] : i32 from vector<1xi32>
      %multiple_of3A_1041 = tpu.assume_multiple %squeeze3A_1040, 128 : i32
      %slice3A_1042 = vector.extract_strided_slice %get3A_1004 {offsets = [1], sizes = [1], strides = [1]} : vector<16xi32> to vector<1xi32>
      %squeeze3A_1043 = vector.extract %slice3A_1042[0] : i32 from vector<1xi32>
      %multiple_of3A_1044 = tpu.assume_multiple %squeeze3A_1043, 128 : i32
      %dma_start3A_1045 = arith.constant 0 : i32
      %dma_start3A_1046 = arith.constant 1 : i32
      %dma_start3A_1047 = arith.constant 0 : i32
      %dma_start3A_1048 = arith.constant 0 : i32
      %dma_start3A_1049 = tpu.memref_slice %arg11[%dma_start3A_1045, %dma_start3A_1046, %dma_start3A_1047, %dma_start3A_1048] : memref<2x4x32x128xf32, #tpu.memory_space<vmem>> -> memref<1x1x32x128xf32, #tpu.memory_space<vmem>>
      %dma_start3A_1050 = tpu.memref_squeeze %dma_start3A_1049 : memref<1x1x32x128xf32, #tpu.memory_space<vmem>> -> memref<32x128xf32, #tpu.memory_space<vmem>>
      %dma_start3A_1051 = arith.constant 0 : i32
      %dma_start3A_1052 = tpu.memref_slice %arg3[%dma_start3A_1051, %multiple_of3A_1041] : memref<32x1000000xf32, #tpu.memory_space<hbm>> -> memref<32x128xf32, #tpu.memory_space<hbm>>
      %dma_start3A_1053 = arith.constant 0 : i32
      %dma_start3A_1054 = arith.constant 0 : i32
      %dma_start3A_1055 = tpu.memref_slice %arg11[%dma_start3A_1045, %dma_start3A_1046, %dma_start3A_1053, %dma_start3A_1054] : memref<2x4x32x128xf32, #tpu.memory_space<vmem>> -> memref<1x1x32x128xf32, #tpu.memory_space<vmem>>
      %dma_start3A_1056 = tpu.memref_squeeze %dma_start3A_1055 : memref<1x1x32x128xf32, #tpu.memory_space<vmem>> -> memref<32x128xf32, #tpu.memory_space<vmem>>
      %dma_start3A_1057 = arith.constant 0 : i32
      %dma_start3A_1058 = tpu.memref_slice %arg3[%dma_start3A_1057, %multiple_of3A_1041] : memref<32x1000000xf32, #tpu.memory_space<hbm>> -> memref<32x128xf32, #tpu.memory_space<hbm>>
      tpu.enqueue_dma source(%dma_start3A_1058 : memref<32x128xf32, #tpu.memory_space<hbm>>) target(%dma_start3A_1056 : memref<32x128xf32, #tpu.memory_space<vmem>>) target_semaphore(%arg15 : memref<!tpu.dma_semaphore, #tpu.memory_space<semaphore_mem>>)
      %dma_start3A_1059 = arith.constant 0 : i32
      %dma_start3A_1060 = arith.constant 1 : i32
      %dma_start3A_1061 = arith.constant 0 : i32
      %dma_start3A_1062 = arith.constant 0 : i32
      %dma_start3A_1063 = tpu.memref_slice %arg12[%dma_start3A_1059, %dma_start3A_1060, %dma_start3A_1061, %dma_start3A_1062] : memref<2x4x32x128xf32, #tpu.memory_space<vmem>> -> memref<1x1x32x128xf32, #tpu.memory_space<vmem>>
      %dma_start3A_1064 = tpu.memref_squeeze %dma_start3A_1063 : memref<1x1x32x128xf32, #tpu.memory_space<vmem>> -> memref<32x128xf32, #tpu.memory_space<vmem>>
      %dma_start3A_1065 = arith.constant 0 : i32
      %dma_start3A_1066 = tpu.memref_slice %arg4[%dma_start3A_1065, %multiple_of3A_1044] : memref<32x1000000xf32, #tpu.memory_space<hbm>> -> memref<32x128xf32, #tpu.memory_space<hbm>>
      %dma_start3A_1067 = arith.constant 0 : i32
      %dma_start3A_1068 = arith.constant 0 : i32
      %dma_start3A_1069 = tpu.memref_slice %arg12[%dma_start3A_1059, %dma_start3A_1060, %dma_start3A_1067, %dma_start3A_1068] : memref<2x4x32x128xf32, #tpu.memory_space<vmem>> -> memref<1x1x32x128xf32, #tpu.memory_space<vmem>>
      %dma_start3A_1070 = tpu.memref_squeeze %dma_start3A_1069 : memref<1x1x32x128xf32, #tpu.memory_space<vmem>> -> memref<32x128xf32, #tpu.memory_space<vmem>>
      %dma_start3A_1071 = arith.constant 0 : i32
      %dma_start3A_1072 = tpu.memref_slice %arg4[%dma_start3A_1071, %multiple_of3A_1044] : memref<32x1000000xf32, #tpu.memory_space<hbm>> -> memref<32x128xf32, #tpu.memory_space<hbm>>
      tpu.enqueue_dma source(%dma_start3A_1072 : memref<32x128xf32, #tpu.memory_space<hbm>>) target(%dma_start3A_1070 : memref<32x128xf32, #tpu.memory_space<vmem>>) target_semaphore(%arg17 : memref<!tpu.dma_semaphore, #tpu.memory_space<semaphore_mem>>)
      %slice3A_1073 = vector.extract_strided_slice %get3A_1002 {offsets = [2], sizes = [1], strides = [1]} : vector<16xi32> to vector<1xi32>
      %squeeze3A_1074 = vector.extract %slice3A_1073[0] : i32 from vector<1xi32>
      %multiple_of3A_1075 = tpu.assume_multiple %squeeze3A_1074, 128 : i32
      %slice3A_1076 = vector.extract_strided_slice %get3A_1004 {offsets = [2], sizes = [1], strides = [1]} : vector<16xi32> to vector<1xi32>
      %squeeze3A_1077 = vector.extract %slice3A_1076[0] : i32 from vector<1xi32>
      %multiple_of3A_1078 = tpu.assume_multiple %squeeze3A_1077, 128 : i32
      %dma_start3A_1079 = arith.constant 0 : i32
      %dma_start3A_1080 = arith.constant 2 : i32
      %dma_start3A_1081 = arith.constant 0 : i32
      %dma_start3A_1082 = arith.constant 0 : i32
      %dma_start3A_1083 = tpu.memref_slice %arg11[%dma_start3A_1079, %dma_start3A_1080, %dma_start3A_1081, %dma_start3A_1082] : memref<2x4x32x128xf32, #tpu.memory_space<vmem>> -> memref<1x1x32x128xf32, #tpu.memory_space<vmem>>
      %dma_start3A_1084 = tpu.memref_squeeze %dma_start3A_1083 : memref<1x1x32x128xf32, #tpu.memory_space<vmem>> -> memref<32x128xf32, #tpu.memory_space<vmem>>
      %dma_start3A_1085 = arith.constant 0 : i32
      %dma_start3A_1086 = tpu.memref_slice %arg3[%dma_start3A_1085, %multiple_of3A_1075] : memref<32x1000000xf32, #tpu.memory_space<hbm>> -> memref<32x128xf32, #tpu.memory_space<hbm>>
      %dma_start3A_1087 = arith.constant 0 : i32
      %dma_start3A_1088 = arith.constant 0 : i32
      %dma_start3A_1089 = tpu.memref_slice %arg11[%dma_start3A_1079, %dma_start3A_1080, %dma_start3A_1087, %dma_start3A_1088] : memref<2x4x32x128xf32, #tpu.memory_space<vmem>> -> memref<1x1x32x128xf32, #tpu.memory_space<vmem>>
      %dma_start3A_1090 = tpu.memref_squeeze %dma_start3A_1089 : memref<1x1x32x128xf32, #tpu.memory_space<vmem>> -> memref<32x128xf32, #tpu.memory_space<vmem>>
      %dma_start3A_1091 = arith.constant 0 : i32
      %dma_start3A_1092 = tpu.memref_slice %arg3[%dma_start3A_1091, %multiple_of3A_1075] : memref<32x1000000xf32, #tpu.memory_space<hbm>> -> memref<32x128xf32, #tpu.memory_space<hbm>>
      tpu.enqueue_dma source(%dma_start3A_1092 : memref<32x128xf32, #tpu.memory_space<hbm>>) target(%dma_start3A_1090 : memref<32x128xf32, #tpu.memory_space<vmem>>) target_semaphore(%arg15 : memref<!tpu.dma_semaphore, #tpu.memory_space<semaphore_mem>>)
      %dma_start3A_1093 = arith.constant 0 : i32
      %dma_start3A_1094 = arith.constant 2 : i32
      %dma_start3A_1095 = arith.constant 0 : i32
      %dma_start3A_1096 = arith.constant 0 : i32
      %dma_start3A_1097 = tpu.memref_slice %arg12[%dma_start3A_1093, %dma_start3A_1094, %dma_start3A_1095, %dma_start3A_1096] : memref<2x4x32x128xf32, #tpu.memory_space<vmem>> -> memref<1x1x32x128xf32, #tpu.memory_space<vmem>>
      %dma_start3A_1098 = tpu.memref_squeeze %dma_start3A_1097 : memref<1x1x32x128xf32, #tpu.memory_space<vmem>> -> memref<32x128xf32, #tpu.memory_space<vmem>>
      %dma_start3A_1099 = arith.constant 0 : i32
      %dma_start3A_1100 = tpu.memref_slice %arg4[%dma_start3A_1099, %multiple_of3A_1078] : memref<32x1000000xf32, #tpu.memory_space<hbm>> -> memref<32x128xf32, #tpu.memory_space<hbm>>
      %dma_start3A_1101 = arith.constant 0 : i32
      %dma_start3A_1102 = arith.constant 0 : i32
      %dma_start3A_1103 = tpu.memref_slice %arg12[%dma_start3A_1093, %dma_start3A_1094, %dma_start3A_1101, %dma_start3A_1102] : memref<2x4x32x128xf32, #tpu.memory_space<vmem>> -> memref<1x1x32x128xf32, #tpu.memory_space<vmem>>
      %dma_start3A_1104 = tpu.memref_squeeze %dma_start3A_1103 : memref<1x1x32x128xf32, #tpu.memory_space<vmem>> -> memref<32x128xf32, #tpu.memory_space<vmem>>
      %dma_start3A_1105 = arith.constant 0 : i32
      %dma_start3A_1106 = tpu.memref_slice %arg4[%dma_start3A_1105, %multiple_of3A_1078] : memref<32x1000000xf32, #tpu.memory_space<hbm>> -> memref<32x128xf32, #tpu.memory_space<hbm>>
      tpu.enqueue_dma source(%dma_start3A_1106 : memref<32x128xf32, #tpu.memory_space<hbm>>) target(%dma_start3A_1104 : memref<32x128xf32, #tpu.memory_space<vmem>>) target_semaphore(%arg17 : memref<!tpu.dma_semaphore, #tpu.memory_space<semaphore_mem>>)
      %slice3A_1107 = vector.extract_strided_slice %get3A_1002 {offsets = [3], sizes = [1], strides = [1]} : vector<16xi32> to vector<1xi32>
      %squeeze3A_1108 = vector.extract %slice3A_1107[0] : i32 from vector<1xi32>
      %multiple_of3A_1109 = tpu.assume_multiple %squeeze3A_1108, 128 : i32
      %slice3A_1110 = vector.extract_strided_slice %get3A_1004 {offsets = [3], sizes = [1], strides = [1]} : vector<16xi32> to vector<1xi32>
      %squeeze3A_1111 = vector.extract %slice3A_1110[0] : i32 from vector<1xi32>
      %multiple_of3A_1112 = tpu.assume_multiple %squeeze3A_1111, 128 : i32
      %dma_start3A_1113 = arith.constant 0 : i32
      %dma_start3A_1114 = arith.constant 3 : i32
      %dma_start3A_1115 = arith.constant 0 : i32
      %dma_start3A_1116 = arith.constant 0 : i32
      %dma_start3A_1117 = tpu.memref_slice %arg11[%dma_start3A_1113, %dma_start3A_1114, %dma_start3A_1115, %dma_start3A_1116] : memref<2x4x32x128xf32, #tpu.memory_space<vmem>> -> memref<1x1x32x128xf32, #tpu.memory_space<vmem>>
      %dma_start3A_1118 = tpu.memref_squeeze %dma_start3A_1117 : memref<1x1x32x128xf32, #tpu.memory_space<vmem>> -> memref<32x128xf32, #tpu.memory_space<vmem>>
      %dma_start3A_1119 = arith.constant 0 : i32
      %dma_start3A_1120 = tpu.memref_slice %arg3[%dma_start3A_1119, %multiple_of3A_1109] : memref<32x1000000xf32, #tpu.memory_space<hbm>> -> memref<32x128xf32, #tpu.memory_space<hbm>>
      %dma_start3A_1121 = arith.constant 0 : i32
      %dma_start3A_1122 = arith.constant 0 : i32
      %dma_start3A_1123 = tpu.memref_slice %arg11[%dma_start3A_1113, %dma_start3A_1114, %dma_start3A_1121, %dma_start3A_1122] : memref<2x4x32x128xf32, #tpu.memory_space<vmem>> -> memref<1x1x32x128xf32, #tpu.memory_space<vmem>>
      %dma_start3A_1124 = tpu.memref_squeeze %dma_start3A_1123 : memref<1x1x32x128xf32, #tpu.memory_space<vmem>> -> memref<32x128xf32, #tpu.memory_space<vmem>>
      %dma_start3A_1125 = arith.constant 0 : i32
      %dma_start3A_1126 = tpu.memref_slice %arg3[%dma_start3A_1125, %multiple_of3A_1109] : memref<32x1000000xf32, #tpu.memory_space<hbm>> -> memref<32x128xf32, #tpu.memory_space<hbm>>
      tpu.enqueue_dma source(%dma_start3A_1126 : memref<32x128xf32, #tpu.memory_space<hbm>>) target(%dma_start3A_1124 : memref<32x128xf32, #tpu.memory_space<vmem>>) target_semaphore(%arg15 : memref<!tpu.dma_semaphore, #tpu.memory_space<semaphore_mem>>)
      %dma_start3A_1127 = arith.constant 0 : i32
      %dma_start3A_1128 = arith.constant 3 : i32
      %dma_start3A_1129 = arith.constant 0 : i32
      %dma_start3A_1130 = arith.constant 0 : i32
      %dma_start3A_1131 = tpu.memref_slice %arg12[%dma_start3A_1127, %dma_start3A_1128, %dma_start3A_1129, %dma_start3A_1130] : memref<2x4x32x128xf32, #tpu.memory_space<vmem>> -> memref<1x1x32x128xf32, #tpu.memory_space<vmem>>
      %dma_start3A_1132 = tpu.memref_squeeze %dma_start3A_1131 : memref<1x1x32x128xf32, #tpu.memory_space<vmem>> -> memref<32x128xf32, #tpu.memory_space<vmem>>
      %dma_start3A_1133 = arith.constant 0 : i32
      %dma_start3A_1134 = tpu.memref_slice %arg4[%dma_start3A_1133, %multiple_of3A_1112] : memref<32x1000000xf32, #tpu.memory_space<hbm>> -> memref<32x128xf32, #tpu.memory_space<hbm>>
      %dma_start3A_1135 = arith.constant 0 : i32
      %dma_start3A_1136 = arith.constant 0 : i32
      %dma_start3A_1137 = tpu.memref_slice %arg12[%dma_start3A_1127, %dma_start3A_1128, %dma_start3A_1135, %dma_start3A_1136] : memref<2x4x32x128xf32, #tpu.memory_space<vmem>> -> memref<1x1x32x128xf32, #tpu.memory_space<vmem>>
      %dma_start3A_1138 = tpu.memref_squeeze %dma_start3A_1137 : memref<1x1x32x128xf32, #tpu.memory_space<vmem>> -> memref<32x128xf32, #tpu.memory_space<vmem>>
      %dma_start3A_1139 = arith.constant 0 : i32
      %dma_start3A_1140 = tpu.memref_slice %arg4[%dma_start3A_1139, %multiple_of3A_1112] : memref<32x1000000xf32, #tpu.memory_space<hbm>> -> memref<32x128xf32, #tpu.memory_space<hbm>>
      tpu.enqueue_dma source(%dma_start3A_1140 : memref<32x128xf32, #tpu.memory_space<hbm>>) target(%dma_start3A_1138 : memref<32x128xf32, #tpu.memory_space<vmem>>) target_semaphore(%arg17 : memref<!tpu.dma_semaphore, #tpu.memory_space<semaphore_mem>>)
      %slice3A_1141 = vector.extract_strided_slice %get3A_1002 {offsets = [4], sizes = [1], strides = [1]} : vector<16xi32> to vector<1xi32>
      %squeeze3A_1142 = vector.extract %slice3A_1141[0] : i32 from vector<1xi32>
      %multiple_of3A_1143 = tpu.assume_multiple %squeeze3A_1142, 128 : i32
      %slice3A_1144 = vector.extract_strided_slice %get3A_1004 {offsets = [4], sizes = [1], strides = [1]} : vector<16xi32> to vector<1xi32>
      %squeeze3A_1145 = vector.extract %slice3A_1144[0] : i32 from vector<1xi32>
      %multiple_of3A_1146 = tpu.assume_multiple %squeeze3A_1145, 128 : i32
      %dma_start3A_1147 = arith.constant 1 : i32
      %dma_start3A_1148 = arith.constant 0 : i32
      %dma_start3A_1149 = arith.constant 0 : i32
      %dma_start3A_1150 = arith.constant 0 : i32
      %dma_start3A_1151 = tpu.memref_slice %arg11[%dma_start3A_1147, %dma_start3A_1148, %dma_start3A_1149, %dma_start3A_1150] : memref<2x4x32x128xf32, #tpu.memory_space<vmem>> -> memref<1x1x32x128xf32, #tpu.memory_space<vmem>>
      %dma_start3A_1152 = tpu.memref_squeeze %dma_start3A_1151 : memref<1x1x32x128xf32, #tpu.memory_space<vmem>> -> memref<32x128xf32, #tpu.memory_space<vmem>>
      %dma_start3A_1153 = arith.constant 0 : i32
      %dma_start3A_1154 = tpu.memref_slice %arg3[%dma_start3A_1153, %multiple_of3A_1143] : memref<32x1000000xf32, #tpu.memory_space<hbm>> -> memref<32x128xf32, #tpu.memory_space<hbm>>
      %dma_start3A_1155 = arith.constant 0 : i32
      %dma_start3A_1156 = arith.constant 0 : i32
      %dma_start3A_1157 = tpu.memref_slice %arg11[%dma_start3A_1147, %dma_start3A_1148, %dma_start3A_1155, %dma_start3A_1156] : memref<2x4x32x128xf32, #tpu.memory_space<vmem>> -> memref<1x1x32x128xf32, #tpu.memory_space<vmem>>
      %dma_start3A_1158 = tpu.memref_squeeze %dma_start3A_1157 : memref<1x1x32x128xf32, #tpu.memory_space<vmem>> -> memref<32x128xf32, #tpu.memory_space<vmem>>
      %dma_start3A_1159 = arith.constant 0 : i32
      %dma_start3A_1160 = tpu.memref_slice %arg3[%dma_start3A_1159, %multiple_of3A_1143] : memref<32x1000000xf32, #tpu.memory_space<hbm>> -> memref<32x128xf32, #tpu.memory_space<hbm>>
      tpu.enqueue_dma source(%dma_start3A_1160 : memref<32x128xf32, #tpu.memory_space<hbm>>) target(%dma_start3A_1158 : memref<32x128xf32, #tpu.memory_space<vmem>>) target_semaphore(%arg16 : memref<!tpu.dma_semaphore, #tpu.memory_space<semaphore_mem>>)
      %dma_start3A_1161 = arith.constant 1 : i32
      %dma_start3A_1162 = arith.constant 0 : i32
      %dma_start3A_1163 = arith.constant 0 : i32
      %dma_start3A_1164 = arith.constant 0 : i32
      %dma_start3A_1165 = tpu.memref_slice %arg12[%dma_start3A_1161, %dma_start3A_1162, %dma_start3A_1163, %dma_start3A_1164] : memref<2x4x32x128xf32, #tpu.memory_space<vmem>> -> memref<1x1x32x128xf32, #tpu.memory_space<vmem>>
      %dma_start3A_1166 = tpu.memref_squeeze %dma_start3A_1165 : memref<1x1x32x128xf32, #tpu.memory_space<vmem>> -> memref<32x128xf32, #tpu.memory_space<vmem>>
      %dma_start3A_1167 = arith.constant 0 : i32
      %dma_start3A_1168 = tpu.memref_slice %arg4[%dma_start3A_1167, %multiple_of3A_1146] : memref<32x1000000xf32, #tpu.memory_space<hbm>> -> memref<32x128xf32, #tpu.memory_space<hbm>>
      %dma_start3A_1169 = arith.constant 0 : i32
      %dma_start3A_1170 = arith.constant 0 : i32
      %dma_start3A_1171 = tpu.memref_slice %arg12[%dma_start3A_1161, %dma_start3A_1162, %dma_start3A_1169, %dma_start3A_1170] : memref<2x4x32x128xf32, #tpu.memory_space<vmem>> -> memref<1x1x32x128xf32, #tpu.memory_space<vmem>>
      %dma_start3A_1172 = tpu.memref_squeeze %dma_start3A_1171 : memref<1x1x32x128xf32, #tpu.memory_space<vmem>> -> memref<32x128xf32, #tpu.memory_space<vmem>>
      %dma_start3A_1173 = arith.constant 0 : i32
      %dma_start3A_1174 = tpu.memref_slice %arg4[%dma_start3A_1173, %multiple_of3A_1146] : memref<32x1000000xf32, #tpu.memory_space<hbm>> -> memref<32x128xf32, #tpu.memory_space<hbm>>
      tpu.enqueue_dma source(%dma_start3A_1174 : memref<32x128xf32, #tpu.memory_space<hbm>>) target(%dma_start3A_1172 : memref<32x128xf32, #tpu.memory_space<vmem>>) target_semaphore(%arg18 : memref<!tpu.dma_semaphore, #tpu.memory_space<semaphore_mem>>)
      %slice3A_1175 = vector.extract_strided_slice %get3A_1002 {offsets = [5], sizes = [1], strides = [1]} : vector<16xi32> to vector<1xi32>
      %squeeze3A_1176 = vector.extract %slice3A_1175[0] : i32 from vector<1xi32>
      %multiple_of3A_1177 = tpu.assume_multiple %squeeze3A_1176, 128 : i32
      %slice3A_1178 = vector.extract_strided_slice %get3A_1004 {offsets = [5], sizes = [1], strides = [1]} : vector<16xi32> to vector<1xi32>
      %squeeze3A_1179 = vector.extract %slice3A_1178[0] : i32 from vector<1xi32>
      %multiple_of3A_1180 = tpu.assume_multiple %squeeze3A_1179, 128 : i32
      %dma_start3A_1181 = arith.constant 1 : i32
      %dma_start3A_1182 = arith.constant 1 : i32
      %dma_start3A_1183 = arith.constant 0 : i32
      %dma_start3A_1184 = arith.constant 0 : i32
      %dma_start3A_1185 = tpu.memref_slice %arg11[%dma_start3A_1181, %dma_start3A_1182, %dma_start3A_1183, %dma_start3A_1184] : memref<2x4x32x128xf32, #tpu.memory_space<vmem>> -> memref<1x1x32x128xf32, #tpu.memory_space<vmem>>
      %dma_start3A_1186 = tpu.memref_squeeze %dma_start3A_1185 : memref<1x1x32x128xf32, #tpu.memory_space<vmem>> -> memref<32x128xf32, #tpu.memory_space<vmem>>
      %dma_start3A_1187 = arith.constant 0 : i32
      %dma_start3A_1188 = tpu.memref_slice %arg3[%dma_start3A_1187, %multiple_of3A_1177] : memref<32x1000000xf32, #tpu.memory_space<hbm>> -> memref<32x128xf32, #tpu.memory_space<hbm>>
      %dma_start3A_1189 = arith.constant 0 : i32
      %dma_start3A_1190 = arith.constant 0 : i32
      %dma_start3A_1191 = tpu.memref_slice %arg11[%dma_start3A_1181, %dma_start3A_1182, %dma_start3A_1189, %dma_start3A_1190] : memref<2x4x32x128xf32, #tpu.memory_space<vmem>> -> memref<1x1x32x128xf32, #tpu.memory_space<vmem>>
      %dma_start3A_1192 = tpu.memref_squeeze %dma_start3A_1191 : memref<1x1x32x128xf32, #tpu.memory_space<vmem>> -> memref<32x128xf32, #tpu.memory_space<vmem>>
      %dma_start3A_1193 = arith.constant 0 : i32
      %dma_start3A_1194 = tpu.memref_slice %arg3[%dma_start3A_1193, %multiple_of3A_1177] : memref<32x1000000xf32, #tpu.memory_space<hbm>> -> memref<32x128xf32, #tpu.memory_space<hbm>>
      tpu.enqueue_dma source(%dma_start3A_1194 : memref<32x128xf32, #tpu.memory_space<hbm>>) target(%dma_start3A_1192 : memref<32x128xf32, #tpu.memory_space<vmem>>) target_semaphore(%arg16 : memref<!tpu.dma_semaphore, #tpu.memory_space<semaphore_mem>>)
      %dma_start3A_1195 = arith.constant 1 : i32
      %dma_start3A_1196 = arith.constant 1 : i32
      %dma_start3A_1197 = arith.constant 0 : i32
      %dma_start3A_1198 = arith.constant 0 : i32
      %dma_start3A_1199 = tpu.memref_slice %arg12[%dma_start3A_1195, %dma_start3A_1196, %dma_start3A_1197, %dma_start3A_1198] : memref<2x4x32x128xf32, #tpu.memory_space<vmem>> -> memref<1x1x32x128xf32, #tpu.memory_space<vmem>>
      %dma_start3A_1200 = tpu.memref_squeeze %dma_start3A_1199 : memref<1x1x32x128xf32, #tpu.memory_space<vmem>> -> memref<32x128xf32, #tpu.memory_space<vmem>>
      %dma_start3A_1201 = arith.constant 0 : i32
      %dma_start3A_1202 = tpu.memref_slice %arg4[%dma_start3A_1201, %multiple_of3A_1180] : memref<32x1000000xf32, #tpu.memory_space<hbm>> -> memref<32x128xf32, #tpu.memory_space<hbm>>
      %dma_start3A_1203 = arith.constant 0 : i32
      %dma_start3A_1204 = arith.constant 0 : i32
      %dma_start3A_1205 = tpu.memref_slice %arg12[%dma_start3A_1195, %dma_start3A_1196, %dma_start3A_1203, %dma_start3A_1204] : memref<2x4x32x128xf32, #tpu.memory_space<vmem>> -> memref<1x1x32x128xf32, #tpu.memory_space<vmem>>
      %dma_start3A_1206 = tpu.memref_squeeze %dma_start3A_1205 : memref<1x1x32x128xf32, #tpu.memory_space<vmem>> -> memref<32x128xf32, #tpu.memory_space<vmem>>
      %dma_start3A_1207 = arith.constant 0 : i32
      %dma_start3A_1208 = tpu.memref_slice %arg4[%dma_start3A_1207, %multiple_of3A_1180] : memref<32x1000000xf32, #tpu.memory_space<hbm>> -> memref<32x128xf32, #tpu.memory_space<hbm>>
      tpu.enqueue_dma source(%dma_start3A_1208 : memref<32x128xf32, #tpu.memory_space<hbm>>) target(%dma_start3A_1206 : memref<32x128xf32, #tpu.memory_space<vmem>>) target_semaphore(%arg18 : memref<!tpu.dma_semaphore, #tpu.memory_space<semaphore_mem>>)
      %slice3A_1209 = vector.extract_strided_slice %get3A_1002 {offsets = [6], sizes = [1], strides = [1]} : vector<16xi32> to vector<1xi32>
      %squeeze3A_1210 = vector.extract %slice3A_1209[0] : i32 from vector<1xi32>
      %multiple_of3A_1211 = tpu.assume_multiple %squeeze3A_1210, 128 : i32
      %slice3A_1212 = vector.extract_strided_slice %get3A_1004 {offsets = [6], sizes = [1], strides = [1]} : vector<16xi32> to vector<1xi32>
      %squeeze3A_1213 = vector.extract %slice3A_1212[0] : i32 from vector<1xi32>
      %multiple_of3A_1214 = tpu.assume_multiple %squeeze3A_1213, 128 : i32
      %dma_start3A_1215 = arith.constant 1 : i32
      %dma_start3A_1216 = arith.constant 2 : i32
      %dma_start3A_1217 = arith.constant 0 : i32
      %dma_start3A_1218 = arith.constant 0 : i32
      %dma_start3A_1219 = tpu.memref_slice %arg11[%dma_start3A_1215, %dma_start3A_1216, %dma_start3A_1217, %dma_start3A_1218] : memref<2x4x32x128xf32, #tpu.memory_space<vmem>> -> memref<1x1x32x128xf32, #tpu.memory_space<vmem>>
      %dma_start3A_1220 = tpu.memref_squeeze %dma_start3A_1219 : memref<1x1x32x128xf32, #tpu.memory_space<vmem>> -> memref<32x128xf32, #tpu.memory_space<vmem>>
      %dma_start3A_1221 = arith.constant 0 : i32
      %dma_start3A_1222 = tpu.memref_slice %arg3[%dma_start3A_1221, %multiple_of3A_1211] : memref<32x1000000xf32, #tpu.memory_space<hbm>> -> memref<32x128xf32, #tpu.memory_space<hbm>>
      %dma_start3A_1223 = arith.constant 0 : i32
      %dma_start3A_1224 = arith.constant 0 : i32
      %dma_start3A_1225 = tpu.memref_slice %arg11[%dma_start3A_1215, %dma_start3A_1216, %dma_start3A_1223, %dma_start3A_1224] : memref<2x4x32x128xf32, #tpu.memory_space<vmem>> -> memref<1x1x32x128xf32, #tpu.memory_space<vmem>>
      %dma_start3A_1226 = tpu.memref_squeeze %dma_start3A_1225 : memref<1x1x32x128xf32, #tpu.memory_space<vmem>> -> memref<32x128xf32, #tpu.memory_space<vmem>>
      %dma_start3A_1227 = arith.constant 0 : i32
      %dma_start3A_1228 = tpu.memref_slice %arg3[%dma_start3A_1227, %multiple_of3A_1211] : memref<32x1000000xf32, #tpu.memory_space<hbm>> -> memref<32x128xf32, #tpu.memory_space<hbm>>
      tpu.enqueue_dma source(%dma_start3A_1228 : memref<32x128xf32, #tpu.memory_space<hbm>>) target(%dma_start3A_1226 : memref<32x128xf32, #tpu.memory_space<vmem>>) target_semaphore(%arg16 : memref<!tpu.dma_semaphore, #tpu.memory_space<semaphore_mem>>)
      %dma_start3A_1229 = arith.constant 1 : i32
      %dma_start3A_1230 = arith.constant 2 : i32
      %dma_start3A_1231 = arith.constant 0 : i32
      %dma_start3A_1232 = arith.constant 0 : i32
      %dma_start3A_1233 = tpu.memref_slice %arg12[%dma_start3A_1229, %dma_start3A_1230, %dma_start3A_1231, %dma_start3A_1232] : memref<2x4x32x128xf32, #tpu.memory_space<vmem>> -> memref<1x1x32x128xf32, #tpu.memory_space<vmem>>
      %dma_start3A_1234 = tpu.memref_squeeze %dma_start3A_1233 : memref<1x1x32x128xf32, #tpu.memory_space<vmem>> -> memref<32x128xf32, #tpu.memory_space<vmem>>
      %dma_start3A_1235 = arith.constant 0 : i32
      %dma_start3A_1236 = tpu.memref_slice %arg4[%dma_start3A_1235, %multiple_of3A_1214] : memref<32x1000000xf32, #tpu.memory_space<hbm>> -> memref<32x128xf32, #tpu.memory_space<hbm>>
      %dma_start3A_1237 = arith.constant 0 : i32
      %dma_start3A_1238 = arith.constant 0 : i32
      %dma_start3A_1239 = tpu.memref_slice %arg12[%dma_start3A_1229, %dma_start3A_1230, %dma_start3A_1237, %dma_start3A_1238] : memref<2x4x32x128xf32, #tpu.memory_space<vmem>> -> memref<1x1x32x128xf32, #tpu.memory_space<vmem>>
      %dma_start3A_1240 = tpu.memref_squeeze %dma_start3A_1239 : memref<1x1x32x128xf32, #tpu.memory_space<vmem>> -> memref<32x128xf32, #tpu.memory_space<vmem>>
      %dma_start3A_1241 = arith.constant 0 : i32
      %dma_start3A_1242 = tpu.memref_slice %arg4[%dma_start3A_1241, %multiple_of3A_1214] : memref<32x1000000xf32, #tpu.memory_space<hbm>> -> memref<32x128xf32, #tpu.memory_space<hbm>>
      tpu.enqueue_dma source(%dma_start3A_1242 : memref<32x128xf32, #tpu.memory_space<hbm>>) target(%dma_start3A_1240 : memref<32x128xf32, #tpu.memory_space<vmem>>) target_semaphore(%arg18 : memref<!tpu.dma_semaphore, #tpu.memory_space<semaphore_mem>>)
      %slice3A_1243 = vector.extract_strided_slice %get3A_1002 {offsets = [7], sizes = [1], strides = [1]} : vector<16xi32> to vector<1xi32>
      %squeeze3A_1244 = vector.extract %slice3A_1243[0] : i32 from vector<1xi32>
      %multiple_of3A_1245 = tpu.assume_multiple %squeeze3A_1244, 128 : i32
      %slice3A_1246 = vector.extract_strided_slice %get3A_1004 {offsets = [7], sizes = [1], strides = [1]} : vector<16xi32> to vector<1xi32>
      %squeeze3A_1247 = vector.extract %slice3A_1246[0] : i32 from vector<1xi32>
      %multiple_of3A_1248 = tpu.assume_multiple %squeeze3A_1247, 128 : i32
      %dma_start3A_1249 = arith.constant 1 : i32
      %dma_start3A_1250 = arith.constant 3 : i32
      %dma_start3A_1251 = arith.constant 0 : i32
      %dma_start3A_1252 = arith.constant 0 : i32
      %dma_start3A_1253 = tpu.memref_slice %arg11[%dma_start3A_1249, %dma_start3A_1250, %dma_start3A_1251, %dma_start3A_1252] : memref<2x4x32x128xf32, #tpu.memory_space<vmem>> -> memref<1x1x32x128xf32, #tpu.memory_space<vmem>>
      %dma_start3A_1254 = tpu.memref_squeeze %dma_start3A_1253 : memref<1x1x32x128xf32, #tpu.memory_space<vmem>> -> memref<32x128xf32, #tpu.memory_space<vmem>>
      %dma_start3A_1255 = arith.constant 0 : i32
      %dma_start3A_1256 = tpu.memref_slice %arg3[%dma_start3A_1255, %multiple_of3A_1245] : memref<32x1000000xf32, #tpu.memory_space<hbm>> -> memref<32x128xf32, #tpu.memory_space<hbm>>
      %dma_start3A_1257 = arith.constant 0 : i32
      %dma_start3A_1258 = arith.constant 0 : i32
      %dma_start3A_1259 = tpu.memref_slice %arg11[%dma_start3A_1249, %dma_start3A_1250, %dma_start3A_1257, %dma_start3A_1258] : memref<2x4x32x128xf32, #tpu.memory_space<vmem>> -> memref<1x1x32x128xf32, #tpu.memory_space<vmem>>
      %dma_start3A_1260 = tpu.memref_squeeze %dma_start3A_1259 : memref<1x1x32x128xf32, #tpu.memory_space<vmem>> -> memref<32x128xf32, #tpu.memory_space<vmem>>
      %dma_start3A_1261 = arith.constant 0 : i32
      %dma_start3A_1262 = tpu.memref_slice %arg3[%dma_start3A_1261, %multiple_of3A_1245] : memref<32x1000000xf32, #tpu.memory_space<hbm>> -> memref<32x128xf32, #tpu.memory_space<hbm>>
      tpu.enqueue_dma source(%dma_start3A_1262 : memref<32x128xf32, #tpu.memory_space<hbm>>) target(%dma_start3A_1260 : memref<32x128xf32, #tpu.memory_space<vmem>>) target_semaphore(%arg16 : memref<!tpu.dma_semaphore, #tpu.memory_space<semaphore_mem>>)
      %dma_start3A_1263 = arith.constant 1 : i32
      %dma_start3A_1264 = arith.constant 3 : i32
      %dma_start3A_1265 = arith.constant 0 : i32
      %dma_start3A_1266 = arith.constant 0 : i32
      %dma_start3A_1267 = tpu.memref_slice %arg12[%dma_start3A_1263, %dma_start3A_1264, %dma_start3A_1265, %dma_start3A_1266] : memref<2x4x32x128xf32, #tpu.memory_space<vmem>> -> memref<1x1x32x128xf32, #tpu.memory_space<vmem>>
      %dma_start3A_1268 = tpu.memref_squeeze %dma_start3A_1267 : memref<1x1x32x128xf32, #tpu.memory_space<vmem>> -> memref<32x128xf32, #tpu.memory_space<vmem>>
      %dma_start3A_1269 = arith.constant 0 : i32
      %dma_start3A_1270 = tpu.memref_slice %arg4[%dma_start3A_1269, %multiple_of3A_1248] : memref<32x1000000xf32, #tpu.memory_space<hbm>> -> memref<32x128xf32, #tpu.memory_space<hbm>>
      %dma_start3A_1271 = arith.constant 0 : i32
      %dma_start3A_1272 = arith.constant 0 : i32
      %dma_start3A_1273 = tpu.memref_slice %arg12[%dma_start3A_1263, %dma_start3A_1264, %dma_start3A_1271, %dma_start3A_1272] : memref<2x4x32x128xf32, #tpu.memory_space<vmem>> -> memref<1x1x32x128xf32, #tpu.memory_space<vmem>>
      %dma_start3A_1274 = tpu.memref_squeeze %dma_start3A_1273 : memref<1x1x32x128xf32, #tpu.memory_space<vmem>> -> memref<32x128xf32, #tpu.memory_space<vmem>>
      %dma_start3A_1275 = arith.constant 0 : i32
      %dma_start3A_1276 = tpu.memref_slice %arg4[%dma_start3A_1275, %multiple_of3A_1248] : memref<32x1000000xf32, #tpu.memory_space<hbm>> -> memref<32x128xf32, #tpu.memory_space<hbm>>
      tpu.enqueue_dma source(%dma_start3A_1276 : memref<32x128xf32, #tpu.memory_space<hbm>>) target(%dma_start3A_1274 : memref<32x128xf32, #tpu.memory_space<vmem>>) target_semaphore(%arg18 : memref<!tpu.dma_semaphore, #tpu.memory_space<semaphore_mem>>)
      %dma_wait3A = arith.constant 0 : i32
      %dma_wait3A_1277 = arith.constant 0 : i32
      %dma_wait3A_1278 = arith.constant 0 : i32
      %dma_wait3A_1279 = arith.constant 0 : i32
      %dma_wait3A_1280 = tpu.memref_slice %arg11[%dma_wait3A, %dma_wait3A_1277, %dma_wait3A_1278, %dma_wait3A_1279] : memref<2x4x32x128xf32, #tpu.memory_space<vmem>> -> memref<1x1x32x128xf32, #tpu.memory_space<vmem>>
      %dma_wait3A_1281 = tpu.memref_squeeze %dma_wait3A_1280 : memref<1x1x32x128xf32, #tpu.memory_space<vmem>> -> memref<32x128xf32, #tpu.memory_space<vmem>>
      %dma_wait3A_1282 = arith.constant 0 : i32
      %dma_wait3A_1283 = arith.constant 0 : i32
      %dma_wait3A_1284 = tpu.memref_slice %arg3[%dma_wait3A_1282, %dma_wait3A_1283] : memref<32x1000000xf32, #tpu.memory_space<hbm>> -> memref<32x128xf32, #tpu.memory_space<hbm>>
      %dma_wait3A_1285 = arith.constant 0 : i32
      %dma_wait3A_1286 = arith.constant 0 : i32
      %dma_wait3A_1287 = tpu.memref_slice %arg11[%dma_wait3A, %dma_wait3A_1277, %dma_wait3A_1285, %dma_wait3A_1286] : memref<2x4x32x128xf32, #tpu.memory_space<vmem>> -> memref<1x1x32x128xf32, #tpu.memory_space<vmem>>
      %dma_wait3A_1288 = tpu.memref_squeeze %dma_wait3A_1287 : memref<1x1x32x128xf32, #tpu.memory_space<vmem>> -> memref<32x128xf32, #tpu.memory_space<vmem>>
      %dma_wait3A_1289 = arith.constant 0 : i32
      %dma_wait3A_1290 = arith.constant 0 : i32
      %dma_wait3A_1291 = tpu.memref_slice %arg3[%dma_wait3A_1289, %dma_wait3A_1290] : memref<32x1000000xf32, #tpu.memory_space<hbm>> -> memref<32x128xf32, #tpu.memory_space<hbm>>
      tpu.wait_dma2 semaphore(%arg15 : memref<!tpu.dma_semaphore, #tpu.memory_space<semaphore_mem>>) src(%dma_wait3A_1291 : memref<32x128xf32, #tpu.memory_space<hbm>>) dst(%dma_wait3A_1288 : memref<32x128xf32, #tpu.memory_space<vmem>>)
      %dma_wait3A_1292 = arith.constant 0 : i32
      %dma_wait3A_1293 = arith.constant 0 : i32
      %dma_wait3A_1294 = arith.constant 0 : i32
      %dma_wait3A_1295 = arith.constant 0 : i32
      %dma_wait3A_1296 = tpu.memref_slice %arg12[%dma_wait3A_1292, %dma_wait3A_1293, %dma_wait3A_1294, %dma_wait3A_1295] : memref<2x4x32x128xf32, #tpu.memory_space<vmem>> -> memref<1x1x32x128xf32, #tpu.memory_space<vmem>>
      %dma_wait3A_1297 = tpu.memref_squeeze %dma_wait3A_1296 : memref<1x1x32x128xf32, #tpu.memory_space<vmem>> -> memref<32x128xf32, #tpu.memory_space<vmem>>
      %dma_wait3A_1298 = arith.constant 0 : i32
      %dma_wait3A_1299 = arith.constant 0 : i32
      %dma_wait3A_1300 = tpu.memref_slice %arg4[%dma_wait3A_1298, %dma_wait3A_1299] : memref<32x1000000xf32, #tpu.memory_space<hbm>> -> memref<32x128xf32, #tpu.memory_space<hbm>>
      %dma_wait3A_1301 = arith.constant 0 : i32
      %dma_wait3A_1302 = arith.constant 0 : i32
      %dma_wait3A_1303 = tpu.memref_slice %arg12[%dma_wait3A_1292, %dma_wait3A_1293, %dma_wait3A_1301, %dma_wait3A_1302] : memref<2x4x32x128xf32, #tpu.memory_space<vmem>> -> memref<1x1x32x128xf32, #tpu.memory_space<vmem>>
      %dma_wait3A_1304 = tpu.memref_squeeze %dma_wait3A_1303 : memref<1x1x32x128xf32, #tpu.memory_space<vmem>> -> memref<32x128xf32, #tpu.memory_space<vmem>>
      %dma_wait3A_1305 = arith.constant 0 : i32
      %dma_wait3A_1306 = arith.constant 0 : i32
      %dma_wait3A_1307 = tpu.memref_slice %arg4[%dma_wait3A_1305, %dma_wait3A_1306] : memref<32x1000000xf32, #tpu.memory_space<hbm>> -> memref<32x128xf32, #tpu.memory_space<hbm>>
      tpu.wait_dma2 semaphore(%arg17 : memref<!tpu.dma_semaphore, #tpu.memory_space<semaphore_mem>>) src(%dma_wait3A_1307 : memref<32x128xf32, #tpu.memory_space<hbm>>) dst(%dma_wait3A_1304 : memref<32x128xf32, #tpu.memory_space<vmem>>)
      %dma_wait3A_1308 = arith.constant 0 : i32
      %dma_wait3A_1309 = arith.constant 1 : i32
      %dma_wait3A_1310 = arith.constant 0 : i32
      %dma_wait3A_1311 = arith.constant 0 : i32
      %dma_wait3A_1312 = tpu.memref_slice %arg11[%dma_wait3A_1308, %dma_wait3A_1309, %dma_wait3A_1310, %dma_wait3A_1311] : memref<2x4x32x128xf32, #tpu.memory_space<vmem>> -> memref<1x1x32x128xf32, #tpu.memory_space<vmem>>
      %dma_wait3A_1313 = tpu.memref_squeeze %dma_wait3A_1312 : memref<1x1x32x128xf32, #tpu.memory_space<vmem>> -> memref<32x128xf32, #tpu.memory_space<vmem>>
      %dma_wait3A_1314 = arith.constant 0 : i32
      %dma_wait3A_1315 = arith.constant 0 : i32
      %dma_wait3A_1316 = tpu.memref_slice %arg3[%dma_wait3A_1314, %dma_wait3A_1315] : memref<32x1000000xf32, #tpu.memory_space<hbm>> -> memref<32x128xf32, #tpu.memory_space<hbm>>
      %dma_wait3A_1317 = arith.constant 0 : i32
      %dma_wait3A_1318 = arith.constant 0 : i32
      %dma_wait3A_1319 = tpu.memref_slice %arg11[%dma_wait3A_1308, %dma_wait3A_1309, %dma_wait3A_1317, %dma_wait3A_1318] : memref<2x4x32x128xf32, #tpu.memory_space<vmem>> -> memref<1x1x32x128xf32, #tpu.memory_space<vmem>>
      %dma_wait3A_1320 = tpu.memref_squeeze %dma_wait3A_1319 : memref<1x1x32x128xf32, #tpu.memory_space<vmem>> -> memref<32x128xf32, #tpu.memory_space<vmem>>
      %dma_wait3A_1321 = arith.constant 0 : i32
      %dma_wait3A_1322 = arith.constant 0 : i32
      %dma_wait3A_1323 = tpu.memref_slice %arg3[%dma_wait3A_1321, %dma_wait3A_1322] : memref<32x1000000xf32, #tpu.memory_space<hbm>> -> memref<32x128xf32, #tpu.memory_space<hbm>>
      tpu.wait_dma2 semaphore(%arg15 : memref<!tpu.dma_semaphore, #tpu.memory_space<semaphore_mem>>) src(%dma_wait3A_1323 : memref<32x128xf32, #tpu.memory_space<hbm>>) dst(%dma_wait3A_1320 : memref<32x128xf32, #tpu.memory_space<vmem>>)
      %dma_wait3A_1324 = arith.constant 0 : i32
      %dma_wait3A_1325 = arith.constant 1 : i32
      %dma_wait3A_1326 = arith.constant 0 : i32
      %dma_wait3A_1327 = arith.constant 0 : i32
      %dma_wait3A_1328 = tpu.memref_slice %arg12[%dma_wait3A_1324, %dma_wait3A_1325, %dma_wait3A_1326, %dma_wait3A_1327] : memref<2x4x32x128xf32, #tpu.memory_space<vmem>> -> memref<1x1x32x128xf32, #tpu.memory_space<vmem>>
      %dma_wait3A_1329 = tpu.memref_squeeze %dma_wait3A_1328 : memref<1x1x32x128xf32, #tpu.memory_space<vmem>> -> memref<32x128xf32, #tpu.memory_space<vmem>>
      %dma_wait3A_1330 = arith.constant 0 : i32
      %dma_wait3A_1331 = arith.constant 0 : i32
      %dma_wait3A_1332 = tpu.memref_slice %arg4[%dma_wait3A_1330, %dma_wait3A_1331] : memref<32x1000000xf32, #tpu.memory_space<hbm>> -> memref<32x128xf32, #tpu.memory_space<hbm>>
      %dma_wait3A_1333 = arith.constant 0 : i32
      %dma_wait3A_1334 = arith.constant 0 : i32
      %dma_wait3A_1335 = tpu.memref_slice %arg12[%dma_wait3A_1324, %dma_wait3A_1325, %dma_wait3A_1333, %dma_wait3A_1334] : memref<2x4x32x128xf32, #tpu.memory_space<vmem>> -> memref<1x1x32x128xf32, #tpu.memory_space<vmem>>
      %dma_wait3A_1336 = tpu.memref_squeeze %dma_wait3A_1335 : memref<1x1x32x128xf32, #tpu.memory_space<vmem>> -> memref<32x128xf32, #tpu.memory_space<vmem>>
      %dma_wait3A_1337 = arith.constant 0 : i32
      %dma_wait3A_1338 = arith.constant 0 : i32
      %dma_wait3A_1339 = tpu.memref_slice %arg4[%dma_wait3A_1337, %dma_wait3A_1338] : memref<32x1000000xf32, #tpu.memory_space<hbm>> -> memref<32x128xf32, #tpu.memory_space<hbm>>
      tpu.wait_dma2 semaphore(%arg17 : memref<!tpu.dma_semaphore, #tpu.memory_space<semaphore_mem>>) src(%dma_wait3A_1339 : memref<32x128xf32, #tpu.memory_space<hbm>>) dst(%dma_wait3A_1336 : memref<32x128xf32, #tpu.memory_space<vmem>>)
      %dma_wait3A_1340 = arith.constant 0 : i32
      %dma_wait3A_1341 = arith.constant 2 : i32
      %dma_wait3A_1342 = arith.constant 0 : i32
      %dma_wait3A_1343 = arith.constant 0 : i32
      %dma_wait3A_1344 = tpu.memref_slice %arg11[%dma_wait3A_1340, %dma_wait3A_1341, %dma_wait3A_1342, %dma_wait3A_1343] : memref<2x4x32x128xf32, #tpu.memory_space<vmem>> -> memref<1x1x32x128xf32, #tpu.memory_space<vmem>>
      %dma_wait3A_1345 = tpu.memref_squeeze %dma_wait3A_1344 : memref<1x1x32x128xf32, #tpu.memory_space<vmem>> -> memref<32x128xf32, #tpu.memory_space<vmem>>
      %dma_wait3A_1346 = arith.constant 0 : i32
      %dma_wait3A_1347 = arith.constant 0 : i32
      %dma_wait3A_1348 = tpu.memref_slice %arg3[%dma_wait3A_1346, %dma_wait3A_1347] : memref<32x1000000xf32, #tpu.memory_space<hbm>> -> memref<32x128xf32, #tpu.memory_space<hbm>>
      %dma_wait3A_1349 = arith.constant 0 : i32
      %dma_wait3A_1350 = arith.constant 0 : i32
      %dma_wait3A_1351 = tpu.memref_slice %arg11[%dma_wait3A_1340, %dma_wait3A_1341, %dma_wait3A_1349, %dma_wait3A_1350] : memref<2x4x32x128xf32, #tpu.memory_space<vmem>> -> memref<1x1x32x128xf32, #tpu.memory_space<vmem>>
      %dma_wait3A_1352 = tpu.memref_squeeze %dma_wait3A_1351 : memref<1x1x32x128xf32, #tpu.memory_space<vmem>> -> memref<32x128xf32, #tpu.memory_space<vmem>>
      %dma_wait3A_1353 = arith.constant 0 : i32
      %dma_wait3A_1354 = arith.constant 0 : i32
      %dma_wait3A_1355 = tpu.memref_slice %arg3[%dma_wait3A_1353, %dma_wait3A_1354] : memref<32x1000000xf32, #tpu.memory_space<hbm>> -> memref<32x128xf32, #tpu.memory_space<hbm>>
      tpu.wait_dma2 semaphore(%arg15 : memref<!tpu.dma_semaphore, #tpu.memory_space<semaphore_mem>>) src(%dma_wait3A_1355 : memref<32x128xf32, #tpu.memory_space<hbm>>) dst(%dma_wait3A_1352 : memref<32x128xf32, #tpu.memory_space<vmem>>)
      %dma_wait3A_1356 = arith.constant 0 : i32
      %dma_wait3A_1357 = arith.constant 2 : i32
      %dma_wait3A_1358 = arith.constant 0 : i32
      %dma_wait3A_1359 = arith.constant 0 : i32
      %dma_wait3A_1360 = tpu.memref_slice %arg12[%dma_wait3A_1356, %dma_wait3A_1357, %dma_wait3A_1358, %dma_wait3A_1359] : memref<2x4x32x128xf32, #tpu.memory_space<vmem>> -> memref<1x1x32x128xf32, #tpu.memory_space<vmem>>
      %dma_wait3A_1361 = tpu.memref_squeeze %dma_wait3A_1360 : memref<1x1x32x128xf32, #tpu.memory_space<vmem>> -> memref<32x128xf32, #tpu.memory_space<vmem>>
      %dma_wait3A_1362 = arith.constant 0 : i32
      %dma_wait3A_1363 = arith.constant 0 : i32
      %dma_wait3A_1364 = tpu.memref_slice %arg4[%dma_wait3A_1362, %dma_wait3A_1363] : memref<32x1000000xf32, #tpu.memory_space<hbm>> -> memref<32x128xf32, #tpu.memory_space<hbm>>
      %dma_wait3A_1365 = arith.constant 0 : i32
      %dma_wait3A_1366 = arith.constant 0 : i32
      %dma_wait3A_1367 = tpu.memref_slice %arg12[%dma_wait3A_1356, %dma_wait3A_1357, %dma_wait3A_1365, %dma_wait3A_1366] : memref<2x4x32x128xf32, #tpu.memory_space<vmem>> -> memref<1x1x32x128xf32, #tpu.memory_space<vmem>>
      %dma_wait3A_1368 = tpu.memref_squeeze %dma_wait3A_1367 : memref<1x1x32x128xf32, #tpu.memory_space<vmem>> -> memref<32x128xf32, #tpu.memory_space<vmem>>
      %dma_wait3A_1369 = arith.constant 0 : i32
      %dma_wait3A_1370 = arith.constant 0 : i32
      %dma_wait3A_1371 = tpu.memref_slice %arg4[%dma_wait3A_1369, %dma_wait3A_1370] : memref<32x1000000xf32, #tpu.memory_space<hbm>> -> memref<32x128xf32, #tpu.memory_space<hbm>>
      tpu.wait_dma2 semaphore(%arg17 : memref<!tpu.dma_semaphore, #tpu.memory_space<semaphore_mem>>) src(%dma_wait3A_1371 : memref<32x128xf32, #tpu.memory_space<hbm>>) dst(%dma_wait3A_1368 : memref<32x128xf32, #tpu.memory_space<vmem>>)
      %dma_wait3A_1372 = arith.constant 0 : i32
      %dma_wait3A_1373 = arith.constant 3 : i32
      %dma_wait3A_1374 = arith.constant 0 : i32
      %dma_wait3A_1375 = arith.constant 0 : i32
      %dma_wait3A_1376 = tpu.memref_slice %arg11[%dma_wait3A_1372, %dma_wait3A_1373, %dma_wait3A_1374, %dma_wait3A_1375] : memref<2x4x32x128xf32, #tpu.memory_space<vmem>> -> memref<1x1x32x128xf32, #tpu.memory_space<vmem>>
      %dma_wait3A_1377 = tpu.memref_squeeze %dma_wait3A_1376 : memref<1x1x32x128xf32, #tpu.memory_space<vmem>> -> memref<32x128xf32, #tpu.memory_space<vmem>>
      %dma_wait3A_1378 = arith.constant 0 : i32
      %dma_wait3A_1379 = arith.constant 0 : i32
      %dma_wait3A_1380 = tpu.memref_slice %arg3[%dma_wait3A_1378, %dma_wait3A_1379] : memref<32x1000000xf32, #tpu.memory_space<hbm>> -> memref<32x128xf32, #tpu.memory_space<hbm>>
      %dma_wait3A_1381 = arith.constant 0 : i32
      %dma_wait3A_1382 = arith.constant 0 : i32
      %dma_wait3A_1383 = tpu.memref_slice %arg11[%dma_wait3A_1372, %dma_wait3A_1373, %dma_wait3A_1381, %dma_wait3A_1382] : memref<2x4x32x128xf32, #tpu.memory_space<vmem>> -> memref<1x1x32x128xf32, #tpu.memory_space<vmem>>
      %dma_wait3A_1384 = tpu.memref_squeeze %dma_wait3A_1383 : memref<1x1x32x128xf32, #tpu.memory_space<vmem>> -> memref<32x128xf32, #tpu.memory_space<vmem>>
      %dma_wait3A_1385 = arith.constant 0 : i32
      %dma_wait3A_1386 = arith.constant 0 : i32
      %dma_wait3A_1387 = tpu.memref_slice %arg3[%dma_wait3A_1385, %dma_wait3A_1386] : memref<32x1000000xf32, #tpu.memory_space<hbm>> -> memref<32x128xf32, #tpu.memory_space<hbm>>
      tpu.wait_dma2 semaphore(%arg15 : memref<!tpu.dma_semaphore, #tpu.memory_space<semaphore_mem>>) src(%dma_wait3A_1387 : memref<32x128xf32, #tpu.memory_space<hbm>>) dst(%dma_wait3A_1384 : memref<32x128xf32, #tpu.memory_space<vmem>>)
      %dma_wait3A_1388 = arith.constant 0 : i32
      %dma_wait3A_1389 = arith.constant 3 : i32
      %dma_wait3A_1390 = arith.constant 0 : i32
      %dma_wait3A_1391 = arith.constant 0 : i32
      %dma_wait3A_1392 = tpu.memref_slice %arg12[%dma_wait3A_1388, %dma_wait3A_1389, %dma_wait3A_1390, %dma_wait3A_1391] : memref<2x4x32x128xf32, #tpu.memory_space<vmem>> -> memref<1x1x32x128xf32, #tpu.memory_space<vmem>>
      %dma_wait3A_1393 = tpu.memref_squeeze %dma_wait3A_1392 : memref<1x1x32x128xf32, #tpu.memory_space<vmem>> -> memref<32x128xf32, #tpu.memory_space<vmem>>
      %dma_wait3A_1394 = arith.constant 0 : i32
      %dma_wait3A_1395 = arith.constant 0 : i32
      %dma_wait3A_1396 = tpu.memref_slice %arg4[%dma_wait3A_1394, %dma_wait3A_1395] : memref<32x1000000xf32, #tpu.memory_space<hbm>> -> memref<32x128xf32, #tpu.memory_space<hbm>>
      %dma_wait3A_1397 = arith.constant 0 : i32
      %dma_wait3A_1398 = arith.constant 0 : i32
      %dma_wait3A_1399 = tpu.memref_slice %arg12[%dma_wait3A_1388, %dma_wait3A_1389, %dma_wait3A_1397, %dma_wait3A_1398] : memref<2x4x32x128xf32, #tpu.memory_space<vmem>> -> memref<1x1x32x128xf32, #tpu.memory_space<vmem>>
      %dma_wait3A_1400 = tpu.memref_squeeze %dma_wait3A_1399 : memref<1x1x32x128xf32, #tpu.memory_space<vmem>> -> memref<32x128xf32, #tpu.memory_space<vmem>>
      %dma_wait3A_1401 = arith.constant 0 : i32
      %dma_wait3A_1402 = arith.constant 0 : i32
      %dma_wait3A_1403 = tpu.memref_slice %arg4[%dma_wait3A_1401, %dma_wait3A_1402] : memref<32x1000000xf32, #tpu.memory_space<hbm>> -> memref<32x128xf32, #tpu.memory_space<hbm>>
      tpu.wait_dma2 semaphore(%arg17 : memref<!tpu.dma_semaphore, #tpu.memory_space<semaphore_mem>>) src(%dma_wait3A_1403 : memref<32x128xf32, #tpu.memory_space<hbm>>) dst(%dma_wait3A_1400 : memref<32x128xf32, #tpu.memory_space<vmem>>)
      %slice3A_1404 = vector.extract_strided_slice %get3A_1002 {offsets = [8], sizes = [1], strides = [1]} : vector<16xi32> to vector<1xi32>
      %squeeze3A_1405 = vector.extract %slice3A_1404[0] : i32 from vector<1xi32>
      %multiple_of3A_1406 = tpu.assume_multiple %squeeze3A_1405, 128 : i32
      %slice3A_1407 = vector.extract_strided_slice %get3A_1004 {offsets = [8], sizes = [1], strides = [1]} : vector<16xi32> to vector<1xi32>
      %squeeze3A_1408 = vector.extract %slice3A_1407[0] : i32 from vector<1xi32>
      %multiple_of3A_1409 = tpu.assume_multiple %squeeze3A_1408, 128 : i32
      %dma_start3A_1410 = arith.constant 0 : i32
      %dma_start3A_1411 = arith.constant 0 : i32
      %dma_start3A_1412 = arith.constant 0 : i32
      %dma_start3A_1413 = arith.constant 0 : i32
      %dma_start3A_1414 = tpu.memref_slice %arg11[%dma_start3A_1410, %dma_start3A_1411, %dma_start3A_1412, %dma_start3A_1413] : memref<2x4x32x128xf32, #tpu.memory_space<vmem>> -> memref<1x1x32x128xf32, #tpu.memory_space<vmem>>
      %dma_start3A_1415 = tpu.memref_squeeze %dma_start3A_1414 : memref<1x1x32x128xf32, #tpu.memory_space<vmem>> -> memref<32x128xf32, #tpu.memory_space<vmem>>
      %dma_start3A_1416 = arith.constant 0 : i32
      %dma_start3A_1417 = tpu.memref_slice %arg3[%dma_start3A_1416, %multiple_of3A_1406] : memref<32x1000000xf32, #tpu.memory_space<hbm>> -> memref<32x128xf32, #tpu.memory_space<hbm>>
      %dma_start3A_1418 = arith.constant 0 : i32
      %dma_start3A_1419 = arith.constant 0 : i32
      %dma_start3A_1420 = tpu.memref_slice %arg11[%dma_start3A_1410, %dma_start3A_1411, %dma_start3A_1418, %dma_start3A_1419] : memref<2x4x32x128xf32, #tpu.memory_space<vmem>> -> memref<1x1x32x128xf32, #tpu.memory_space<vmem>>
      %dma_start3A_1421 = tpu.memref_squeeze %dma_start3A_1420 : memref<1x1x32x128xf32, #tpu.memory_space<vmem>> -> memref<32x128xf32, #tpu.memory_space<vmem>>
      %dma_start3A_1422 = arith.constant 0 : i32
      %dma_start3A_1423 = tpu.memref_slice %arg3[%dma_start3A_1422, %multiple_of3A_1406] : memref<32x1000000xf32, #tpu.memory_space<hbm>> -> memref<32x128xf32, #tpu.memory_space<hbm>>
      tpu.enqueue_dma source(%dma_start3A_1423 : memref<32x128xf32, #tpu.memory_space<hbm>>) target(%dma_start3A_1421 : memref<32x128xf32, #tpu.memory_space<vmem>>) target_semaphore(%arg15 : memref<!tpu.dma_semaphore, #tpu.memory_space<semaphore_mem>>)
      %dma_start3A_1424 = arith.constant 0 : i32
      %dma_start3A_1425 = arith.constant 0 : i32
      %dma_start3A_1426 = arith.constant 0 : i32
      %dma_start3A_1427 = arith.constant 0 : i32
      %dma_start3A_1428 = tpu.memref_slice %arg12[%dma_start3A_1424, %dma_start3A_1425, %dma_start3A_1426, %dma_start3A_1427] : memref<2x4x32x128xf32, #tpu.memory_space<vmem>> -> memref<1x1x32x128xf32, #tpu.memory_space<vmem>>
      %dma_start3A_1429 = tpu.memref_squeeze %dma_start3A_1428 : memref<1x1x32x128xf32, #tpu.memory_space<vmem>> -> memref<32x128xf32, #tpu.memory_space<vmem>>
      %dma_start3A_1430 = arith.constant 0 : i32
      %dma_start3A_1431 = tpu.memref_slice %arg4[%dma_start3A_1430, %multiple_of3A_1409] : memref<32x1000000xf32, #tpu.memory_space<hbm>> -> memref<32x128xf32, #tpu.memory_space<hbm>>
      %dma_start3A_1432 = arith.constant 0 : i32
      %dma_start3A_1433 = arith.constant 0 : i32
      %dma_start3A_1434 = tpu.memref_slice %arg12[%dma_start3A_1424, %dma_start3A_1425, %dma_start3A_1432, %dma_start3A_1433] : memref<2x4x32x128xf32, #tpu.memory_space<vmem>> -> memref<1x1x32x128xf32, #tpu.memory_space<vmem>>
      %dma_start3A_1435 = tpu.memref_squeeze %dma_start3A_1434 : memref<1x1x32x128xf32, #tpu.memory_space<vmem>> -> memref<32x128xf32, #tpu.memory_space<vmem>>
      %dma_start3A_1436 = arith.constant 0 : i32
      %dma_start3A_1437 = tpu.memref_slice %arg4[%dma_start3A_1436, %multiple_of3A_1409] : memref<32x1000000xf32, #tpu.memory_space<hbm>> -> memref<32x128xf32, #tpu.memory_space<hbm>>
      tpu.enqueue_dma source(%dma_start3A_1437 : memref<32x128xf32, #tpu.memory_space<hbm>>) target(%dma_start3A_1435 : memref<32x128xf32, #tpu.memory_space<vmem>>) target_semaphore(%arg17 : memref<!tpu.dma_semaphore, #tpu.memory_space<semaphore_mem>>)
      %slice3A_1438 = vector.extract_strided_slice %get3A_1002 {offsets = [9], sizes = [1], strides = [1]} : vector<16xi32> to vector<1xi32>
      %squeeze3A_1439 = vector.extract %slice3A_1438[0] : i32 from vector<1xi32>
      %multiple_of3A_1440 = tpu.assume_multiple %squeeze3A_1439, 128 : i32
      %slice3A_1441 = vector.extract_strided_slice %get3A_1004 {offsets = [9], sizes = [1], strides = [1]} : vector<16xi32> to vector<1xi32>
      %squeeze3A_1442 = vector.extract %slice3A_1441[0] : i32 from vector<1xi32>
      %multiple_of3A_1443 = tpu.assume_multiple %squeeze3A_1442, 128 : i32
      %dma_start3A_1444 = arith.constant 0 : i32
      %dma_start3A_1445 = arith.constant 1 : i32
      %dma_start3A_1446 = arith.constant 0 : i32
      %dma_start3A_1447 = arith.constant 0 : i32
      %dma_start3A_1448 = tpu.memref_slice %arg11[%dma_start3A_1444, %dma_start3A_1445, %dma_start3A_1446, %dma_start3A_1447] : memref<2x4x32x128xf32, #tpu.memory_space<vmem>> -> memref<1x1x32x128xf32, #tpu.memory_space<vmem>>
      %dma_start3A_1449 = tpu.memref_squeeze %dma_start3A_1448 : memref<1x1x32x128xf32, #tpu.memory_space<vmem>> -> memref<32x128xf32, #tpu.memory_space<vmem>>
      %dma_start3A_1450 = arith.constant 0 : i32
      %dma_start3A_1451 = tpu.memref_slice %arg3[%dma_start3A_1450, %multiple_of3A_1440] : memref<32x1000000xf32, #tpu.memory_space<hbm>> -> memref<32x128xf32, #tpu.memory_space<hbm>>
      %dma_start3A_1452 = arith.constant 0 : i32
      %dma_start3A_1453 = arith.constant 0 : i32
      %dma_start3A_1454 = tpu.memref_slice %arg11[%dma_start3A_1444, %dma_start3A_1445, %dma_start3A_1452, %dma_start3A_1453] : memref<2x4x32x128xf32, #tpu.memory_space<vmem>> -> memref<1x1x32x128xf32, #tpu.memory_space<vmem>>
      %dma_start3A_1455 = tpu.memref_squeeze %dma_start3A_1454 : memref<1x1x32x128xf32, #tpu.memory_space<vmem>> -> memref<32x128xf32, #tpu.memory_space<vmem>>
      %dma_start3A_1456 = arith.constant 0 : i32
      %dma_start3A_1457 = tpu.memref_slice %arg3[%dma_start3A_1456, %multiple_of3A_1440] : memref<32x1000000xf32, #tpu.memory_space<hbm>> -> memref<32x128xf32, #tpu.memory_space<hbm>>
      tpu.enqueue_dma source(%dma_start3A_1457 : memref<32x128xf32, #tpu.memory_space<hbm>>) target(%dma_start3A_1455 : memref<32x128xf32, #tpu.memory_space<vmem>>) target_semaphore(%arg15 : memref<!tpu.dma_semaphore, #tpu.memory_space<semaphore_mem>>)
      %dma_start3A_1458 = arith.constant 0 : i32
      %dma_start3A_1459 = arith.constant 1 : i32
      %dma_start3A_1460 = arith.constant 0 : i32
      %dma_start3A_1461 = arith.constant 0 : i32
      %dma_start3A_1462 = tpu.memref_slice %arg12[%dma_start3A_1458, %dma_start3A_1459, %dma_start3A_1460, %dma_start3A_1461] : memref<2x4x32x128xf32, #tpu.memory_space<vmem>> -> memref<1x1x32x128xf32, #tpu.memory_space<vmem>>
      %dma_start3A_1463 = tpu.memref_squeeze %dma_start3A_1462 : memref<1x1x32x128xf32, #tpu.memory_space<vmem>> -> memref<32x128xf32, #tpu.memory_space<vmem>>
      %dma_start3A_1464 = arith.constant 0 : i32
      %dma_start3A_1465 = tpu.memref_slice %arg4[%dma_start3A_1464, %multiple_of3A_1443] : memref<32x1000000xf32, #tpu.memory_space<hbm>> -> memref<32x128xf32, #tpu.memory_space<hbm>>
      %dma_start3A_1466 = arith.constant 0 : i32
      %dma_start3A_1467 = arith.constant 0 : i32
      %dma_start3A_1468 = tpu.memref_slice %arg12[%dma_start3A_1458, %dma_start3A_1459, %dma_start3A_1466, %dma_start3A_1467] : memref<2x4x32x128xf32, #tpu.memory_space<vmem>> -> memref<1x1x32x128xf32, #tpu.memory_space<vmem>>
      %dma_start3A_1469 = tpu.memref_squeeze %dma_start3A_1468 : memref<1x1x32x128xf32, #tpu.memory_space<vmem>> -> memref<32x128xf32, #tpu.memory_space<vmem>>
      %dma_start3A_1470 = arith.constant 0 : i32
      %dma_start3A_1471 = tpu.memref_slice %arg4[%dma_start3A_1470, %multiple_of3A_1443] : memref<32x1000000xf32, #tpu.memory_space<hbm>> -> memref<32x128xf32, #tpu.memory_space<hbm>>
      tpu.enqueue_dma source(%dma_start3A_1471 : memref<32x128xf32, #tpu.memory_space<hbm>>) target(%dma_start3A_1469 : memref<32x128xf32, #tpu.memory_space<vmem>>) target_semaphore(%arg17 : memref<!tpu.dma_semaphore, #tpu.memory_space<semaphore_mem>>)
      %slice3A_1472 = vector.extract_strided_slice %get3A_1002 {offsets = [10], sizes = [1], strides = [1]} : vector<16xi32> to vector<1xi32>
      %squeeze3A_1473 = vector.extract %slice3A_1472[0] : i32 from vector<1xi32>
      %multiple_of3A_1474 = tpu.assume_multiple %squeeze3A_1473, 128 : i32
      %slice3A_1475 = vector.extract_strided_slice %get3A_1004 {offsets = [10], sizes = [1], strides = [1]} : vector<16xi32> to vector<1xi32>
      %squeeze3A_1476 = vector.extract %slice3A_1475[0] : i32 from vector<1xi32>
      %multiple_of3A_1477 = tpu.assume_multiple %squeeze3A_1476, 128 : i32
      %dma_start3A_1478 = arith.constant 0 : i32
      %dma_start3A_1479 = arith.constant 2 : i32
      %dma_start3A_1480 = arith.constant 0 : i32
      %dma_start3A_1481 = arith.constant 0 : i32
      %dma_start3A_1482 = tpu.memref_slice %arg11[%dma_start3A_1478, %dma_start3A_1479, %dma_start3A_1480, %dma_start3A_1481] : memref<2x4x32x128xf32, #tpu.memory_space<vmem>> -> memref<1x1x32x128xf32, #tpu.memory_space<vmem>>
      %dma_start3A_1483 = tpu.memref_squeeze %dma_start3A_1482 : memref<1x1x32x128xf32, #tpu.memory_space<vmem>> -> memref<32x128xf32, #tpu.memory_space<vmem>>
      %dma_start3A_1484 = arith.constant 0 : i32
      %dma_start3A_1485 = tpu.memref_slice %arg3[%dma_start3A_1484, %multiple_of3A_1474] : memref<32x1000000xf32, #tpu.memory_space<hbm>> -> memref<32x128xf32, #tpu.memory_space<hbm>>
      %dma_start3A_1486 = arith.constant 0 : i32
      %dma_start3A_1487 = arith.constant 0 : i32
      %dma_start3A_1488 = tpu.memref_slice %arg11[%dma_start3A_1478, %dma_start3A_1479, %dma_start3A_1486, %dma_start3A_1487] : memref<2x4x32x128xf32, #tpu.memory_space<vmem>> -> memref<1x1x32x128xf32, #tpu.memory_space<vmem>>
      %dma_start3A_1489 = tpu.memref_squeeze %dma_start3A_1488 : memref<1x1x32x128xf32, #tpu.memory_space<vmem>> -> memref<32x128xf32, #tpu.memory_space<vmem>>
      %dma_start3A_1490 = arith.constant 0 : i32
      %dma_start3A_1491 = tpu.memref_slice %arg3[%dma_start3A_1490, %multiple_of3A_1474] : memref<32x1000000xf32, #tpu.memory_space<hbm>> -> memref<32x128xf32, #tpu.memory_space<hbm>>
      tpu.enqueue_dma source(%dma_start3A_1491 : memref<32x128xf32, #tpu.memory_space<hbm>>) target(%dma_start3A_1489 : memref<32x128xf32, #tpu.memory_space<vmem>>) target_semaphore(%arg15 : memref<!tpu.dma_semaphore, #tpu.memory_space<semaphore_mem>>)
      %dma_start3A_1492 = arith.constant 0 : i32
      %dma_start3A_1493 = arith.constant 2 : i32
      %dma_start3A_1494 = arith.constant 0 : i32
      %dma_start3A_1495 = arith.constant 0 : i32
      %dma_start3A_1496 = tpu.memref_slice %arg12[%dma_start3A_1492, %dma_start3A_1493, %dma_start3A_1494, %dma_start3A_1495] : memref<2x4x32x128xf32, #tpu.memory_space<vmem>> -> memref<1x1x32x128xf32, #tpu.memory_space<vmem>>
      %dma_start3A_1497 = tpu.memref_squeeze %dma_start3A_1496 : memref<1x1x32x128xf32, #tpu.memory_space<vmem>> -> memref<32x128xf32, #tpu.memory_space<vmem>>
      %dma_start3A_1498 = arith.constant 0 : i32
      %dma_start3A_1499 = tpu.memref_slice %arg4[%dma_start3A_1498, %multiple_of3A_1477] : memref<32x1000000xf32, #tpu.memory_space<hbm>> -> memref<32x128xf32, #tpu.memory_space<hbm>>
      %dma_start3A_1500 = arith.constant 0 : i32
      %dma_start3A_1501 = arith.constant 0 : i32
      %dma_start3A_1502 = tpu.memref_slice %arg12[%dma_start3A_1492, %dma_start3A_1493, %dma_start3A_1500, %dma_start3A_1501] : memref<2x4x32x128xf32, #tpu.memory_space<vmem>> -> memref<1x1x32x128xf32, #tpu.memory_space<vmem>>
      %dma_start3A_1503 = tpu.memref_squeeze %dma_start3A_1502 : memref<1x1x32x128xf32, #tpu.memory_space<vmem>> -> memref<32x128xf32, #tpu.memory_space<vmem>>
      %dma_start3A_1504 = arith.constant 0 : i32
      %dma_start3A_1505 = tpu.memref_slice %arg4[%dma_start3A_1504, %multiple_of3A_1477] : memref<32x1000000xf32, #tpu.memory_space<hbm>> -> memref<32x128xf32, #tpu.memory_space<hbm>>
      tpu.enqueue_dma source(%dma_start3A_1505 : memref<32x128xf32, #tpu.memory_space<hbm>>) target(%dma_start3A_1503 : memref<32x128xf32, #tpu.memory_space<vmem>>) target_semaphore(%arg17 : memref<!tpu.dma_semaphore, #tpu.memory_space<semaphore_mem>>)
      %slice3A_1506 = vector.extract_strided_slice %get3A_1002 {offsets = [11], sizes = [1], strides = [1]} : vector<16xi32> to vector<1xi32>
      %squeeze3A_1507 = vector.extract %slice3A_1506[0] : i32 from vector<1xi32>
      %multiple_of3A_1508 = tpu.assume_multiple %squeeze3A_1507, 128 : i32
      %slice3A_1509 = vector.extract_strided_slice %get3A_1004 {offsets = [11], sizes = [1], strides = [1]} : vector<16xi32> to vector<1xi32>
      %squeeze3A_1510 = vector.extract %slice3A_1509[0] : i32 from vector<1xi32>
      %multiple_of3A_1511 = tpu.assume_multiple %squeeze3A_1510, 128 : i32
      %dma_start3A_1512 = arith.constant 0 : i32
      %dma_start3A_1513 = arith.constant 3 : i32
      %dma_start3A_1514 = arith.constant 0 : i32
      %dma_start3A_1515 = arith.constant 0 : i32
      %dma_start3A_1516 = tpu.memref_slice %arg11[%dma_start3A_1512, %dma_start3A_1513, %dma_start3A_1514, %dma_start3A_1515] : memref<2x4x32x128xf32, #tpu.memory_space<vmem>> -> memref<1x1x32x128xf32, #tpu.memory_space<vmem>>
      %dma_start3A_1517 = tpu.memref_squeeze %dma_start3A_1516 : memref<1x1x32x128xf32, #tpu.memory_space<vmem>> -> memref<32x128xf32, #tpu.memory_space<vmem>>
      %dma_start3A_1518 = arith.constant 0 : i32
      %dma_start3A_1519 = tpu.memref_slice %arg3[%dma_start3A_1518, %multiple_of3A_1508] : memref<32x1000000xf32, #tpu.memory_space<hbm>> -> memref<32x128xf32, #tpu.memory_space<hbm>>
      %dma_start3A_1520 = arith.constant 0 : i32
      %dma_start3A_1521 = arith.constant 0 : i32
      %dma_start3A_1522 = tpu.memref_slice %arg11[%dma_start3A_1512, %dma_start3A_1513, %dma_start3A_1520, %dma_start3A_1521] : memref<2x4x32x128xf32, #tpu.memory_space<vmem>> -> memref<1x1x32x128xf32, #tpu.memory_space<vmem>>
      %dma_start3A_1523 = tpu.memref_squeeze %dma_start3A_1522 : memref<1x1x32x128xf32, #tpu.memory_space<vmem>> -> memref<32x128xf32, #tpu.memory_space<vmem>>
      %dma_start3A_1524 = arith.constant 0 : i32
      %dma_start3A_1525 = tpu.memref_slice %arg3[%dma_start3A_1524, %multiple_of3A_1508] : memref<32x1000000xf32, #tpu.memory_space<hbm>> -> memref<32x128xf32, #tpu.memory_space<hbm>>
      tpu.enqueue_dma source(%dma_start3A_1525 : memref<32x128xf32, #tpu.memory_space<hbm>>) target(%dma_start3A_1523 : memref<32x128xf32, #tpu.memory_space<vmem>>) target_semaphore(%arg15 : memref<!tpu.dma_semaphore, #tpu.memory_space<semaphore_mem>>)
      %dma_start3A_1526 = arith.constant 0 : i32
      %dma_start3A_1527 = arith.constant 3 : i32
      %dma_start3A_1528 = arith.constant 0 : i32
      %dma_start3A_1529 = arith.constant 0 : i32
      %dma_start3A_1530 = tpu.memref_slice %arg12[%dma_start3A_1526, %dma_start3A_1527, %dma_start3A_1528, %dma_start3A_1529] : memref<2x4x32x128xf32, #tpu.memory_space<vmem>> -> memref<1x1x32x128xf32, #tpu.memory_space<vmem>>
      %dma_start3A_1531 = tpu.memref_squeeze %dma_start3A_1530 : memref<1x1x32x128xf32, #tpu.memory_space<vmem>> -> memref<32x128xf32, #tpu.memory_space<vmem>>
      %dma_start3A_1532 = arith.constant 0 : i32
      %dma_start3A_1533 = tpu.memref_slice %arg4[%dma_start3A_1532, %multiple_of3A_1511] : memref<32x1000000xf32, #tpu.memory_space<hbm>> -> memref<32x128xf32, #tpu.memory_space<hbm>>
      %dma_start3A_1534 = arith.constant 0 : i32
      %dma_start3A_1535 = arith.constant 0 : i32
      %dma_start3A_1536 = tpu.memref_slice %arg12[%dma_start3A_1526, %dma_start3A_1527, %dma_start3A_1534, %dma_start3A_1535] : memref<2x4x32x128xf32, #tpu.memory_space<vmem>> -> memref<1x1x32x128xf32, #tpu.memory_space<vmem>>
      %dma_start3A_1537 = tpu.memref_squeeze %dma_start3A_1536 : memref<1x1x32x128xf32, #tpu.memory_space<vmem>> -> memref<32x128xf32, #tpu.memory_space<vmem>>
      %dma_start3A_1538 = arith.constant 0 : i32
      %dma_start3A_1539 = tpu.memref_slice %arg4[%dma_start3A_1538, %multiple_of3A_1511] : memref<32x1000000xf32, #tpu.memory_space<hbm>> -> memref<32x128xf32, #tpu.memory_space<hbm>>
      tpu.enqueue_dma source(%dma_start3A_1539 : memref<32x128xf32, #tpu.memory_space<hbm>>) target(%dma_start3A_1537 : memref<32x128xf32, #tpu.memory_space<vmem>>) target_semaphore(%arg17 : memref<!tpu.dma_semaphore, #tpu.memory_space<semaphore_mem>>)
      %slice3A_1540 = vector.extract_strided_slice %get3A_1006 {offsets = [0], sizes = [1], strides = [1]} : vector<16xi32> to vector<1xi32>
      %squeeze3A_1541 = vector.extract %slice3A_1540[0] : i32 from vector<1xi32>
      %add3A_1542 = vector.broadcast %squeeze3A_1541 : i32 to vector<16xi32>
      %add3A_1543 = arith.addi %add3A_1542, %broadcast_in_dim3A_5 : vector<16xi32>
      %slice3A_1544 = vector.extract_strided_slice %get3A_1008 {offsets = [0], sizes = [1], strides = [1]} : vector<16xi32> to vector<1xi32>
      %squeeze3A_1545 = vector.extract %slice3A_1544[0] : i32 from vector<1xi32>
      %add3A_1546 = vector.broadcast %squeeze3A_1545 : i32 to vector<16xi32>
      %add3A_1547 = arith.addi %add3A_1546, %broadcast_in_dim3A_5 : vector<16xi32>
      %gather3A_1548 = arith.constant 0 : i32
      %gather3A_1549 = arith.constant 0 : i32
      %gather3A_1550 = arith.constant 0 : i32
      %gather3A_1551 = arith.constant 0 : i32
      %gather3A_1552 = tpu.memref_slice %arg11[%gather3A_1548, %gather3A_1549, %gather3A_1550, %gather3A_1551] : memref<2x4x32x128xf32, #tpu.memory_space<vmem>> -> memref<1x1x32x128xf32, #tpu.memory_space<vmem>>
      %gather3A_1553 = tpu.memref_squeeze %gather3A_1552 : memref<1x1x32x128xf32, #tpu.memory_space<vmem>> -> memref<32x128xf32, #tpu.memory_space<vmem>>
      %gather3A_1554 = tpu.vector_load_idx %gather3A_1553[%iota3A, %add3A_1543] : memref<32x128xf32, #tpu.memory_space<vmem>>[vector<16xi32>, vector<16xi32>], vector<16xf32>,
      %add3A_1555 = arith.constant 16 : i32
      %add3A_1556 = vector.broadcast %add3A_1555 : i32 to vector<16xi32>
      %add3A_1557 = arith.addi %iota3A, %add3A_1556 : vector<16xi32>
      %gather3A_1558 = arith.constant 0 : i32
      %gather3A_1559 = arith.constant 0 : i32
      %gather3A_1560 = arith.constant 0 : i32
      %gather3A_1561 = arith.constant 0 : i32
      %gather3A_1562 = tpu.memref_slice %arg11[%gather3A_1558, %gather3A_1559, %gather3A_1560, %gather3A_1561] : memref<2x4x32x128xf32, #tpu.memory_space<vmem>> -> memref<1x1x32x128xf32, #tpu.memory_space<vmem>>
      %gather3A_1563 = tpu.memref_squeeze %gather3A_1562 : memref<1x1x32x128xf32, #tpu.memory_space<vmem>> -> memref<32x128xf32, #tpu.memory_space<vmem>>
      %gather3A_1564 = tpu.vector_load_idx %gather3A_1563[%add3A_1557, %add3A_1543] : memref<32x128xf32, #tpu.memory_space<vmem>>[vector<16xi32>, vector<16xi32>], vector<16xf32>,
      %gather3A_1565 = arith.constant 0 : i32
      %gather3A_1566 = arith.constant 0 : i32
      %gather3A_1567 = arith.constant 0 : i32
      %gather3A_1568 = arith.constant 0 : i32
      %gather3A_1569 = tpu.memref_slice %arg12[%gather3A_1565, %gather3A_1566, %gather3A_1567, %gather3A_1568] : memref<2x4x32x128xf32, #tpu.memory_space<vmem>> -> memref<1x1x32x128xf32, #tpu.memory_space<vmem>>
      %gather3A_1570 = tpu.memref_squeeze %gather3A_1569 : memref<1x1x32x128xf32, #tpu.memory_space<vmem>> -> memref<32x128xf32, #tpu.memory_space<vmem>>
      %gather3A_1571 = tpu.vector_load_idx %gather3A_1570[%iota3A, %add3A_1547] : memref<32x128xf32, #tpu.memory_space<vmem>>[vector<16xi32>, vector<16xi32>], vector<16xf32>,
      %add3A_1572 = arith.constant 16 : i32
      %add3A_1573 = vector.broadcast %add3A_1572 : i32 to vector<16xi32>
      %add3A_1574 = arith.addi %iota3A, %add3A_1573 : vector<16xi32>
      %gather3A_1575 = arith.constant 0 : i32
      %gather3A_1576 = arith.constant 0 : i32
      %gather3A_1577 = arith.constant 0 : i32
      %gather3A_1578 = arith.constant 0 : i32
      %gather3A_1579 = tpu.memref_slice %arg12[%gather3A_1575, %gather3A_1576, %gather3A_1577, %gather3A_1578] : memref<2x4x32x128xf32, #tpu.memory_space<vmem>> -> memref<1x1x32x128xf32, #tpu.memory_space<vmem>>
      %gather3A_1580 = tpu.memref_squeeze %gather3A_1579 : memref<1x1x32x128xf32, #tpu.memory_space<vmem>> -> memref<32x128xf32, #tpu.memory_space<vmem>>
      %gather3A_1581 = tpu.vector_load_idx %gather3A_1580[%add3A_1574, %add3A_1547] : memref<32x128xf32, #tpu.memory_space<vmem>>[vector<16xi32>, vector<16xi32>], vector<16xf32>,
      %mul3A_1582 = arith.mulf %gather3A_1554, %gather3A_1571 : vector<16xf32>
      %mul3A_1583 = arith.mulf %gather3A_1564, %gather3A_1581 : vector<16xf32>
      %add3A_1584 = arith.addf %mul3A_1582, %mul3A_1583 : vector<16xf32>
      %swap3A_1585 = arith.constant 0 : i32
      %swap3A_1586 = arith.index_cast %swap3A_1585 : i32 to index
      %swap3A_1587 = arith.constant 0 : index
      %swap3A_1588 = tpu.vector_load %arg13[%swap3A_1586, %swap3A_1587] {strides = array<i32>} : memref<16x16xf32, #tpu.memory_space<vmem>>, vector<16xf32>,
      tpu.vector_store %arg13[%swap3A_1586, %swap3A_1587], %add3A_1584 {strides = array<i32>} : memref<16x16xf32, #tpu.memory_space<vmem>>, vector<16xf32>,
      %slice3A_1589 = vector.extract_strided_slice %get3A_1006 {offsets = [1], sizes = [1], strides = [1]} : vector<16xi32> to vector<1xi32>
      %squeeze3A_1590 = vector.extract %slice3A_1589[0] : i32 from vector<1xi32>
      %add3A_1591 = vector.broadcast %squeeze3A_1590 : i32 to vector<16xi32>
      %add3A_1592 = arith.addi %add3A_1591, %broadcast_in_dim3A_5 : vector<16xi32>
      %slice3A_1593 = vector.extract_strided_slice %get3A_1008 {offsets = [1], sizes = [1], strides = [1]} : vector<16xi32> to vector<1xi32>
      %squeeze3A_1594 = vector.extract %slice3A_1593[0] : i32 from vector<1xi32>
      %add3A_1595 = vector.broadcast %squeeze3A_1594 : i32 to vector<16xi32>
      %add3A_1596 = arith.addi %add3A_1595, %broadcast_in_dim3A_5 : vector<16xi32>
      %gather3A_1597 = arith.constant 0 : i32
      %gather3A_1598 = arith.constant 1 : i32
      %gather3A_1599 = arith.constant 0 : i32
      %gather3A_1600 = arith.constant 0 : i32
      %gather3A_1601 = tpu.memref_slice %arg11[%gather3A_1597, %gather3A_1598, %gather3A_1599, %gather3A_1600] : memref<2x4x32x128xf32, #tpu.memory_space<vmem>> -> memref<1x1x32x128xf32, #tpu.memory_space<vmem>>
      %gather3A_1602 = tpu.memref_squeeze %gather3A_1601 : memref<1x1x32x128xf32, #tpu.memory_space<vmem>> -> memref<32x128xf32, #tpu.memory_space<vmem>>
      %gather3A_1603 = tpu.vector_load_idx %gather3A_1602[%iota3A, %add3A_1592] : memref<32x128xf32, #tpu.memory_space<vmem>>[vector<16xi32>, vector<16xi32>], vector<16xf32>,
      %add3A_1604 = arith.constant 16 : i32
      %add3A_1605 = vector.broadcast %add3A_1604 : i32 to vector<16xi32>
      %add3A_1606 = arith.addi %iota3A, %add3A_1605 : vector<16xi32>
      %gather3A_1607 = arith.constant 0 : i32
      %gather3A_1608 = arith.constant 1 : i32
      %gather3A_1609 = arith.constant 0 : i32
      %gather3A_1610 = arith.constant 0 : i32
      %gather3A_1611 = tpu.memref_slice %arg11[%gather3A_1607, %gather3A_1608, %gather3A_1609, %gather3A_1610] : memref<2x4x32x128xf32, #tpu.memory_space<vmem>> -> memref<1x1x32x128xf32, #tpu.memory_space<vmem>>
      %gather3A_1612 = tpu.memref_squeeze %gather3A_1611 : memref<1x1x32x128xf32, #tpu.memory_space<vmem>> -> memref<32x128xf32, #tpu.memory_space<vmem>>
      %gather3A_1613 = tpu.vector_load_idx %gather3A_1612[%add3A_1606, %add3A_1592] : memref<32x128xf32, #tpu.memory_space<vmem>>[vector<16xi32>, vector<16xi32>], vector<16xf32>,
      %gather3A_1614 = arith.constant 0 : i32
      %gather3A_1615 = arith.constant 1 : i32
      %gather3A_1616 = arith.constant 0 : i32
      %gather3A_1617 = arith.constant 0 : i32
      %gather3A_1618 = tpu.memref_slice %arg12[%gather3A_1614, %gather3A_1615, %gather3A_1616, %gather3A_1617] : memref<2x4x32x128xf32, #tpu.memory_space<vmem>> -> memref<1x1x32x128xf32, #tpu.memory_space<vmem>>
      %gather3A_1619 = tpu.memref_squeeze %gather3A_1618 : memref<1x1x32x128xf32, #tpu.memory_space<vmem>> -> memref<32x128xf32, #tpu.memory_space<vmem>>
      %gather3A_1620 = tpu.vector_load_idx %gather3A_1619[%iota3A, %add3A_1596] : memref<32x128xf32, #tpu.memory_space<vmem>>[vector<16xi32>, vector<16xi32>], vector<16xf32>,
      %add3A_1621 = arith.constant 16 : i32
      %add3A_1622 = vector.broadcast %add3A_1621 : i32 to vector<16xi32>
      %add3A_1623 = arith.addi %iota3A, %add3A_1622 : vector<16xi32>
      %gather3A_1624 = arith.constant 0 : i32
      %gather3A_1625 = arith.constant 1 : i32
      %gather3A_1626 = arith.constant 0 : i32
      %gather3A_1627 = arith.constant 0 : i32
      %gather3A_1628 = tpu.memref_slice %arg12[%gather3A_1624, %gather3A_1625, %gather3A_1626, %gather3A_1627] : memref<2x4x32x128xf32, #tpu.memory_space<vmem>> -> memref<1x1x32x128xf32, #tpu.memory_space<vmem>>
      %gather3A_1629 = tpu.memref_squeeze %gather3A_1628 : memref<1x1x32x128xf32, #tpu.memory_space<vmem>> -> memref<32x128xf32, #tpu.memory_space<vmem>>
      %gather3A_1630 = tpu.vector_load_idx %gather3A_1629[%add3A_1623, %add3A_1596] : memref<32x128xf32, #tpu.memory_space<vmem>>[vector<16xi32>, vector<16xi32>], vector<16xf32>,
      %mul3A_1631 = arith.mulf %gather3A_1603, %gather3A_1620 : vector<16xf32>
      %mul3A_1632 = arith.mulf %gather3A_1613, %gather3A_1630 : vector<16xf32>
      %add3A_1633 = arith.addf %mul3A_1631, %mul3A_1632 : vector<16xf32>
      %swap3A_1634 = arith.constant 1 : i32
      %swap3A_1635 = arith.index_cast %swap3A_1634 : i32 to index
      %swap3A_1636 = arith.constant 0 : index
      %swap3A_1637 = tpu.vector_load %arg13[%swap3A_1635, %swap3A_1636] {strides = array<i32>} : memref<16x16xf32, #tpu.memory_space<vmem>>, vector<16xf32>,
      tpu.vector_store %arg13[%swap3A_1635, %swap3A_1636], %add3A_1633 {strides = array<i32>} : memref<16x16xf32, #tpu.memory_space<vmem>>, vector<16xf32>,
      %slice3A_1638 = vector.extract_strided_slice %get3A_1006 {offsets = [2], sizes = [1], strides = [1]} : vector<16xi32> to vector<1xi32>
      %squeeze3A_1639 = vector.extract %slice3A_1638[0] : i32 from vector<1xi32>
      %add3A_1640 = vector.broadcast %squeeze3A_1639 : i32 to vector<16xi32>
      %add3A_1641 = arith.addi %add3A_1640, %broadcast_in_dim3A_5 : vector<16xi32>
      %slice3A_1642 = vector.extract_strided_slice %get3A_1008 {offsets = [2], sizes = [1], strides = [1]} : vector<16xi32> to vector<1xi32>
      %squeeze3A_1643 = vector.extract %slice3A_1642[0] : i32 from vector<1xi32>
      %add3A_1644 = vector.broadcast %squeeze3A_1643 : i32 to vector<16xi32>
      %add3A_1645 = arith.addi %add3A_1644, %broadcast_in_dim3A_5 : vector<16xi32>
      %gather3A_1646 = arith.constant 0 : i32
      %gather3A_1647 = arith.constant 2 : i32
      %gather3A_1648 = arith.constant 0 : i32
      %gather3A_1649 = arith.constant 0 : i32
      %gather3A_1650 = tpu.memref_slice %arg11[%gather3A_1646, %gather3A_1647, %gather3A_1648, %gather3A_1649] : memref<2x4x32x128xf32, #tpu.memory_space<vmem>> -> memref<1x1x32x128xf32, #tpu.memory_space<vmem>>
      %gather3A_1651 = tpu.memref_squeeze %gather3A_1650 : memref<1x1x32x128xf32, #tpu.memory_space<vmem>> -> memref<32x128xf32, #tpu.memory_space<vmem>>
      %gather3A_1652 = tpu.vector_load_idx %gather3A_1651[%iota3A, %add3A_1641] : memref<32x128xf32, #tpu.memory_space<vmem>>[vector<16xi32>, vector<16xi32>], vector<16xf32>,
      %add3A_1653 = arith.constant 16 : i32
      %add3A_1654 = vector.broadcast %add3A_1653 : i32 to vector<16xi32>
      %add3A_1655 = arith.addi %iota3A, %add3A_1654 : vector<16xi32>
      %gather3A_1656 = arith.constant 0 : i32
      %gather3A_1657 = arith.constant 2 : i32
      %gather3A_1658 = arith.constant 0 : i32
      %gather3A_1659 = arith.constant 0 : i32
      %gather3A_1660 = tpu.memref_slice %arg11[%gather3A_1656, %gather3A_1657, %gather3A_1658, %gather3A_1659] : memref<2x4x32x128xf32, #tpu.memory_space<vmem>> -> memref<1x1x32x128xf32, #tpu.memory_space<vmem>>
      %gather3A_1661 = tpu.memref_squeeze %gather3A_1660 : memref<1x1x32x128xf32, #tpu.memory_space<vmem>> -> memref<32x128xf32, #tpu.memory_space<vmem>>
      %gather3A_1662 = tpu.vector_load_idx %gather3A_1661[%add3A_1655, %add3A_1641] : memref<32x128xf32, #tpu.memory_space<vmem>>[vector<16xi32>, vector<16xi32>], vector<16xf32>,
      %gather3A_1663 = arith.constant 0 : i32
      %gather3A_1664 = arith.constant 2 : i32
      %gather3A_1665 = arith.constant 0 : i32
      %gather3A_1666 = arith.constant 0 : i32
      %gather3A_1667 = tpu.memref_slice %arg12[%gather3A_1663, %gather3A_1664, %gather3A_1665, %gather3A_1666] : memref<2x4x32x128xf32, #tpu.memory_space<vmem>> -> memref<1x1x32x128xf32, #tpu.memory_space<vmem>>
      %gather3A_1668 = tpu.memref_squeeze %gather3A_1667 : memref<1x1x32x128xf32, #tpu.memory_space<vmem>> -> memref<32x128xf32, #tpu.memory_space<vmem>>
      %gather3A_1669 = tpu.vector_load_idx %gather3A_1668[%iota3A, %add3A_1645] : memref<32x128xf32, #tpu.memory_space<vmem>>[vector<16xi32>, vector<16xi32>], vector<16xf32>,
      %add3A_1670 = arith.constant 16 : i32
      %add3A_1671 = vector.broadcast %add3A_1670 : i32 to vector<16xi32>
      %add3A_1672 = arith.addi %iota3A, %add3A_1671 : vector<16xi32>
      %gather3A_1673 = arith.constant 0 : i32
      %gather3A_1674 = arith.constant 2 : i32
      %gather3A_1675 = arith.constant 0 : i32
      %gather3A_1676 = arith.constant 0 : i32
      %gather3A_1677 = tpu.memref_slice %arg12[%gather3A_1673, %gather3A_1674, %gather3A_1675, %gather3A_1676] : memref<2x4x32x128xf32, #tpu.memory_space<vmem>> -> memref<1x1x32x128xf32, #tpu.memory_space<vmem>>
      %gather3A_1678 = tpu.memref_squeeze %gather3A_1677 : memref<1x1x32x128xf32, #tpu.memory_space<vmem>> -> memref<32x128xf32, #tpu.memory_space<vmem>>
      %gather3A_1679 = tpu.vector_load_idx %gather3A_1678[%add3A_1672, %add3A_1645] : memref<32x128xf32, #tpu.memory_space<vmem>>[vector<16xi32>, vector<16xi32>], vector<16xf32>,
      %mul3A_1680 = arith.mulf %gather3A_1652, %gather3A_1669 : vector<16xf32>
      %mul3A_1681 = arith.mulf %gather3A_1662, %gather3A_1679 : vector<16xf32>
      %add3A_1682 = arith.addf %mul3A_1680, %mul3A_1681 : vector<16xf32>
      %swap3A_1683 = arith.constant 2 : i32
      %swap3A_1684 = arith.index_cast %swap3A_1683 : i32 to index
      %swap3A_1685 = arith.constant 0 : index
      %swap3A_1686 = tpu.vector_load %arg13[%swap3A_1684, %swap3A_1685] {strides = array<i32>} : memref<16x16xf32, #tpu.memory_space<vmem>>, vector<16xf32>,
      tpu.vector_store %arg13[%swap3A_1684, %swap3A_1685], %add3A_1682 {strides = array<i32>} : memref<16x16xf32, #tpu.memory_space<vmem>>, vector<16xf32>,
      %slice3A_1687 = vector.extract_strided_slice %get3A_1006 {offsets = [3], sizes = [1], strides = [1]} : vector<16xi32> to vector<1xi32>
      %squeeze3A_1688 = vector.extract %slice3A_1687[0] : i32 from vector<1xi32>
      %add3A_1689 = vector.broadcast %squeeze3A_1688 : i32 to vector<16xi32>
      %add3A_1690 = arith.addi %add3A_1689, %broadcast_in_dim3A_5 : vector<16xi32>
      %slice3A_1691 = vector.extract_strided_slice %get3A_1008 {offsets = [3], sizes = [1], strides = [1]} : vector<16xi32> to vector<1xi32>
      %squeeze3A_1692 = vector.extract %slice3A_1691[0] : i32 from vector<1xi32>
      %add3A_1693 = vector.broadcast %squeeze3A_1692 : i32 to vector<16xi32>
      %add3A_1694 = arith.addi %add3A_1693, %broadcast_in_dim3A_5 : vector<16xi32>
      %gather3A_1695 = arith.constant 0 : i32
      %gather3A_1696 = arith.constant 3 : i32
      %gather3A_1697 = arith.constant 0 : i32
      %gather3A_1698 = arith.constant 0 : i32
      %gather3A_1699 = tpu.memref_slice %arg11[%gather3A_1695, %gather3A_1696, %gather3A_1697, %gather3A_1698] : memref<2x4x32x128xf32, #tpu.memory_space<vmem>> -> memref<1x1x32x128xf32, #tpu.memory_space<vmem>>
      %gather3A_1700 = tpu.memref_squeeze %gather3A_1699 : memref<1x1x32x128xf32, #tpu.memory_space<vmem>> -> memref<32x128xf32, #tpu.memory_space<vmem>>
      %gather3A_1701 = tpu.vector_load_idx %gather3A_1700[%iota3A, %add3A_1690] : memref<32x128xf32, #tpu.memory_space<vmem>>[vector<16xi32>, vector<16xi32>], vector<16xf32>,
      %add3A_1702 = arith.constant 16 : i32
      %add3A_1703 = vector.broadcast %add3A_1702 : i32 to vector<16xi32>
      %add3A_1704 = arith.addi %iota3A, %add3A_1703 : vector<16xi32>
      %gather3A_1705 = arith.constant 0 : i32
      %gather3A_1706 = arith.constant 3 : i32
      %gather3A_1707 = arith.constant 0 : i32
      %gather3A_1708 = arith.constant 0 : i32
      %gather3A_1709 = tpu.memref_slice %arg11[%gather3A_1705, %gather3A_1706, %gather3A_1707, %gather3A_1708] : memref<2x4x32x128xf32, #tpu.memory_space<vmem>> -> memref<1x1x32x128xf32, #tpu.memory_space<vmem>>
      %gather3A_1710 = tpu.memref_squeeze %gather3A_1709 : memref<1x1x32x128xf32, #tpu.memory_space<vmem>> -> memref<32x128xf32, #tpu.memory_space<vmem>>
      %gather3A_1711 = tpu.vector_load_idx %gather3A_1710[%add3A_1704, %add3A_1690] : memref<32x128xf32, #tpu.memory_space<vmem>>[vector<16xi32>, vector<16xi32>], vector<16xf32>,
      %gather3A_1712 = arith.constant 0 : i32
      %gather3A_1713 = arith.constant 3 : i32
      %gather3A_1714 = arith.constant 0 : i32
      %gather3A_1715 = arith.constant 0 : i32
      %gather3A_1716 = tpu.memref_slice %arg12[%gather3A_1712, %gather3A_1713, %gather3A_1714, %gather3A_1715] : memref<2x4x32x128xf32, #tpu.memory_space<vmem>> -> memref<1x1x32x128xf32, #tpu.memory_space<vmem>>
      %gather3A_1717 = tpu.memref_squeeze %gather3A_1716 : memref<1x1x32x128xf32, #tpu.memory_space<vmem>> -> memref<32x128xf32, #tpu.memory_space<vmem>>
      %gather3A_1718 = tpu.vector_load_idx %gather3A_1717[%iota3A, %add3A_1694] : memref<32x128xf32, #tpu.memory_space<vmem>>[vector<16xi32>, vector<16xi32>], vector<16xf32>,
      %add3A_1719 = arith.constant 16 : i32
      %add3A_1720 = vector.broadcast %add3A_1719 : i32 to vector<16xi32>
      %add3A_1721 = arith.addi %iota3A, %add3A_1720 : vector<16xi32>
      %gather3A_1722 = arith.constant 0 : i32
      %gather3A_1723 = arith.constant 3 : i32
      %gather3A_1724 = arith.constant 0 : i32
      %gather3A_1725 = arith.constant 0 : i32
      %gather3A_1726 = tpu.memref_slice %arg12[%gather3A_1722, %gather3A_1723, %gather3A_1724, %gather3A_1725] : memref<2x4x32x128xf32, #tpu.memory_space<vmem>> -> memref<1x1x32x128xf32, #tpu.memory_space<vmem>>
      %gather3A_1727 = tpu.memref_squeeze %gather3A_1726 : memref<1x1x32x128xf32, #tpu.memory_space<vmem>> -> memref<32x128xf32, #tpu.memory_space<vmem>>
      %gather3A_1728 = tpu.vector_load_idx %gather3A_1727[%add3A_1721, %add3A_1694] : memref<32x128xf32, #tpu.memory_space<vmem>>[vector<16xi32>, vector<16xi32>], vector<16xf32>,
      %mul3A_1729 = arith.mulf %gather3A_1701, %gather3A_1718 : vector<16xf32>
      %mul3A_1730 = arith.mulf %gather3A_1711, %gather3A_1728 : vector<16xf32>
      %add3A_1731 = arith.addf %mul3A_1729, %mul3A_1730 : vector<16xf32>
      %swap3A_1732 = arith.constant 3 : i32
      %swap3A_1733 = arith.index_cast %swap3A_1732 : i32 to index
      %swap3A_1734 = arith.constant 0 : index
      %swap3A_1735 = tpu.vector_load %arg13[%swap3A_1733, %swap3A_1734] {strides = array<i32>} : memref<16x16xf32, #tpu.memory_space<vmem>>, vector<16xf32>,
      tpu.vector_store %arg13[%swap3A_1733, %swap3A_1734], %add3A_1731 {strides = array<i32>} : memref<16x16xf32, #tpu.memory_space<vmem>>, vector<16xf32>,
      %dma_wait3A_1736 = arith.constant 1 : i32
      %dma_wait3A_1737 = arith.constant 0 : i32
      %dma_wait3A_1738 = arith.constant 0 : i32
      %dma_wait3A_1739 = arith.constant 0 : i32
      %dma_wait3A_1740 = tpu.memref_slice %arg11[%dma_wait3A_1736, %dma_wait3A_1737, %dma_wait3A_1738, %dma_wait3A_1739] : memref<2x4x32x128xf32, #tpu.memory_space<vmem>> -> memref<1x1x32x128xf32, #tpu.memory_space<vmem>>
      %dma_wait3A_1741 = tpu.memref_squeeze %dma_wait3A_1740 : memref<1x1x32x128xf32, #tpu.memory_space<vmem>> -> memref<32x128xf32, #tpu.memory_space<vmem>>
      %dma_wait3A_1742 = arith.constant 0 : i32
      %dma_wait3A_1743 = arith.constant 0 : i32
      %dma_wait3A_1744 = tpu.memref_slice %arg3[%dma_wait3A_1742, %dma_wait3A_1743] : memref<32x1000000xf32, #tpu.memory_space<hbm>> -> memref<32x128xf32, #tpu.memory_space<hbm>>
      %dma_wait3A_1745 = arith.constant 0 : i32
      %dma_wait3A_1746 = arith.constant 0 : i32
      %dma_wait3A_1747 = tpu.memref_slice %arg11[%dma_wait3A_1736, %dma_wait3A_1737, %dma_wait3A_1745, %dma_wait3A_1746] : memref<2x4x32x128xf32, #tpu.memory_space<vmem>> -> memref<1x1x32x128xf32, #tpu.memory_space<vmem>>
      %dma_wait3A_1748 = tpu.memref_squeeze %dma_wait3A_1747 : memref<1x1x32x128xf32, #tpu.memory_space<vmem>> -> memref<32x128xf32, #tpu.memory_space<vmem>>
      %dma_wait3A_1749 = arith.constant 0 : i32
      %dma_wait3A_1750 = arith.constant 0 : i32
      %dma_wait3A_1751 = tpu.memref_slice %arg3[%dma_wait3A_1749, %dma_wait3A_1750] : memref<32x1000000xf32, #tpu.memory_space<hbm>> -> memref<32x128xf32, #tpu.memory_space<hbm>>
      tpu.wait_dma2 semaphore(%arg16 : memref<!tpu.dma_semaphore, #tpu.memory_space<semaphore_mem>>) src(%dma_wait3A_1751 : memref<32x128xf32, #tpu.memory_space<hbm>>) dst(%dma_wait3A_1748 : memref<32x128xf32, #tpu.memory_space<vmem>>)
      %dma_wait3A_1752 = arith.constant 1 : i32
      %dma_wait3A_1753 = arith.constant 0 : i32
      %dma_wait3A_1754 = arith.constant 0 : i32
      %dma_wait3A_1755 = arith.constant 0 : i32
      %dma_wait3A_1756 = tpu.memref_slice %arg12[%dma_wait3A_1752, %dma_wait3A_1753, %dma_wait3A_1754, %dma_wait3A_1755] : memref<2x4x32x128xf32, #tpu.memory_space<vmem>> -> memref<1x1x32x128xf32, #tpu.memory_space<vmem>>
      %dma_wait3A_1757 = tpu.memref_squeeze %dma_wait3A_1756 : memref<1x1x32x128xf32, #tpu.memory_space<vmem>> -> memref<32x128xf32, #tpu.memory_space<vmem>>
      %dma_wait3A_1758 = arith.constant 0 : i32
      %dma_wait3A_1759 = arith.constant 0 : i32
      %dma_wait3A_1760 = tpu.memref_slice %arg4[%dma_wait3A_1758, %dma_wait3A_1759] : memref<32x1000000xf32, #tpu.memory_space<hbm>> -> memref<32x128xf32, #tpu.memory_space<hbm>>
      %dma_wait3A_1761 = arith.constant 0 : i32
      %dma_wait3A_1762 = arith.constant 0 : i32
      %dma_wait3A_1763 = tpu.memref_slice %arg12[%dma_wait3A_1752, %dma_wait3A_1753, %dma_wait3A_1761, %dma_wait3A_1762] : memref<2x4x32x128xf32, #tpu.memory_space<vmem>> -> memref<1x1x32x128xf32, #tpu.memory_space<vmem>>
      %dma_wait3A_1764 = tpu.memref_squeeze %dma_wait3A_1763 : memref<1x1x32x128xf32, #tpu.memory_space<vmem>> -> memref<32x128xf32, #tpu.memory_space<vmem>>
      %dma_wait3A_1765 = arith.constant 0 : i32
      %dma_wait3A_1766 = arith.constant 0 : i32
      %dma_wait3A_1767 = tpu.memref_slice %arg4[%dma_wait3A_1765, %dma_wait3A_1766] : memref<32x1000000xf32, #tpu.memory_space<hbm>> -> memref<32x128xf32, #tpu.memory_space<hbm>>
      tpu.wait_dma2 semaphore(%arg18 : memref<!tpu.dma_semaphore, #tpu.memory_space<semaphore_mem>>) src(%dma_wait3A_1767 : memref<32x128xf32, #tpu.memory_space<hbm>>) dst(%dma_wait3A_1764 : memref<32x128xf32, #tpu.memory_space<vmem>>)
      %dma_wait3A_1768 = arith.constant 1 : i32
      %dma_wait3A_1769 = arith.constant 1 : i32
      %dma_wait3A_1770 = arith.constant 0 : i32
      %dma_wait3A_1771 = arith.constant 0 : i32
      %dma_wait3A_1772 = tpu.memref_slice %arg11[%dma_wait3A_1768, %dma_wait3A_1769, %dma_wait3A_1770, %dma_wait3A_1771] : memref<2x4x32x128xf32, #tpu.memory_space<vmem>> -> memref<1x1x32x128xf32, #tpu.memory_space<vmem>>
      %dma_wait3A_1773 = tpu.memref_squeeze %dma_wait3A_1772 : memref<1x1x32x128xf32, #tpu.memory_space<vmem>> -> memref<32x128xf32, #tpu.memory_space<vmem>>
      %dma_wait3A_1774 = arith.constant 0 : i32
      %dma_wait3A_1775 = arith.constant 0 : i32
      %dma_wait3A_1776 = tpu.memref_slice %arg3[%dma_wait3A_1774, %dma_wait3A_1775] : memref<32x1000000xf32, #tpu.memory_space<hbm>> -> memref<32x128xf32, #tpu.memory_space<hbm>>
      %dma_wait3A_1777 = arith.constant 0 : i32
      %dma_wait3A_1778 = arith.constant 0 : i32
      %dma_wait3A_1779 = tpu.memref_slice %arg11[%dma_wait3A_1768, %dma_wait3A_1769, %dma_wait3A_1777, %dma_wait3A_1778] : memref<2x4x32x128xf32, #tpu.memory_space<vmem>> -> memref<1x1x32x128xf32, #tpu.memory_space<vmem>>
      %dma_wait3A_1780 = tpu.memref_squeeze %dma_wait3A_1779 : memref<1x1x32x128xf32, #tpu.memory_space<vmem>> -> memref<32x128xf32, #tpu.memory_space<vmem>>
      %dma_wait3A_1781 = arith.constant 0 : i32
      %dma_wait3A_1782 = arith.constant 0 : i32
      %dma_wait3A_1783 = tpu.memref_slice %arg3[%dma_wait3A_1781, %dma_wait3A_1782] : memref<32x1000000xf32, #tpu.memory_space<hbm>> -> memref<32x128xf32, #tpu.memory_space<hbm>>
      tpu.wait_dma2 semaphore(%arg16 : memref<!tpu.dma_semaphore, #tpu.memory_space<semaphore_mem>>) src(%dma_wait3A_1783 : memref<32x128xf32, #tpu.memory_space<hbm>>) dst(%dma_wait3A_1780 : memref<32x128xf32, #tpu.memory_space<vmem>>)
      %dma_wait3A_1784 = arith.constant 1 : i32
      %dma_wait3A_1785 = arith.constant 1 : i32
      %dma_wait3A_1786 = arith.constant 0 : i32
      %dma_wait3A_1787 = arith.constant 0 : i32
      %dma_wait3A_1788 = tpu.memref_slice %arg12[%dma_wait3A_1784, %dma_wait3A_1785, %dma_wait3A_1786, %dma_wait3A_1787] : memref<2x4x32x128xf32, #tpu.memory_space<vmem>> -> memref<1x1x32x128xf32, #tpu.memory_space<vmem>>
      %dma_wait3A_1789 = tpu.memref_squeeze %dma_wait3A_1788 : memref<1x1x32x128xf32, #tpu.memory_space<vmem>> -> memref<32x128xf32, #tpu.memory_space<vmem>>
      %dma_wait3A_1790 = arith.constant 0 : i32
      %dma_wait3A_1791 = arith.constant 0 : i32
      %dma_wait3A_1792 = tpu.memref_slice %arg4[%dma_wait3A_1790, %dma_wait3A_1791] : memref<32x1000000xf32, #tpu.memory_space<hbm>> -> memref<32x128xf32, #tpu.memory_space<hbm>>
      %dma_wait3A_1793 = arith.constant 0 : i32
      %dma_wait3A_1794 = arith.constant 0 : i32
      %dma_wait3A_1795 = tpu.memref_slice %arg12[%dma_wait3A_1784, %dma_wait3A_1785, %dma_wait3A_1793, %dma_wait3A_1794] : memref<2x4x32x128xf32, #tpu.memory_space<vmem>> -> memref<1x1x32x128xf32, #tpu.memory_space<vmem>>
      %dma_wait3A_1796 = tpu.memref_squeeze %dma_wait3A_1795 : memref<1x1x32x128xf32, #tpu.memory_space<vmem>> -> memref<32x128xf32, #tpu.memory_space<vmem>>
      %dma_wait3A_1797 = arith.constant 0 : i32
      %dma_wait3A_1798 = arith.constant 0 : i32
      %dma_wait3A_1799 = tpu.memref_slice %arg4[%dma_wait3A_1797, %dma_wait3A_1798] : memref<32x1000000xf32, #tpu.memory_space<hbm>> -> memref<32x128xf32, #tpu.memory_space<hbm>>
      tpu.wait_dma2 semaphore(%arg18 : memref<!tpu.dma_semaphore, #tpu.memory_space<semaphore_mem>>) src(%dma_wait3A_1799 : memref<32x128xf32, #tpu.memory_space<hbm>>) dst(%dma_wait3A_1796 : memref<32x128xf32, #tpu.memory_space<vmem>>)
      %dma_wait3A_1800 = arith.constant 1 : i32
      %dma_wait3A_1801 = arith.constant 2 : i32
      %dma_wait3A_1802 = arith.constant 0 : i32
      %dma_wait3A_1803 = arith.constant 0 : i32
      %dma_wait3A_1804 = tpu.memref_slice %arg11[%dma_wait3A_1800, %dma_wait3A_1801, %dma_wait3A_1802, %dma_wait3A_1803] : memref<2x4x32x128xf32, #tpu.memory_space<vmem>> -> memref<1x1x32x128xf32, #tpu.memory_space<vmem>>
      %dma_wait3A_1805 = tpu.memref_squeeze %dma_wait3A_1804 : memref<1x1x32x128xf32, #tpu.memory_space<vmem>> -> memref<32x128xf32, #tpu.memory_space<vmem>>
      %dma_wait3A_1806 = arith.constant 0 : i32
      %dma_wait3A_1807 = arith.constant 0 : i32
      %dma_wait3A_1808 = tpu.memref_slice %arg3[%dma_wait3A_1806, %dma_wait3A_1807] : memref<32x1000000xf32, #tpu.memory_space<hbm>> -> memref<32x128xf32, #tpu.memory_space<hbm>>
      %dma_wait3A_1809 = arith.constant 0 : i32
      %dma_wait3A_1810 = arith.constant 0 : i32
      %dma_wait3A_1811 = tpu.memref_slice %arg11[%dma_wait3A_1800, %dma_wait3A_1801, %dma_wait3A_1809, %dma_wait3A_1810] : memref<2x4x32x128xf32, #tpu.memory_space<vmem>> -> memref<1x1x32x128xf32, #tpu.memory_space<vmem>>
      %dma_wait3A_1812 = tpu.memref_squeeze %dma_wait3A_1811 : memref<1x1x32x128xf32, #tpu.memory_space<vmem>> -> memref<32x128xf32, #tpu.memory_space<vmem>>
      %dma_wait3A_1813 = arith.constant 0 : i32
      %dma_wait3A_1814 = arith.constant 0 : i32
      %dma_wait3A_1815 = tpu.memref_slice %arg3[%dma_wait3A_1813, %dma_wait3A_1814] : memref<32x1000000xf32, #tpu.memory_space<hbm>> -> memref<32x128xf32, #tpu.memory_space<hbm>>
      tpu.wait_dma2 semaphore(%arg16 : memref<!tpu.dma_semaphore, #tpu.memory_space<semaphore_mem>>) src(%dma_wait3A_1815 : memref<32x128xf32, #tpu.memory_space<hbm>>) dst(%dma_wait3A_1812 : memref<32x128xf32, #tpu.memory_space<vmem>>)
      %dma_wait3A_1816 = arith.constant 1 : i32
      %dma_wait3A_1817 = arith.constant 2 : i32
      %dma_wait3A_1818 = arith.constant 0 : i32
      %dma_wait3A_1819 = arith.constant 0 : i32
      %dma_wait3A_1820 = tpu.memref_slice %arg12[%dma_wait3A_1816, %dma_wait3A_1817, %dma_wait3A_1818, %dma_wait3A_1819] : memref<2x4x32x128xf32, #tpu.memory_space<vmem>> -> memref<1x1x32x128xf32, #tpu.memory_space<vmem>>
      %dma_wait3A_1821 = tpu.memref_squeeze %dma_wait3A_1820 : memref<1x1x32x128xf32, #tpu.memory_space<vmem>> -> memref<32x128xf32, #tpu.memory_space<vmem>>
      %dma_wait3A_1822 = arith.constant 0 : i32
      %dma_wait3A_1823 = arith.constant 0 : i32
      %dma_wait3A_1824 = tpu.memref_slice %arg4[%dma_wait3A_1822, %dma_wait3A_1823] : memref<32x1000000xf32, #tpu.memory_space<hbm>> -> memref<32x128xf32, #tpu.memory_space<hbm>>
      %dma_wait3A_1825 = arith.constant 0 : i32
      %dma_wait3A_1826 = arith.constant 0 : i32
      %dma_wait3A_1827 = tpu.memref_slice %arg12[%dma_wait3A_1816, %dma_wait3A_1817, %dma_wait3A_1825, %dma_wait3A_1826] : memref<2x4x32x128xf32, #tpu.memory_space<vmem>> -> memref<1x1x32x128xf32, #tpu.memory_space<vmem>>
      %dma_wait3A_1828 = tpu.memref_squeeze %dma_wait3A_1827 : memref<1x1x32x128xf32, #tpu.memory_space<vmem>> -> memref<32x128xf32, #tpu.memory_space<vmem>>
      %dma_wait3A_1829 = arith.constant 0 : i32
      %dma_wait3A_1830 = arith.constant 0 : i32
      %dma_wait3A_1831 = tpu.memref_slice %arg4[%dma_wait3A_1829, %dma_wait3A_1830] : memref<32x1000000xf32, #tpu.memory_space<hbm>> -> memref<32x128xf32, #tpu.memory_space<hbm>>
      tpu.wait_dma2 semaphore(%arg18 : memref<!tpu.dma_semaphore, #tpu.memory_space<semaphore_mem>>) src(%dma_wait3A_1831 : memref<32x128xf32, #tpu.memory_space<hbm>>) dst(%dma_wait3A_1828 : memref<32x128xf32, #tpu.memory_space<vmem>>)
      %dma_wait3A_1832 = arith.constant 1 : i32
      %dma_wait3A_1833 = arith.constant 3 : i32
      %dma_wait3A_1834 = arith.constant 0 : i32
      %dma_wait3A_1835 = arith.constant 0 : i32
      %dma_wait3A_1836 = tpu.memref_slice %arg11[%dma_wait3A_1832, %dma_wait3A_1833, %dma_wait3A_1834, %dma_wait3A_1835] : memref<2x4x32x128xf32, #tpu.memory_space<vmem>> -> memref<1x1x32x128xf32, #tpu.memory_space<vmem>>
      %dma_wait3A_1837 = tpu.memref_squeeze %dma_wait3A_1836 : memref<1x1x32x128xf32, #tpu.memory_space<vmem>> -> memref<32x128xf32, #tpu.memory_space<vmem>>
      %dma_wait3A_1838 = arith.constant 0 : i32
      %dma_wait3A_1839 = arith.constant 0 : i32
      %dma_wait3A_1840 = tpu.memref_slice %arg3[%dma_wait3A_1838, %dma_wait3A_1839] : memref<32x1000000xf32, #tpu.memory_space<hbm>> -> memref<32x128xf32, #tpu.memory_space<hbm>>
      %dma_wait3A_1841 = arith.constant 0 : i32
      %dma_wait3A_1842 = arith.constant 0 : i32
      %dma_wait3A_1843 = tpu.memref_slice %arg11[%dma_wait3A_1832, %dma_wait3A_1833, %dma_wait3A_1841, %dma_wait3A_1842] : memref<2x4x32x128xf32, #tpu.memory_space<vmem>> -> memref<1x1x32x128xf32, #tpu.memory_space<vmem>>
      %dma_wait3A_1844 = tpu.memref_squeeze %dma_wait3A_1843 : memref<1x1x32x128xf32, #tpu.memory_space<vmem>> -> memref<32x128xf32, #tpu.memory_space<vmem>>
      %dma_wait3A_1845 = arith.constant 0 : i32
      %dma_wait3A_1846 = arith.constant 0 : i32
      %dma_wait3A_1847 = tpu.memref_slice %arg3[%dma_wait3A_1845, %dma_wait3A_1846] : memref<32x1000000xf32, #tpu.memory_space<hbm>> -> memref<32x128xf32, #tpu.memory_space<hbm>>
      tpu.wait_dma2 semaphore(%arg16 : memref<!tpu.dma_semaphore, #tpu.memory_space<semaphore_mem>>) src(%dma_wait3A_1847 : memref<32x128xf32, #tpu.memory_space<hbm>>) dst(%dma_wait3A_1844 : memref<32x128xf32, #tpu.memory_space<vmem>>)
      %dma_wait3A_1848 = arith.constant 1 : i32
      %dma_wait3A_1849 = arith.constant 3 : i32
      %dma_wait3A_1850 = arith.constant 0 : i32
      %dma_wait3A_1851 = arith.constant 0 : i32
      %dma_wait3A_1852 = tpu.memref_slice %arg12[%dma_wait3A_1848, %dma_wait3A_1849, %dma_wait3A_1850, %dma_wait3A_1851] : memref<2x4x32x128xf32, #tpu.memory_space<vmem>> -> memref<1x1x32x128xf32, #tpu.memory_space<vmem>>
      %dma_wait3A_1853 = tpu.memref_squeeze %dma_wait3A_1852 : memref<1x1x32x128xf32, #tpu.memory_space<vmem>> -> memref<32x128xf32, #tpu.memory_space<vmem>>
      %dma_wait3A_1854 = arith.constant 0 : i32
      %dma_wait3A_1855 = arith.constant 0 : i32
      %dma_wait3A_1856 = tpu.memref_slice %arg4[%dma_wait3A_1854, %dma_wait3A_1855] : memref<32x1000000xf32, #tpu.memory_space<hbm>> -> memref<32x128xf32, #tpu.memory_space<hbm>>
      %dma_wait3A_1857 = arith.constant 0 : i32
      %dma_wait3A_1858 = arith.constant 0 : i32
      %dma_wait3A_1859 = tpu.memref_slice %arg12[%dma_wait3A_1848, %dma_wait3A_1849, %dma_wait3A_1857, %dma_wait3A_1858] : memref<2x4x32x128xf32, #tpu.memory_space<vmem>> -> memref<1x1x32x128xf32, #tpu.memory_space<vmem>>
      %dma_wait3A_1860 = tpu.memref_squeeze %dma_wait3A_1859 : memref<1x1x32x128xf32, #tpu.memory_space<vmem>> -> memref<32x128xf32, #tpu.memory_space<vmem>>
      %dma_wait3A_1861 = arith.constant 0 : i32
      %dma_wait3A_1862 = arith.constant 0 : i32
      %dma_wait3A_1863 = tpu.memref_slice %arg4[%dma_wait3A_1861, %dma_wait3A_1862] : memref<32x1000000xf32, #tpu.memory_space<hbm>> -> memref<32x128xf32, #tpu.memory_space<hbm>>
      tpu.wait_dma2 semaphore(%arg18 : memref<!tpu.dma_semaphore, #tpu.memory_space<semaphore_mem>>) src(%dma_wait3A_1863 : memref<32x128xf32, #tpu.memory_space<hbm>>) dst(%dma_wait3A_1860 : memref<32x128xf32, #tpu.memory_space<vmem>>)
      %slice3A_1864 = vector.extract_strided_slice %get3A_1002 {offsets = [12], sizes = [1], strides = [1]} : vector<16xi32> to vector<1xi32>
      %squeeze3A_1865 = vector.extract %slice3A_1864[0] : i32 from vector<1xi32>
      %multiple_of3A_1866 = tpu.assume_multiple %squeeze3A_1865, 128 : i32
      %slice3A_1867 = vector.extract_strided_slice %get3A_1004 {offsets = [12], sizes = [1], strides = [1]} : vector<16xi32> to vector<1xi32>
      %squeeze3A_1868 = vector.extract %slice3A_1867[0] : i32 from vector<1xi32>
      %multiple_of3A_1869 = tpu.assume_multiple %squeeze3A_1868, 128 : i32
      %dma_start3A_1870 = arith.constant 1 : i32
      %dma_start3A_1871 = arith.constant 0 : i32
      %dma_start3A_1872 = arith.constant 0 : i32
      %dma_start3A_1873 = arith.constant 0 : i32
      %dma_start3A_1874 = tpu.memref_slice %arg11[%dma_start3A_1870, %dma_start3A_1871, %dma_start3A_1872, %dma_start3A_1873] : memref<2x4x32x128xf32, #tpu.memory_space<vmem>> -> memref<1x1x32x128xf32, #tpu.memory_space<vmem>>
      %dma_start3A_1875 = tpu.memref_squeeze %dma_start3A_1874 : memref<1x1x32x128xf32, #tpu.memory_space<vmem>> -> memref<32x128xf32, #tpu.memory_space<vmem>>
      %dma_start3A_1876 = arith.constant 0 : i32
      %dma_start3A_1877 = tpu.memref_slice %arg3[%dma_start3A_1876, %multiple_of3A_1866] : memref<32x1000000xf32, #tpu.memory_space<hbm>> -> memref<32x128xf32, #tpu.memory_space<hbm>>
      %dma_start3A_1878 = arith.constant 0 : i32
      %dma_start3A_1879 = arith.constant 0 : i32
      %dma_start3A_1880 = tpu.memref_slice %arg11[%dma_start3A_1870, %dma_start3A_1871, %dma_start3A_1878, %dma_start3A_1879] : memref<2x4x32x128xf32, #tpu.memory_space<vmem>> -> memref<1x1x32x128xf32, #tpu.memory_space<vmem>>
      %dma_start3A_1881 = tpu.memref_squeeze %dma_start3A_1880 : memref<1x1x32x128xf32, #tpu.memory_space<vmem>> -> memref<32x128xf32, #tpu.memory_space<vmem>>
      %dma_start3A_1882 = arith.constant 0 : i32
      %dma_start3A_1883 = tpu.memref_slice %arg3[%dma_start3A_1882, %multiple_of3A_1866] : memref<32x1000000xf32, #tpu.memory_space<hbm>> -> memref<32x128xf32, #tpu.memory_space<hbm>>
      tpu.enqueue_dma source(%dma_start3A_1883 : memref<32x128xf32, #tpu.memory_space<hbm>>) target(%dma_start3A_1881 : memref<32x128xf32, #tpu.memory_space<vmem>>) target_semaphore(%arg16 : memref<!tpu.dma_semaphore, #tpu.memory_space<semaphore_mem>>)
      %dma_start3A_1884 = arith.constant 1 : i32
      %dma_start3A_1885 = arith.constant 0 : i32
      %dma_start3A_1886 = arith.constant 0 : i32
      %dma_start3A_1887 = arith.constant 0 : i32
      %dma_start3A_1888 = tpu.memref_slice %arg12[%dma_start3A_1884, %dma_start3A_1885, %dma_start3A_1886, %dma_start3A_1887] : memref<2x4x32x128xf32, #tpu.memory_space<vmem>> -> memref<1x1x32x128xf32, #tpu.memory_space<vmem>>
      %dma_start3A_1889 = tpu.memref_squeeze %dma_start3A_1888 : memref<1x1x32x128xf32, #tpu.memory_space<vmem>> -> memref<32x128xf32, #tpu.memory_space<vmem>>
      %dma_start3A_1890 = arith.constant 0 : i32
      %dma_start3A_1891 = tpu.memref_slice %arg4[%dma_start3A_1890, %multiple_of3A_1869] : memref<32x1000000xf32, #tpu.memory_space<hbm>> -> memref<32x128xf32, #tpu.memory_space<hbm>>
      %dma_start3A_1892 = arith.constant 0 : i32
      %dma_start3A_1893 = arith.constant 0 : i32
      %dma_start3A_1894 = tpu.memref_slice %arg12[%dma_start3A_1884, %dma_start3A_1885, %dma_start3A_1892, %dma_start3A_1893] : memref<2x4x32x128xf32, #tpu.memory_space<vmem>> -> memref<1x1x32x128xf32, #tpu.memory_space<vmem>>
      %dma_start3A_1895 = tpu.memref_squeeze %dma_start3A_1894 : memref<1x1x32x128xf32, #tpu.memory_space<vmem>> -> memref<32x128xf32, #tpu.memory_space<vmem>>
      %dma_start3A_1896 = arith.constant 0 : i32
      %dma_start3A_1897 = tpu.memref_slice %arg4[%dma_start3A_1896, %multiple_of3A_1869] : memref<32x1000000xf32, #tpu.memory_space<hbm>> -> memref<32x128xf32, #tpu.memory_space<hbm>>
      tpu.enqueue_dma source(%dma_start3A_1897 : memref<32x128xf32, #tpu.memory_space<hbm>>) target(%dma_start3A_1895 : memref<32x128xf32, #tpu.memory_space<vmem>>) target_semaphore(%arg18 : memref<!tpu.dma_semaphore, #tpu.memory_space<semaphore_mem>>)
      %slice3A_1898 = vector.extract_strided_slice %get3A_1002 {offsets = [13], sizes = [1], strides = [1]} : vector<16xi32> to vector<1xi32>
      %squeeze3A_1899 = vector.extract %slice3A_1898[0] : i32 from vector<1xi32>
      %multiple_of3A_1900 = tpu.assume_multiple %squeeze3A_1899, 128 : i32
      %slice3A_1901 = vector.extract_strided_slice %get3A_1004 {offsets = [13], sizes = [1], strides = [1]} : vector<16xi32> to vector<1xi32>
      %squeeze3A_1902 = vector.extract %slice3A_1901[0] : i32 from vector<1xi32>
      %multiple_of3A_1903 = tpu.assume_multiple %squeeze3A_1902, 128 : i32
      %dma_start3A_1904 = arith.constant 1 : i32
      %dma_start3A_1905 = arith.constant 1 : i32
      %dma_start3A_1906 = arith.constant 0 : i32
      %dma_start3A_1907 = arith.constant 0 : i32
      %dma_start3A_1908 = tpu.memref_slice %arg11[%dma_start3A_1904, %dma_start3A_1905, %dma_start3A_1906, %dma_start3A_1907] : memref<2x4x32x128xf32, #tpu.memory_space<vmem>> -> memref<1x1x32x128xf32, #tpu.memory_space<vmem>>
      %dma_start3A_1909 = tpu.memref_squeeze %dma_start3A_1908 : memref<1x1x32x128xf32, #tpu.memory_space<vmem>> -> memref<32x128xf32, #tpu.memory_space<vmem>>
      %dma_start3A_1910 = arith.constant 0 : i32
      %dma_start3A_1911 = tpu.memref_slice %arg3[%dma_start3A_1910, %multiple_of3A_1900] : memref<32x1000000xf32, #tpu.memory_space<hbm>> -> memref<32x128xf32, #tpu.memory_space<hbm>>
      %dma_start3A_1912 = arith.constant 0 : i32
      %dma_start3A_1913 = arith.constant 0 : i32
      %dma_start3A_1914 = tpu.memref_slice %arg11[%dma_start3A_1904, %dma_start3A_1905, %dma_start3A_1912, %dma_start3A_1913] : memref<2x4x32x128xf32, #tpu.memory_space<vmem>> -> memref<1x1x32x128xf32, #tpu.memory_space<vmem>>
      %dma_start3A_1915 = tpu.memref_squeeze %dma_start3A_1914 : memref<1x1x32x128xf32, #tpu.memory_space<vmem>> -> memref<32x128xf32, #tpu.memory_space<vmem>>
      %dma_start3A_1916 = arith.constant 0 : i32
      %dma_start3A_1917 = tpu.memref_slice %arg3[%dma_start3A_1916, %multiple_of3A_1900] : memref<32x1000000xf32, #tpu.memory_space<hbm>> -> memref<32x128xf32, #tpu.memory_space<hbm>>
      tpu.enqueue_dma source(%dma_start3A_1917 : memref<32x128xf32, #tpu.memory_space<hbm>>) target(%dma_start3A_1915 : memref<32x128xf32, #tpu.memory_space<vmem>>) target_semaphore(%arg16 : memref<!tpu.dma_semaphore, #tpu.memory_space<semaphore_mem>>)
      %dma_start3A_1918 = arith.constant 1 : i32
      %dma_start3A_1919 = arith.constant 1 : i32
      %dma_start3A_1920 = arith.constant 0 : i32
      %dma_start3A_1921 = arith.constant 0 : i32
      %dma_start3A_1922 = tpu.memref_slice %arg12[%dma_start3A_1918, %dma_start3A_1919, %dma_start3A_1920, %dma_start3A_1921] : memref<2x4x32x128xf32, #tpu.memory_space<vmem>> -> memref<1x1x32x128xf32, #tpu.memory_space<vmem>>
      %dma_start3A_1923 = tpu.memref_squeeze %dma_start3A_1922 : memref<1x1x32x128xf32, #tpu.memory_space<vmem>> -> memref<32x128xf32, #tpu.memory_space<vmem>>
      %dma_start3A_1924 = arith.constant 0 : i32
      %dma_start3A_1925 = tpu.memref_slice %arg4[%dma_start3A_1924, %multiple_of3A_1903] : memref<32x1000000xf32, #tpu.memory_space<hbm>> -> memref<32x128xf32, #tpu.memory_space<hbm>>
      %dma_start3A_1926 = arith.constant 0 : i32
      %dma_start3A_1927 = arith.constant 0 : i32
      %dma_start3A_1928 = tpu.memref_slice %arg12[%dma_start3A_1918, %dma_start3A_1919, %dma_start3A_1926, %dma_start3A_1927] : memref<2x4x32x128xf32, #tpu.memory_space<vmem>> -> memref<1x1x32x128xf32, #tpu.memory_space<vmem>>
      %dma_start3A_1929 = tpu.memref_squeeze %dma_start3A_1928 : memref<1x1x32x128xf32, #tpu.memory_space<vmem>> -> memref<32x128xf32, #tpu.memory_space<vmem>>
      %dma_start3A_1930 = arith.constant 0 : i32
      %dma_start3A_1931 = tpu.memref_slice %arg4[%dma_start3A_1930, %multiple_of3A_1903] : memref<32x1000000xf32, #tpu.memory_space<hbm>> -> memref<32x128xf32, #tpu.memory_space<hbm>>
      tpu.enqueue_dma source(%dma_start3A_1931 : memref<32x128xf32, #tpu.memory_space<hbm>>) target(%dma_start3A_1929 : memref<32x128xf32, #tpu.memory_space<vmem>>) target_semaphore(%arg18 : memref<!tpu.dma_semaphore, #tpu.memory_space<semaphore_mem>>)
      %slice3A_1932 = vector.extract_strided_slice %get3A_1002 {offsets = [14], sizes = [1], strides = [1]} : vector<16xi32> to vector<1xi32>
      %squeeze3A_1933 = vector.extract %slice3A_1932[0] : i32 from vector<1xi32>
      %multiple_of3A_1934 = tpu.assume_multiple %squeeze3A_1933, 128 : i32
      %slice3A_1935 = vector.extract_strided_slice %get3A_1004 {offsets = [14], sizes = [1], strides = [1]} : vector<16xi32> to vector<1xi32>
      %squeeze3A_1936 = vector.extract %slice3A_1935[0] : i32 from vector<1xi32>
      %multiple_of3A_1937 = tpu.assume_multiple %squeeze3A_1936, 128 : i32
      %dma_start3A_1938 = arith.constant 1 : i32
      %dma_start3A_1939 = arith.constant 2 : i32
      %dma_start3A_1940 = arith.constant 0 : i32
      %dma_start3A_1941 = arith.constant 0 : i32
      %dma_start3A_1942 = tpu.memref_slice %arg11[%dma_start3A_1938, %dma_start3A_1939, %dma_start3A_1940, %dma_start3A_1941] : memref<2x4x32x128xf32, #tpu.memory_space<vmem>> -> memref<1x1x32x128xf32, #tpu.memory_space<vmem>>
      %dma_start3A_1943 = tpu.memref_squeeze %dma_start3A_1942 : memref<1x1x32x128xf32, #tpu.memory_space<vmem>> -> memref<32x128xf32, #tpu.memory_space<vmem>>
      %dma_start3A_1944 = arith.constant 0 : i32
      %dma_start3A_1945 = tpu.memref_slice %arg3[%dma_start3A_1944, %multiple_of3A_1934] : memref<32x1000000xf32, #tpu.memory_space<hbm>> -> memref<32x128xf32, #tpu.memory_space<hbm>>
      %dma_start3A_1946 = arith.constant 0 : i32
      %dma_start3A_1947 = arith.constant 0 : i32
      %dma_start3A_1948 = tpu.memref_slice %arg11[%dma_start3A_1938, %dma_start3A_1939, %dma_start3A_1946, %dma_start3A_1947] : memref<2x4x32x128xf32, #tpu.memory_space<vmem>> -> memref<1x1x32x128xf32, #tpu.memory_space<vmem>>
      %dma_start3A_1949 = tpu.memref_squeeze %dma_start3A_1948 : memref<1x1x32x128xf32, #tpu.memory_space<vmem>> -> memref<32x128xf32, #tpu.memory_space<vmem>>
      %dma_start3A_1950 = arith.constant 0 : i32
      %dma_start3A_1951 = tpu.memref_slice %arg3[%dma_start3A_1950, %multiple_of3A_1934] : memref<32x1000000xf32, #tpu.memory_space<hbm>> -> memref<32x128xf32, #tpu.memory_space<hbm>>
      tpu.enqueue_dma source(%dma_start3A_1951 : memref<32x128xf32, #tpu.memory_space<hbm>>) target(%dma_start3A_1949 : memref<32x128xf32, #tpu.memory_space<vmem>>) target_semaphore(%arg16 : memref<!tpu.dma_semaphore, #tpu.memory_space<semaphore_mem>>)
      %dma_start3A_1952 = arith.constant 1 : i32
      %dma_start3A_1953 = arith.constant 2 : i32
      %dma_start3A_1954 = arith.constant 0 : i32
      %dma_start3A_1955 = arith.constant 0 : i32
      %dma_start3A_1956 = tpu.memref_slice %arg12[%dma_start3A_1952, %dma_start3A_1953, %dma_start3A_1954, %dma_start3A_1955] : memref<2x4x32x128xf32, #tpu.memory_space<vmem>> -> memref<1x1x32x128xf32, #tpu.memory_space<vmem>>
      %dma_start3A_1957 = tpu.memref_squeeze %dma_start3A_1956 : memref<1x1x32x128xf32, #tpu.memory_space<vmem>> -> memref<32x128xf32, #tpu.memory_space<vmem>>
      %dma_start3A_1958 = arith.constant 0 : i32
      %dma_start3A_1959 = tpu.memref_slice %arg4[%dma_start3A_1958, %multiple_of3A_1937] : memref<32x1000000xf32, #tpu.memory_space<hbm>> -> memref<32x128xf32, #tpu.memory_space<hbm>>
      %dma_start3A_1960 = arith.constant 0 : i32
      %dma_start3A_1961 = arith.constant 0 : i32
      %dma_start3A_1962 = tpu.memref_slice %arg12[%dma_start3A_1952, %dma_start3A_1953, %dma_start3A_1960, %dma_start3A_1961] : memref<2x4x32x128xf32, #tpu.memory_space<vmem>> -> memref<1x1x32x128xf32, #tpu.memory_space<vmem>>
      %dma_start3A_1963 = tpu.memref_squeeze %dma_start3A_1962 : memref<1x1x32x128xf32, #tpu.memory_space<vmem>> -> memref<32x128xf32, #tpu.memory_space<vmem>>
      %dma_start3A_1964 = arith.constant 0 : i32
      %dma_start3A_1965 = tpu.memref_slice %arg4[%dma_start3A_1964, %multiple_of3A_1937] : memref<32x1000000xf32, #tpu.memory_space<hbm>> -> memref<32x128xf32, #tpu.memory_space<hbm>>
      tpu.enqueue_dma source(%dma_start3A_1965 : memref<32x128xf32, #tpu.memory_space<hbm>>) target(%dma_start3A_1963 : memref<32x128xf32, #tpu.memory_space<vmem>>) target_semaphore(%arg18 : memref<!tpu.dma_semaphore, #tpu.memory_space<semaphore_mem>>)
      %slice3A_1966 = vector.extract_strided_slice %get3A_1002 {offsets = [15], sizes = [1], strides = [1]} : vector<16xi32> to vector<1xi32>
      %squeeze3A_1967 = vector.extract %slice3A_1966[0] : i32 from vector<1xi32>
      %multiple_of3A_1968 = tpu.assume_multiple %squeeze3A_1967, 128 : i32
      %slice3A_1969 = vector.extract_strided_slice %get3A_1004 {offsets = [15], sizes = [1], strides = [1]} : vector<16xi32> to vector<1xi32>
      %squeeze3A_1970 = vector.extract %slice3A_1969[0] : i32 from vector<1xi32>
      %multiple_of3A_1971 = tpu.assume_multiple %squeeze3A_1970, 128 : i32
      %dma_start3A_1972 = arith.constant 1 : i32
      %dma_start3A_1973 = arith.constant 3 : i32
      %dma_start3A_1974 = arith.constant 0 : i32
      %dma_start3A_1975 = arith.constant 0 : i32
      %dma_start3A_1976 = tpu.memref_slice %arg11[%dma_start3A_1972, %dma_start3A_1973, %dma_start3A_1974, %dma_start3A_1975] : memref<2x4x32x128xf32, #tpu.memory_space<vmem>> -> memref<1x1x32x128xf32, #tpu.memory_space<vmem>>
      %dma_start3A_1977 = tpu.memref_squeeze %dma_start3A_1976 : memref<1x1x32x128xf32, #tpu.memory_space<vmem>> -> memref<32x128xf32, #tpu.memory_space<vmem>>
      %dma_start3A_1978 = arith.constant 0 : i32
      %dma_start3A_1979 = tpu.memref_slice %arg3[%dma_start3A_1978, %multiple_of3A_1968] : memref<32x1000000xf32, #tpu.memory_space<hbm>> -> memref<32x128xf32, #tpu.memory_space<hbm>>
      %dma_start3A_1980 = arith.constant 0 : i32
      %dma_start3A_1981 = arith.constant 0 : i32
      %dma_start3A_1982 = tpu.memref_slice %arg11[%dma_start3A_1972, %dma_start3A_1973, %dma_start3A_1980, %dma_start3A_1981] : memref<2x4x32x128xf32, #tpu.memory_space<vmem>> -> memref<1x1x32x128xf32, #tpu.memory_space<vmem>>
      %dma_start3A_1983 = tpu.memref_squeeze %dma_start3A_1982 : memref<1x1x32x128xf32, #tpu.memory_space<vmem>> -> memref<32x128xf32, #tpu.memory_space<vmem>>
      %dma_start3A_1984 = arith.constant 0 : i32
      %dma_start3A_1985 = tpu.memref_slice %arg3[%dma_start3A_1984, %multiple_of3A_1968] : memref<32x1000000xf32, #tpu.memory_space<hbm>> -> memref<32x128xf32, #tpu.memory_space<hbm>>
      tpu.enqueue_dma source(%dma_start3A_1985 : memref<32x128xf32, #tpu.memory_space<hbm>>) target(%dma_start3A_1983 : memref<32x128xf32, #tpu.memory_space<vmem>>) target_semaphore(%arg16 : memref<!tpu.dma_semaphore, #tpu.memory_space<semaphore_mem>>)
      %dma_start3A_1986 = arith.constant 1 : i32
      %dma_start3A_1987 = arith.constant 3 : i32
      %dma_start3A_1988 = arith.constant 0 : i32
      %dma_start3A_1989 = arith.constant 0 : i32
      %dma_start3A_1990 = tpu.memref_slice %arg12[%dma_start3A_1986, %dma_start3A_1987, %dma_start3A_1988, %dma_start3A_1989] : memref<2x4x32x128xf32, #tpu.memory_space<vmem>> -> memref<1x1x32x128xf32, #tpu.memory_space<vmem>>
      %dma_start3A_1991 = tpu.memref_squeeze %dma_start3A_1990 : memref<1x1x32x128xf32, #tpu.memory_space<vmem>> -> memref<32x128xf32, #tpu.memory_space<vmem>>
      %dma_start3A_1992 = arith.constant 0 : i32
      %dma_start3A_1993 = tpu.memref_slice %arg4[%dma_start3A_1992, %multiple_of3A_1971] : memref<32x1000000xf32, #tpu.memory_space<hbm>> -> memref<32x128xf32, #tpu.memory_space<hbm>>
      %dma_start3A_1994 = arith.constant 0 : i32
      %dma_start3A_1995 = arith.constant 0 : i32
      %dma_start3A_1996 = tpu.memref_slice %arg12[%dma_start3A_1986, %dma_start3A_1987, %dma_start3A_1994, %dma_start3A_1995] : memref<2x4x32x128xf32, #tpu.memory_space<vmem>> -> memref<1x1x32x128xf32, #tpu.memory_space<vmem>>
      %dma_start3A_1997 = tpu.memref_squeeze %dma_start3A_1996 : memref<1x1x32x128xf32, #tpu.memory_space<vmem>> -> memref<32x128xf32, #tpu.memory_space<vmem>>
      %dma_start3A_1998 = arith.constant 0 : i32
      %dma_start3A_1999 = tpu.memref_slice %arg4[%dma_start3A_1998, %multiple_of3A_1971] : memref<32x1000000xf32, #tpu.memory_space<hbm>> -> memref<32x128xf32, #tpu.memory_space<hbm>>
      tpu.enqueue_dma source(%dma_start3A_1999 : memref<32x128xf32, #tpu.memory_space<hbm>>) target(%dma_start3A_1997 : memref<32x128xf32, #tpu.memory_space<vmem>>) target_semaphore(%arg18 : memref<!tpu.dma_semaphore, #tpu.memory_space<semaphore_mem>>)
      %slice3A_2000 = vector.extract_strided_slice %get3A_1006 {offsets = [4], sizes = [1], strides = [1]} : vector<16xi32> to vector<1xi32>
      %squeeze3A_2001 = vector.extract %slice3A_2000[0] : i32 from vector<1xi32>
      %add3A_2002 = vector.broadcast %squeeze3A_2001 : i32 to vector<16xi32>
      %add3A_2003 = arith.addi %add3A_2002, %broadcast_in_dim3A_5 : vector<16xi32>
      %slice3A_2004 = vector.extract_strided_slice %get3A_1008 {offsets = [4], sizes = [1], strides = [1]} : vector<16xi32> to vector<1xi32>
      %squeeze3A_2005 = vector.extract %slice3A_2004[0] : i32 from vector<1xi32>
      %add3A_2006 = vector.broadcast %squeeze3A_2005 : i32 to vector<16xi32>
      %add3A_2007 = arith.addi %add3A_2006, %broadcast_in_dim3A_5 : vector<16xi32>
      %gather3A_2008 = arith.constant 1 : i32
      %gather3A_2009 = arith.constant 0 : i32
      %gather3A_2010 = arith.constant 0 : i32
      %gather3A_2011 = arith.constant 0 : i32
      %gather3A_2012 = tpu.memref_slice %arg11[%gather3A_2008, %gather3A_2009, %gather3A_2010, %gather3A_2011] : memref<2x4x32x128xf32, #tpu.memory_space<vmem>> -> memref<1x1x32x128xf32, #tpu.memory_space<vmem>>
      %gather3A_2013 = tpu.memref_squeeze %gather3A_2012 : memref<1x1x32x128xf32, #tpu.memory_space<vmem>> -> memref<32x128xf32, #tpu.memory_space<vmem>>
      %gather3A_2014 = tpu.vector_load_idx %gather3A_2013[%iota3A, %add3A_2003] : memref<32x128xf32, #tpu.memory_space<vmem>>[vector<16xi32>, vector<16xi32>], vector<16xf32>,
      %add3A_2015 = arith.constant 16 : i32
      %add3A_2016 = vector.broadcast %add3A_2015 : i32 to vector<16xi32>
      %add3A_2017 = arith.addi %iota3A, %add3A_2016 : vector<16xi32>
      %gather3A_2018 = arith.constant 1 : i32
      %gather3A_2019 = arith.constant 0 : i32
      %gather3A_2020 = arith.constant 0 : i32
      %gather3A_2021 = arith.constant 0 : i32
      %gather3A_2022 = tpu.memref_slice %arg11[%gather3A_2018, %gather3A_2019, %gather3A_2020, %gather3A_2021] : memref<2x4x32x128xf32, #tpu.memory_space<vmem>> -> memref<1x1x32x128xf32, #tpu.memory_space<vmem>>
      %gather3A_2023 = tpu.memref_squeeze %gather3A_2022 : memref<1x1x32x128xf32, #tpu.memory_space<vmem>> -> memref<32x128xf32, #tpu.memory_space<vmem>>
      %gather3A_2024 = tpu.vector_load_idx %gather3A_2023[%add3A_2017, %add3A_2003] : memref<32x128xf32, #tpu.memory_space<vmem>>[vector<16xi32>, vector<16xi32>], vector<16xf32>,
      %gather3A_2025 = arith.constant 1 : i32
      %gather3A_2026 = arith.constant 0 : i32
      %gather3A_2027 = arith.constant 0 : i32
      %gather3A_2028 = arith.constant 0 : i32
      %gather3A_2029 = tpu.memref_slice %arg12[%gather3A_2025, %gather3A_2026, %gather3A_2027, %gather3A_2028] : memref<2x4x32x128xf32, #tpu.memory_space<vmem>> -> memref<1x1x32x128xf32, #tpu.memory_space<vmem>>
      %gather3A_2030 = tpu.memref_squeeze %gather3A_2029 : memref<1x1x32x128xf32, #tpu.memory_space<vmem>> -> memref<32x128xf32, #tpu.memory_space<vmem>>
      %gather3A_2031 = tpu.vector_load_idx %gather3A_2030[%iota3A, %add3A_2007] : memref<32x128xf32, #tpu.memory_space<vmem>>[vector<16xi32>, vector<16xi32>], vector<16xf32>,
      %add3A_2032 = arith.constant 16 : i32
      %add3A_2033 = vector.broadcast %add3A_2032 : i32 to vector<16xi32>
      %add3A_2034 = arith.addi %iota3A, %add3A_2033 : vector<16xi32>
      %gather3A_2035 = arith.constant 1 : i32
      %gather3A_2036 = arith.constant 0 : i32
      %gather3A_2037 = arith.constant 0 : i32
      %gather3A_2038 = arith.constant 0 : i32
      %gather3A_2039 = tpu.memref_slice %arg12[%gather3A_2035, %gather3A_2036, %gather3A_2037, %gather3A_2038] : memref<2x4x32x128xf32, #tpu.memory_space<vmem>> -> memref<1x1x32x128xf32, #tpu.memory_space<vmem>>
      %gather3A_2040 = tpu.memref_squeeze %gather3A_2039 : memref<1x1x32x128xf32, #tpu.memory_space<vmem>> -> memref<32x128xf32, #tpu.memory_space<vmem>>
      %gather3A_2041 = tpu.vector_load_idx %gather3A_2040[%add3A_2034, %add3A_2007] : memref<32x128xf32, #tpu.memory_space<vmem>>[vector<16xi32>, vector<16xi32>], vector<16xf32>,
      %mul3A_2042 = arith.mulf %gather3A_2014, %gather3A_2031 : vector<16xf32>
      %mul3A_2043 = arith.mulf %gather3A_2024, %gather3A_2041 : vector<16xf32>
      %add3A_2044 = arith.addf %mul3A_2042, %mul3A_2043 : vector<16xf32>
      %swap3A_2045 = arith.constant 4 : i32
      %swap3A_2046 = arith.index_cast %swap3A_2045 : i32 to index
      %swap3A_2047 = arith.constant 0 : index
      %swap3A_2048 = tpu.vector_load %arg13[%swap3A_2046, %swap3A_2047] {strides = array<i32>} : memref<16x16xf32, #tpu.memory_space<vmem>>, vector<16xf32>,
      tpu.vector_store %arg13[%swap3A_2046, %swap3A_2047], %add3A_2044 {strides = array<i32>} : memref<16x16xf32, #tpu.memory_space<vmem>>, vector<16xf32>,
      %slice3A_2049 = vector.extract_strided_slice %get3A_1006 {offsets = [5], sizes = [1], strides = [1]} : vector<16xi32> to vector<1xi32>
      %squeeze3A_2050 = vector.extract %slice3A_2049[0] : i32 from vector<1xi32>
      %add3A_2051 = vector.broadcast %squeeze3A_2050 : i32 to vector<16xi32>
      %add3A_2052 = arith.addi %add3A_2051, %broadcast_in_dim3A_5 : vector<16xi32>
      %slice3A_2053 = vector.extract_strided_slice %get3A_1008 {offsets = [5], sizes = [1], strides = [1]} : vector<16xi32> to vector<1xi32>
      %squeeze3A_2054 = vector.extract %slice3A_2053[0] : i32 from vector<1xi32>
      %add3A_2055 = vector.broadcast %squeeze3A_2054 : i32 to vector<16xi32>
      %add3A_2056 = arith.addi %add3A_2055, %broadcast_in_dim3A_5 : vector<16xi32>
      %gather3A_2057 = arith.constant 1 : i32
      %gather3A_2058 = arith.constant 1 : i32
      %gather3A_2059 = arith.constant 0 : i32
      %gather3A_2060 = arith.constant 0 : i32
      %gather3A_2061 = tpu.memref_slice %arg11[%gather3A_2057, %gather3A_2058, %gather3A_2059, %gather3A_2060] : memref<2x4x32x128xf32, #tpu.memory_space<vmem>> -> memref<1x1x32x128xf32, #tpu.memory_space<vmem>>
      %gather3A_2062 = tpu.memref_squeeze %gather3A_2061 : memref<1x1x32x128xf32, #tpu.memory_space<vmem>> -> memref<32x128xf32, #tpu.memory_space<vmem>>
      %gather3A_2063 = tpu.vector_load_idx %gather3A_2062[%iota3A, %add3A_2052] : memref<32x128xf32, #tpu.memory_space<vmem>>[vector<16xi32>, vector<16xi32>], vector<16xf32>,
      %add3A_2064 = arith.constant 16 : i32
      %add3A_2065 = vector.broadcast %add3A_2064 : i32 to vector<16xi32>
      %add3A_2066 = arith.addi %iota3A, %add3A_2065 : vector<16xi32>
      %gather3A_2067 = arith.constant 1 : i32
      %gather3A_2068 = arith.constant 1 : i32
      %gather3A_2069 = arith.constant 0 : i32
      %gather3A_2070 = arith.constant 0 : i32
      %gather3A_2071 = tpu.memref_slice %arg11[%gather3A_2067, %gather3A_2068, %gather3A_2069, %gather3A_2070] : memref<2x4x32x128xf32, #tpu.memory_space<vmem>> -> memref<1x1x32x128xf32, #tpu.memory_space<vmem>>
      %gather3A_2072 = tpu.memref_squeeze %gather3A_2071 : memref<1x1x32x128xf32, #tpu.memory_space<vmem>> -> memref<32x128xf32, #tpu.memory_space<vmem>>
      %gather3A_2073 = tpu.vector_load_idx %gather3A_2072[%add3A_2066, %add3A_2052] : memref<32x128xf32, #tpu.memory_space<vmem>>[vector<16xi32>, vector<16xi32>], vector<16xf32>,
      %gather3A_2074 = arith.constant 1 : i32
      %gather3A_2075 = arith.constant 1 : i32
      %gather3A_2076 = arith.constant 0 : i32
      %gather3A_2077 = arith.constant 0 : i32
      %gather3A_2078 = tpu.memref_slice %arg12[%gather3A_2074, %gather3A_2075, %gather3A_2076, %gather3A_2077] : memref<2x4x32x128xf32, #tpu.memory_space<vmem>> -> memref<1x1x32x128xf32, #tpu.memory_space<vmem>>
      %gather3A_2079 = tpu.memref_squeeze %gather3A_2078 : memref<1x1x32x128xf32, #tpu.memory_space<vmem>> -> memref<32x128xf32, #tpu.memory_space<vmem>>
      %gather3A_2080 = tpu.vector_load_idx %gather3A_2079[%iota3A, %add3A_2056] : memref<32x128xf32, #tpu.memory_space<vmem>>[vector<16xi32>, vector<16xi32>], vector<16xf32>,
      %add3A_2081 = arith.constant 16 : i32
      %add3A_2082 = vector.broadcast %add3A_2081 : i32 to vector<16xi32>
      %add3A_2083 = arith.addi %iota3A, %add3A_2082 : vector<16xi32>
      %gather3A_2084 = arith.constant 1 : i32
      %gather3A_2085 = arith.constant 1 : i32
      %gather3A_2086 = arith.constant 0 : i32
      %gather3A_2087 = arith.constant 0 : i32
      %gather3A_2088 = tpu.memref_slice %arg12[%gather3A_2084, %gather3A_2085, %gather3A_2086, %gather3A_2087] : memref<2x4x32x128xf32, #tpu.memory_space<vmem>> -> memref<1x1x32x128xf32, #tpu.memory_space<vmem>>
      %gather3A_2089 = tpu.memref_squeeze %gather3A_2088 : memref<1x1x32x128xf32, #tpu.memory_space<vmem>> -> memref<32x128xf32, #tpu.memory_space<vmem>>
      %gather3A_2090 = tpu.vector_load_idx %gather3A_2089[%add3A_2083, %add3A_2056] : memref<32x128xf32, #tpu.memory_space<vmem>>[vector<16xi32>, vector<16xi32>], vector<16xf32>,
      %mul3A_2091 = arith.mulf %gather3A_2063, %gather3A_2080 : vector<16xf32>
      %mul3A_2092 = arith.mulf %gather3A_2073, %gather3A_2090 : vector<16xf32>
      %add3A_2093 = arith.addf %mul3A_2091, %mul3A_2092 : vector<16xf32>
      %swap3A_2094 = arith.constant 5 : i32
      %swap3A_2095 = arith.index_cast %swap3A_2094 : i32 to index
      %swap3A_2096 = arith.constant 0 : index
      %swap3A_2097 = tpu.vector_load %arg13[%swap3A_2095, %swap3A_2096] {strides = array<i32>} : memref<16x16xf32, #tpu.memory_space<vmem>>, vector<16xf32>,
      tpu.vector_store %arg13[%swap3A_2095, %swap3A_2096], %add3A_2093 {strides = array<i32>} : memref<16x16xf32, #tpu.memory_space<vmem>>, vector<16xf32>,
      %slice3A_2098 = vector.extract_strided_slice %get3A_1006 {offsets = [6], sizes = [1], strides = [1]} : vector<16xi32> to vector<1xi32>
      %squeeze3A_2099 = vector.extract %slice3A_2098[0] : i32 from vector<1xi32>
      %add3A_2100 = vector.broadcast %squeeze3A_2099 : i32 to vector<16xi32>
      %add3A_2101 = arith.addi %add3A_2100, %broadcast_in_dim3A_5 : vector<16xi32>
      %slice3A_2102 = vector.extract_strided_slice %get3A_1008 {offsets = [6], sizes = [1], strides = [1]} : vector<16xi32> to vector<1xi32>
      %squeeze3A_2103 = vector.extract %slice3A_2102[0] : i32 from vector<1xi32>
      %add3A_2104 = vector.broadcast %squeeze3A_2103 : i32 to vector<16xi32>
      %add3A_2105 = arith.addi %add3A_2104, %broadcast_in_dim3A_5 : vector<16xi32>
      %gather3A_2106 = arith.constant 1 : i32
      %gather3A_2107 = arith.constant 2 : i32
      %gather3A_2108 = arith.constant 0 : i32
      %gather3A_2109 = arith.constant 0 : i32
      %gather3A_2110 = tpu.memref_slice %arg11[%gather3A_2106, %gather3A_2107, %gather3A_2108, %gather3A_2109] : memref<2x4x32x128xf32, #tpu.memory_space<vmem>> -> memref<1x1x32x128xf32, #tpu.memory_space<vmem>>
      %gather3A_2111 = tpu.memref_squeeze %gather3A_2110 : memref<1x1x32x128xf32, #tpu.memory_space<vmem>> -> memref<32x128xf32, #tpu.memory_space<vmem>>
      %gather3A_2112 = tpu.vector_load_idx %gather3A_2111[%iota3A, %add3A_2101] : memref<32x128xf32, #tpu.memory_space<vmem>>[vector<16xi32>, vector<16xi32>], vector<16xf32>,
      %add3A_2113 = arith.constant 16 : i32
      %add3A_2114 = vector.broadcast %add3A_2113 : i32 to vector<16xi32>
      %add3A_2115 = arith.addi %iota3A, %add3A_2114 : vector<16xi32>
      %gather3A_2116 = arith.constant 1 : i32
      %gather3A_2117 = arith.constant 2 : i32
      %gather3A_2118 = arith.constant 0 : i32
      %gather3A_2119 = arith.constant 0 : i32
      %gather3A_2120 = tpu.memref_slice %arg11[%gather3A_2116, %gather3A_2117, %gather3A_2118, %gather3A_2119] : memref<2x4x32x128xf32, #tpu.memory_space<vmem>> -> memref<1x1x32x128xf32, #tpu.memory_space<vmem>>
      %gather3A_2121 = tpu.memref_squeeze %gather3A_2120 : memref<1x1x32x128xf32, #tpu.memory_space<vmem>> -> memref<32x128xf32, #tpu.memory_space<vmem>>
      %gather3A_2122 = tpu.vector_load_idx %gather3A_2121[%add3A_2115, %add3A_2101] : memref<32x128xf32, #tpu.memory_space<vmem>>[vector<16xi32>, vector<16xi32>], vector<16xf32>,
      %gather3A_2123 = arith.constant 1 : i32
      %gather3A_2124 = arith.constant 2 : i32
      %gather3A_2125 = arith.constant 0 : i32
      %gather3A_2126 = arith.constant 0 : i32
      %gather3A_2127 = tpu.memref_slice %arg12[%gather3A_2123, %gather3A_2124, %gather3A_2125, %gather3A_2126] : memref<2x4x32x128xf32, #tpu.memory_space<vmem>> -> memref<1x1x32x128xf32, #tpu.memory_space<vmem>>
      %gather3A_2128 = tpu.memref_squeeze %gather3A_2127 : memref<1x1x32x128xf32, #tpu.memory_space<vmem>> -> memref<32x128xf32, #tpu.memory_space<vmem>>
      %gather3A_2129 = tpu.vector_load_idx %gather3A_2128[%iota3A, %add3A_2105] : memref<32x128xf32, #tpu.memory_space<vmem>>[vector<16xi32>, vector<16xi32>], vector<16xf32>,
      %add3A_2130 = arith.constant 16 : i32
      %add3A_2131 = vector.broadcast %add3A_2130 : i32 to vector<16xi32>
      %add3A_2132 = arith.addi %iota3A, %add3A_2131 : vector<16xi32>
      %gather3A_2133 = arith.constant 1 : i32
      %gather3A_2134 = arith.constant 2 : i32
      %gather3A_2135 = arith.constant 0 : i32
      %gather3A_2136 = arith.constant 0 : i32
      %gather3A_2137 = tpu.memref_slice %arg12[%gather3A_2133, %gather3A_2134, %gather3A_2135, %gather3A_2136] : memref<2x4x32x128xf32, #tpu.memory_space<vmem>> -> memref<1x1x32x128xf32, #tpu.memory_space<vmem>>
      %gather3A_2138 = tpu.memref_squeeze %gather3A_2137 : memref<1x1x32x128xf32, #tpu.memory_space<vmem>> -> memref<32x128xf32, #tpu.memory_space<vmem>>
      %gather3A_2139 = tpu.vector_load_idx %gather3A_2138[%add3A_2132, %add3A_2105] : memref<32x128xf32, #tpu.memory_space<vmem>>[vector<16xi32>, vector<16xi32>], vector<16xf32>,
      %mul3A_2140 = arith.mulf %gather3A_2112, %gather3A_2129 : vector<16xf32>
      %mul3A_2141 = arith.mulf %gather3A_2122, %gather3A_2139 : vector<16xf32>
      %add3A_2142 = arith.addf %mul3A_2140, %mul3A_2141 : vector<16xf32>
      %swap3A_2143 = arith.constant 6 : i32
      %swap3A_2144 = arith.index_cast %swap3A_2143 : i32 to index
      %swap3A_2145 = arith.constant 0 : index
      %swap3A_2146 = tpu.vector_load %arg13[%swap3A_2144, %swap3A_2145] {strides = array<i32>} : memref<16x16xf32, #tpu.memory_space<vmem>>, vector<16xf32>,
      tpu.vector_store %arg13[%swap3A_2144, %swap3A_2145], %add3A_2142 {strides = array<i32>} : memref<16x16xf32, #tpu.memory_space<vmem>>, vector<16xf32>,
      %slice3A_2147 = vector.extract_strided_slice %get3A_1006 {offsets = [7], sizes = [1], strides = [1]} : vector<16xi32> to vector<1xi32>
      %squeeze3A_2148 = vector.extract %slice3A_2147[0] : i32 from vector<1xi32>
      %add3A_2149 = vector.broadcast %squeeze3A_2148 : i32 to vector<16xi32>
      %add3A_2150 = arith.addi %add3A_2149, %broadcast_in_dim3A_5 : vector<16xi32>
      %slice3A_2151 = vector.extract_strided_slice %get3A_1008 {offsets = [7], sizes = [1], strides = [1]} : vector<16xi32> to vector<1xi32>
      %squeeze3A_2152 = vector.extract %slice3A_2151[0] : i32 from vector<1xi32>
      %add3A_2153 = vector.broadcast %squeeze3A_2152 : i32 to vector<16xi32>
      %add3A_2154 = arith.addi %add3A_2153, %broadcast_in_dim3A_5 : vector<16xi32>
      %gather3A_2155 = arith.constant 1 : i32
      %gather3A_2156 = arith.constant 3 : i32
      %gather3A_2157 = arith.constant 0 : i32
      %gather3A_2158 = arith.constant 0 : i32
      %gather3A_2159 = tpu.memref_slice %arg11[%gather3A_2155, %gather3A_2156, %gather3A_2157, %gather3A_2158] : memref<2x4x32x128xf32, #tpu.memory_space<vmem>> -> memref<1x1x32x128xf32, #tpu.memory_space<vmem>>
      %gather3A_2160 = tpu.memref_squeeze %gather3A_2159 : memref<1x1x32x128xf32, #tpu.memory_space<vmem>> -> memref<32x128xf32, #tpu.memory_space<vmem>>
      %gather3A_2161 = tpu.vector_load_idx %gather3A_2160[%iota3A, %add3A_2150] : memref<32x128xf32, #tpu.memory_space<vmem>>[vector<16xi32>, vector<16xi32>], vector<16xf32>,
      %add3A_2162 = arith.constant 16 : i32
      %add3A_2163 = vector.broadcast %add3A_2162 : i32 to vector<16xi32>
      %add3A_2164 = arith.addi %iota3A, %add3A_2163 : vector<16xi32>
      %gather3A_2165 = arith.constant 1 : i32
      %gather3A_2166 = arith.constant 3 : i32
      %gather3A_2167 = arith.constant 0 : i32
      %gather3A_2168 = arith.constant 0 : i32
      %gather3A_2169 = tpu.memref_slice %arg11[%gather3A_2165, %gather3A_2166, %gather3A_2167, %gather3A_2168] : memref<2x4x32x128xf32, #tpu.memory_space<vmem>> -> memref<1x1x32x128xf32, #tpu.memory_space<vmem>>
      %gather3A_2170 = tpu.memref_squeeze %gather3A_2169 : memref<1x1x32x128xf32, #tpu.memory_space<vmem>> -> memref<32x128xf32, #tpu.memory_space<vmem>>
      %gather3A_2171 = tpu.vector_load_idx %gather3A_2170[%add3A_2164, %add3A_2150] : memref<32x128xf32, #tpu.memory_space<vmem>>[vector<16xi32>, vector<16xi32>], vector<16xf32>,
      %gather3A_2172 = arith.constant 1 : i32
      %gather3A_2173 = arith.constant 3 : i32
      %gather3A_2174 = arith.constant 0 : i32
      %gather3A_2175 = arith.constant 0 : i32
      %gather3A_2176 = tpu.memref_slice %arg12[%gather3A_2172, %gather3A_2173, %gather3A_2174, %gather3A_2175] : memref<2x4x32x128xf32, #tpu.memory_space<vmem>> -> memref<1x1x32x128xf32, #tpu.memory_space<vmem>>
      %gather3A_2177 = tpu.memref_squeeze %gather3A_2176 : memref<1x1x32x128xf32, #tpu.memory_space<vmem>> -> memref<32x128xf32, #tpu.memory_space<vmem>>
      %gather3A_2178 = tpu.vector_load_idx %gather3A_2177[%iota3A, %add3A_2154] : memref<32x128xf32, #tpu.memory_space<vmem>>[vector<16xi32>, vector<16xi32>], vector<16xf32>,
      %add3A_2179 = arith.constant 16 : i32
      %add3A_2180 = vector.broadcast %add3A_2179 : i32 to vector<16xi32>
      %add3A_2181 = arith.addi %iota3A, %add3A_2180 : vector<16xi32>
      %gather3A_2182 = arith.constant 1 : i32
      %gather3A_2183 = arith.constant 3 : i32
      %gather3A_2184 = arith.constant 0 : i32
      %gather3A_2185 = arith.constant 0 : i32
      %gather3A_2186 = tpu.memref_slice %arg12[%gather3A_2182, %gather3A_2183, %gather3A_2184, %gather3A_2185] : memref<2x4x32x128xf32, #tpu.memory_space<vmem>> -> memref<1x1x32x128xf32, #tpu.memory_space<vmem>>
      %gather3A_2187 = tpu.memref_squeeze %gather3A_2186 : memref<1x1x32x128xf32, #tpu.memory_space<vmem>> -> memref<32x128xf32, #tpu.memory_space<vmem>>
      %gather3A_2188 = tpu.vector_load_idx %gather3A_2187[%add3A_2181, %add3A_2154] : memref<32x128xf32, #tpu.memory_space<vmem>>[vector<16xi32>, vector<16xi32>], vector<16xf32>,
      %mul3A_2189 = arith.mulf %gather3A_2161, %gather3A_2178 : vector<16xf32>
      %mul3A_2190 = arith.mulf %gather3A_2171, %gather3A_2188 : vector<16xf32>
      %add3A_2191 = arith.addf %mul3A_2189, %mul3A_2190 : vector<16xf32>
      %swap3A_2192 = arith.constant 7 : i32
      %swap3A_2193 = arith.index_cast %swap3A_2192 : i32 to index
      %swap3A_2194 = arith.constant 0 : index
      %swap3A_2195 = tpu.vector_load %arg13[%swap3A_2193, %swap3A_2194] {strides = array<i32>} : memref<16x16xf32, #tpu.memory_space<vmem>>, vector<16xf32>,
      tpu.vector_store %arg13[%swap3A_2193, %swap3A_2194], %add3A_2191 {strides = array<i32>} : memref<16x16xf32, #tpu.memory_space<vmem>>, vector<16xf32>,
      %dma_wait3A_2196 = arith.constant 0 : i32
      %dma_wait3A_2197 = arith.constant 0 : i32
      %dma_wait3A_2198 = arith.constant 0 : i32
      %dma_wait3A_2199 = arith.constant 0 : i32
      %dma_wait3A_2200 = tpu.memref_slice %arg11[%dma_wait3A_2196, %dma_wait3A_2197, %dma_wait3A_2198, %dma_wait3A_2199] : memref<2x4x32x128xf32, #tpu.memory_space<vmem>> -> memref<1x1x32x128xf32, #tpu.memory_space<vmem>>
      %dma_wait3A_2201 = tpu.memref_squeeze %dma_wait3A_2200 : memref<1x1x32x128xf32, #tpu.memory_space<vmem>> -> memref<32x128xf32, #tpu.memory_space<vmem>>
      %dma_wait3A_2202 = arith.constant 0 : i32
      %dma_wait3A_2203 = arith.constant 0 : i32
      %dma_wait3A_2204 = tpu.memref_slice %arg3[%dma_wait3A_2202, %dma_wait3A_2203] : memref<32x1000000xf32, #tpu.memory_space<hbm>> -> memref<32x128xf32, #tpu.memory_space<hbm>>
      %dma_wait3A_2205 = arith.constant 0 : i32
      %dma_wait3A_2206 = arith.constant 0 : i32
      %dma_wait3A_2207 = tpu.memref_slice %arg11[%dma_wait3A_2196, %dma_wait3A_2197, %dma_wait3A_2205, %dma_wait3A_2206] : memref<2x4x32x128xf32, #tpu.memory_space<vmem>> -> memref<1x1x32x128xf32, #tpu.memory_space<vmem>>
      %dma_wait3A_2208 = tpu.memref_squeeze %dma_wait3A_2207 : memref<1x1x32x128xf32, #tpu.memory_space<vmem>> -> memref<32x128xf32, #tpu.memory_space<vmem>>
      %dma_wait3A_2209 = arith.constant 0 : i32
      %dma_wait3A_2210 = arith.constant 0 : i32
      %dma_wait3A_2211 = tpu.memref_slice %arg3[%dma_wait3A_2209, %dma_wait3A_2210] : memref<32x1000000xf32, #tpu.memory_space<hbm>> -> memref<32x128xf32, #tpu.memory_space<hbm>>
      tpu.wait_dma2 semaphore(%arg15 : memref<!tpu.dma_semaphore, #tpu.memory_space<semaphore_mem>>) src(%dma_wait3A_2211 : memref<32x128xf32, #tpu.memory_space<hbm>>) dst(%dma_wait3A_2208 : memref<32x128xf32, #tpu.memory_space<vmem>>)
      %dma_wait3A_2212 = arith.constant 0 : i32
      %dma_wait3A_2213 = arith.constant 0 : i32
      %dma_wait3A_2214 = arith.constant 0 : i32
      %dma_wait3A_2215 = arith.constant 0 : i32
      %dma_wait3A_2216 = tpu.memref_slice %arg12[%dma_wait3A_2212, %dma_wait3A_2213, %dma_wait3A_2214, %dma_wait3A_2215] : memref<2x4x32x128xf32, #tpu.memory_space<vmem>> -> memref<1x1x32x128xf32, #tpu.memory_space<vmem>>
      %dma_wait3A_2217 = tpu.memref_squeeze %dma_wait3A_2216 : memref<1x1x32x128xf32, #tpu.memory_space<vmem>> -> memref<32x128xf32, #tpu.memory_space<vmem>>
      %dma_wait3A_2218 = arith.constant 0 : i32
      %dma_wait3A_2219 = arith.constant 0 : i32
      %dma_wait3A_2220 = tpu.memref_slice %arg4[%dma_wait3A_2218, %dma_wait3A_2219] : memref<32x1000000xf32, #tpu.memory_space<hbm>> -> memref<32x128xf32, #tpu.memory_space<hbm>>
      %dma_wait3A_2221 = arith.constant 0 : i32
      %dma_wait3A_2222 = arith.constant 0 : i32
      %dma_wait3A_2223 = tpu.memref_slice %arg12[%dma_wait3A_2212, %dma_wait3A_2213, %dma_wait3A_2221, %dma_wait3A_2222] : memref<2x4x32x128xf32, #tpu.memory_space<vmem>> -> memref<1x1x32x128xf32, #tpu.memory_space<vmem>>
      %dma_wait3A_2224 = tpu.memref_squeeze %dma_wait3A_2223 : memref<1x1x32x128xf32, #tpu.memory_space<vmem>> -> memref<32x128xf32, #tpu.memory_space<vmem>>
      %dma_wait3A_2225 = arith.constant 0 : i32
      %dma_wait3A_2226 = arith.constant 0 : i32
      %dma_wait3A_2227 = tpu.memref_slice %arg4[%dma_wait3A_2225, %dma_wait3A_2226] : memref<32x1000000xf32, #tpu.memory_space<hbm>> -> memref<32x128xf32, #tpu.memory_space<hbm>>
      tpu.wait_dma2 semaphore(%arg17 : memref<!tpu.dma_semaphore, #tpu.memory_space<semaphore_mem>>) src(%dma_wait3A_2227 : memref<32x128xf32, #tpu.memory_space<hbm>>) dst(%dma_wait3A_2224 : memref<32x128xf32, #tpu.memory_space<vmem>>)
      %dma_wait3A_2228 = arith.constant 0 : i32
      %dma_wait3A_2229 = arith.constant 1 : i32
      %dma_wait3A_2230 = arith.constant 0 : i32
      %dma_wait3A_2231 = arith.constant 0 : i32
      %dma_wait3A_2232 = tpu.memref_slice %arg11[%dma_wait3A_2228, %dma_wait3A_2229, %dma_wait3A_2230, %dma_wait3A_2231] : memref<2x4x32x128xf32, #tpu.memory_space<vmem>> -> memref<1x1x32x128xf32, #tpu.memory_space<vmem>>
      %dma_wait3A_2233 = tpu.memref_squeeze %dma_wait3A_2232 : memref<1x1x32x128xf32, #tpu.memory_space<vmem>> -> memref<32x128xf32, #tpu.memory_space<vmem>>
      %dma_wait3A_2234 = arith.constant 0 : i32
      %dma_wait3A_2235 = arith.constant 0 : i32
      %dma_wait3A_2236 = tpu.memref_slice %arg3[%dma_wait3A_2234, %dma_wait3A_2235] : memref<32x1000000xf32, #tpu.memory_space<hbm>> -> memref<32x128xf32, #tpu.memory_space<hbm>>
      %dma_wait3A_2237 = arith.constant 0 : i32
      %dma_wait3A_2238 = arith.constant 0 : i32
      %dma_wait3A_2239 = tpu.memref_slice %arg11[%dma_wait3A_2228, %dma_wait3A_2229, %dma_wait3A_2237, %dma_wait3A_2238] : memref<2x4x32x128xf32, #tpu.memory_space<vmem>> -> memref<1x1x32x128xf32, #tpu.memory_space<vmem>>
      %dma_wait3A_2240 = tpu.memref_squeeze %dma_wait3A_2239 : memref<1x1x32x128xf32, #tpu.memory_space<vmem>> -> memref<32x128xf32, #tpu.memory_space<vmem>>
      %dma_wait3A_2241 = arith.constant 0 : i32
      %dma_wait3A_2242 = arith.constant 0 : i32
      %dma_wait3A_2243 = tpu.memref_slice %arg3[%dma_wait3A_2241, %dma_wait3A_2242] : memref<32x1000000xf32, #tpu.memory_space<hbm>> -> memref<32x128xf32, #tpu.memory_space<hbm>>
      tpu.wait_dma2 semaphore(%arg15 : memref<!tpu.dma_semaphore, #tpu.memory_space<semaphore_mem>>) src(%dma_wait3A_2243 : memref<32x128xf32, #tpu.memory_space<hbm>>) dst(%dma_wait3A_2240 : memref<32x128xf32, #tpu.memory_space<vmem>>)
      %dma_wait3A_2244 = arith.constant 0 : i32
      %dma_wait3A_2245 = arith.constant 1 : i32
      %dma_wait3A_2246 = arith.constant 0 : i32
      %dma_wait3A_2247 = arith.constant 0 : i32
      %dma_wait3A_2248 = tpu.memref_slice %arg12[%dma_wait3A_2244, %dma_wait3A_2245, %dma_wait3A_2246, %dma_wait3A_2247] : memref<2x4x32x128xf32, #tpu.memory_space<vmem>> -> memref<1x1x32x128xf32, #tpu.memory_space<vmem>>
      %dma_wait3A_2249 = tpu.memref_squeeze %dma_wait3A_2248 : memref<1x1x32x128xf32, #tpu.memory_space<vmem>> -> memref<32x128xf32, #tpu.memory_space<vmem>>
      %dma_wait3A_2250 = arith.constant 0 : i32
      %dma_wait3A_2251 = arith.constant 0 : i32
      %dma_wait3A_2252 = tpu.memref_slice %arg4[%dma_wait3A_2250, %dma_wait3A_2251] : memref<32x1000000xf32, #tpu.memory_space<hbm>> -> memref<32x128xf32, #tpu.memory_space<hbm>>
      %dma_wait3A_2253 = arith.constant 0 : i32
      %dma_wait3A_2254 = arith.constant 0 : i32
      %dma_wait3A_2255 = tpu.memref_slice %arg12[%dma_wait3A_2244, %dma_wait3A_2245, %dma_wait3A_2253, %dma_wait3A_2254] : memref<2x4x32x128xf32, #tpu.memory_space<vmem>> -> memref<1x1x32x128xf32, #tpu.memory_space<vmem>>
      %dma_wait3A_2256 = tpu.memref_squeeze %dma_wait3A_2255 : memref<1x1x32x128xf32, #tpu.memory_space<vmem>> -> memref<32x128xf32, #tpu.memory_space<vmem>>
      %dma_wait3A_2257 = arith.constant 0 : i32
      %dma_wait3A_2258 = arith.constant 0 : i32
      %dma_wait3A_2259 = tpu.memref_slice %arg4[%dma_wait3A_2257, %dma_wait3A_2258] : memref<32x1000000xf32, #tpu.memory_space<hbm>> -> memref<32x128xf32, #tpu.memory_space<hbm>>
      tpu.wait_dma2 semaphore(%arg17 : memref<!tpu.dma_semaphore, #tpu.memory_space<semaphore_mem>>) src(%dma_wait3A_2259 : memref<32x128xf32, #tpu.memory_space<hbm>>) dst(%dma_wait3A_2256 : memref<32x128xf32, #tpu.memory_space<vmem>>)
      %dma_wait3A_2260 = arith.constant 0 : i32
      %dma_wait3A_2261 = arith.constant 2 : i32
      %dma_wait3A_2262 = arith.constant 0 : i32
      %dma_wait3A_2263 = arith.constant 0 : i32
      %dma_wait3A_2264 = tpu.memref_slice %arg11[%dma_wait3A_2260, %dma_wait3A_2261, %dma_wait3A_2262, %dma_wait3A_2263] : memref<2x4x32x128xf32, #tpu.memory_space<vmem>> -> memref<1x1x32x128xf32, #tpu.memory_space<vmem>>
      %dma_wait3A_2265 = tpu.memref_squeeze %dma_wait3A_2264 : memref<1x1x32x128xf32, #tpu.memory_space<vmem>> -> memref<32x128xf32, #tpu.memory_space<vmem>>
      %dma_wait3A_2266 = arith.constant 0 : i32
      %dma_wait3A_2267 = arith.constant 0 : i32
      %dma_wait3A_2268 = tpu.memref_slice %arg3[%dma_wait3A_2266, %dma_wait3A_2267] : memref<32x1000000xf32, #tpu.memory_space<hbm>> -> memref<32x128xf32, #tpu.memory_space<hbm>>
      %dma_wait3A_2269 = arith.constant 0 : i32
      %dma_wait3A_2270 = arith.constant 0 : i32
      %dma_wait3A_2271 = tpu.memref_slice %arg11[%dma_wait3A_2260, %dma_wait3A_2261, %dma_wait3A_2269, %dma_wait3A_2270] : memref<2x4x32x128xf32, #tpu.memory_space<vmem>> -> memref<1x1x32x128xf32, #tpu.memory_space<vmem>>
      %dma_wait3A_2272 = tpu.memref_squeeze %dma_wait3A_2271 : memref<1x1x32x128xf32, #tpu.memory_space<vmem>> -> memref<32x128xf32, #tpu.memory_space<vmem>>
      %dma_wait3A_2273 = arith.constant 0 : i32
      %dma_wait3A_2274 = arith.constant 0 : i32
      %dma_wait3A_2275 = tpu.memref_slice %arg3[%dma_wait3A_2273, %dma_wait3A_2274] : memref<32x1000000xf32, #tpu.memory_space<hbm>> -> memref<32x128xf32, #tpu.memory_space<hbm>>
      tpu.wait_dma2 semaphore(%arg15 : memref<!tpu.dma_semaphore, #tpu.memory_space<semaphore_mem>>) src(%dma_wait3A_2275 : memref<32x128xf32, #tpu.memory_space<hbm>>) dst(%dma_wait3A_2272 : memref<32x128xf32, #tpu.memory_space<vmem>>)
      %dma_wait3A_2276 = arith.constant 0 : i32
      %dma_wait3A_2277 = arith.constant 2 : i32
      %dma_wait3A_2278 = arith.constant 0 : i32
      %dma_wait3A_2279 = arith.constant 0 : i32
      %dma_wait3A_2280 = tpu.memref_slice %arg12[%dma_wait3A_2276, %dma_wait3A_2277, %dma_wait3A_2278, %dma_wait3A_2279] : memref<2x4x32x128xf32, #tpu.memory_space<vmem>> -> memref<1x1x32x128xf32, #tpu.memory_space<vmem>>
      %dma_wait3A_2281 = tpu.memref_squeeze %dma_wait3A_2280 : memref<1x1x32x128xf32, #tpu.memory_space<vmem>> -> memref<32x128xf32, #tpu.memory_space<vmem>>
      %dma_wait3A_2282 = arith.constant 0 : i32
      %dma_wait3A_2283 = arith.constant 0 : i32
      %dma_wait3A_2284 = tpu.memref_slice %arg4[%dma_wait3A_2282, %dma_wait3A_2283] : memref<32x1000000xf32, #tpu.memory_space<hbm>> -> memref<32x128xf32, #tpu.memory_space<hbm>>
      %dma_wait3A_2285 = arith.constant 0 : i32
      %dma_wait3A_2286 = arith.constant 0 : i32
      %dma_wait3A_2287 = tpu.memref_slice %arg12[%dma_wait3A_2276, %dma_wait3A_2277, %dma_wait3A_2285, %dma_wait3A_2286] : memref<2x4x32x128xf32, #tpu.memory_space<vmem>> -> memref<1x1x32x128xf32, #tpu.memory_space<vmem>>
      %dma_wait3A_2288 = tpu.memref_squeeze %dma_wait3A_2287 : memref<1x1x32x128xf32, #tpu.memory_space<vmem>> -> memref<32x128xf32, #tpu.memory_space<vmem>>
      %dma_wait3A_2289 = arith.constant 0 : i32
      %dma_wait3A_2290 = arith.constant 0 : i32
      %dma_wait3A_2291 = tpu.memref_slice %arg4[%dma_wait3A_2289, %dma_wait3A_2290] : memref<32x1000000xf32, #tpu.memory_space<hbm>> -> memref<32x128xf32, #tpu.memory_space<hbm>>
      tpu.wait_dma2 semaphore(%arg17 : memref<!tpu.dma_semaphore, #tpu.memory_space<semaphore_mem>>) src(%dma_wait3A_2291 : memref<32x128xf32, #tpu.memory_space<hbm>>) dst(%dma_wait3A_2288 : memref<32x128xf32, #tpu.memory_space<vmem>>)
      %dma_wait3A_2292 = arith.constant 0 : i32
      %dma_wait3A_2293 = arith.constant 3 : i32
      %dma_wait3A_2294 = arith.constant 0 : i32
      %dma_wait3A_2295 = arith.constant 0 : i32
      %dma_wait3A_2296 = tpu.memref_slice %arg11[%dma_wait3A_2292, %dma_wait3A_2293, %dma_wait3A_2294, %dma_wait3A_2295] : memref<2x4x32x128xf32, #tpu.memory_space<vmem>> -> memref<1x1x32x128xf32, #tpu.memory_space<vmem>>
      %dma_wait3A_2297 = tpu.memref_squeeze %dma_wait3A_2296 : memref<1x1x32x128xf32, #tpu.memory_space<vmem>> -> memref<32x128xf32, #tpu.memory_space<vmem>>
      %dma_wait3A_2298 = arith.constant 0 : i32
      %dma_wait3A_2299 = arith.constant 0 : i32
      %dma_wait3A_2300 = tpu.memref_slice %arg3[%dma_wait3A_2298, %dma_wait3A_2299] : memref<32x1000000xf32, #tpu.memory_space<hbm>> -> memref<32x128xf32, #tpu.memory_space<hbm>>
      %dma_wait3A_2301 = arith.constant 0 : i32
      %dma_wait3A_2302 = arith.constant 0 : i32
      %dma_wait3A_2303 = tpu.memref_slice %arg11[%dma_wait3A_2292, %dma_wait3A_2293, %dma_wait3A_2301, %dma_wait3A_2302] : memref<2x4x32x128xf32, #tpu.memory_space<vmem>> -> memref<1x1x32x128xf32, #tpu.memory_space<vmem>>
      %dma_wait3A_2304 = tpu.memref_squeeze %dma_wait3A_2303 : memref<1x1x32x128xf32, #tpu.memory_space<vmem>> -> memref<32x128xf32, #tpu.memory_space<vmem>>
      %dma_wait3A_2305 = arith.constant 0 : i32
      %dma_wait3A_2306 = arith.constant 0 : i32
      %dma_wait3A_2307 = tpu.memref_slice %arg3[%dma_wait3A_2305, %dma_wait3A_2306] : memref<32x1000000xf32, #tpu.memory_space<hbm>> -> memref<32x128xf32, #tpu.memory_space<hbm>>
      tpu.wait_dma2 semaphore(%arg15 : memref<!tpu.dma_semaphore, #tpu.memory_space<semaphore_mem>>) src(%dma_wait3A_2307 : memref<32x128xf32, #tpu.memory_space<hbm>>) dst(%dma_wait3A_2304 : memref<32x128xf32, #tpu.memory_space<vmem>>)
      %dma_wait3A_2308 = arith.constant 0 : i32
      %dma_wait3A_2309 = arith.constant 3 : i32
      %dma_wait3A_2310 = arith.constant 0 : i32
      %dma_wait3A_2311 = arith.constant 0 : i32
      %dma_wait3A_2312 = tpu.memref_slice %arg12[%dma_wait3A_2308, %dma_wait3A_2309, %dma_wait3A_2310, %dma_wait3A_2311] : memref<2x4x32x128xf32, #tpu.memory_space<vmem>> -> memref<1x1x32x128xf32, #tpu.memory_space<vmem>>
      %dma_wait3A_2313 = tpu.memref_squeeze %dma_wait3A_2312 : memref<1x1x32x128xf32, #tpu.memory_space<vmem>> -> memref<32x128xf32, #tpu.memory_space<vmem>>
      %dma_wait3A_2314 = arith.constant 0 : i32
      %dma_wait3A_2315 = arith.constant 0 : i32
      %dma_wait3A_2316 = tpu.memref_slice %arg4[%dma_wait3A_2314, %dma_wait3A_2315] : memref<32x1000000xf32, #tpu.memory_space<hbm>> -> memref<32x128xf32, #tpu.memory_space<hbm>>
      %dma_wait3A_2317 = arith.constant 0 : i32
      %dma_wait3A_2318 = arith.constant 0 : i32
      %dma_wait3A_2319 = tpu.memref_slice %arg12[%dma_wait3A_2308, %dma_wait3A_2309, %dma_wait3A_2317, %dma_wait3A_2318] : memref<2x4x32x128xf32, #tpu.memory_space<vmem>> -> memref<1x1x32x128xf32, #tpu.memory_space<vmem>>
      %dma_wait3A_2320 = tpu.memref_squeeze %dma_wait3A_2319 : memref<1x1x32x128xf32, #tpu.memory_space<vmem>> -> memref<32x128xf32, #tpu.memory_space<vmem>>
      %dma_wait3A_2321 = arith.constant 0 : i32
      %dma_wait3A_2322 = arith.constant 0 : i32
      %dma_wait3A_2323 = tpu.memref_slice %arg4[%dma_wait3A_2321, %dma_wait3A_2322] : memref<32x1000000xf32, #tpu.memory_space<hbm>> -> memref<32x128xf32, #tpu.memory_space<hbm>>
      tpu.wait_dma2 semaphore(%arg17 : memref<!tpu.dma_semaphore, #tpu.memory_space<semaphore_mem>>) src(%dma_wait3A_2323 : memref<32x128xf32, #tpu.memory_space<hbm>>) dst(%dma_wait3A_2320 : memref<32x128xf32, #tpu.memory_space<vmem>>)
      %slice3A_2324 = vector.extract_strided_slice %get3A_1006 {offsets = [8], sizes = [1], strides = [1]} : vector<16xi32> to vector<1xi32>
      %squeeze3A_2325 = vector.extract %slice3A_2324[0] : i32 from vector<1xi32>
      %add3A_2326 = vector.broadcast %squeeze3A_2325 : i32 to vector<16xi32>
      %add3A_2327 = arith.addi %add3A_2326, %broadcast_in_dim3A_5 : vector<16xi32>
      %slice3A_2328 = vector.extract_strided_slice %get3A_1008 {offsets = [8], sizes = [1], strides = [1]} : vector<16xi32> to vector<1xi32>
      %squeeze3A_2329 = vector.extract %slice3A_2328[0] : i32 from vector<1xi32>
      %add3A_2330 = vector.broadcast %squeeze3A_2329 : i32 to vector<16xi32>
      %add3A_2331 = arith.addi %add3A_2330, %broadcast_in_dim3A_5 : vector<16xi32>
      %gather3A_2332 = arith.constant 0 : i32
      %gather3A_2333 = arith.constant 0 : i32
      %gather3A_2334 = arith.constant 0 : i32
      %gather3A_2335 = arith.constant 0 : i32
      %gather3A_2336 = tpu.memref_slice %arg11[%gather3A_2332, %gather3A_2333, %gather3A_2334, %gather3A_2335] : memref<2x4x32x128xf32, #tpu.memory_space<vmem>> -> memref<1x1x32x128xf32, #tpu.memory_space<vmem>>
      %gather3A_2337 = tpu.memref_squeeze %gather3A_2336 : memref<1x1x32x128xf32, #tpu.memory_space<vmem>> -> memref<32x128xf32, #tpu.memory_space<vmem>>
      %gather3A_2338 = tpu.vector_load_idx %gather3A_2337[%iota3A, %add3A_2327] : memref<32x128xf32, #tpu.memory_space<vmem>>[vector<16xi32>, vector<16xi32>], vector<16xf32>,
      %add3A_2339 = arith.constant 16 : i32
      %add3A_2340 = vector.broadcast %add3A_2339 : i32 to vector<16xi32>
      %add3A_2341 = arith.addi %iota3A, %add3A_2340 : vector<16xi32>
      %gather3A_2342 = arith.constant 0 : i32
      %gather3A_2343 = arith.constant 0 : i32
      %gather3A_2344 = arith.constant 0 : i32
      %gather3A_2345 = arith.constant 0 : i32
      %gather3A_2346 = tpu.memref_slice %arg11[%gather3A_2342, %gather3A_2343, %gather3A_2344, %gather3A_2345] : memref<2x4x32x128xf32, #tpu.memory_space<vmem>> -> memref<1x1x32x128xf32, #tpu.memory_space<vmem>>
      %gather3A_2347 = tpu.memref_squeeze %gather3A_2346 : memref<1x1x32x128xf32, #tpu.memory_space<vmem>> -> memref<32x128xf32, #tpu.memory_space<vmem>>
      %gather3A_2348 = tpu.vector_load_idx %gather3A_2347[%add3A_2341, %add3A_2327] : memref<32x128xf32, #tpu.memory_space<vmem>>[vector<16xi32>, vector<16xi32>], vector<16xf32>,
      %gather3A_2349 = arith.constant 0 : i32
      %gather3A_2350 = arith.constant 0 : i32
      %gather3A_2351 = arith.constant 0 : i32
      %gather3A_2352 = arith.constant 0 : i32
      %gather3A_2353 = tpu.memref_slice %arg12[%gather3A_2349, %gather3A_2350, %gather3A_2351, %gather3A_2352] : memref<2x4x32x128xf32, #tpu.memory_space<vmem>> -> memref<1x1x32x128xf32, #tpu.memory_space<vmem>>
      %gather3A_2354 = tpu.memref_squeeze %gather3A_2353 : memref<1x1x32x128xf32, #tpu.memory_space<vmem>> -> memref<32x128xf32, #tpu.memory_space<vmem>>
      %gather3A_2355 = tpu.vector_load_idx %gather3A_2354[%iota3A, %add3A_2331] : memref<32x128xf32, #tpu.memory_space<vmem>>[vector<16xi32>, vector<16xi32>], vector<16xf32>,
      %add3A_2356 = arith.constant 16 : i32
      %add3A_2357 = vector.broadcast %add3A_2356 : i32 to vector<16xi32>
      %add3A_2358 = arith.addi %iota3A, %add3A_2357 : vector<16xi32>
      %gather3A_2359 = arith.constant 0 : i32
      %gather3A_2360 = arith.constant 0 : i32
      %gather3A_2361 = arith.constant 0 : i32
      %gather3A_2362 = arith.constant 0 : i32
      %gather3A_2363 = tpu.memref_slice %arg12[%gather3A_2359, %gather3A_2360, %gather3A_2361, %gather3A_2362] : memref<2x4x32x128xf32, #tpu.memory_space<vmem>> -> memref<1x1x32x128xf32, #tpu.memory_space<vmem>>
      %gather3A_2364 = tpu.memref_squeeze %gather3A_2363 : memref<1x1x32x128xf32, #tpu.memory_space<vmem>> -> memref<32x128xf32, #tpu.memory_space<vmem>>
      %gather3A_2365 = tpu.vector_load_idx %gather3A_2364[%add3A_2358, %add3A_2331] : memref<32x128xf32, #tpu.memory_space<vmem>>[vector<16xi32>, vector<16xi32>], vector<16xf32>,
      %mul3A_2366 = arith.mulf %gather3A_2338, %gather3A_2355 : vector<16xf32>
      %mul3A_2367 = arith.mulf %gather3A_2348, %gather3A_2365 : vector<16xf32>
      %add3A_2368 = arith.addf %mul3A_2366, %mul3A_2367 : vector<16xf32>
      %swap3A_2369 = arith.constant 8 : i32
      %swap3A_2370 = arith.index_cast %swap3A_2369 : i32 to index
      %swap3A_2371 = arith.constant 0 : index
      %swap3A_2372 = tpu.vector_load %arg13[%swap3A_2370, %swap3A_2371] {strides = array<i32>} : memref<16x16xf32, #tpu.memory_space<vmem>>, vector<16xf32>,
      tpu.vector_store %arg13[%swap3A_2370, %swap3A_2371], %add3A_2368 {strides = array<i32>} : memref<16x16xf32, #tpu.memory_space<vmem>>, vector<16xf32>,
      %slice3A_2373 = vector.extract_strided_slice %get3A_1006 {offsets = [9], sizes = [1], strides = [1]} : vector<16xi32> to vector<1xi32>
      %squeeze3A_2374 = vector.extract %slice3A_2373[0] : i32 from vector<1xi32>
      %add3A_2375 = vector.broadcast %squeeze3A_2374 : i32 to vector<16xi32>
      %add3A_2376 = arith.addi %add3A_2375, %broadcast_in_dim3A_5 : vector<16xi32>
      %slice3A_2377 = vector.extract_strided_slice %get3A_1008 {offsets = [9], sizes = [1], strides = [1]} : vector<16xi32> to vector<1xi32>
      %squeeze3A_2378 = vector.extract %slice3A_2377[0] : i32 from vector<1xi32>
      %add3A_2379 = vector.broadcast %squeeze3A_2378 : i32 to vector<16xi32>
      %add3A_2380 = arith.addi %add3A_2379, %broadcast_in_dim3A_5 : vector<16xi32>
      %gather3A_2381 = arith.constant 0 : i32
      %gather3A_2382 = arith.constant 1 : i32
      %gather3A_2383 = arith.constant 0 : i32
      %gather3A_2384 = arith.constant 0 : i32
      %gather3A_2385 = tpu.memref_slice %arg11[%gather3A_2381, %gather3A_2382, %gather3A_2383, %gather3A_2384] : memref<2x4x32x128xf32, #tpu.memory_space<vmem>> -> memref<1x1x32x128xf32, #tpu.memory_space<vmem>>
      %gather3A_2386 = tpu.memref_squeeze %gather3A_2385 : memref<1x1x32x128xf32, #tpu.memory_space<vmem>> -> memref<32x128xf32, #tpu.memory_space<vmem>>
      %gather3A_2387 = tpu.vector_load_idx %gather3A_2386[%iota3A, %add3A_2376] : memref<32x128xf32, #tpu.memory_space<vmem>>[vector<16xi32>, vector<16xi32>], vector<16xf32>,
      %add3A_2388 = arith.constant 16 : i32
      %add3A_2389 = vector.broadcast %add3A_2388 : i32 to vector<16xi32>
      %add3A_2390 = arith.addi %iota3A, %add3A_2389 : vector<16xi32>
      %gather3A_2391 = arith.constant 0 : i32
      %gather3A_2392 = arith.constant 1 : i32
      %gather3A_2393 = arith.constant 0 : i32
      %gather3A_2394 = arith.constant 0 : i32
      %gather3A_2395 = tpu.memref_slice %arg11[%gather3A_2391, %gather3A_2392, %gather3A_2393, %gather3A_2394] : memref<2x4x32x128xf32, #tpu.memory_space<vmem>> -> memref<1x1x32x128xf32, #tpu.memory_space<vmem>>
      %gather3A_2396 = tpu.memref_squeeze %gather3A_2395 : memref<1x1x32x128xf32, #tpu.memory_space<vmem>> -> memref<32x128xf32, #tpu.memory_space<vmem>>
      %gather3A_2397 = tpu.vector_load_idx %gather3A_2396[%add3A_2390, %add3A_2376] : memref<32x128xf32, #tpu.memory_space<vmem>>[vector<16xi32>, vector<16xi32>], vector<16xf32>,
      %gather3A_2398 = arith.constant 0 : i32
      %gather3A_2399 = arith.constant 1 : i32
      %gather3A_2400 = arith.constant 0 : i32
      %gather3A_2401 = arith.constant 0 : i32
      %gather3A_2402 = tpu.memref_slice %arg12[%gather3A_2398, %gather3A_2399, %gather3A_2400, %gather3A_2401] : memref<2x4x32x128xf32, #tpu.memory_space<vmem>> -> memref<1x1x32x128xf32, #tpu.memory_space<vmem>>
      %gather3A_2403 = tpu.memref_squeeze %gather3A_2402 : memref<1x1x32x128xf32, #tpu.memory_space<vmem>> -> memref<32x128xf32, #tpu.memory_space<vmem>>
      %gather3A_2404 = tpu.vector_load_idx %gather3A_2403[%iota3A, %add3A_2380] : memref<32x128xf32, #tpu.memory_space<vmem>>[vector<16xi32>, vector<16xi32>], vector<16xf32>,
      %add3A_2405 = arith.constant 16 : i32
      %add3A_2406 = vector.broadcast %add3A_2405 : i32 to vector<16xi32>
      %add3A_2407 = arith.addi %iota3A, %add3A_2406 : vector<16xi32>
      %gather3A_2408 = arith.constant 0 : i32
      %gather3A_2409 = arith.constant 1 : i32
      %gather3A_2410 = arith.constant 0 : i32
      %gather3A_2411 = arith.constant 0 : i32
      %gather3A_2412 = tpu.memref_slice %arg12[%gather3A_2408, %gather3A_2409, %gather3A_2410, %gather3A_2411] : memref<2x4x32x128xf32, #tpu.memory_space<vmem>> -> memref<1x1x32x128xf32, #tpu.memory_space<vmem>>
      %gather3A_2413 = tpu.memref_squeeze %gather3A_2412 : memref<1x1x32x128xf32, #tpu.memory_space<vmem>> -> memref<32x128xf32, #tpu.memory_space<vmem>>
      %gather3A_2414 = tpu.vector_load_idx %gather3A_2413[%add3A_2407, %add3A_2380] : memref<32x128xf32, #tpu.memory_space<vmem>>[vector<16xi32>, vector<16xi32>], vector<16xf32>,
      %mul3A_2415 = arith.mulf %gather3A_2387, %gather3A_2404 : vector<16xf32>
      %mul3A_2416 = arith.mulf %gather3A_2397, %gather3A_2414 : vector<16xf32>
      %add3A_2417 = arith.addf %mul3A_2415, %mul3A_2416 : vector<16xf32>
      %swap3A_2418 = arith.constant 9 : i32
      %swap3A_2419 = arith.index_cast %swap3A_2418 : i32 to index
      %swap3A_2420 = arith.constant 0 : index
      %swap3A_2421 = tpu.vector_load %arg13[%swap3A_2419, %swap3A_2420] {strides = array<i32>} : memref<16x16xf32, #tpu.memory_space<vmem>>, vector<16xf32>,
      tpu.vector_store %arg13[%swap3A_2419, %swap3A_2420], %add3A_2417 {strides = array<i32>} : memref<16x16xf32, #tpu.memory_space<vmem>>, vector<16xf32>,
      %slice3A_2422 = vector.extract_strided_slice %get3A_1006 {offsets = [10], sizes = [1], strides = [1]} : vector<16xi32> to vector<1xi32>
      %squeeze3A_2423 = vector.extract %slice3A_2422[0] : i32 from vector<1xi32>
      %add3A_2424 = vector.broadcast %squeeze3A_2423 : i32 to vector<16xi32>
      %add3A_2425 = arith.addi %add3A_2424, %broadcast_in_dim3A_5 : vector<16xi32>
      %slice3A_2426 = vector.extract_strided_slice %get3A_1008 {offsets = [10], sizes = [1], strides = [1]} : vector<16xi32> to vector<1xi32>
      %squeeze3A_2427 = vector.extract %slice3A_2426[0] : i32 from vector<1xi32>
      %add3A_2428 = vector.broadcast %squeeze3A_2427 : i32 to vector<16xi32>
      %add3A_2429 = arith.addi %add3A_2428, %broadcast_in_dim3A_5 : vector<16xi32>
      %gather3A_2430 = arith.constant 0 : i32
      %gather3A_2431 = arith.constant 2 : i32
      %gather3A_2432 = arith.constant 0 : i32
      %gather3A_2433 = arith.constant 0 : i32
      %gather3A_2434 = tpu.memref_slice %arg11[%gather3A_2430, %gather3A_2431, %gather3A_2432, %gather3A_2433] : memref<2x4x32x128xf32, #tpu.memory_space<vmem>> -> memref<1x1x32x128xf32, #tpu.memory_space<vmem>>
      %gather3A_2435 = tpu.memref_squeeze %gather3A_2434 : memref<1x1x32x128xf32, #tpu.memory_space<vmem>> -> memref<32x128xf32, #tpu.memory_space<vmem>>
      %gather3A_2436 = tpu.vector_load_idx %gather3A_2435[%iota3A, %add3A_2425] : memref<32x128xf32, #tpu.memory_space<vmem>>[vector<16xi32>, vector<16xi32>], vector<16xf32>,
      %add3A_2437 = arith.constant 16 : i32
      %add3A_2438 = vector.broadcast %add3A_2437 : i32 to vector<16xi32>
      %add3A_2439 = arith.addi %iota3A, %add3A_2438 : vector<16xi32>
      %gather3A_2440 = arith.constant 0 : i32
      %gather3A_2441 = arith.constant 2 : i32
      %gather3A_2442 = arith.constant 0 : i32
      %gather3A_2443 = arith.constant 0 : i32
      %gather3A_2444 = tpu.memref_slice %arg11[%gather3A_2440, %gather3A_2441, %gather3A_2442, %gather3A_2443] : memref<2x4x32x128xf32, #tpu.memory_space<vmem>> -> memref<1x1x32x128xf32, #tpu.memory_space<vmem>>
      %gather3A_2445 = tpu.memref_squeeze %gather3A_2444 : memref<1x1x32x128xf32, #tpu.memory_space<vmem>> -> memref<32x128xf32, #tpu.memory_space<vmem>>
      %gather3A_2446 = tpu.vector_load_idx %gather3A_2445[%add3A_2439, %add3A_2425] : memref<32x128xf32, #tpu.memory_space<vmem>>[vector<16xi32>, vector<16xi32>], vector<16xf32>,
      %gather3A_2447 = arith.constant 0 : i32
      %gather3A_2448 = arith.constant 2 : i32
      %gather3A_2449 = arith.constant 0 : i32
      %gather3A_2450 = arith.constant 0 : i32
      %gather3A_2451 = tpu.memref_slice %arg12[%gather3A_2447, %gather3A_2448, %gather3A_2449, %gather3A_2450] : memref<2x4x32x128xf32, #tpu.memory_space<vmem>> -> memref<1x1x32x128xf32, #tpu.memory_space<vmem>>
      %gather3A_2452 = tpu.memref_squeeze %gather3A_2451 : memref<1x1x32x128xf32, #tpu.memory_space<vmem>> -> memref<32x128xf32, #tpu.memory_space<vmem>>
      %gather3A_2453 = tpu.vector_load_idx %gather3A_2452[%iota3A, %add3A_2429] : memref<32x128xf32, #tpu.memory_space<vmem>>[vector<16xi32>, vector<16xi32>], vector<16xf32>,
      %add3A_2454 = arith.constant 16 : i32
      %add3A_2455 = vector.broadcast %add3A_2454 : i32 to vector<16xi32>
      %add3A_2456 = arith.addi %iota3A, %add3A_2455 : vector<16xi32>
      %gather3A_2457 = arith.constant 0 : i32
      %gather3A_2458 = arith.constant 2 : i32
      %gather3A_2459 = arith.constant 0 : i32
      %gather3A_2460 = arith.constant 0 : i32
      %gather3A_2461 = tpu.memref_slice %arg12[%gather3A_2457, %gather3A_2458, %gather3A_2459, %gather3A_2460] : memref<2x4x32x128xf32, #tpu.memory_space<vmem>> -> memref<1x1x32x128xf32, #tpu.memory_space<vmem>>
      %gather3A_2462 = tpu.memref_squeeze %gather3A_2461 : memref<1x1x32x128xf32, #tpu.memory_space<vmem>> -> memref<32x128xf32, #tpu.memory_space<vmem>>
      %gather3A_2463 = tpu.vector_load_idx %gather3A_2462[%add3A_2456, %add3A_2429] : memref<32x128xf32, #tpu.memory_space<vmem>>[vector<16xi32>, vector<16xi32>], vector<16xf32>,
      %mul3A_2464 = arith.mulf %gather3A_2436, %gather3A_2453 : vector<16xf32>
      %mul3A_2465 = arith.mulf %gather3A_2446, %gather3A_2463 : vector<16xf32>
      %add3A_2466 = arith.addf %mul3A_2464, %mul3A_2465 : vector<16xf32>
      %swap3A_2467 = arith.constant 10 : i32
      %swap3A_2468 = arith.index_cast %swap3A_2467 : i32 to index
      %swap3A_2469 = arith.constant 0 : index
      %swap3A_2470 = tpu.vector_load %arg13[%swap3A_2468, %swap3A_2469] {strides = array<i32>} : memref<16x16xf32, #tpu.memory_space<vmem>>, vector<16xf32>,
      tpu.vector_store %arg13[%swap3A_2468, %swap3A_2469], %add3A_2466 {strides = array<i32>} : memref<16x16xf32, #tpu.memory_space<vmem>>, vector<16xf32>,
      %slice3A_2471 = vector.extract_strided_slice %get3A_1006 {offsets = [11], sizes = [1], strides = [1]} : vector<16xi32> to vector<1xi32>
      %squeeze3A_2472 = vector.extract %slice3A_2471[0] : i32 from vector<1xi32>
      %add3A_2473 = vector.broadcast %squeeze3A_2472 : i32 to vector<16xi32>
      %add3A_2474 = arith.addi %add3A_2473, %broadcast_in_dim3A_5 : vector<16xi32>
      %slice3A_2475 = vector.extract_strided_slice %get3A_1008 {offsets = [11], sizes = [1], strides = [1]} : vector<16xi32> to vector<1xi32>
      %squeeze3A_2476 = vector.extract %slice3A_2475[0] : i32 from vector<1xi32>
      %add3A_2477 = vector.broadcast %squeeze3A_2476 : i32 to vector<16xi32>
      %add3A_2478 = arith.addi %add3A_2477, %broadcast_in_dim3A_5 : vector<16xi32>
      %gather3A_2479 = arith.constant 0 : i32
      %gather3A_2480 = arith.constant 3 : i32
      %gather3A_2481 = arith.constant 0 : i32
      %gather3A_2482 = arith.constant 0 : i32
      %gather3A_2483 = tpu.memref_slice %arg11[%gather3A_2479, %gather3A_2480, %gather3A_2481, %gather3A_2482] : memref<2x4x32x128xf32, #tpu.memory_space<vmem>> -> memref<1x1x32x128xf32, #tpu.memory_space<vmem>>
      %gather3A_2484 = tpu.memref_squeeze %gather3A_2483 : memref<1x1x32x128xf32, #tpu.memory_space<vmem>> -> memref<32x128xf32, #tpu.memory_space<vmem>>
      %gather3A_2485 = tpu.vector_load_idx %gather3A_2484[%iota3A, %add3A_2474] : memref<32x128xf32, #tpu.memory_space<vmem>>[vector<16xi32>, vector<16xi32>], vector<16xf32>,
      %add3A_2486 = arith.constant 16 : i32
      %add3A_2487 = vector.broadcast %add3A_2486 : i32 to vector<16xi32>
      %add3A_2488 = arith.addi %iota3A, %add3A_2487 : vector<16xi32>
      %gather3A_2489 = arith.constant 0 : i32
      %gather3A_2490 = arith.constant 3 : i32
      %gather3A_2491 = arith.constant 0 : i32
      %gather3A_2492 = arith.constant 0 : i32
      %gather3A_2493 = tpu.memref_slice %arg11[%gather3A_2489, %gather3A_2490, %gather3A_2491, %gather3A_2492] : memref<2x4x32x128xf32, #tpu.memory_space<vmem>> -> memref<1x1x32x128xf32, #tpu.memory_space<vmem>>
      %gather3A_2494 = tpu.memref_squeeze %gather3A_2493 : memref<1x1x32x128xf32, #tpu.memory_space<vmem>> -> memref<32x128xf32, #tpu.memory_space<vmem>>
      %gather3A_2495 = tpu.vector_load_idx %gather3A_2494[%add3A_2488, %add3A_2474] : memref<32x128xf32, #tpu.memory_space<vmem>>[vector<16xi32>, vector<16xi32>], vector<16xf32>,
      %gather3A_2496 = arith.constant 0 : i32
      %gather3A_2497 = arith.constant 3 : i32
      %gather3A_2498 = arith.constant 0 : i32
      %gather3A_2499 = arith.constant 0 : i32
      %gather3A_2500 = tpu.memref_slice %arg12[%gather3A_2496, %gather3A_2497, %gather3A_2498, %gather3A_2499] : memref<2x4x32x128xf32, #tpu.memory_space<vmem>> -> memref<1x1x32x128xf32, #tpu.memory_space<vmem>>
      %gather3A_2501 = tpu.memref_squeeze %gather3A_2500 : memref<1x1x32x128xf32, #tpu.memory_space<vmem>> -> memref<32x128xf32, #tpu.memory_space<vmem>>
      %gather3A_2502 = tpu.vector_load_idx %gather3A_2501[%iota3A, %add3A_2478] : memref<32x128xf32, #tpu.memory_space<vmem>>[vector<16xi32>, vector<16xi32>], vector<16xf32>,
      %add3A_2503 = arith.constant 16 : i32
      %add3A_2504 = vector.broadcast %add3A_2503 : i32 to vector<16xi32>
      %add3A_2505 = arith.addi %iota3A, %add3A_2504 : vector<16xi32>
      %gather3A_2506 = arith.constant 0 : i32
      %gather3A_2507 = arith.constant 3 : i32
      %gather3A_2508 = arith.constant 0 : i32
      %gather3A_2509 = arith.constant 0 : i32
      %gather3A_2510 = tpu.memref_slice %arg12[%gather3A_2506, %gather3A_2507, %gather3A_2508, %gather3A_2509] : memref<2x4x32x128xf32, #tpu.memory_space<vmem>> -> memref<1x1x32x128xf32, #tpu.memory_space<vmem>>
      %gather3A_2511 = tpu.memref_squeeze %gather3A_2510 : memref<1x1x32x128xf32, #tpu.memory_space<vmem>> -> memref<32x128xf32, #tpu.memory_space<vmem>>
      %gather3A_2512 = tpu.vector_load_idx %gather3A_2511[%add3A_2505, %add3A_2478] : memref<32x128xf32, #tpu.memory_space<vmem>>[vector<16xi32>, vector<16xi32>], vector<16xf32>,
      %mul3A_2513 = arith.mulf %gather3A_2485, %gather3A_2502 : vector<16xf32>
      %mul3A_2514 = arith.mulf %gather3A_2495, %gather3A_2512 : vector<16xf32>
      %add3A_2515 = arith.addf %mul3A_2513, %mul3A_2514 : vector<16xf32>
      %swap3A_2516 = arith.constant 11 : i32
      %swap3A_2517 = arith.index_cast %swap3A_2516 : i32 to index
      %swap3A_2518 = arith.constant 0 : index
      %swap3A_2519 = tpu.vector_load %arg13[%swap3A_2517, %swap3A_2518] {strides = array<i32>} : memref<16x16xf32, #tpu.memory_space<vmem>>, vector<16xf32>,
      tpu.vector_store %arg13[%swap3A_2517, %swap3A_2518], %add3A_2515 {strides = array<i32>} : memref<16x16xf32, #tpu.memory_space<vmem>>, vector<16xf32>,
      %dma_wait3A_2520 = arith.constant 1 : i32
      %dma_wait3A_2521 = arith.constant 0 : i32
      %dma_wait3A_2522 = arith.constant 0 : i32
      %dma_wait3A_2523 = arith.constant 0 : i32
      %dma_wait3A_2524 = tpu.memref_slice %arg11[%dma_wait3A_2520, %dma_wait3A_2521, %dma_wait3A_2522, %dma_wait3A_2523] : memref<2x4x32x128xf32, #tpu.memory_space<vmem>> -> memref<1x1x32x128xf32, #tpu.memory_space<vmem>>
      %dma_wait3A_2525 = tpu.memref_squeeze %dma_wait3A_2524 : memref<1x1x32x128xf32, #tpu.memory_space<vmem>> -> memref<32x128xf32, #tpu.memory_space<vmem>>
      %dma_wait3A_2526 = arith.constant 0 : i32
      %dma_wait3A_2527 = arith.constant 0 : i32
      %dma_wait3A_2528 = tpu.memref_slice %arg3[%dma_wait3A_2526, %dma_wait3A_2527] : memref<32x1000000xf32, #tpu.memory_space<hbm>> -> memref<32x128xf32, #tpu.memory_space<hbm>>
      %dma_wait3A_2529 = arith.constant 0 : i32
      %dma_wait3A_2530 = arith.constant 0 : i32
      %dma_wait3A_2531 = tpu.memref_slice %arg11[%dma_wait3A_2520, %dma_wait3A_2521, %dma_wait3A_2529, %dma_wait3A_2530] : memref<2x4x32x128xf32, #tpu.memory_space<vmem>> -> memref<1x1x32x128xf32, #tpu.memory_space<vmem>>
      %dma_wait3A_2532 = tpu.memref_squeeze %dma_wait3A_2531 : memref<1x1x32x128xf32, #tpu.memory_space<vmem>> -> memref<32x128xf32, #tpu.memory_space<vmem>>
      %dma_wait3A_2533 = arith.constant 0 : i32
      %dma_wait3A_2534 = arith.constant 0 : i32
      %dma_wait3A_2535 = tpu.memref_slice %arg3[%dma_wait3A_2533, %dma_wait3A_2534] : memref<32x1000000xf32, #tpu.memory_space<hbm>> -> memref<32x128xf32, #tpu.memory_space<hbm>>
      tpu.wait_dma2 semaphore(%arg16 : memref<!tpu.dma_semaphore, #tpu.memory_space<semaphore_mem>>) src(%dma_wait3A_2535 : memref<32x128xf32, #tpu.memory_space<hbm>>) dst(%dma_wait3A_2532 : memref<32x128xf32, #tpu.memory_space<vmem>>)
      %dma_wait3A_2536 = arith.constant 1 : i32
      %dma_wait3A_2537 = arith.constant 0 : i32
      %dma_wait3A_2538 = arith.constant 0 : i32
      %dma_wait3A_2539 = arith.constant 0 : i32
      %dma_wait3A_2540 = tpu.memref_slice %arg12[%dma_wait3A_2536, %dma_wait3A_2537, %dma_wait3A_2538, %dma_wait3A_2539] : memref<2x4x32x128xf32, #tpu.memory_space<vmem>> -> memref<1x1x32x128xf32, #tpu.memory_space<vmem>>
      %dma_wait3A_2541 = tpu.memref_squeeze %dma_wait3A_2540 : memref<1x1x32x128xf32, #tpu.memory_space<vmem>> -> memref<32x128xf32, #tpu.memory_space<vmem>>
      %dma_wait3A_2542 = arith.constant 0 : i32
      %dma_wait3A_2543 = arith.constant 0 : i32
      %dma_wait3A_2544 = tpu.memref_slice %arg4[%dma_wait3A_2542, %dma_wait3A_2543] : memref<32x1000000xf32, #tpu.memory_space<hbm>> -> memref<32x128xf32, #tpu.memory_space<hbm>>
      %dma_wait3A_2545 = arith.constant 0 : i32
      %dma_wait3A_2546 = arith.constant 0 : i32
      %dma_wait3A_2547 = tpu.memref_slice %arg12[%dma_wait3A_2536, %dma_wait3A_2537, %dma_wait3A_2545, %dma_wait3A_2546] : memref<2x4x32x128xf32, #tpu.memory_space<vmem>> -> memref<1x1x32x128xf32, #tpu.memory_space<vmem>>
      %dma_wait3A_2548 = tpu.memref_squeeze %dma_wait3A_2547 : memref<1x1x32x128xf32, #tpu.memory_space<vmem>> -> memref<32x128xf32, #tpu.memory_space<vmem>>
      %dma_wait3A_2549 = arith.constant 0 : i32
      %dma_wait3A_2550 = arith.constant 0 : i32
      %dma_wait3A_2551 = tpu.memref_slice %arg4[%dma_wait3A_2549, %dma_wait3A_2550] : memref<32x1000000xf32, #tpu.memory_space<hbm>> -> memref<32x128xf32, #tpu.memory_space<hbm>>
      tpu.wait_dma2 semaphore(%arg18 : memref<!tpu.dma_semaphore, #tpu.memory_space<semaphore_mem>>) src(%dma_wait3A_2551 : memref<32x128xf32, #tpu.memory_space<hbm>>) dst(%dma_wait3A_2548 : memref<32x128xf32, #tpu.memory_space<vmem>>)
      %dma_wait3A_2552 = arith.constant 1 : i32
      %dma_wait3A_2553 = arith.constant 1 : i32
      %dma_wait3A_2554 = arith.constant 0 : i32
      %dma_wait3A_2555 = arith.constant 0 : i32
      %dma_wait3A_2556 = tpu.memref_slice %arg11[%dma_wait3A_2552, %dma_wait3A_2553, %dma_wait3A_2554, %dma_wait3A_2555] : memref<2x4x32x128xf32, #tpu.memory_space<vmem>> -> memref<1x1x32x128xf32, #tpu.memory_space<vmem>>
      %dma_wait3A_2557 = tpu.memref_squeeze %dma_wait3A_2556 : memref<1x1x32x128xf32, #tpu.memory_space<vmem>> -> memref<32x128xf32, #tpu.memory_space<vmem>>
      %dma_wait3A_2558 = arith.constant 0 : i32
      %dma_wait3A_2559 = arith.constant 0 : i32
      %dma_wait3A_2560 = tpu.memref_slice %arg3[%dma_wait3A_2558, %dma_wait3A_2559] : memref<32x1000000xf32, #tpu.memory_space<hbm>> -> memref<32x128xf32, #tpu.memory_space<hbm>>
      %dma_wait3A_2561 = arith.constant 0 : i32
      %dma_wait3A_2562 = arith.constant 0 : i32
      %dma_wait3A_2563 = tpu.memref_slice %arg11[%dma_wait3A_2552, %dma_wait3A_2553, %dma_wait3A_2561, %dma_wait3A_2562] : memref<2x4x32x128xf32, #tpu.memory_space<vmem>> -> memref<1x1x32x128xf32, #tpu.memory_space<vmem>>
      %dma_wait3A_2564 = tpu.memref_squeeze %dma_wait3A_2563 : memref<1x1x32x128xf32, #tpu.memory_space<vmem>> -> memref<32x128xf32, #tpu.memory_space<vmem>>
      %dma_wait3A_2565 = arith.constant 0 : i32
      %dma_wait3A_2566 = arith.constant 0 : i32
      %dma_wait3A_2567 = tpu.memref_slice %arg3[%dma_wait3A_2565, %dma_wait3A_2566] : memref<32x1000000xf32, #tpu.memory_space<hbm>> -> memref<32x128xf32, #tpu.memory_space<hbm>>
      tpu.wait_dma2 semaphore(%arg16 : memref<!tpu.dma_semaphore, #tpu.memory_space<semaphore_mem>>) src(%dma_wait3A_2567 : memref<32x128xf32, #tpu.memory_space<hbm>>) dst(%dma_wait3A_2564 : memref<32x128xf32, #tpu.memory_space<vmem>>)
      %dma_wait3A_2568 = arith.constant 1 : i32
      %dma_wait3A_2569 = arith.constant 1 : i32
      %dma_wait3A_2570 = arith.constant 0 : i32
      %dma_wait3A_2571 = arith.constant 0 : i32
      %dma_wait3A_2572 = tpu.memref_slice %arg12[%dma_wait3A_2568, %dma_wait3A_2569, %dma_wait3A_2570, %dma_wait3A_2571] : memref<2x4x32x128xf32, #tpu.memory_space<vmem>> -> memref<1x1x32x128xf32, #tpu.memory_space<vmem>>
      %dma_wait3A_2573 = tpu.memref_squeeze %dma_wait3A_2572 : memref<1x1x32x128xf32, #tpu.memory_space<vmem>> -> memref<32x128xf32, #tpu.memory_space<vmem>>
      %dma_wait3A_2574 = arith.constant 0 : i32
      %dma_wait3A_2575 = arith.constant 0 : i32
      %dma_wait3A_2576 = tpu.memref_slice %arg4[%dma_wait3A_2574, %dma_wait3A_2575] : memref<32x1000000xf32, #tpu.memory_space<hbm>> -> memref<32x128xf32, #tpu.memory_space<hbm>>
      %dma_wait3A_2577 = arith.constant 0 : i32
      %dma_wait3A_2578 = arith.constant 0 : i32
      %dma_wait3A_2579 = tpu.memref_slice %arg12[%dma_wait3A_2568, %dma_wait3A_2569, %dma_wait3A_2577, %dma_wait3A_2578] : memref<2x4x32x128xf32, #tpu.memory_space<vmem>> -> memref<1x1x32x128xf32, #tpu.memory_space<vmem>>
      %dma_wait3A_2580 = tpu.memref_squeeze %dma_wait3A_2579 : memref<1x1x32x128xf32, #tpu.memory_space<vmem>> -> memref<32x128xf32, #tpu.memory_space<vmem>>
      %dma_wait3A_2581 = arith.constant 0 : i32
      %dma_wait3A_2582 = arith.constant 0 : i32
      %dma_wait3A_2583 = tpu.memref_slice %arg4[%dma_wait3A_2581, %dma_wait3A_2582] : memref<32x1000000xf32, #tpu.memory_space<hbm>> -> memref<32x128xf32, #tpu.memory_space<hbm>>
      tpu.wait_dma2 semaphore(%arg18 : memref<!tpu.dma_semaphore, #tpu.memory_space<semaphore_mem>>) src(%dma_wait3A_2583 : memref<32x128xf32, #tpu.memory_space<hbm>>) dst(%dma_wait3A_2580 : memref<32x128xf32, #tpu.memory_space<vmem>>)
      %dma_wait3A_2584 = arith.constant 1 : i32
      %dma_wait3A_2585 = arith.constant 2 : i32
      %dma_wait3A_2586 = arith.constant 0 : i32
      %dma_wait3A_2587 = arith.constant 0 : i32
      %dma_wait3A_2588 = tpu.memref_slice %arg11[%dma_wait3A_2584, %dma_wait3A_2585, %dma_wait3A_2586, %dma_wait3A_2587] : memref<2x4x32x128xf32, #tpu.memory_space<vmem>> -> memref<1x1x32x128xf32, #tpu.memory_space<vmem>>
      %dma_wait3A_2589 = tpu.memref_squeeze %dma_wait3A_2588 : memref<1x1x32x128xf32, #tpu.memory_space<vmem>> -> memref<32x128xf32, #tpu.memory_space<vmem>>
      %dma_wait3A_2590 = arith.constant 0 : i32
      %dma_wait3A_2591 = arith.constant 0 : i32
      %dma_wait3A_2592 = tpu.memref_slice %arg3[%dma_wait3A_2590, %dma_wait3A_2591] : memref<32x1000000xf32, #tpu.memory_space<hbm>> -> memref<32x128xf32, #tpu.memory_space<hbm>>
      %dma_wait3A_2593 = arith.constant 0 : i32
      %dma_wait3A_2594 = arith.constant 0 : i32
      %dma_wait3A_2595 = tpu.memref_slice %arg11[%dma_wait3A_2584, %dma_wait3A_2585, %dma_wait3A_2593, %dma_wait3A_2594] : memref<2x4x32x128xf32, #tpu.memory_space<vmem>> -> memref<1x1x32x128xf32, #tpu.memory_space<vmem>>
      %dma_wait3A_2596 = tpu.memref_squeeze %dma_wait3A_2595 : memref<1x1x32x128xf32, #tpu.memory_space<vmem>> -> memref<32x128xf32, #tpu.memory_space<vmem>>
      %dma_wait3A_2597 = arith.constant 0 : i32
      %dma_wait3A_2598 = arith.constant 0 : i32
      %dma_wait3A_2599 = tpu.memref_slice %arg3[%dma_wait3A_2597, %dma_wait3A_2598] : memref<32x1000000xf32, #tpu.memory_space<hbm>> -> memref<32x128xf32, #tpu.memory_space<hbm>>
      tpu.wait_dma2 semaphore(%arg16 : memref<!tpu.dma_semaphore, #tpu.memory_space<semaphore_mem>>) src(%dma_wait3A_2599 : memref<32x128xf32, #tpu.memory_space<hbm>>) dst(%dma_wait3A_2596 : memref<32x128xf32, #tpu.memory_space<vmem>>)
      %dma_wait3A_2600 = arith.constant 1 : i32
      %dma_wait3A_2601 = arith.constant 2 : i32
      %dma_wait3A_2602 = arith.constant 0 : i32
      %dma_wait3A_2603 = arith.constant 0 : i32
      %dma_wait3A_2604 = tpu.memref_slice %arg12[%dma_wait3A_2600, %dma_wait3A_2601, %dma_wait3A_2602, %dma_wait3A_2603] : memref<2x4x32x128xf32, #tpu.memory_space<vmem>> -> memref<1x1x32x128xf32, #tpu.memory_space<vmem>>
      %dma_wait3A_2605 = tpu.memref_squeeze %dma_wait3A_2604 : memref<1x1x32x128xf32, #tpu.memory_space<vmem>> -> memref<32x128xf32, #tpu.memory_space<vmem>>
      %dma_wait3A_2606 = arith.constant 0 : i32
      %dma_wait3A_2607 = arith.constant 0 : i32
      %dma_wait3A_2608 = tpu.memref_slice %arg4[%dma_wait3A_2606, %dma_wait3A_2607] : memref<32x1000000xf32, #tpu.memory_space<hbm>> -> memref<32x128xf32, #tpu.memory_space<hbm>>
      %dma_wait3A_2609 = arith.constant 0 : i32
      %dma_wait3A_2610 = arith.constant 0 : i32
      %dma_wait3A_2611 = tpu.memref_slice %arg12[%dma_wait3A_2600, %dma_wait3A_2601, %dma_wait3A_2609, %dma_wait3A_2610] : memref<2x4x32x128xf32, #tpu.memory_space<vmem>> -> memref<1x1x32x128xf32, #tpu.memory_space<vmem>>
      %dma_wait3A_2612 = tpu.memref_squeeze %dma_wait3A_2611 : memref<1x1x32x128xf32, #tpu.memory_space<vmem>> -> memref<32x128xf32, #tpu.memory_space<vmem>>
      %dma_wait3A_2613 = arith.constant 0 : i32
      %dma_wait3A_2614 = arith.constant 0 : i32
      %dma_wait3A_2615 = tpu.memref_slice %arg4[%dma_wait3A_2613, %dma_wait3A_2614] : memref<32x1000000xf32, #tpu.memory_space<hbm>> -> memref<32x128xf32, #tpu.memory_space<hbm>>
      tpu.wait_dma2 semaphore(%arg18 : memref<!tpu.dma_semaphore, #tpu.memory_space<semaphore_mem>>) src(%dma_wait3A_2615 : memref<32x128xf32, #tpu.memory_space<hbm>>) dst(%dma_wait3A_2612 : memref<32x128xf32, #tpu.memory_space<vmem>>)
      %dma_wait3A_2616 = arith.constant 1 : i32
      %dma_wait3A_2617 = arith.constant 3 : i32
      %dma_wait3A_2618 = arith.constant 0 : i32
      %dma_wait3A_2619 = arith.constant 0 : i32
      %dma_wait3A_2620 = tpu.memref_slice %arg11[%dma_wait3A_2616, %dma_wait3A_2617, %dma_wait3A_2618, %dma_wait3A_2619] : memref<2x4x32x128xf32, #tpu.memory_space<vmem>> -> memref<1x1x32x128xf32, #tpu.memory_space<vmem>>
      %dma_wait3A_2621 = tpu.memref_squeeze %dma_wait3A_2620 : memref<1x1x32x128xf32, #tpu.memory_space<vmem>> -> memref<32x128xf32, #tpu.memory_space<vmem>>
      %dma_wait3A_2622 = arith.constant 0 : i32
      %dma_wait3A_2623 = arith.constant 0 : i32
      %dma_wait3A_2624 = tpu.memref_slice %arg3[%dma_wait3A_2622, %dma_wait3A_2623] : memref<32x1000000xf32, #tpu.memory_space<hbm>> -> memref<32x128xf32, #tpu.memory_space<hbm>>
      %dma_wait3A_2625 = arith.constant 0 : i32
      %dma_wait3A_2626 = arith.constant 0 : i32
      %dma_wait3A_2627 = tpu.memref_slice %arg11[%dma_wait3A_2616, %dma_wait3A_2617, %dma_wait3A_2625, %dma_wait3A_2626] : memref<2x4x32x128xf32, #tpu.memory_space<vmem>> -> memref<1x1x32x128xf32, #tpu.memory_space<vmem>>
      %dma_wait3A_2628 = tpu.memref_squeeze %dma_wait3A_2627 : memref<1x1x32x128xf32, #tpu.memory_space<vmem>> -> memref<32x128xf32, #tpu.memory_space<vmem>>
      %dma_wait3A_2629 = arith.constant 0 : i32
      %dma_wait3A_2630 = arith.constant 0 : i32
      %dma_wait3A_2631 = tpu.memref_slice %arg3[%dma_wait3A_2629, %dma_wait3A_2630] : memref<32x1000000xf32, #tpu.memory_space<hbm>> -> memref<32x128xf32, #tpu.memory_space<hbm>>
      tpu.wait_dma2 semaphore(%arg16 : memref<!tpu.dma_semaphore, #tpu.memory_space<semaphore_mem>>) src(%dma_wait3A_2631 : memref<32x128xf32, #tpu.memory_space<hbm>>) dst(%dma_wait3A_2628 : memref<32x128xf32, #tpu.memory_space<vmem>>)
      %dma_wait3A_2632 = arith.constant 1 : i32
      %dma_wait3A_2633 = arith.constant 3 : i32
      %dma_wait3A_2634 = arith.constant 0 : i32
      %dma_wait3A_2635 = arith.constant 0 : i32
      %dma_wait3A_2636 = tpu.memref_slice %arg12[%dma_wait3A_2632, %dma_wait3A_2633, %dma_wait3A_2634, %dma_wait3A_2635] : memref<2x4x32x128xf32, #tpu.memory_space<vmem>> -> memref<1x1x32x128xf32, #tpu.memory_space<vmem>>
      %dma_wait3A_2637 = tpu.memref_squeeze %dma_wait3A_2636 : memref<1x1x32x128xf32, #tpu.memory_space<vmem>> -> memref<32x128xf32, #tpu.memory_space<vmem>>
      %dma_wait3A_2638 = arith.constant 0 : i32
      %dma_wait3A_2639 = arith.constant 0 : i32
      %dma_wait3A_2640 = tpu.memref_slice %arg4[%dma_wait3A_2638, %dma_wait3A_2639] : memref<32x1000000xf32, #tpu.memory_space<hbm>> -> memref<32x128xf32, #tpu.memory_space<hbm>>
      %dma_wait3A_2641 = arith.constant 0 : i32
      %dma_wait3A_2642 = arith.constant 0 : i32
      %dma_wait3A_2643 = tpu.memref_slice %arg12[%dma_wait3A_2632, %dma_wait3A_2633, %dma_wait3A_2641, %dma_wait3A_2642] : memref<2x4x32x128xf32, #tpu.memory_space<vmem>> -> memref<1x1x32x128xf32, #tpu.memory_space<vmem>>
      %dma_wait3A_2644 = tpu.memref_squeeze %dma_wait3A_2643 : memref<1x1x32x128xf32, #tpu.memory_space<vmem>> -> memref<32x128xf32, #tpu.memory_space<vmem>>
      %dma_wait3A_2645 = arith.constant 0 : i32
      %dma_wait3A_2646 = arith.constant 0 : i32
      %dma_wait3A_2647 = tpu.memref_slice %arg4[%dma_wait3A_2645, %dma_wait3A_2646] : memref<32x1000000xf32, #tpu.memory_space<hbm>> -> memref<32x128xf32, #tpu.memory_space<hbm>>
      tpu.wait_dma2 semaphore(%arg18 : memref<!tpu.dma_semaphore, #tpu.memory_space<semaphore_mem>>) src(%dma_wait3A_2647 : memref<32x128xf32, #tpu.memory_space<hbm>>) dst(%dma_wait3A_2644 : memref<32x128xf32, #tpu.memory_space<vmem>>)
      %slice3A_2648 = vector.extract_strided_slice %get3A_1006 {offsets = [12], sizes = [1], strides = [1]} : vector<16xi32> to vector<1xi32>
      %squeeze3A_2649 = vector.extract %slice3A_2648[0] : i32 from vector<1xi32>
      %add3A_2650 = vector.broadcast %squeeze3A_2649 : i32 to vector<16xi32>
      %add3A_2651 = arith.addi %add3A_2650, %broadcast_in_dim3A_5 : vector<16xi32>
      %slice3A_2652 = vector.extract_strided_slice %get3A_1008 {offsets = [12], sizes = [1], strides = [1]} : vector<16xi32> to vector<1xi32>
      %squeeze3A_2653 = vector.extract %slice3A_2652[0] : i32 from vector<1xi32>
      %add3A_2654 = vector.broadcast %squeeze3A_2653 : i32 to vector<16xi32>
      %add3A_2655 = arith.addi %add3A_2654, %broadcast_in_dim3A_5 : vector<16xi32>
      %gather3A_2656 = arith.constant 1 : i32
      %gather3A_2657 = arith.constant 0 : i32
      %gather3A_2658 = arith.constant 0 : i32
      %gather3A_2659 = arith.constant 0 : i32
      %gather3A_2660 = tpu.memref_slice %arg11[%gather3A_2656, %gather3A_2657, %gather3A_2658, %gather3A_2659] : memref<2x4x32x128xf32, #tpu.memory_space<vmem>> -> memref<1x1x32x128xf32, #tpu.memory_space<vmem>>
      %gather3A_2661 = tpu.memref_squeeze %gather3A_2660 : memref<1x1x32x128xf32, #tpu.memory_space<vmem>> -> memref<32x128xf32, #tpu.memory_space<vmem>>
      %gather3A_2662 = tpu.vector_load_idx %gather3A_2661[%iota3A, %add3A_2651] : memref<32x128xf32, #tpu.memory_space<vmem>>[vector<16xi32>, vector<16xi32>], vector<16xf32>,
      %add3A_2663 = arith.constant 16 : i32
      %add3A_2664 = vector.broadcast %add3A_2663 : i32 to vector<16xi32>
      %add3A_2665 = arith.addi %iota3A, %add3A_2664 : vector<16xi32>
      %gather3A_2666 = arith.constant 1 : i32
      %gather3A_2667 = arith.constant 0 : i32
      %gather3A_2668 = arith.constant 0 : i32
      %gather3A_2669 = arith.constant 0 : i32
      %gather3A_2670 = tpu.memref_slice %arg11[%gather3A_2666, %gather3A_2667, %gather3A_2668, %gather3A_2669] : memref<2x4x32x128xf32, #tpu.memory_space<vmem>> -> memref<1x1x32x128xf32, #tpu.memory_space<vmem>>
      %gather3A_2671 = tpu.memref_squeeze %gather3A_2670 : memref<1x1x32x128xf32, #tpu.memory_space<vmem>> -> memref<32x128xf32, #tpu.memory_space<vmem>>
      %gather3A_2672 = tpu.vector_load_idx %gather3A_2671[%add3A_2665, %add3A_2651] : memref<32x128xf32, #tpu.memory_space<vmem>>[vector<16xi32>, vector<16xi32>], vector<16xf32>,
      %gather3A_2673 = arith.constant 1 : i32
      %gather3A_2674 = arith.constant 0 : i32
      %gather3A_2675 = arith.constant 0 : i32
      %gather3A_2676 = arith.constant 0 : i32
      %gather3A_2677 = tpu.memref_slice %arg12[%gather3A_2673, %gather3A_2674, %gather3A_2675, %gather3A_2676] : memref<2x4x32x128xf32, #tpu.memory_space<vmem>> -> memref<1x1x32x128xf32, #tpu.memory_space<vmem>>
      %gather3A_2678 = tpu.memref_squeeze %gather3A_2677 : memref<1x1x32x128xf32, #tpu.memory_space<vmem>> -> memref<32x128xf32, #tpu.memory_space<vmem>>
      %gather3A_2679 = tpu.vector_load_idx %gather3A_2678[%iota3A, %add3A_2655] : memref<32x128xf32, #tpu.memory_space<vmem>>[vector<16xi32>, vector<16xi32>], vector<16xf32>,
      %add3A_2680 = arith.constant 16 : i32
      %add3A_2681 = vector.broadcast %add3A_2680 : i32 to vector<16xi32>
      %add3A_2682 = arith.addi %iota3A, %add3A_2681 : vector<16xi32>
      %gather3A_2683 = arith.constant 1 : i32
      %gather3A_2684 = arith.constant 0 : i32
      %gather3A_2685 = arith.constant 0 : i32
      %gather3A_2686 = arith.constant 0 : i32
      %gather3A_2687 = tpu.memref_slice %arg12[%gather3A_2683, %gather3A_2684, %gather3A_2685, %gather3A_2686] : memref<2x4x32x128xf32, #tpu.memory_space<vmem>> -> memref<1x1x32x128xf32, #tpu.memory_space<vmem>>
      %gather3A_2688 = tpu.memref_squeeze %gather3A_2687 : memref<1x1x32x128xf32, #tpu.memory_space<vmem>> -> memref<32x128xf32, #tpu.memory_space<vmem>>
      %gather3A_2689 = tpu.vector_load_idx %gather3A_2688[%add3A_2682, %add3A_2655] : memref<32x128xf32, #tpu.memory_space<vmem>>[vector<16xi32>, vector<16xi32>], vector<16xf32>,
      %mul3A_2690 = arith.mulf %gather3A_2662, %gather3A_2679 : vector<16xf32>
      %mul3A_2691 = arith.mulf %gather3A_2672, %gather3A_2689 : vector<16xf32>
      %add3A_2692 = arith.addf %mul3A_2690, %mul3A_2691 : vector<16xf32>
      %swap3A_2693 = arith.constant 12 : i32
      %swap3A_2694 = arith.index_cast %swap3A_2693 : i32 to index
      %swap3A_2695 = arith.constant 0 : index
      %swap3A_2696 = tpu.vector_load %arg13[%swap3A_2694, %swap3A_2695] {strides = array<i32>} : memref<16x16xf32, #tpu.memory_space<vmem>>, vector<16xf32>,
      tpu.vector_store %arg13[%swap3A_2694, %swap3A_2695], %add3A_2692 {strides = array<i32>} : memref<16x16xf32, #tpu.memory_space<vmem>>, vector<16xf32>,
      %slice3A_2697 = vector.extract_strided_slice %get3A_1006 {offsets = [13], sizes = [1], strides = [1]} : vector<16xi32> to vector<1xi32>
      %squeeze3A_2698 = vector.extract %slice3A_2697[0] : i32 from vector<1xi32>
      %add3A_2699 = vector.broadcast %squeeze3A_2698 : i32 to vector<16xi32>
      %add3A_2700 = arith.addi %add3A_2699, %broadcast_in_dim3A_5 : vector<16xi32>
      %slice3A_2701 = vector.extract_strided_slice %get3A_1008 {offsets = [13], sizes = [1], strides = [1]} : vector<16xi32> to vector<1xi32>
      %squeeze3A_2702 = vector.extract %slice3A_2701[0] : i32 from vector<1xi32>
      %add3A_2703 = vector.broadcast %squeeze3A_2702 : i32 to vector<16xi32>
      %add3A_2704 = arith.addi %add3A_2703, %broadcast_in_dim3A_5 : vector<16xi32>
      %gather3A_2705 = arith.constant 1 : i32
      %gather3A_2706 = arith.constant 1 : i32
      %gather3A_2707 = arith.constant 0 : i32
      %gather3A_2708 = arith.constant 0 : i32
      %gather3A_2709 = tpu.memref_slice %arg11[%gather3A_2705, %gather3A_2706, %gather3A_2707, %gather3A_2708] : memref<2x4x32x128xf32, #tpu.memory_space<vmem>> -> memref<1x1x32x128xf32, #tpu.memory_space<vmem>>
      %gather3A_2710 = tpu.memref_squeeze %gather3A_2709 : memref<1x1x32x128xf32, #tpu.memory_space<vmem>> -> memref<32x128xf32, #tpu.memory_space<vmem>>
      %gather3A_2711 = tpu.vector_load_idx %gather3A_2710[%iota3A, %add3A_2700] : memref<32x128xf32, #tpu.memory_space<vmem>>[vector<16xi32>, vector<16xi32>], vector<16xf32>,
      %add3A_2712 = arith.constant 16 : i32
      %add3A_2713 = vector.broadcast %add3A_2712 : i32 to vector<16xi32>
      %add3A_2714 = arith.addi %iota3A, %add3A_2713 : vector<16xi32>
      %gather3A_2715 = arith.constant 1 : i32
      %gather3A_2716 = arith.constant 1 : i32
      %gather3A_2717 = arith.constant 0 : i32
      %gather3A_2718 = arith.constant 0 : i32
      %gather3A_2719 = tpu.memref_slice %arg11[%gather3A_2715, %gather3A_2716, %gather3A_2717, %gather3A_2718] : memref<2x4x32x128xf32, #tpu.memory_space<vmem>> -> memref<1x1x32x128xf32, #tpu.memory_space<vmem>>
      %gather3A_2720 = tpu.memref_squeeze %gather3A_2719 : memref<1x1x32x128xf32, #tpu.memory_space<vmem>> -> memref<32x128xf32, #tpu.memory_space<vmem>>
      %gather3A_2721 = tpu.vector_load_idx %gather3A_2720[%add3A_2714, %add3A_2700] : memref<32x128xf32, #tpu.memory_space<vmem>>[vector<16xi32>, vector<16xi32>], vector<16xf32>,
      %gather3A_2722 = arith.constant 1 : i32
      %gather3A_2723 = arith.constant 1 : i32
      %gather3A_2724 = arith.constant 0 : i32
      %gather3A_2725 = arith.constant 0 : i32
      %gather3A_2726 = tpu.memref_slice %arg12[%gather3A_2722, %gather3A_2723, %gather3A_2724, %gather3A_2725] : memref<2x4x32x128xf32, #tpu.memory_space<vmem>> -> memref<1x1x32x128xf32, #tpu.memory_space<vmem>>
      %gather3A_2727 = tpu.memref_squeeze %gather3A_2726 : memref<1x1x32x128xf32, #tpu.memory_space<vmem>> -> memref<32x128xf32, #tpu.memory_space<vmem>>
      %gather3A_2728 = tpu.vector_load_idx %gather3A_2727[%iota3A, %add3A_2704] : memref<32x128xf32, #tpu.memory_space<vmem>>[vector<16xi32>, vector<16xi32>], vector<16xf32>,
      %add3A_2729 = arith.constant 16 : i32
      %add3A_2730 = vector.broadcast %add3A_2729 : i32 to vector<16xi32>
      %add3A_2731 = arith.addi %iota3A, %add3A_2730 : vector<16xi32>
      %gather3A_2732 = arith.constant 1 : i32
      %gather3A_2733 = arith.constant 1 : i32
      %gather3A_2734 = arith.constant 0 : i32
      %gather3A_2735 = arith.constant 0 : i32
      %gather3A_2736 = tpu.memref_slice %arg12[%gather3A_2732, %gather3A_2733, %gather3A_2734, %gather3A_2735] : memref<2x4x32x128xf32, #tpu.memory_space<vmem>> -> memref<1x1x32x128xf32, #tpu.memory_space<vmem>>
      %gather3A_2737 = tpu.memref_squeeze %gather3A_2736 : memref<1x1x32x128xf32, #tpu.memory_space<vmem>> -> memref<32x128xf32, #tpu.memory_space<vmem>>
      %gather3A_2738 = tpu.vector_load_idx %gather3A_2737[%add3A_2731, %add3A_2704] : memref<32x128xf32, #tpu.memory_space<vmem>>[vector<16xi32>, vector<16xi32>], vector<16xf32>,
      %mul3A_2739 = arith.mulf %gather3A_2711, %gather3A_2728 : vector<16xf32>
      %mul3A_2740 = arith.mulf %gather3A_2721, %gather3A_2738 : vector<16xf32>
      %add3A_2741 = arith.addf %mul3A_2739, %mul3A_2740 : vector<16xf32>
      %swap3A_2742 = arith.constant 13 : i32
      %swap3A_2743 = arith.index_cast %swap3A_2742 : i32 to index
      %swap3A_2744 = arith.constant 0 : index
      %swap3A_2745 = tpu.vector_load %arg13[%swap3A_2743, %swap3A_2744] {strides = array<i32>} : memref<16x16xf32, #tpu.memory_space<vmem>>, vector<16xf32>,
      tpu.vector_store %arg13[%swap3A_2743, %swap3A_2744], %add3A_2741 {strides = array<i32>} : memref<16x16xf32, #tpu.memory_space<vmem>>, vector<16xf32>,
      %slice3A_2746 = vector.extract_strided_slice %get3A_1006 {offsets = [14], sizes = [1], strides = [1]} : vector<16xi32> to vector<1xi32>
      %squeeze3A_2747 = vector.extract %slice3A_2746[0] : i32 from vector<1xi32>
      %add3A_2748 = vector.broadcast %squeeze3A_2747 : i32 to vector<16xi32>
      %add3A_2749 = arith.addi %add3A_2748, %broadcast_in_dim3A_5 : vector<16xi32>
      %slice3A_2750 = vector.extract_strided_slice %get3A_1008 {offsets = [14], sizes = [1], strides = [1]} : vector<16xi32> to vector<1xi32>
      %squeeze3A_2751 = vector.extract %slice3A_2750[0] : i32 from vector<1xi32>
      %add3A_2752 = vector.broadcast %squeeze3A_2751 : i32 to vector<16xi32>
      %add3A_2753 = arith.addi %add3A_2752, %broadcast_in_dim3A_5 : vector<16xi32>
      %gather3A_2754 = arith.constant 1 : i32
      %gather3A_2755 = arith.constant 2 : i32
      %gather3A_2756 = arith.constant 0 : i32
      %gather3A_2757 = arith.constant 0 : i32
      %gather3A_2758 = tpu.memref_slice %arg11[%gather3A_2754, %gather3A_2755, %gather3A_2756, %gather3A_2757] : memref<2x4x32x128xf32, #tpu.memory_space<vmem>> -> memref<1x1x32x128xf32, #tpu.memory_space<vmem>>
      %gather3A_2759 = tpu.memref_squeeze %gather3A_2758 : memref<1x1x32x128xf32, #tpu.memory_space<vmem>> -> memref<32x128xf32, #tpu.memory_space<vmem>>
      %gather3A_2760 = tpu.vector_load_idx %gather3A_2759[%iota3A, %add3A_2749] : memref<32x128xf32, #tpu.memory_space<vmem>>[vector<16xi32>, vector<16xi32>], vector<16xf32>,
      %add3A_2761 = arith.constant 16 : i32
      %add3A_2762 = vector.broadcast %add3A_2761 : i32 to vector<16xi32>
      %add3A_2763 = arith.addi %iota3A, %add3A_2762 : vector<16xi32>
      %gather3A_2764 = arith.constant 1 : i32
      %gather3A_2765 = arith.constant 2 : i32
      %gather3A_2766 = arith.constant 0 : i32
      %gather3A_2767 = arith.constant 0 : i32
      %gather3A_2768 = tpu.memref_slice %arg11[%gather3A_2764, %gather3A_2765, %gather3A_2766, %gather3A_2767] : memref<2x4x32x128xf32, #tpu.memory_space<vmem>> -> memref<1x1x32x128xf32, #tpu.memory_space<vmem>>
      %gather3A_2769 = tpu.memref_squeeze %gather3A_2768 : memref<1x1x32x128xf32, #tpu.memory_space<vmem>> -> memref<32x128xf32, #tpu.memory_space<vmem>>
      %gather3A_2770 = tpu.vector_load_idx %gather3A_2769[%add3A_2763, %add3A_2749] : memref<32x128xf32, #tpu.memory_space<vmem>>[vector<16xi32>, vector<16xi32>], vector<16xf32>,
      %gather3A_2771 = arith.constant 1 : i32
      %gather3A_2772 = arith.constant 2 : i32
      %gather3A_2773 = arith.constant 0 : i32
      %gather3A_2774 = arith.constant 0 : i32
      %gather3A_2775 = tpu.memref_slice %arg12[%gather3A_2771, %gather3A_2772, %gather3A_2773, %gather3A_2774] : memref<2x4x32x128xf32, #tpu.memory_space<vmem>> -> memref<1x1x32x128xf32, #tpu.memory_space<vmem>>
      %gather3A_2776 = tpu.memref_squeeze %gather3A_2775 : memref<1x1x32x128xf32, #tpu.memory_space<vmem>> -> memref<32x128xf32, #tpu.memory_space<vmem>>
      %gather3A_2777 = tpu.vector_load_idx %gather3A_2776[%iota3A, %add3A_2753] : memref<32x128xf32, #tpu.memory_space<vmem>>[vector<16xi32>, vector<16xi32>], vector<16xf32>,
      %add3A_2778 = arith.constant 16 : i32
      %add3A_2779 = vector.broadcast %add3A_2778 : i32 to vector<16xi32>
      %add3A_2780 = arith.addi %iota3A, %add3A_2779 : vector<16xi32>
      %gather3A_2781 = arith.constant 1 : i32
      %gather3A_2782 = arith.constant 2 : i32
      %gather3A_2783 = arith.constant 0 : i32
      %gather3A_2784 = arith.constant 0 : i32
      %gather3A_2785 = tpu.memref_slice %arg12[%gather3A_2781, %gather3A_2782, %gather3A_2783, %gather3A_2784] : memref<2x4x32x128xf32, #tpu.memory_space<vmem>> -> memref<1x1x32x128xf32, #tpu.memory_space<vmem>>
      %gather3A_2786 = tpu.memref_squeeze %gather3A_2785 : memref<1x1x32x128xf32, #tpu.memory_space<vmem>> -> memref<32x128xf32, #tpu.memory_space<vmem>>
      %gather3A_2787 = tpu.vector_load_idx %gather3A_2786[%add3A_2780, %add3A_2753] : memref<32x128xf32, #tpu.memory_space<vmem>>[vector<16xi32>, vector<16xi32>], vector<16xf32>,
      %mul3A_2788 = arith.mulf %gather3A_2760, %gather3A_2777 : vector<16xf32>
      %mul3A_2789 = arith.mulf %gather3A_2770, %gather3A_2787 : vector<16xf32>
      %add3A_2790 = arith.addf %mul3A_2788, %mul3A_2789 : vector<16xf32>
      %swap3A_2791 = arith.constant 14 : i32
      %swap3A_2792 = arith.index_cast %swap3A_2791 : i32 to index
      %swap3A_2793 = arith.constant 0 : index
      %swap3A_2794 = tpu.vector_load %arg13[%swap3A_2792, %swap3A_2793] {strides = array<i32>} : memref<16x16xf32, #tpu.memory_space<vmem>>, vector<16xf32>,
      tpu.vector_store %arg13[%swap3A_2792, %swap3A_2793], %add3A_2790 {strides = array<i32>} : memref<16x16xf32, #tpu.memory_space<vmem>>, vector<16xf32>,
      %slice3A_2795 = vector.extract_strided_slice %get3A_1006 {offsets = [15], sizes = [1], strides = [1]} : vector<16xi32> to vector<1xi32>
      %squeeze3A_2796 = vector.extract %slice3A_2795[0] : i32 from vector<1xi32>
      %add3A_2797 = vector.broadcast %squeeze3A_2796 : i32 to vector<16xi32>
      %add3A_2798 = arith.addi %add3A_2797, %broadcast_in_dim3A_5 : vector<16xi32>
      %slice3A_2799 = vector.extract_strided_slice %get3A_1008 {offsets = [15], sizes = [1], strides = [1]} : vector<16xi32> to vector<1xi32>
      %squeeze3A_2800 = vector.extract %slice3A_2799[0] : i32 from vector<1xi32>
      %add3A_2801 = vector.broadcast %squeeze3A_2800 : i32 to vector<16xi32>
      %add3A_2802 = arith.addi %add3A_2801, %broadcast_in_dim3A_5 : vector<16xi32>
      %gather3A_2803 = arith.constant 1 : i32
      %gather3A_2804 = arith.constant 3 : i32
      %gather3A_2805 = arith.constant 0 : i32
      %gather3A_2806 = arith.constant 0 : i32
      %gather3A_2807 = tpu.memref_slice %arg11[%gather3A_2803, %gather3A_2804, %gather3A_2805, %gather3A_2806] : memref<2x4x32x128xf32, #tpu.memory_space<vmem>> -> memref<1x1x32x128xf32, #tpu.memory_space<vmem>>
      %gather3A_2808 = tpu.memref_squeeze %gather3A_2807 : memref<1x1x32x128xf32, #tpu.memory_space<vmem>> -> memref<32x128xf32, #tpu.memory_space<vmem>>
      %gather3A_2809 = tpu.vector_load_idx %gather3A_2808[%iota3A, %add3A_2798] : memref<32x128xf32, #tpu.memory_space<vmem>>[vector<16xi32>, vector<16xi32>], vector<16xf32>,
      %add3A_2810 = arith.constant 16 : i32
      %add3A_2811 = vector.broadcast %add3A_2810 : i32 to vector<16xi32>
      %add3A_2812 = arith.addi %iota3A, %add3A_2811 : vector<16xi32>
      %gather3A_2813 = arith.constant 1 : i32
      %gather3A_2814 = arith.constant 3 : i32
      %gather3A_2815 = arith.constant 0 : i32
      %gather3A_2816 = arith.constant 0 : i32
      %gather3A_2817 = tpu.memref_slice %arg11[%gather3A_2813, %gather3A_2814, %gather3A_2815, %gather3A_2816] : memref<2x4x32x128xf32, #tpu.memory_space<vmem>> -> memref<1x1x32x128xf32, #tpu.memory_space<vmem>>
      %gather3A_2818 = tpu.memref_squeeze %gather3A_2817 : memref<1x1x32x128xf32, #tpu.memory_space<vmem>> -> memref<32x128xf32, #tpu.memory_space<vmem>>
      %gather3A_2819 = tpu.vector_load_idx %gather3A_2818[%add3A_2812, %add3A_2798] : memref<32x128xf32, #tpu.memory_space<vmem>>[vector<16xi32>, vector<16xi32>], vector<16xf32>,
      %gather3A_2820 = arith.constant 1 : i32
      %gather3A_2821 = arith.constant 3 : i32
      %gather3A_2822 = arith.constant 0 : i32
      %gather3A_2823 = arith.constant 0 : i32
      %gather3A_2824 = tpu.memref_slice %arg12[%gather3A_2820, %gather3A_2821, %gather3A_2822, %gather3A_2823] : memref<2x4x32x128xf32, #tpu.memory_space<vmem>> -> memref<1x1x32x128xf32, #tpu.memory_space<vmem>>
      %gather3A_2825 = tpu.memref_squeeze %gather3A_2824 : memref<1x1x32x128xf32, #tpu.memory_space<vmem>> -> memref<32x128xf32, #tpu.memory_space<vmem>>
      %gather3A_2826 = tpu.vector_load_idx %gather3A_2825[%iota3A, %add3A_2802] : memref<32x128xf32, #tpu.memory_space<vmem>>[vector<16xi32>, vector<16xi32>], vector<16xf32>,
      %add3A_2827 = arith.constant 16 : i32
      %add3A_2828 = vector.broadcast %add3A_2827 : i32 to vector<16xi32>
      %add3A_2829 = arith.addi %iota3A, %add3A_2828 : vector<16xi32>
      %gather3A_2830 = arith.constant 1 : i32
      %gather3A_2831 = arith.constant 3 : i32
      %gather3A_2832 = arith.constant 0 : i32
      %gather3A_2833 = arith.constant 0 : i32
      %gather3A_2834 = tpu.memref_slice %arg12[%gather3A_2830, %gather3A_2831, %gather3A_2832, %gather3A_2833] : memref<2x4x32x128xf32, #tpu.memory_space<vmem>> -> memref<1x1x32x128xf32, #tpu.memory_space<vmem>>
      %gather3A_2835 = tpu.memref_squeeze %gather3A_2834 : memref<1x1x32x128xf32, #tpu.memory_space<vmem>> -> memref<32x128xf32, #tpu.memory_space<vmem>>
      %gather3A_2836 = tpu.vector_load_idx %gather3A_2835[%add3A_2829, %add3A_2802] : memref<32x128xf32, #tpu.memory_space<vmem>>[vector<16xi32>, vector<16xi32>], vector<16xf32>,
      %mul3A_2837 = arith.mulf %gather3A_2809, %gather3A_2826 : vector<16xf32>
      %mul3A_2838 = arith.mulf %gather3A_2819, %gather3A_2836 : vector<16xf32>
      %add3A_2839 = arith.addf %mul3A_2837, %mul3A_2838 : vector<16xf32>
      %swap3A_2840 = arith.constant 15 : i32
      %swap3A_2841 = arith.index_cast %swap3A_2840 : i32 to index
      %swap3A_2842 = arith.constant 0 : index
      %swap3A_2843 = tpu.vector_load %arg13[%swap3A_2841, %swap3A_2842] {strides = array<i32>} : memref<16x16xf32, #tpu.memory_space<vmem>>, vector<16xf32>,
      tpu.vector_store %arg13[%swap3A_2841, %swap3A_2842], %add3A_2839 {strides = array<i32>} : memref<16x16xf32, #tpu.memory_space<vmem>>, vector<16xf32>,
      %broadcast_in_dim3A_2844 = arith.constant 0.000000e+00 : f32
      %broadcast_in_dim3A_2845 = vector.broadcast %broadcast_in_dim3A_2844 : f32 to vector<16xf32>
      %broadcast_in_dim3A_2846 = arith.constant 0 : i32
      %broadcast_in_dim3A_2847 = vector.broadcast %broadcast_in_dim3A_2846 : i32 to vector<16xi32>
      %gather3A_2848 = tpu.vector_load_idx %arg13[%iota3A, %broadcast_in_dim3A_2847] : memref<16x16xf32, #tpu.memory_space<vmem>>[vector<16xi32>, vector<16xi32>], vector<16xf32>,
      %add3A_2849 = arith.addf %broadcast_in_dim3A_2845, %gather3A_2848 : vector<16xf32>
      %broadcast_in_dim3A_2850 = arith.constant 1 : i32
      %broadcast_in_dim3A_2851 = vector.broadcast %broadcast_in_dim3A_2850 : i32 to vector<16xi32>
      %gather3A_2852 = tpu.vector_load_idx %arg13[%iota3A, %broadcast_in_dim3A_2851] : memref<16x16xf32, #tpu.memory_space<vmem>>[vector<16xi32>, vector<16xi32>], vector<16xf32>,
      %add3A_2853 = arith.addf %add3A_2849, %gather3A_2852 : vector<16xf32>
      %broadcast_in_dim3A_2854 = arith.constant 2 : i32
      %broadcast_in_dim3A_2855 = vector.broadcast %broadcast_in_dim3A_2854 : i32 to vector<16xi32>
      %gather3A_2856 = tpu.vector_load_idx %arg13[%iota3A, %broadcast_in_dim3A_2855] : memref<16x16xf32, #tpu.memory_space<vmem>>[vector<16xi32>, vector<16xi32>], vector<16xf32>,
      %add3A_2857 = arith.addf %add3A_2853, %gather3A_2856 : vector<16xf32>
      %broadcast_in_dim3A_2858 = arith.constant 3 : i32
      %broadcast_in_dim3A_2859 = vector.broadcast %broadcast_in_dim3A_2858 : i32 to vector<16xi32>
      %gather3A_2860 = tpu.vector_load_idx %arg13[%iota3A, %broadcast_in_dim3A_2859] : memref<16x16xf32, #tpu.memory_space<vmem>>[vector<16xi32>, vector<16xi32>], vector<16xf32>,
      %add3A_2861 = arith.addf %add3A_2857, %gather3A_2860 : vector<16xf32>
      %broadcast_in_dim3A_2862 = arith.constant 4 : i32
      %broadcast_in_dim3A_2863 = vector.broadcast %broadcast_in_dim3A_2862 : i32 to vector<16xi32>
      %gather3A_2864 = tpu.vector_load_idx %arg13[%iota3A, %broadcast_in_dim3A_2863] : memref<16x16xf32, #tpu.memory_space<vmem>>[vector<16xi32>, vector<16xi32>], vector<16xf32>,
      %add3A_2865 = arith.addf %add3A_2861, %gather3A_2864 : vector<16xf32>
      %broadcast_in_dim3A_2866 = arith.constant 5 : i32
      %broadcast_in_dim3A_2867 = vector.broadcast %broadcast_in_dim3A_2866 : i32 to vector<16xi32>
      %gather3A_2868 = tpu.vector_load_idx %arg13[%iota3A, %broadcast_in_dim3A_2867] : memref<16x16xf32, #tpu.memory_space<vmem>>[vector<16xi32>, vector<16xi32>], vector<16xf32>,
      %add3A_2869 = arith.addf %add3A_2865, %gather3A_2868 : vector<16xf32>
      %broadcast_in_dim3A_2870 = arith.constant 6 : i32
      %broadcast_in_dim3A_2871 = vector.broadcast %broadcast_in_dim3A_2870 : i32 to vector<16xi32>
      %gather3A_2872 = tpu.vector_load_idx %arg13[%iota3A, %broadcast_in_dim3A_2871] : memref<16x16xf32, #tpu.memory_space<vmem>>[vector<16xi32>, vector<16xi32>], vector<16xf32>,
      %add3A_2873 = arith.addf %add3A_2869, %gather3A_2872 : vector<16xf32>
      %broadcast_in_dim3A_2874 = arith.constant 7 : i32
      %broadcast_in_dim3A_2875 = vector.broadcast %broadcast_in_dim3A_2874 : i32 to vector<16xi32>
      %gather3A_2876 = tpu.vector_load_idx %arg13[%iota3A, %broadcast_in_dim3A_2875] : memref<16x16xf32, #tpu.memory_space<vmem>>[vector<16xi32>, vector<16xi32>], vector<16xf32>,
      %add3A_2877 = arith.addf %add3A_2873, %gather3A_2876 : vector<16xf32>
      %broadcast_in_dim3A_2878 = arith.constant 8 : i32
      %broadcast_in_dim3A_2879 = vector.broadcast %broadcast_in_dim3A_2878 : i32 to vector<16xi32>
      %gather3A_2880 = tpu.vector_load_idx %arg13[%iota3A, %broadcast_in_dim3A_2879] : memref<16x16xf32, #tpu.memory_space<vmem>>[vector<16xi32>, vector<16xi32>], vector<16xf32>,
      %add3A_2881 = arith.addf %add3A_2877, %gather3A_2880 : vector<16xf32>
      %broadcast_in_dim3A_2882 = arith.constant 9 : i32
      %broadcast_in_dim3A_2883 = vector.broadcast %broadcast_in_dim3A_2882 : i32 to vector<16xi32>
      %gather3A_2884 = tpu.vector_load_idx %arg13[%iota3A, %broadcast_in_dim3A_2883] : memref<16x16xf32, #tpu.memory_space<vmem>>[vector<16xi32>, vector<16xi32>], vector<16xf32>,
      %add3A_2885 = arith.addf %add3A_2881, %gather3A_2884 : vector<16xf32>
      %broadcast_in_dim3A_2886 = arith.constant 10 : i32
      %broadcast_in_dim3A_2887 = vector.broadcast %broadcast_in_dim3A_2886 : i32 to vector<16xi32>
      %gather3A_2888 = tpu.vector_load_idx %arg13[%iota3A, %broadcast_in_dim3A_2887] : memref<16x16xf32, #tpu.memory_space<vmem>>[vector<16xi32>, vector<16xi32>], vector<16xf32>,
      %add3A_2889 = arith.addf %add3A_2885, %gather3A_2888 : vector<16xf32>
      %broadcast_in_dim3A_2890 = arith.constant 11 : i32
      %broadcast_in_dim3A_2891 = vector.broadcast %broadcast_in_dim3A_2890 : i32 to vector<16xi32>
      %gather3A_2892 = tpu.vector_load_idx %arg13[%iota3A, %broadcast_in_dim3A_2891] : memref<16x16xf32, #tpu.memory_space<vmem>>[vector<16xi32>, vector<16xi32>], vector<16xf32>,
      %add3A_2893 = arith.addf %add3A_2889, %gather3A_2892 : vector<16xf32>
      %broadcast_in_dim3A_2894 = arith.constant 12 : i32
      %broadcast_in_dim3A_2895 = vector.broadcast %broadcast_in_dim3A_2894 : i32 to vector<16xi32>
      %gather3A_2896 = tpu.vector_load_idx %arg13[%iota3A, %broadcast_in_dim3A_2895] : memref<16x16xf32, #tpu.memory_space<vmem>>[vector<16xi32>, vector<16xi32>], vector<16xf32>,
      %add3A_2897 = arith.addf %add3A_2893, %gather3A_2896 : vector<16xf32>
      %broadcast_in_dim3A_2898 = arith.constant 13 : i32
      %broadcast_in_dim3A_2899 = vector.broadcast %broadcast_in_dim3A_2898 : i32 to vector<16xi32>
      %gather3A_2900 = tpu.vector_load_idx %arg13[%iota3A, %broadcast_in_dim3A_2899] : memref<16x16xf32, #tpu.memory_space<vmem>>[vector<16xi32>, vector<16xi32>], vector<16xf32>,
      %add3A_2901 = arith.addf %add3A_2897, %gather3A_2900 : vector<16xf32>
      %broadcast_in_dim3A_2902 = arith.constant 14 : i32
      %broadcast_in_dim3A_2903 = vector.broadcast %broadcast_in_dim3A_2902 : i32 to vector<16xi32>
      %gather3A_2904 = tpu.vector_load_idx %arg13[%iota3A, %broadcast_in_dim3A_2903] : memref<16x16xf32, #tpu.memory_space<vmem>>[vector<16xi32>, vector<16xi32>], vector<16xf32>,
      %add3A_2905 = arith.addf %add3A_2901, %gather3A_2904 : vector<16xf32>
      %broadcast_in_dim3A_2906 = arith.constant 15 : i32
      %broadcast_in_dim3A_2907 = vector.broadcast %broadcast_in_dim3A_2906 : i32 to vector<16xi32>
      %gather3A_2908 = tpu.vector_load_idx %arg13[%iota3A, %broadcast_in_dim3A_2907] : memref<16x16xf32, #tpu.memory_space<vmem>>[vector<16xi32>, vector<16xi32>], vector<16xf32>,
      %add3A_2909 = arith.addf %add3A_2905, %gather3A_2908 : vector<16xf32>
      %swap3A_2910 = arith.index_cast %mul3A_1001 : i32 to index
      %swap3A_2911 = tpu.vector_load %arg14[%swap3A_2910] {strides = array<i32>} : memref<512xf32, #tpu.memory_space<vmem>>, vector<16xf32>,
      tpu.vector_store %arg14[%swap3A_2910], %add3A_2909 {strides = array<i32>} : memref<512xf32, #tpu.memory_space<vmem>>, vector<16xf32>,
    }
    %scan3A_998 = arith.constant 32 : i32
    "tpu.region"() ({
      %run_scoped3A = tpu.sem_alloc : memref<!tpu.dma_semaphore, #tpu.memory_space<semaphore_mem>>
      %dma_start3A = tpu.memref_slice %arg5[%mul3A_2] : memref<16384xf32, #tpu.memory_space<hbm>> -> memref<512xf32, #tpu.memory_space<hbm>>
      %dma_start3A_999 = tpu.memref_slice %arg5[%mul3A_2] : memref<16384xf32, #tpu.memory_space<hbm>> -> memref<512xf32, #tpu.memory_space<hbm>>
      tpu.enqueue_dma source(%arg14 : memref<512xf32, #tpu.memory_space<vmem>>) target(%dma_start3A_999 : memref<512xf32, #tpu.memory_space<hbm>>) target_semaphore(%run_scoped3A : memref<!tpu.dma_semaphore, #tpu.memory_space<semaphore_mem>>)
      %dma_wait3A = tpu.memref_slice %arg5[%mul3A_2] : memref<16384xf32, #tpu.memory_space<hbm>> -> memref<512xf32, #tpu.memory_space<hbm>>
      %dma_wait3A_1000 = tpu.memref_slice %arg5[%mul3A_2] : memref<16384xf32, #tpu.memory_space<hbm>> -> memref<512xf32, #tpu.memory_space<hbm>>
      tpu.wait_dma2 semaphore(%run_scoped3A : memref<!tpu.dma_semaphore, #tpu.memory_space<semaphore_mem>>) src(%arg14 : memref<512xf32, #tpu.memory_space<vmem>>) dst(%dma_wait3A_1000 : memref<512xf32, #tpu.memory_space<hbm>>)
      tpu.yield
    }) : () -> ()
    return
  }
}

</mosaic_0001>

<sc_bundles>
// kernel: kernel.3.cloned.1.call-start
scs
__scs_entry_jumppad:
0x0: {  	(pc) =	sbr.rel $0x88, $3  }
0x1: {  	(tag) =	ssettag $0x0;
	lr =	simm.s32 $0x1  }
0x2: {  	[smem:$0x3F9E] =	sst lr;
	_ =	strace $0xD0000000  }
0x3: {  	_ = 	snop  }
0x4: {  	_ = 	snop  }
0x5: {  	_ = 	snop  }
0x6: {  	_ = 	snop  }
0x7: {  	_ = 	snop  }
__scs_overlays_trampoline_lowered:
0x8: {  	[smem:$0x3FAD] =	sst s0  }
0x9: {  	[smem:$0x3FAE] =	sst s1  }
0xa: {  	[smem:$0x3FAF] =	sst s2  }
0xb: {  	[smem:$0x3FB0] =	sst s3  }
0xc: {  	[smem:$0x3FB1] =	sst s4  }
0xd: {  	[smem:$0x3FB2] =	sst s5  }
0xe: {  	[smem:$0x3FB3] =	sst s6  }
0xf: {  	[smem:$0x3FB4] =	sst s7  }
0x10: {  	[smem:$0x3FB5] =	sst s8  }
0x11: {  	[smem:$0x3FB6] =	sst s9;
	s0 =	simm.s32 @!p0 $0x0  }
0x12: {  	s1 =	sld [smem:$0x3F9C];
	s0 =	simm.s32 @p0 $0x1  }
0x13: {  	[smem:$0x3FB7] =	sst s0;
	s0 =	simm.s32 @!p1 $0x0  }
0x14: {  	s2 =	sld [smem:$0x3F9B];
	s0 =	simm.s32 @p1 $0x1  }
0x15: {  	[smem:$0x3FB8] =	sst s0;
	s0 =	simm.s32 @!p2 $0x0  }
0x16: {  	s3 =	sld [smem:$0x3FDB];
	s0 =	simm.s32 @p2 $0x1  }
0x17: {  	s4 =	simm.s32 $0x1BF5;
	[smem:$0x3FBA] =	sst s0  }
0x18: {  	s0 =	sld [smem:$0x3F9D];
	_ =	swait.ge [sflag:s4], $0x0  }
0x19: {  	s7 =	sld [smem:$0x3F9E]  }
0x1a: {  	s8 =	sadd.s32 $0xFFFFE003, lr  }
0x1b: {  	s9 =	sadd.s32 $0xFFFFFEF7, lr;
	s5 =	simm.s32 $0xFFFFFFFF;
	p2 =	slt.u32 s8, $0xFFFFF086  }
0x1c: {  	p1 =	slt.u32 s9, $0xF7A;
	s5 =	simm.s32 @!p2 $0x0  }
0x1d: {  	s5 =	simm.s32 @p1 $0x1;
	p0 =	seq.s32 s7, s2  }
0x1e: {  	s7 =	smul.u32 @!p0 $0xF7A, s2;
	p2 =	seq.s32 @!p0 s5, $0x0  }
0x1f: {  	s9 =	smul.u32 $0xF7A, s1;
	s8 =	simm.s32 @!p0 $0x1BF5;
	p2 =	por !p2, p0  }
0x20: {  	[sflag:s8] =	ssyncset.s32 @!p0 $0xFFFFF086;
	s6 =	sadd.s32 @!p0 s3, s7;
	s7 =	simm.s32 @!p0 $0x108  }
0x21: {  	s3 =	sadd.s32 s3, s9;
	s6 =	sadd.s32 @!p0 $0x88, s6;
	s7 =	simm.s32 @p2 $0x1082  }
0x22: {  	[simem:s7], [sflag:s8] =	dma.local @!p0 [hbm:s6], $0xF7A  }
0x23: {  	s9 =	sor.u32 $0xD0000000, s2;
	s6 =	simm.s32 $0x108;
	_ =	swait.ge @!p0 [sflag:s8], $0x0  }
0x24: {  	s3 =	sadd.s32 $0x88, s3;
	s6 =	simm.s32 @!p1 $0x1082;
	[sflag:s4] =	ssyncset.s32 $0xFFFFF086  }
0x25: {  	[simem:s6], [sflag:s4] =	dma.local [hbm:s3], $0xF7A  }
0x26: {  	[smem:$0x3F9E] =	sst s1;
	(tag) =	ssettag s2;
	_ =	strace s9  }
0x27: {  	s1 =	sld [smem:$0x3FAE]  }
0x28: {  	s2 =	sld [smem:$0x3FAF]  }
0x29: {  	s4 =	sld [smem:$0x3FB1]  }
0x2a: {  	p0 =	seq.s32 s5, $0x0;
	s5 =	sld [smem:$0x3FB2]  }
0x2b: {  	s6 =	sld [smem:$0x3FB3]  }
0x2c: {  	s7 =	sld [smem:$0x3FB4]  }
0x2d: {  	s3 =	simm.s32 $0x108;
	s8 =	sld [smem:$0x3FB5]  }
0x2e: {  	s3 =	simm.s32 @!p0 $0x1082;
	s9 =	sld [smem:$0x3FB6]  }
0x2f: {  	lr =	sadd.s32 s0, s3;
	s0 =	sld [smem:$0x3FAD]  }
0x30: {  	s3 =	sld [smem:$0x3FB0]  }
0x31: {  	[smem:$0x3FB9] =	sst s10  }
0x32: {  	s10 =	sld [smem:$0x3FB7];
	_ =	sdelay $0x3  }
0x33: {  	p0 =	seq.s32 s10, $0x1;
	s10 =	sld [smem:$0x3FB9];
	_ =	sdelay $0x3  }
0x34: {  	[smem:$0x3FB9] =	sst s10  }
0x35: {  	s10 =	sld [smem:$0x3FB8];
	_ =	sdelay $0x3  }
0x36: {  	p1 =	seq.s32 s10, $0x1;
	s10 =	sld [smem:$0x3FB9];
	_ =	sdelay $0x3  }
0x37: {  	[smem:$0x3FB9] =	sst s10  }
0x38: {  	s10 =	sld [smem:$0x3FBA]  }
0x39: {  	_ = 	snop;
	(pc) =	sbr.ind lr, $3  }
0x3a: {  	_ = 	snop  }
0x3b: {  	_ = 	snop  }
0x3c: {  	p2 =	seq.s32 s10, $0x1;
	s10 =	sld [smem:$0x3FB9]  }
0x3d: {  	_ =	shalt  }
0x3e: {  	_ =	shalt  }
0x3f: {  	_ =	shalt  }
0x40: {  	_ =	shalt  }
0x41: {  	_ =	shalt  }
0x42: {  	_ =	shalt  }
0x43: {  	_ =	shalt  }
0x44: {  	_ =	shalt  }
0x45: {  	_ =	shalt  }
0x46: {  	_ =	shalt  }
0x47: {  	_ =	shalt  }
0x48: {  	_ =	shalt  }
0x49: {  	_ =	shalt  }
0x4a: {  	_ =	shalt  }
0x4b: {  	_ =	shalt  }
0x4c: {  	_ =	shalt  }
0x4d: {  	_ =	shalt  }
0x4e: {  	_ =	shalt  }
0x4f: {  	_ =	shalt  }
0x50: {  	_ =	shalt  }
0x51: {  	_ =	shalt  }
0x52: {  	_ =	shalt  }
0x53: {  	_ =	shalt  }
0x54: {  	_ =	shalt  }
0x55: {  	_ =	shalt  }
0x56: {  	_ =	shalt  }
0x57: {  	_ =	shalt  }
0x58: {  	_ =	shalt  }
0x59: {  	_ =	shalt  }
0x5a: {  	_ =	shalt  }
0x5b: {  	_ =	shalt  }
0x5c: {  	_ =	shalt  }
0x5d: {  	_ =	shalt  }
0x5e: {  	_ =	shalt  }
0x5f: {  	_ =	shalt  }
0x60: {  	_ =	shalt  }
0x61: {  	_ =	shalt  }
0x62: {  	_ =	shalt  }
0x63: {  	_ =	shalt  }
0x64: {  	_ =	shalt  }
0x65: {  	_ =	shalt  }
0x66: {  	_ =	shalt  }
0x67: {  	_ =	shalt  }
0x68: {  	_ =	shalt  }
0x69: {  	_ =	shalt  }
0x6a: {  	_ =	shalt  }
0x6b: {  	_ =	shalt  }
0x6c: {  	_ =	shalt  }
0x6d: {  	_ =	shalt  }
0x6e: {  	_ =	shalt  }
0x6f: {  	_ =	shalt  }
0x70: {  	_ =	shalt  }
0x71: {  	_ =	shalt  }
0x72: {  	_ =	shalt  }
0x73: {  	_ =	shalt  }
0x74: {  	_ =	shalt  }
0x75: {  	_ =	shalt  }
0x76: {  	_ =	shalt  }
0x77: {  	_ =	shalt  }
0x78: {  	_ =	shalt  }
0x79: {  	_ =	shalt  }
0x7a: {  	_ =	shalt  }
0x7b: {  	_ =	shalt  }
0x7c: {  	_ =	shalt  }
0x7d: {  	_ =	shalt  }
0x7e: {  	_ =	shalt  }
0x7f: {  	_ =	shalt  }
0x80: {  	_ =	shalt  }
0x81: {  	_ =	shalt  }
0x82: {  	_ =	shalt  }
0x83: {  	_ =	shalt  }
0x84: {  	_ =	shalt  }
0x85: {  	_ =	shalt  }
0x86: {  	_ =	shalt  }
0x87: {  	_ =	shalt  }
.Lfunc_end0:
.L_simem_size_0:
called_computation_lowered:
.L_overlay_start_0:
0x88: {  	s2 =	sld [smem:$0x3FD9]  }
0x89: {  	s3 =	sld [smem:$0x3FFE];
	_ =	sdelay $0x1  }
0x8a: {  	s1 =	srdreg.scid  }
0x8b: {  	s0 =	sand.u32 $0x1, s1  }
0x8c: {  	s17 =	sshll.u32 s0, $0xA;
	s2 =	sadd.s32 s3, s2  }
0x8d: {  	s2 =	sadd.s32 s2, s17  }
0x8e: {  	[smem:$0x3FC5] =	sst s2  }
0x8f: {  	_ = 	snop  }
0x90: {  	s2 =	sld [smem:$0x3FC8]  }
0x91: {  	s18 =	sld [smem:$0x3FC7]  }
0x92: {  	s4 =	sld [smem:$0x3FD0];
	(tm) =	ssettm $0x1  }
0x93: {  	s5 =	sld [smem:$0x3FFB];
	_ =	sdelay $0x3  }
0x94: {  	_ =	strace s5  }
0x95: {  	s5 =	sld [smem:$0x3FFC];
	_ =	sdelay $0x3  }
0x96: {  	_ =	strace s5  }
0x97: {  	s5 =	sld [smem:$0x3FFD];
	_ =	sdelay $0x3  }
0x98: {  	_ =	strace s5  }
0x99: {  	_ =	strace $0x8FFFFFFF  }
0x9a: {  	s19 =	sld [smem:$0x3FDB];
	_ =	sdelay $0x1  }
0x9b: {  	s6 =	simm.s32 $_scs_section_size  }
0x9c: {  	s7 =	simm.s32 $_size__tile_overlayer_lowered;
	s8 =	simm.s32 $_tile_overlayer_lowered  }
0x9d: {  	s22 =	simm.s32 $0x1BFF;
	s21 =	sshll.u32 s8, $0x1;
	s5 =	sadd.s32 s6, s19  }
0x9e: {  	s9 =	simm.s32 $0x0;
	s20 =	sshll.u32 s7, $0x1;
	s7 =	sadd.s32 s21, s5  }
0x9f: {  	[timem:s9], [sflag:s22] =	dma.local [hbm:s7], s20  }
0xa0: {  	_ =	swait.ge [sflag:s22], s20  }
0xa1: {  	s6 =	ssub.s32 $0x0, s20;
	[sflag:s22] =	ssyncset.done $0x0  }
0xa2: {  	[sflag:s22] =	ssyncadd.s32 s6;
	_ =	sdelay $0x1  }
0xa3: {  	s23 =	simm.s32 $0x1B8B  }
0xa4: {  	_ =	swait.ge [sflag:s23], $0x1  }
0xa5: {  	[sflag:s23] =	ssyncset.done $0x0  }
0xa6: {  	s25 =	simm.s32 $0x1B8E;
	s24 =	sld [smem:$0x3FFE];
	[sflag:s23] =	ssyncadd.s32 $0xFFFFFFFF  }
0xa7: {  	s26 =	simm.s32 $execute0_lowered;
	[smem:$0x3FD2] =	sst s25  }
0xa8: {  	s7 =	sshll.u32 s26, $0x1;
	_ =	strace $0x80000046;
	[dreg:$0x1] =	wrdreg $0xFFFFFFFF  }
0xa9: {  	s28 =	simm.s32 $_size_execute0_lowered;
	s5 =	sadd.s32 s5, s7;
	[dreg:$0x0] =	wrdreg $0x0  }
0xaa: {  	s7 =	sshll.u32 s28, $0x1;
	[dreg:$0x2] =	wrdreg s5  }
0xab: {  	[dreg:$0x3] =	wrdreg s7  }
0xac: {  	[dreg:$0x4] =	wrdreg $0xC0  }
0xad: {  	_ =	task [dreg:s9], $0x5FFFF  }
0xae: {  	[dreg:$0x1] =	wrdreg $0xFFFFFFFF  }
0xaf: {  	[dreg:$0x0] =	wrdreg $0x60  }
0xb0: {  	[dreg:$0x2] =	wrdreg s24  }
0xb1: {  	[dreg:$0x3] =	wrdreg s2  }
0xb2: {  	[dreg:$0x4] =	wrdreg s18  }
0xb3: {  	[dreg:$0x5] =	wrdreg s4  }
0xb4: {  	[dreg:$0x6] =	wrdreg $0x9  }
0xb5: {  	_ =	task.clear_ibuf [dreg:s9], $0x7FFFF;
	_ =	strace $0x90000046  }
0xb6: {  	s29 =	simm.s32 $0x9;
	_ =	strace $0x80000048  }
0xb7: {  	_ =	swait.ge [sflag:s29], $0x1  }
0xb8: {  	[sflag:s29] =	ssyncadd.s32 $0xFFFFFFFF  }
0xb9: {  	_ =	strace $0x90000048  }
0xba: {  	_ =	sfence  }
0xbb: {  	s30 =	sld [smem:$0x0];
	_ =	sdelay $0x2  }
0xbc: {  	s31 =	sshll.u32 s1, $0xD;
	s1 =	sshrl.u32 s1, $0x2  }
0xbd: {  	s3 =	sand.u32 $0x4000, s31;
	s1 =	sadd.s32 s1, s30  }
0xbe: {  	s0 =	sor.u32 s3, s0;
	s1 =	sshll.u32 s1, $0x11  }
0xbf: {  	s0 =	sor.u32 s1, s0  }
0xc0: {  	s0 =	sadd.s32 $0x8F2B, s0  }
0xc1: {  	[sflag:s0] =	ssyncadd.remote.s32 $0x1  }
0xc2: {  	_ =	sfence.sel $0xFFFF  }
0xc3: {  	[dreg:$0x0] =	wrdreg $0xFFFFFFFF;
	(pc) =	sbr.abs _section_cstart, $3  }
0xc4: {  	[dreg:$0x1] =	wrdreg $0xFFFFFFFF  }
0xc5: {  	_ =	task.clear_ibuf [dreg:s9], $0x2FFFF;
	_ =	strace $0x9FFFFFFF  }
0xc6: {  	(tm) =	ssettm $0x7FFFFFFF  }
0xc7: {  	_ =	shalt  }
tec
execute0_lowered:
.L_overlay_start_1:
0x0: {  	(tag) =	ssettag $0x1  }
0x1: {  	v0 =	vlaneseq.u32  }
0x2: {  	v1 =	vmul.u32 $0x2, v0;
	_ =	sdelay $0x1  }
0x3: {  	v2 =	vor.u32 $0x20, v1;
	v14 =	vor.u32 $0xE0, v1;
	v15 =	vor.u32 $0xE1, v1  }
0x4: {  	v16 =	vor.u32 $0x100, v1;
	v17 =	vor.u32 $0x101, v1;
	v18 =	vor.u32 $0x120, v1  }
0x5: {  	v19 =	vor.u32 $0x121, v1;
	v20 =	vor.u32 $0x140, v1;
	v21 =	vor.u32 $0x141, v1  }
0x6: {  	s2 =	rddreg [dreg:$0x0];
	v22 =	vor.u32 $0x160, v1;
	v23 =	vor.u32 $0x161, v1;
	v24 =	vor.u32 $0x180, v1  }
0x7: {  	s0 =	rddreg [dreg:$0x1];
	v25 =	vor.u32 $0x181, v1;
	v26 =	vor.u32 $0x1A0, v1;
	v27 =	vor.u32 $0x1A1, v1  }
0x8: {  	s1 =	rddreg [dreg:$0x2];
	s10 =	simm.s32 $0x7A1400;
	v28 =	vor.u32 $0x1C0, v1;
	v29 =	vor.u32 $0x1C1, v1;
	[tilespmem:$0x1FF40] =	vst v2;
	v2 =	vor.u32 $0x21, v1  }
0x9: {  	s3 =	rddreg [dreg:$0x3];
	s9 =	simm.s32 $0x400;
	s11 =	simm.s32 $0xC00;
	v30 =	vor.u32 $0x1E0, v1;
	v31 =	vor.u32 $0x1E1, v1;
	[tilespmem:$0x1FF50] =	vst v2;
	v2 =	vor.u32 $0x40, v1  }
0xa: {  	s5 =	srdreg.scid;
	s12 =	simm.s32 $0x8C00;
	s13 =	simm.s32 $0x1C00;
	v32 =	vor.u32 $0x200, v1;
	v33 =	vor.u32 $0x201, v1;
	[tilespmem:$0x1FF60] =	vst v2;
	v2 =	vor.u32 $0x41, v1  }
0xb: {  	s6 =	stileid.u32;
	s14 =	simm.s32 $0x9C00;
	s15 =	simm.s32 $0x2C00;
	v34 =	vor.u32 $0x220, v1;
	v35 =	vor.u32 $0x221, v1;
	[tilespmem:$0x1FF70] =	vst v2;
	v2 =	vor.u32 $0x60, v1  }
0xc: {  	s4 =	simm.s32 $0x0;
	s16 =	simm.s32 $0xAC00;
	s17 =	simm.s32 $0x3C00;
	v36 =	vor.u32 $0x240, v1;
	v37 =	vor.u32 $0x241, v1;
	[tilespmem:$0x1FF80] =	vst v2;
	v2 =	vor.u32 $0x61, v1  }
0xd: {  	s8 =	simm.s32 $0x5;
	s18 =	simm.s32 $0xBC00;
	s19 =	simm.s32 $0x4C00;
	v38 =	vor.u32 $0x260, v1;
	v39 =	vor.u32 $0x261, v1;
	[tilespmem:$0x1FF90] =	vst v2;
	v2 =	vor.u32 $0x80, v1  }
0xe: {  	s20 =	simm.s32 $0xCC00;
	s21 =	simm.s32 $0x5C00;
	s22 =	simm.s32 $0xDC00;
	v40 =	vor.u32 $0x280, v1;
	v41 =	vor.u32 $0x1, v1;
	[tilespmem:$0x1FFA0] =	vst v2;
	v2 =	vor.u32 $0x81, v1  }
0xf: {  	s23 =	simm.s32 $0x6C00;
	s5 =	sand.u32 $0x1, s5;
	s6 =	sshll.u32 s6, $0x1;
	v42 =	vor.u32 $0x281, v1;
	v43 =	vor.u32 $0x2A0, v1;
	[tilespmem:$0x1FFB0] =	vst v2;
	v2 =	vor.u32 $0xA0, v1  }
0x10: {  	s28 =	simm.s32 $0x1;
	s29 =	simm.s32 $0x3;
	s6 =	sor.u32 s5, s6;
	v44 =	vor.u32 $0x2A1, v1;
	v45 =	vor.u32 $0x2C0, v1;
	[tilespmem:$0x1FFC0] =	vst v2;
	v2 =	vor.u32 $0xA1, v1  }
0x11: {  	s30 =	simm.s32 $0x2;
	s5 =	ssub.s32 $0x2, s5;
	s7 =	sshll.u32 s6, $0x7;
	v46 =	vor.u32 $0x2C1, v1;
	v47 =	vor.u32 $0x2E0, v1;
	[tilespmem:$0x1FFD0] =	vst v2;
	v2 =	vor.u32 $0xC0, v1  }
0x12: {  	[smem:$0x7FF] =	sst s4;
	s24 =	sshrl.u32 s5, $0x1;
	v48 =	vor.u32 $0x2E1, v1;
	v49 =	vor.u32 $0x300, v1;
	s2 =	sadd.s32 s7, s2;
	[tilespmem:$0x1FFE0] =	vst v2;
	v2 =	vor.u32 $0xC1, v1  }
0x13: {  	s6 =	sshll.u32 s6, $0x6;
	v50 =	vor.u32 $0x301, v1;
	v51 =	vor.u32 $0x320, v1;
	v52 =	vor.u32 $0x321, v1;
	s5 =	ssub.s32 s5, s24;
	s2 =	sadd.s32 $0x400, s2;
	[tilespmem:$0x1FFF0] =	vst v2  }
0x14: {  	v53 =	vor.u32 $0x340, v1;
	v54 =	vor.u32 $0x341, v1;
	v55 =	vor.u32 $0x360, v1;
	s25 =	sadd.s32 s3, s6;
	_ =	strace $0x80000047;
	[dreg:$0x5] =	wrdreg s2  }
0x15: {  	s31 =	simm.s32 $0x4;
	v56 =	vor.u32 $0x361, v1;
	v57 =	vor.u32 $0x380, v1;
	v58 =	vor.u32 $0x381, v1;
	s26 =	smax.u32 s5, $0x1;
	[dreg:$0x6] =	wrdreg s25  }
0x16: {  	v59 =	vor.u32 $0x3A0, v1;
	v60 =	vor.u32 $0x3A1, v1;
	v61 =	vor.u32 $0x3C0, v1;
	s24 =	simm.s32 $0xEC00;
	s3 =	simm.s32 $0x0;
	[dreg:$0x7] =	wrdreg s26  }
0x17: {  	v62 =	vor.u32 $0x3C1, v1;
	v63 =	vor.u32 $0x3E0, v1;
	v2 =	vor.u32 $0x3E1, v1;
	s25 =	simm.s32 $0x7C00;
	s26 =	simm.s32 $0xFC00;
	s2 =	simm.s32 $0x10C00  }
.LBB2_1:
0x18: {  	s5 =	rddreg [dreg:$0x5]  }
0x19: {  	[tilespmem:s4], [sflag:$0x5] =	stream.linear.gather [hbm4b:s5+s4], $0x400, $0x38;
	[tilespmem:$0x11600] =	vst v63  }
0x1a: {  	_ =	swait.ge [sflag:s8], $0x400  }
0x1b: {  	[sflag:s8] =	ssyncset.done $0x0  }
0x1c: {  	[sflag:s8] =	ssyncadd.s32 $0xFFFFFC00  }
0x1d: {  	v3 =	vld.idx.msk [tilespmem:v1+s4+$0x0], $0xffff  }
0x1e: {  	v4 =	vld.idx.msk [tilespmem:v41+s4+$0x0], $0xffff;
	_ =	sdelay $0x3  }
0x1f: {  	v5 =	vand.u32 $0xFFFFFF80, v3;
	v3 =	vand.u32 $0x7F, v3  }
0x20: {  	[tilespmem:$0x800] =	vst v3;
	v3 =	vand.u32 $0xFFFFFF80, v4  }
0x21: {  	[tilespmem:$0x600] =	vst v3;
	v3 =	vld [tilespmem:$0x1FF40]  }
0x22: {  	v11 =	vld [tilespmem:$0x1FF50];
	_ =	sdelay $0x4  }
0x23: {  	[tilespmem:$0x400] =	vst v5;
	v4 =	vand.u32 $0x7F, v4  }
0x24: {  	[tilespmem:$0xA00] =	vst v4  }
0x25: {  	v3 =	vld.idx.msk [tilespmem:v3+s4+$0x0], $0xffff  }
0x26: {  	v4 =	vld.idx.msk [tilespmem:v11+s4+$0x0], $0xffff;
	_ =	sdelay $0x3  }
0x27: {  	v8 =	vand.u32 $0xFFFFFF80, v3;
	v3 =	vand.u32 $0x7F, v3  }
0x28: {  	[tilespmem:$0x810] =	vst v3;
	v3 =	vand.u32 $0xFFFFFF80, v4  }
0x29: {  	[tilespmem:$0x610] =	vst v3;
	v3 =	vld [tilespmem:$0x1FF60]  }
0x2a: {  	v9 =	vld [tilespmem:$0x1FF70];
	_ =	sdelay $0x4  }
0x2b: {  	[tilespmem:$0x410] =	vst v8;
	v4 =	vand.u32 $0x7F, v4  }
0x2c: {  	[tilespmem:$0xA10] =	vst v4  }
0x2d: {  	v3 =	vld.idx.msk [tilespmem:v3+s4+$0x0], $0xffff  }
0x2e: {  	v4 =	vld.idx.msk [tilespmem:v9+s4+$0x0], $0xffff;
	_ =	sdelay $0x3  }
0x2f: {  	v10 =	vand.u32 $0xFFFFFF80, v3;
	v3 =	vand.u32 $0x7F, v3  }
0x30: {  	[tilespmem:$0x820] =	vst v3;
	v3 =	vand.u32 $0xFFFFFF80, v4  }
0x31: {  	[tilespmem:$0x620] =	vst v3;
	v3 =	vld [tilespmem:$0x1FF80]  }
0x32: {  	v11 =	vld [tilespmem:$0x1FF90];
	_ =	sdelay $0x4  }
0x33: {  	[tilespmem:$0x420] =	vst v10;
	v4 =	vand.u32 $0x7F, v4  }
0x34: {  	[tilespmem:$0xA20] =	vst v4  }
0x35: {  	v3 =	vld.idx.msk [tilespmem:v3+s4+$0x0], $0xffff  }
0x36: {  	v4 =	vld.idx.msk [tilespmem:v11+s4+$0x0], $0xffff;
	_ =	sdelay $0x3  }
0x37: {  	v8 =	vand.u32 $0xFFFFFF80, v3;
	v3 =	vand.u32 $0x7F, v3  }
0x38: {  	[tilespmem:$0x830] =	vst v3;
	v3 =	vand.u32 $0xFFFFFF80, v4  }
0x39: {  	[tilespmem:$0x630] =	vst v3;
	v3 =	vld [tilespmem:$0x1FFA0]  }
0x3a: {  	v9 =	vld [tilespmem:$0x1FFB0];
	_ =	sdelay $0x4  }
0x3b: {  	[tilespmem:$0x430] =	vst v8;
	v4 =	vand.u32 $0x7F, v4  }
0x3c: {  	[tilespmem:$0xA30] =	vst v4  }
0x3d: {  	v3 =	vld.idx.msk [tilespmem:v3+s4+$0x0], $0xffff  }
0x3e: {  	v4 =	vld.idx.msk [tilespmem:v9+s4+$0x0], $0xffff;
	_ =	sdelay $0x3  }
0x3f: {  	v10 =	vand.u32 $0xFFFFFF80, v3;
	v3 =	vand.u32 $0x7F, v3  }
0x40: {  	[tilespmem:$0x840] =	vst v3;
	v3 =	vand.u32 $0xFFFFFF80, v4  }
0x41: {  	[tilespmem:$0x640] =	vst v3;
	v3 =	vld [tilespmem:$0x1FFC0]  }
0x42: {  	v11 =	vld [tilespmem:$0x1FFD0];
	_ =	sdelay $0x4  }
0x43: {  	[tilespmem:$0x440] =	vst v10;
	v4 =	vand.u32 $0x7F, v4  }
0x44: {  	[tilespmem:$0xA40] =	vst v4  }
0x45: {  	v3 =	vld.idx.msk [tilespmem:v3+s4+$0x0], $0xffff  }
0x46: {  	v4 =	vld.idx.msk [tilespmem:v11+s4+$0x0], $0xffff;
	_ =	sdelay $0x3  }
0x47: {  	v8 =	vand.u32 $0xFFFFFF80, v3;
	v3 =	vand.u32 $0x7F, v3  }
0x48: {  	[tilespmem:$0x850] =	vst v3;
	v3 =	vand.u32 $0xFFFFFF80, v4  }
0x49: {  	[tilespmem:$0x650] =	vst v3;
	v3 =	vld [tilespmem:$0x1FFE0];
	_ =	sdelay $0x1  }
0x4a: {  	v9 =	vld [tilespmem:$0x1FFF0];
	_ =	sdelay $0x3  }
0x4b: {  	[tilespmem:$0x450] =	vst v8;
	v4 =	vand.u32 $0x7F, v4  }
0x4c: {  	[tilespmem:$0xA50] =	vst v4  }
0x4d: {  	v3 =	vld.idx.msk [tilespmem:v3+s4+$0x0], $0xffff;
	_ =	sdelay $0x1  }
0x4e: {  	v4 =	vld.idx.msk [tilespmem:v9+s4+$0x0], $0xffff;
	_ =	sdelay $0x2  }
0x4f: {  	v10 =	vand.u32 $0xFFFFFF80, v3  }
0x50: {  	v3 =	vand.u32 $0x7F, v3;
	[tilespmem:$0x460] =	vst v10  }
0x51: {  	[tilespmem:$0x860] =	vst v3;
	v3 =	vand.u32 $0xFFFFFF80, v4  }
0x52: {  	v4 =	vand.u32 $0x7F, v4;
	[tilespmem:$0x660] =	vst v3  }
0x53: {  	[tilespmem:$0xA60] =	vst v4  }
0x54: {  	v3 =	vld.idx.msk [tilespmem:v14+s4+$0x0], $0xffff;
	_ =	sdelay $0x1  }
0x55: {  	v4 =	vld.idx.msk [tilespmem:v15+s4+$0x0], $0xffff;
	_ =	sdelay $0x2  }
0x56: {  	v11 =	vand.u32 $0xFFFFFF80, v3  }
0x57: {  	v3 =	vand.u32 $0x7F, v3;
	[tilespmem:$0x470] =	vst v11  }
0x58: {  	[tilespmem:$0x870] =	vst v3;
	v3 =	vand.u32 $0xFFFFFF80, v4  }
0x59: {  	v4 =	vand.u32 $0x7F, v4;
	[tilespmem:$0x670] =	vst v3  }
0x5a: {  	[tilespmem:$0xA70] =	vst v4  }
0x5b: {  	v3 =	vld.idx.msk [tilespmem:v16+s4+$0x0], $0xffff;
	_ =	sdelay $0x1  }
0x5c: {  	v4 =	vld.idx.msk [tilespmem:v17+s4+$0x0], $0xffff;
	_ =	sdelay $0x2  }
0x5d: {  	v8 =	vand.u32 $0xFFFFFF80, v3  }
0x5e: {  	v3 =	vand.u32 $0x7F, v3;
	[tilespmem:$0x480] =	vst v8  }
0x5f: {  	[tilespmem:$0x880] =	vst v3;
	v3 =	vand.u32 $0xFFFFFF80, v4  }
0x60: {  	v4 =	vand.u32 $0x7F, v4;
	[tilespmem:$0x680] =	vst v3  }
0x61: {  	[tilespmem:$0xA80] =	vst v4  }
0x62: {  	v3 =	vld.idx.msk [tilespmem:v18+s4+$0x0], $0xffff;
	_ =	sdelay $0x1  }
0x63: {  	v4 =	vld.idx.msk [tilespmem:v19+s4+$0x0], $0xffff;
	_ =	sdelay $0x2  }
0x64: {  	v9 =	vand.u32 $0xFFFFFF80, v3  }
0x65: {  	v3 =	vand.u32 $0x7F, v3;
	[tilespmem:$0x490] =	vst v9  }
0x66: {  	[tilespmem:$0x890] =	vst v3;
	v3 =	vand.u32 $0xFFFFFF80, v4  }
0x67: {  	v4 =	vand.u32 $0x7F, v4;
	[tilespmem:$0x690] =	vst v3  }
0x68: {  	[tilespmem:$0xA90] =	vst v4  }
0x69: {  	v3 =	vld.idx.msk [tilespmem:v20+s4+$0x0], $0xffff;
	_ =	sdelay $0x1  }
0x6a: {  	v4 =	vld.idx.msk [tilespmem:v21+s4+$0x0], $0xffff;
	_ =	sdelay $0x2  }
0x6b: {  	v10 =	vand.u32 $0xFFFFFF80, v3  }
0x6c: {  	v3 =	vand.u32 $0x7F, v3;
	[tilespmem:$0x4A0] =	vst v10  }
0x6d: {  	[tilespmem:$0x8A0] =	vst v3;
	v3 =	vand.u32 $0xFFFFFF80, v4  }
0x6e: {  	v4 =	vand.u32 $0x7F, v4;
	[tilespmem:$0x6A0] =	vst v3  }
0x6f: {  	[tilespmem:$0xAA0] =	vst v4  }
0x70: {  	v3 =	vld.idx.msk [tilespmem:v22+s4+$0x0], $0xffff;
	_ =	sdelay $0x1  }
0x71: {  	v4 =	vld.idx.msk [tilespmem:v23+s4+$0x0], $0xffff;
	_ =	sdelay $0x2  }
0x72: {  	v11 =	vand.u32 $0xFFFFFF80, v3  }
0x73: {  	v3 =	vand.u32 $0x7F, v3;
	[tilespmem:$0x4B0] =	vst v11  }
0x74: {  	[tilespmem:$0x8B0] =	vst v3;
	v3 =	vand.u32 $0xFFFFFF80, v4  }
0x75: {  	v4 =	vand.u32 $0x7F, v4;
	[tilespmem:$0x6B0] =	vst v3  }
0x76: {  	[tilespmem:$0xAB0] =	vst v4  }
0x77: {  	v3 =	vld.idx.msk [tilespmem:v24+s4+$0x0], $0xffff;
	_ =	sdelay $0x1  }
0x78: {  	v4 =	vld.idx.msk [tilespmem:v25+s4+$0x0], $0xffff;
	_ =	sdelay $0x2  }
0x79: {  	v8 =	vand.u32 $0xFFFFFF80, v3  }
0x7a: {  	v3 =	vand.u32 $0x7F, v3;
	[tilespmem:$0x4C0] =	vst v8  }
0x7b: {  	[tilespmem:$0x8C0] =	vst v3;
	v3 =	vand.u32 $0xFFFFFF80, v4  }
0x7c: {  	v4 =	vand.u32 $0x7F, v4;
	[tilespmem:$0x6C0] =	vst v3  }
0x7d: {  	[tilespmem:$0xAC0] =	vst v4  }
0x7e: {  	v3 =	vld.idx.msk [tilespmem:v26+s4+$0x0], $0xffff;
	_ =	sdelay $0x1  }
0x7f: {  	v4 =	vld.idx.msk [tilespmem:v27+s4+$0x0], $0xffff;
	_ =	sdelay $0x2  }
0x80: {  	v9 =	vand.u32 $0xFFFFFF80, v3  }
0x81: {  	v3 =	vand.u32 $0x7F, v3;
	[tilespmem:$0x4D0] =	vst v9  }
0x82: {  	[tilespmem:$0x8D0] =	vst v3;
	v3 =	vand.u32 $0xFFFFFF80, v4  }
0x83: {  	v4 =	vand.u32 $0x7F, v4;
	[tilespmem:$0x6D0] =	vst v3  }
0x84: {  	[tilespmem:$0xAD0] =	vst v4  }
0x85: {  	v3 =	vld.idx.msk [tilespmem:v28+s4+$0x0], $0xffff;
	_ =	sdelay $0x1  }
0x86: {  	v4 =	vld.idx.msk [tilespmem:v29+s4+$0x0], $0xffff;
	_ =	sdelay $0x2  }
0x87: {  	v10 =	vand.u32 $0xFFFFFF80, v3  }
0x88: {  	v3 =	vand.u32 $0x7F, v3;
	[tilespmem:$0x4E0] =	vst v10  }
0x89: {  	[tilespmem:$0x8E0] =	vst v3;
	v3 =	vand.u32 $0xFFFFFF80, v4  }
0x8a: {  	v4 =	vand.u32 $0x7F, v4;
	[tilespmem:$0x6E0] =	vst v3  }
0x8b: {  	[tilespmem:$0xAE0] =	vst v4  }
0x8c: {  	v3 =	vld.idx.msk [tilespmem:v30+s4+$0x0], $0xffff;
	_ =	sdelay $0x1  }
0x8d: {  	v4 =	vld.idx.msk [tilespmem:v31+s4+$0x0], $0xffff;
	_ =	sdelay $0x2  }
0x8e: {  	v11 =	vand.u32 $0xFFFFFF80, v3  }
0x8f: {  	v3 =	vand.u32 $0x7F, v3;
	[tilespmem:$0x4F0] =	vst v11  }
0x90: {  	[tilespmem:$0x8F0] =	vst v3;
	v3 =	vand.u32 $0xFFFFFF80, v4  }
0x91: {  	v4 =	vand.u32 $0x7F, v4;
	[tilespmem:$0x6F0] =	vst v3  }
0x92: {  	[tilespmem:$0xAF0] =	vst v4  }
0x93: {  	v3 =	vld.idx.msk [tilespmem:v32+s4+$0x0], $0xffff;
	_ =	sdelay $0x1  }
0x94: {  	v4 =	vld.idx.msk [tilespmem:v33+s4+$0x0], $0xffff;
	_ =	sdelay $0x2  }
0x95: {  	v8 =	vand.u32 $0xFFFFFF80, v3  }
0x96: {  	v3 =	vand.u32 $0x7F, v3;
	[tilespmem:$0x500] =	vst v8  }
0x97: {  	[tilespmem:$0x900] =	vst v3;
	v3 =	vand.u32 $0xFFFFFF80, v4  }
0x98: {  	v4 =	vand.u32 $0x7F, v4;
	[tilespmem:$0x700] =	vst v3  }
0x99: {  	[tilespmem:$0xB00] =	vst v4  }
0x9a: {  	v3 =	vld.idx.msk [tilespmem:v34+s4+$0x0], $0xffff;
	_ =	sdelay $0x1  }
0x9b: {  	v4 =	vld.idx.msk [tilespmem:v35+s4+$0x0], $0xffff;
	_ =	sdelay $0x2  }
0x9c: {  	v9 =	vand.u32 $0xFFFFFF80, v3  }
0x9d: {  	v3 =	vand.u32 $0x7F, v3;
	[tilespmem:$0x510] =	vst v9  }
0x9e: {  	[tilespmem:$0x910] =	vst v3;
	v3 =	vand.u32 $0xFFFFFF80, v4  }
0x9f: {  	v4 =	vand.u32 $0x7F, v4;
	[tilespmem:$0x710] =	vst v3  }
0xa0: {  	[tilespmem:$0xB10] =	vst v4  }
0xa1: {  	v3 =	vld.idx.msk [tilespmem:v36+s4+$0x0], $0xffff;
	_ =	sdelay $0x1  }
0xa2: {  	v4 =	vld.idx.msk [tilespmem:v37+s4+$0x0], $0xffff;
	_ =	sdelay $0x2  }
0xa3: {  	v10 =	vand.u32 $0xFFFFFF80, v3  }
0xa4: {  	v3 =	vand.u32 $0x7F, v3;
	[tilespmem:$0x520] =	vst v10  }
0xa5: {  	[tilespmem:$0x920] =	vst v3;
	v3 =	vand.u32 $0xFFFFFF80, v4  }
0xa6: {  	v4 =	vand.u32 $0x7F, v4;
	[tilespmem:$0x720] =	vst v3  }
0xa7: {  	[tilespmem:$0xB20] =	vst v4  }
0xa8: {  	v3 =	vld.idx.msk [tilespmem:v38+s4+$0x0], $0xffff;
	_ =	sdelay $0x1  }
0xa9: {  	v4 =	vld.idx.msk [tilespmem:v39+s4+$0x0], $0xffff;
	_ =	sdelay $0x2  }
0xaa: {  	v11 =	vand.u32 $0xFFFFFF80, v3  }
0xab: {  	v3 =	vand.u32 $0x7F, v3;
	[tilespmem:$0x530] =	vst v11  }
0xac: {  	[tilespmem:$0x930] =	vst v3;
	v3 =	vand.u32 $0xFFFFFF80, v4  }
0xad: {  	v4 =	vand.u32 $0x7F, v4;
	[tilespmem:$0x730] =	vst v3  }
0xae: {  	[tilespmem:$0xB30] =	vst v4  }
0xaf: {  	v3 =	vld.idx.msk [tilespmem:v40+s4+$0x0], $0xffff;
	_ =	sdelay $0x1  }
0xb0: {  	v4 =	vld.idx.msk [tilespmem:v42+s4+$0x0], $0xffff;
	_ =	sdelay $0x2  }
0xb1: {  	v8 =	vand.u32 $0xFFFFFF80, v3  }
0xb2: {  	v3 =	vand.u32 $0x7F, v3;
	[tilespmem:$0x540] =	vst v8  }
0xb3: {  	[tilespmem:$0x940] =	vst v3;
	v3 =	vand.u32 $0xFFFFFF80, v4  }
0xb4: {  	v4 =	vand.u32 $0x7F, v4;
	[tilespmem:$0x740] =	vst v3  }
0xb5: {  	[tilespmem:$0xB40] =	vst v4  }
0xb6: {  	v3 =	vld.idx.msk [tilespmem:v43+s4+$0x0], $0xffff;
	_ =	sdelay $0x1  }
0xb7: {  	v4 =	vld.idx.msk [tilespmem:v44+s4+$0x0], $0xffff;
	_ =	sdelay $0x2  }
0xb8: {  	v9 =	vand.u32 $0xFFFFFF80, v3  }
0xb9: {  	v3 =	vand.u32 $0x7F, v3;
	[tilespmem:$0x550] =	vst v9  }
0xba: {  	[tilespmem:$0x950] =	vst v3;
	v3 =	vand.u32 $0xFFFFFF80, v4  }
0xbb: {  	v4 =	vand.u32 $0x7F, v4;
	[tilespmem:$0x750] =	vst v3  }
0xbc: {  	[tilespmem:$0xB50] =	vst v4  }
0xbd: {  	v3 =	vld.idx.msk [tilespmem:v45+s4+$0x0], $0xffff;
	_ =	sdelay $0x1  }
0xbe: {  	v4 =	vld.idx.msk [tilespmem:v46+s4+$0x0], $0xffff;
	_ =	sdelay $0x2  }
0xbf: {  	v10 =	vand.u32 $0xFFFFFF80, v3  }
0xc0: {  	v3 =	vand.u32 $0x7F, v3;
	[tilespmem:$0x560] =	vst v10  }
0xc1: {  	[tilespmem:$0x960] =	vst v3;
	v3 =	vand.u32 $0xFFFFFF80, v4  }
0xc2: {  	v4 =	vand.u32 $0x7F, v4;
	[tilespmem:$0x760] =	vst v3  }
0xc3: {  	[tilespmem:$0xB60] =	vst v4  }
0xc4: {  	v3 =	vld.idx.msk [tilespmem:v47+s4+$0x0], $0xffff;
	_ =	sdelay $0x1  }
0xc5: {  	v4 =	vld.idx.msk [tilespmem:v48+s4+$0x0], $0xffff;
	_ =	sdelay $0x2  }
0xc6: {  	v11 =	vand.u32 $0xFFFFFF80, v3  }
0xc7: {  	v3 =	vand.u32 $0x7F, v3;
	[tilespmem:$0x570] =	vst v11  }
0xc8: {  	[tilespmem:$0x970] =	vst v3;
	v3 =	vand.u32 $0xFFFFFF80, v4  }
0xc9: {  	v4 =	vand.u32 $0x7F, v4;
	[tilespmem:$0x770] =	vst v3  }
0xca: {  	[tilespmem:$0xB70] =	vst v4  }
0xcb: {  	v3 =	vld.idx.msk [tilespmem:v49+s4+$0x0], $0xffff;
	_ =	sdelay $0x1  }
0xcc: {  	v4 =	vld.idx.msk [tilespmem:v50+s4+$0x0], $0xffff;
	_ =	sdelay $0x2  }
0xcd: {  	v8 =	vand.u32 $0xFFFFFF80, v3  }
0xce: {  	v3 =	vand.u32 $0x7F, v3;
	[tilespmem:$0x580] =	vst v8  }
0xcf: {  	[tilespmem:$0x980] =	vst v3;
	v3 =	vand.u32 $0xFFFFFF80, v4  }
0xd0: {  	v4 =	vand.u32 $0x7F, v4;
	[tilespmem:$0x780] =	vst v3  }
0xd1: {  	[tilespmem:$0xB80] =	vst v4  }
0xd2: {  	v3 =	vld.idx.msk [tilespmem:v51+s4+$0x0], $0xffff;
	_ =	sdelay $0x1  }
0xd3: {  	v4 =	vld.idx.msk [tilespmem:v52+s4+$0x0], $0xffff;
	_ =	sdelay $0x2  }
0xd4: {  	v9 =	vand.u32 $0xFFFFFF80, v3  }
0xd5: {  	v3 =	vand.u32 $0x7F, v3;
	[tilespmem:$0x590] =	vst v9  }
0xd6: {  	[tilespmem:$0x990] =	vst v3;
	v3 =	vand.u32 $0xFFFFFF80, v4  }
0xd7: {  	v4 =	vand.u32 $0x7F, v4;
	[tilespmem:$0x790] =	vst v3  }
0xd8: {  	[tilespmem:$0xB90] =	vst v4  }
0xd9: {  	v3 =	vld.idx.msk [tilespmem:v53+s4+$0x0], $0xffff;
	_ =	sdelay $0x1  }
0xda: {  	v4 =	vld.idx.msk [tilespmem:v54+s4+$0x0], $0xffff;
	_ =	sdelay $0x2  }
0xdb: {  	v10 =	vand.u32 $0xFFFFFF80, v3  }
0xdc: {  	v3 =	vand.u32 $0x7F, v3;
	[tilespmem:$0x5A0] =	vst v10  }
0xdd: {  	[tilespmem:$0x9A0] =	vst v3;
	v3 =	vand.u32 $0xFFFFFF80, v4  }
0xde: {  	v4 =	vand.u32 $0x7F, v4;
	[tilespmem:$0x7A0] =	vst v3  }
0xdf: {  	[tilespmem:$0xBA0] =	vst v4  }
0xe0: {  	v3 =	vld.idx.msk [tilespmem:v55+s4+$0x0], $0xffff;
	_ =	sdelay $0x1  }
0xe1: {  	v4 =	vld.idx.msk [tilespmem:v56+s4+$0x0], $0xffff;
	_ =	sdelay $0x2  }
0xe2: {  	v11 =	vand.u32 $0xFFFFFF80, v3  }
0xe3: {  	v3 =	vand.u32 $0x7F, v3;
	[tilespmem:$0x5B0] =	vst v11  }
0xe4: {  	[tilespmem:$0x9B0] =	vst v3;
	v3 =	vand.u32 $0xFFFFFF80, v4  }
0xe5: {  	v4 =	vand.u32 $0x7F, v4;
	[tilespmem:$0x7B0] =	vst v3  }
0xe6: {  	[tilespmem:$0xBB0] =	vst v4  }
0xe7: {  	v3 =	vld.idx.msk [tilespmem:v57+s4+$0x0], $0xffff;
	_ =	sdelay $0x1  }
0xe8: {  	v4 =	vld.idx.msk [tilespmem:v58+s4+$0x0], $0xffff;
	_ =	sdelay $0x2  }
0xe9: {  	v8 =	vand.u32 $0xFFFFFF80, v3  }
0xea: {  	v3 =	vand.u32 $0x7F, v3;
	[tilespmem:$0x5C0] =	vst v8  }
0xeb: {  	[tilespmem:$0x9C0] =	vst v3;
	v3 =	vand.u32 $0xFFFFFF80, v4  }
0xec: {  	v4 =	vand.u32 $0x7F, v4;
	[tilespmem:$0x7C0] =	vst v3  }
0xed: {  	[tilespmem:$0xBC0] =	vst v4  }
0xee: {  	v3 =	vld.idx.msk [tilespmem:v59+s4+$0x0], $0xffff;
	_ =	sdelay $0x1  }
0xef: {  	v4 =	vld.idx.msk [tilespmem:v60+s4+$0x0], $0xffff;
	_ =	sdelay $0x2  }
0xf0: {  	v9 =	vand.u32 $0xFFFFFF80, v3  }
0xf1: {  	v3 =	vand.u32 $0x7F, v3;
	[tilespmem:$0x5D0] =	vst v9  }
0xf2: {  	[tilespmem:$0x9D0] =	vst v3;
	v3 =	vand.u32 $0xFFFFFF80, v4  }
0xf3: {  	v4 =	vand.u32 $0x7F, v4;
	[tilespmem:$0x7D0] =	vst v3  }
0xf4: {  	[tilespmem:$0xBD0] =	vst v4  }
0xf5: {  	v3 =	vld.idx.msk [tilespmem:v61+s4+$0x0], $0xffff;
	_ =	sdelay $0x1  }
0xf6: {  	v4 =	vld.idx.msk [tilespmem:v62+s4+$0x0], $0xffff;
	_ =	sdelay $0x2  }
0xf7: {  	v10 =	vand.u32 $0xFFFFFF80, v3  }
0xf8: {  	v3 =	vand.u32 $0x7F, v3;
	[tilespmem:$0x5E0] =	vst v10  }
0xf9: {  	[tilespmem:$0x9E0] =	vst v3;
	v3 =	vand.u32 $0xFFFFFF80, v4  }
0xfa: {  	v4 =	vand.u32 $0x7F, v4;
	[tilespmem:$0x7E0] =	vst v3  }
0xfb: {  	[tilespmem:$0xBE0] =	vst v4  }
0xfc: {  	v3 =	vld.idx.msk [tilespmem:v63+s4+$0x0], $0xffff;
	_ =	sdelay $0x1  }
0xfd: {  	v4 =	vld.idx.msk [tilespmem:v2+s4+$0x0], $0xffff;
	_ =	sdelay $0x2  }
0xfe: {  	v11 =	vand.u32 $0xFFFFFF80, v3  }
0xff: {  	v3 =	vand.u32 $0x7F, v3;
	[tilespmem:$0x5F0] =	vst v11  }
0x100: {  	[tilespmem:$0x9F0] =	vst v3;
	v3 =	vand.u32 $0xFFFFFF80, v4  }
0x101: {  	[tilespmem:$0x7F0] =	vst v3;
	v3 =	vand.u32 $0x7F, v4  }
0x102: {  	s5 =	simm.s32 $0x0;
	[tilespmem:$0xBF0] =	vst v3  }
.LBB2_2:
0x103: {  	s6 =	sshra.s32 s5, $0x2  }
0x104: {  	v8 =	vld [tilespmem:s6+$0x400];
	_ =	sdelay $0x3  }
0x105: {  	v7 =	vld [tilespmem:s6+$0x600]  }
0x106: {  	(v2sf) =	vpush v8, $0x0;
	_ =	sdelay $0x3  }
0x107: {  	(v2sf) =	vpush v7, $0x0;
	_ =	sdelay $0x3  }
0x108: {  	(v2sf) =	vpush v8, $0x1;
	_ =	sdelay $0x3  }
0x109: {  	(v2sf) =	vpush v7, $0x1;
	_ =	sdelay $0x2  }
0x10a: {  	s7 =	spop (v2sf)  }
0x10b: {  	(v2sf) =	vpush v8, $0x2;
	s7 =	sand.u32 $0xFFFFF80, s7  }
0x10c: {  	v3 =	vld [tilespmem:s6+$0x800];
	s7 =	sadd.s32 s0, s7  }
0x10d: {  	v4 =	vld [tilespmem:s6+$0xA00];
	[tilespmem:s11], [sflag:$0x1] =	stream.strided.gather [hbm4b:s7+s9], $0x1000, s10, s9, $0x38  }
0x10e: {  	s7 =	spop (v2sf)  }
0x10f: {  	(v2sf) =	vpush v7, $0x2;
	s7 =	sand.u32 $0xFFFFF80, s7  }
0x110: {  	s7 =	sadd.s32 s1, s7  }
0x111: {  	[tilespmem:s12], [sflag:$0x3] =	stream.strided.gather [hbm4b:s7+s9], $0x1000, s10, s9, $0x38;
	[tilespmem:$0x11600] =	vst v63  }
0x112: {  	s7 =	spop (v2sf)  }
0x113: {  	(v2sf) =	vpush v8, $0x3;
	s7 =	sand.u32 $0xFFFFF80, s7  }
0x114: {  	s7 =	sadd.s32 s0, s7  }
0x115: {  	[tilespmem:s13], [sflag:$0x1] =	stream.strided.gather [hbm4b:s7+s9], $0x1000, s10, s9, $0x38;
	[tilespmem:$0x11600] =	vst v63  }
0x116: {  	s7 =	spop (v2sf)  }
0x117: {  	(v2sf) =	vpush v7, $0x3;
	s7 =	sand.u32 $0xFFFFF80, s7  }
0x118: {  	s7 =	sadd.s32 s1, s7  }
0x119: {  	[tilespmem:s14], [sflag:$0x3] =	stream.strided.gather [hbm4b:s7+s9], $0x1000, s10, s9, $0x38;
	[tilespmem:$0x11600] =	vst v63  }
0x11a: {  	s7 =	spop (v2sf)  }
0x11b: {  	(v2sf) =	vpush v8, $0x4;
	s7 =	sand.u32 $0xFFFFF80, s7  }
0x11c: {  	s7 =	sadd.s32 s0, s7  }
0x11d: {  	[tilespmem:s15], [sflag:$0x1] =	stream.strided.gather [hbm4b:s7+s9], $0x1000, s10, s9, $0x38;
	[tilespmem:$0x11600] =	vst v63  }
0x11e: {  	s7 =	spop (v2sf)  }
0x11f: {  	(v2sf) =	vpush v7, $0x4;
	s7 =	sand.u32 $0xFFFFF80, s7  }
0x120: {  	s7 =	sadd.s32 s1, s7  }
0x121: {  	[tilespmem:s16], [sflag:$0x3] =	stream.strided.gather [hbm4b:s7+s9], $0x1000, s10, s9, $0x38;
	[tilespmem:$0x11600] =	vst v63  }
0x122: {  	s7 =	spop (v2sf)  }
0x123: {  	(v2sf) =	vpush v8, $0x5;
	s7 =	sand.u32 $0xFFFFF80, s7  }
0x124: {  	s7 =	sadd.s32 s0, s7  }
0x125: {  	[tilespmem:s17], [sflag:$0x1] =	stream.strided.gather [hbm4b:s7+s9], $0x1000, s10, s9, $0x38;
	[tilespmem:$0x11600] =	vst v63  }
0x126: {  	s7 =	spop (v2sf)  }
0x127: {  	(v2sf) =	vpush v7, $0x5;
	s7 =	sand.u32 $0xFFFFF80, s7  }
0x128: {  	s7 =	sadd.s32 s1, s7  }
0x129: {  	[tilespmem:s18], [sflag:$0x3] =	stream.strided.gather [hbm4b:s7+s9], $0x1000, s10, s9, $0x38;
	[tilespmem:$0x11600] =	vst v63  }
0x12a: {  	s7 =	spop (v2sf)  }
0x12b: {  	(v2sf) =	vpush v8, $0x6;
	s7 =	sand.u32 $0xFFFFF80, s7  }
0x12c: {  	s7 =	sadd.s32 s0, s7  }
0x12d: {  	[tilespmem:s19], [sflag:$0x2] =	stream.strided.gather [hbm4b:s7+s9], $0x1000, s10, s9, $0x38;
	[tilespmem:$0x11600] =	vst v63  }
0x12e: {  	s7 =	spop (v2sf)  }
0x12f: {  	(v2sf) =	vpush v7, $0x6;
	s7 =	sand.u32 $0xFFFFF80, s7  }
0x130: {  	s7 =	sadd.s32 s1, s7  }
0x131: {  	[tilespmem:s20], [sflag:$0x4] =	stream.strided.gather [hbm4b:s7+s9], $0x1000, s10, s9, $0x38;
	[tilespmem:$0x11600] =	vst v63  }
0x132: {  	s7 =	spop (v2sf)  }
0x133: {  	(v2sf) =	vpush v8, $0x7;
	s7 =	sand.u32 $0xFFFFF80, s7  }
0x134: {  	s7 =	sadd.s32 s0, s7  }
0x135: {  	[tilespmem:s21], [sflag:$0x2] =	stream.strided.gather [hbm4b:s7+s9], $0x1000, s10, s9, $0x38;
	[tilespmem:$0x11600] =	vst v63  }
0x136: {  	s7 =	spop (v2sf)  }
0x137: {  	(v2sf) =	vpush v7, $0x7;
	s7 =	sand.u32 $0xFFFFF80, s7  }
0x138: {  	s7 =	sadd.s32 s1, s7  }
0x139: {  	[tilespmem:s22], [sflag:$0x4] =	stream.strided.gather [hbm4b:s7+s9], $0x1000, s10, s9, $0x38;
	[tilespmem:$0x11600] =	vst v63  }
0x13a: {  	s7 =	spop (v2sf)  }
0x13b: {  	s7 =	sand.u32 $0xFFFFF80, s7  }
0x13c: {  	s7 =	sadd.s32 s0, s7  }
0x13d: {  	[tilespmem:s23], [sflag:$0x2] =	stream.strided.gather [hbm4b:s7+s9], $0x1000, s10, s9, $0x38;
	[tilespmem:$0x11600] =	vst v63  }
0x13e: {  	s7 =	spop (v2sf)  }
0x13f: {  	s7 =	sand.u32 $0xFFFFF80, s7  }
0x140: {  	s7 =	sadd.s32 s1, s7  }
0x141: {  	[tilespmem:s24], [sflag:$0x4] =	stream.strided.gather [hbm4b:s7+s9], $0x1000, s10, s9, $0x38;
	[tilespmem:$0x11600] =	vst v63  }
0x142: {  	s7 =	spop (v2sf)  }
0x143: {  	s7 =	sand.u32 $0xFFFFF80, s7  }
0x144: {  	s7 =	sadd.s32 s0, s7  }
0x145: {  	[tilespmem:s25], [sflag:$0x2] =	stream.strided.gather [hbm4b:s7+s9], $0x1000, s10, s9, $0x38;
	[tilespmem:$0x11600] =	vst v63  }
0x146: {  	s7 =	spop (v2sf)  }
0x147: {  	s7 =	sand.u32 $0xFFFFF80, s7  }
0x148: {  	s7 =	sadd.s32 s1, s7  }
0x149: {  	[tilespmem:s26], [sflag:$0x4] =	stream.strided.gather [hbm4b:s7+s9], $0x1000, s10, s9, $0x38;
	[tilespmem:$0x11600] =	vst v63  }
0x14a: {  	_ =	swait.ge [sflag:s28], $0x1000  }
0x14b: {  	[sflag:s28] =	ssyncset.done $0x0  }
0x14c: {  	[sflag:s28] =	ssyncadd.s32 $0xFFFFF000  }
0x14d: {  	_ =	swait.ge [sflag:s29], $0x1000  }
0x14e: {  	[sflag:s29] =	ssyncset.done $0x0  }
0x14f: {  	[sflag:s29] =	ssyncadd.s32 $0xFFFFF000  }
0x150: {  	_ =	swait.ge [sflag:s28], $0x1000  }
0x151: {  	[sflag:s28] =	ssyncset.done $0x0  }
0x152: {  	[sflag:s28] =	ssyncadd.s32 $0xFFFFF000  }
0x153: {  	_ =	swait.ge [sflag:s29], $0x1000  }
0x154: {  	[sflag:s29] =	ssyncset.done $0x0  }
0x155: {  	[sflag:s29] =	ssyncadd.s32 $0xFFFFF000  }
0x156: {  	_ =	swait.ge [sflag:s28], $0x1000  }
0x157: {  	[sflag:s28] =	ssyncset.done $0x0  }
0x158: {  	[sflag:s28] =	ssyncadd.s32 $0xFFFFF000  }
0x159: {  	_ =	swait.ge [sflag:s29], $0x1000  }
0x15a: {  	[sflag:s29] =	ssyncset.done $0x0  }
0x15b: {  	[sflag:s29] =	ssyncadd.s32 $0xFFFFF000  }
0x15c: {  	_ =	swait.ge [sflag:s28], $0x1000  }
0x15d: {  	[sflag:s28] =	ssyncset.done $0x0  }
0x15e: {  	[sflag:s28] =	ssyncadd.s32 $0xFFFFF000  }
0x15f: {  	_ =	swait.ge [sflag:s29], $0x1000  }
0x160: {  	(v2sf) =	vpush v8, $0x8;
	_ =	sdelay $0x3  }
0x161: {  	(v2sf) =	vpush v7, $0x8;
	_ =	sdelay $0x3  }
0x162: {  	(v2sf) =	vpush v8, $0x9;
	_ =	sdelay $0x3  }
0x163: {  	(v2sf) =	vpush v7, $0x9;
	_ =	sdelay $0x2  }
0x164: {  	s7 =	spop (v2sf)  }
0x165: {  	[sflag:s29] =	ssyncset.done $0x0;
	(v2sf) =	vpush v8, $0xA;
	s7 =	sand.u32 $0xFFFFF80, s7  }
0x166: {  	[sflag:s29] =	ssyncadd.s32 $0xFFFFF000;
	s7 =	sadd.s32 s0, s7  }
0x167: {  	[tilespmem:s11], [sflag:$0x1] =	stream.strided.gather [hbm4b:s7+s9], $0x1000, s10, s9, $0x38;
	[tilespmem:$0x11600] =	vst v63  }
0x168: {  	s7 =	spop (v2sf)  }
0x169: {  	(v2sf) =	vpush v7, $0xA;
	s7 =	sand.u32 $0xFFFFF80, s7  }
0x16a: {  	s7 =	sadd.s32 s1, s7  }
0x16b: {  	[tilespmem:s12], [sflag:$0x3] =	stream.strided.gather [hbm4b:s7+s9], $0x1000, s10, s9, $0x38;
	[tilespmem:$0x11600] =	vst v63  }
0x16c: {  	s7 =	spop (v2sf)  }
0x16d: {  	(v2sf) =	vpush v8, $0xB;
	s7 =	sand.u32 $0xFFFFF80, s7  }
0x16e: {  	s7 =	sadd.s32 s0, s7  }
0x16f: {  	[tilespmem:s13], [sflag:$0x1] =	stream.strided.gather [hbm4b:s7+s9], $0x1000, s10, s9, $0x38;
	[tilespmem:$0x11600] =	vst v63  }
0x170: {  	s7 =	spop (v2sf)  }
0x171: {  	(v2sf) =	vpush v7, $0xB;
	s7 =	sand.u32 $0xFFFFF80, s7  }
0x172: {  	s7 =	sadd.s32 s1, s7  }
0x173: {  	[tilespmem:s14], [sflag:$0x3] =	stream.strided.gather [hbm4b:s7+s9], $0x1000, s10, s9, $0x38;
	[tilespmem:$0x11600] =	vst v63  }
0x174: {  	s7 =	spop (v2sf)  }
0x175: {  	s7 =	sand.u32 $0xFFFFF80, s7  }
0x176: {  	s7 =	sadd.s32 s0, s7  }
0x177: {  	[tilespmem:s15], [sflag:$0x1] =	stream.strided.gather [hbm4b:s7+s9], $0x1000, s10, s9, $0x38;
	[tilespmem:$0x11600] =	vst v63  }
0x178: {  	s7 =	spop (v2sf)  }
0x179: {  	s7 =	sand.u32 $0xFFFFF80, s7  }
0x17a: {  	s7 =	sadd.s32 s1, s7  }
0x17b: {  	[tilespmem:s16], [sflag:$0x3] =	stream.strided.gather [hbm4b:s7+s9], $0x1000, s10, s9, $0x38;
	[tilespmem:$0x11600] =	vst v63  }
0x17c: {  	s7 =	spop (v2sf)  }
0x17d: {  	v5 =	vmul.u32 $0x80, v0;
	v9 =	vbroadcast v3, $0x0;
	s7 =	sand.u32 $0xFFFFF80, s7  }
0x17e: {  	s7 =	sadd.s32 s0, s7  }
0x17f: {  	v6 =	vor.u32 $0x800, v5;
	v10 =	vbroadcast v4, $0x0;
	v11 =	vadd.s32 v5, v9;
	[tilespmem:s17], [sflag:$0x1] =	stream.strided.gather [hbm4b:s7+s9], $0x1000, s10, s9, $0x38;
	[tilespmem:$0x11600] =	vst v63  }
0x180: {  	v9 =	vadd.s32 v6, v9;
	s7 =	spop (v2sf)  }
0x181: {  	v12 =	vadd.s32 v5, v10;
	s7 =	sand.u32 $0xFFFFF80, s7  }
0x182: {  	v10 =	vadd.s32 v6, v10;
	s7 =	sadd.s32 s1, s7  }
0x183: {  	[tilespmem:s18], [sflag:$0x3] =	stream.strided.gather [hbm4b:s7+s9], $0x1000, s10, s9, $0x38;
	[tilespmem:$0x11600] =	vst v63  }
0x184: {  	v11 =	vld.idx.msk [tilespmem:v11+s11+$0x0], $0xffff  }
0x185: {  	v9 =	vld.idx.msk [tilespmem:v9+s11+$0x0], $0xffff  }
0x186: {  	v12 =	vld.idx.msk [tilespmem:v12+s12+$0x0], $0xffff  }
0x187: {  	v10 =	vld.idx.msk [tilespmem:v10+s12+$0x0], $0xffff;
	_ =	sdelay $0x2  }
0x188: {  	v13 =	vbroadcast v3, $0x1  }
0x189: {  	v11 =	vmul.f32 v12, v11  }
0x18a: {  	v9 =	vmul.f32 v10, v9;
	v10 =	vbroadcast v4, $0x1;
	v12 =	vadd.s32 v5, v13  }
0x18b: {  	v13 =	vadd.s32 v6, v13  }
0x18c: {  	v9 =	vadd.f32 v9, v11;
	v11 =	vadd.s32 v5, v10  }
0x18d: {  	v10 =	vadd.s32 v6, v10  }
0x18e: {  	[tilespmem:$0x10C00] =	vst v9  }
0x18f: {  	v9 =	vld.idx.msk [tilespmem:v12+s13+$0x0], $0xffff  }
0x190: {  	v12 =	vld.idx.msk [tilespmem:v13+s13+$0x0], $0xffff  }
0x191: {  	v11 =	vld.idx.msk [tilespmem:v11+s14+$0x0], $0xffff  }
0x192: {  	v10 =	vld.idx.msk [tilespmem:v10+s14+$0x0], $0xffff;
	_ =	sdelay $0x2  }
0x193: {  	v13 =	vbroadcast v3, $0x2  }
0x194: {  	v9 =	vmul.f32 v11, v9  }
0x195: {  	v10 =	vmul.f32 v10, v12;
	v11 =	vbroadcast v4, $0x2;
	v12 =	vadd.s32 v5, v13  }
0x196: {  	v13 =	vadd.s32 v6, v13  }
0x197: {  	v9 =	vadd.f32 v10, v9;
	v10 =	vadd.s32 v5, v11  }
0x198: {  	v11 =	vadd.s32 v6, v11  }
0x199: {  	[tilespmem:$0x10C80] =	vst v9  }
0x19a: {  	v9 =	vld.idx.msk [tilespmem:v12+s15+$0x0], $0xffff  }
0x19b: {  	v12 =	vld.idx.msk [tilespmem:v13+s15+$0x0], $0xffff  }
0x19c: {  	v10 =	vld.idx.msk [tilespmem:v10+s16+$0x0], $0xffff  }
0x19d: {  	v11 =	vld.idx.msk [tilespmem:v11+s16+$0x0], $0xffff;
	_ =	sdelay $0x2  }
0x19e: {  	v13 =	vbroadcast v3, $0x3  }
0x19f: {  	v9 =	vmul.f32 v10, v9  }
0x1a0: {  	v10 =	vmul.f32 v11, v12;
	v11 =	vbroadcast v4, $0x3;
	v12 =	vadd.s32 v5, v13  }
0x1a1: {  	v13 =	vadd.s32 v6, v13  }
0x1a2: {  	v9 =	vadd.f32 v10, v9;
	v10 =	vadd.s32 v5, v11  }
0x1a3: {  	v11 =	vadd.s32 v6, v11  }
0x1a4: {  	[tilespmem:$0x10D00] =	vst v9  }
0x1a5: {  	v9 =	vld.idx.msk [tilespmem:v12+s17+$0x0], $0xffff  }
0x1a6: {  	v12 =	vld.idx.msk [tilespmem:v13+s17+$0x0], $0xffff  }
0x1a7: {  	v10 =	vld.idx.msk [tilespmem:v10+s18+$0x0], $0xffff  }
0x1a8: {  	v11 =	vld.idx.msk [tilespmem:v11+s18+$0x0], $0xffff;
	_ =	sdelay $0x4  }
0x1a9: {  	v9 =	vmul.f32 v10, v9;
	v10 =	vmul.f32 v11, v12;
	_ =	sdelay $0x1  }
0x1aa: {  	v9 =	vadd.f32 v10, v9;
	_ =	sdelay $0x1  }
0x1ab: {  	[tilespmem:$0x10D80] =	vst v9  }
0x1ac: {  	_ =	swait.ge [sflag:s30], $0x1000  }
0x1ad: {  	[sflag:s30] =	ssyncset.done $0x0  }
0x1ae: {  	[sflag:s30] =	ssyncadd.s32 $0xFFFFF000  }
0x1af: {  	_ =	swait.ge [sflag:s31], $0x1000  }
0x1b0: {  	[sflag:s31] =	ssyncset.done $0x0  }
0x1b1: {  	[sflag:s31] =	ssyncadd.s32 $0xFFFFF000  }
0x1b2: {  	_ =	swait.ge [sflag:s30], $0x1000  }
0x1b3: {  	[sflag:s30] =	ssyncset.done $0x0  }
0x1b4: {  	[sflag:s30] =	ssyncadd.s32 $0xFFFFF000  }
0x1b5: {  	_ =	swait.ge [sflag:s31], $0x1000  }
0x1b6: {  	[sflag:s31] =	ssyncset.done $0x0  }
0x1b7: {  	[sflag:s31] =	ssyncadd.s32 $0xFFFFF000  }
0x1b8: {  	_ =	swait.ge [sflag:s30], $0x1000  }
0x1b9: {  	[sflag:s30] =	ssyncset.done $0x0  }
0x1ba: {  	[sflag:s30] =	ssyncadd.s32 $0xFFFFF000  }
0x1bb: {  	_ =	swait.ge [sflag:s31], $0x1000  }
0x1bc: {  	[sflag:s31] =	ssyncset.done $0x0  }
0x1bd: {  	[sflag:s31] =	ssyncadd.s32 $0xFFFFF000  }
0x1be: {  	_ =	swait.ge [sflag:s30], $0x1000  }
0x1bf: {  	[sflag:s30] =	ssyncset.done $0x0  }
0x1c0: {  	[sflag:s30] =	ssyncadd.s32 $0xFFFFF000  }
0x1c1: {  	_ =	swait.ge [sflag:s31], $0x1000  }
0x1c2: {  	(v2sf) =	vpush v8, $0xC;
	_ =	sdelay $0x3  }
0x1c3: {  	(v2sf) =	vpush v7, $0xC;
	_ =	sdelay $0x3  }
0x1c4: {  	(v2sf) =	vpush v8, $0xD;
	_ =	sdelay $0x3  }
0x1c5: {  	(v2sf) =	vpush v7, $0xD;
	_ =	sdelay $0x2  }
0x1c6: {  	s7 =	spop (v2sf)  }
0x1c7: {  	[sflag:s31] =	ssyncset.done $0x0;
	(v2sf) =	vpush v8, $0xE;
	s7 =	sand.u32 $0xFFFFF80, s7  }
0x1c8: {  	[sflag:s31] =	ssyncadd.s32 $0xFFFFF000;
	s7 =	sadd.s32 s0, s7  }
0x1c9: {  	[tilespmem:s19], [sflag:$0x2] =	stream.strided.gather [hbm4b:s7+s9], $0x1000, s10, s9, $0x38;
	[tilespmem:$0x11600] =	vst v63  }
0x1ca: {  	s7 =	spop (v2sf)  }
0x1cb: {  	(v2sf) =	vpush v7, $0xE;
	s7 =	sand.u32 $0xFFFFF80, s7  }
0x1cc: {  	s7 =	sadd.s32 s1, s7  }
0x1cd: {  	[tilespmem:s20], [sflag:$0x4] =	stream.strided.gather [hbm4b:s7+s9], $0x1000, s10, s9, $0x38;
	[tilespmem:$0x11600] =	vst v63  }
0x1ce: {  	s7 =	spop (v2sf)  }
0x1cf: {  	(v2sf) =	vpush v8, $0xF;
	s7 =	sand.u32 $0xFFFFF80, s7  }
0x1d0: {  	s7 =	sadd.s32 s0, s7  }
0x1d1: {  	[tilespmem:s21], [sflag:$0x2] =	stream.strided.gather [hbm4b:s7+s9], $0x1000, s10, s9, $0x38;
	[tilespmem:$0x11600] =	vst v63  }
0x1d2: {  	s7 =	spop (v2sf)  }
0x1d3: {  	(v2sf) =	vpush v7, $0xF;
	s7 =	sand.u32 $0xFFFFF80, s7  }
0x1d4: {  	s7 =	sadd.s32 s1, s7  }
0x1d5: {  	[tilespmem:s22], [sflag:$0x4] =	stream.strided.gather [hbm4b:s7+s9], $0x1000, s10, s9, $0x38;
	[tilespmem:$0x11600] =	vst v63  }
0x1d6: {  	s7 =	spop (v2sf)  }
0x1d7: {  	s7 =	sand.u32 $0xFFFFF80, s7  }
0x1d8: {  	s7 =	sadd.s32 s0, s7  }
0x1d9: {  	[tilespmem:s23], [sflag:$0x2] =	stream.strided.gather [hbm4b:s7+s9], $0x1000, s10, s9, $0x38;
	[tilespmem:$0x11600] =	vst v63  }
0x1da: {  	s7 =	spop (v2sf)  }
0x1db: {  	s7 =	sand.u32 $0xFFFFF80, s7  }
0x1dc: {  	s7 =	sadd.s32 s1, s7  }
0x1dd: {  	[tilespmem:s24], [sflag:$0x4] =	stream.strided.gather [hbm4b:s7+s9], $0x1000, s10, s9, $0x38;
	[tilespmem:$0x11600] =	vst v63  }
0x1de: {  	s7 =	spop (v2sf)  }
0x1df: {  	v7 =	vbroadcast v3, $0x4;
	s7 =	sand.u32 $0xFFFFF80, s7  }
0x1e0: {  	s7 =	sadd.s32 s0, s7  }
0x1e1: {  	v8 =	vbroadcast v4, $0x4;
	v9 =	vadd.s32 v5, v7;
	[tilespmem:s25], [sflag:$0x2] =	stream.strided.gather [hbm4b:s7+s9], $0x1000, s10, s9, $0x38;
	[tilespmem:$0x11600] =	vst v63  }
0x1e2: {  	v7 =	vadd.s32 v6, v7;
	s7 =	spop (v2sf)  }
0x1e3: {  	v10 =	vadd.s32 v5, v8;
	s7 =	sand.u32 $0xFFFFF80, s7  }
0x1e4: {  	v8 =	vadd.s32 v6, v8;
	s7 =	sadd.s32 s1, s7  }
0x1e5: {  	[tilespmem:s26], [sflag:$0x4] =	stream.strided.gather [hbm4b:s7+s9], $0x1000, s10, s9, $0x38;
	[tilespmem:$0x11600] =	vst v63  }
0x1e6: {  	v9 =	vld.idx.msk [tilespmem:v9+s19+$0x0], $0xffff  }
0x1e7: {  	v7 =	vld.idx.msk [tilespmem:v7+s19+$0x0], $0xffff  }
0x1e8: {  	v10 =	vld.idx.msk [tilespmem:v10+s20+$0x0], $0xffff  }
0x1e9: {  	v8 =	vld.idx.msk [tilespmem:v8+s20+$0x0], $0xffff;
	_ =	sdelay $0x2  }
0x1ea: {  	v11 =	vbroadcast v3, $0x5  }
0x1eb: {  	v9 =	vmul.f32 v10, v9  }
0x1ec: {  	v7 =	vmul.f32 v8, v7;
	v8 =	vbroadcast v4, $0x5;
	v10 =	vadd.s32 v5, v11  }
0x1ed: {  	v11 =	vadd.s32 v6, v11  }
0x1ee: {  	v7 =	vadd.f32 v7, v9;
	v9 =	vadd.s32 v5, v8  }
0x1ef: {  	v8 =	vadd.s32 v6, v8  }
0x1f0: {  	[tilespmem:$0x10E00] =	vst v7  }
0x1f1: {  	v7 =	vld.idx.msk [tilespmem:v10+s21+$0x0], $0xffff  }
0x1f2: {  	v10 =	vld.idx.msk [tilespmem:v11+s21+$0x0], $0xffff  }
0x1f3: {  	v9 =	vld.idx.msk [tilespmem:v9+s22+$0x0], $0xffff  }
0x1f4: {  	v8 =	vld.idx.msk [tilespmem:v8+s22+$0x0], $0xffff;
	_ =	sdelay $0x2  }
0x1f5: {  	v11 =	vbroadcast v3, $0x6  }
0x1f6: {  	v7 =	vmul.f32 v9, v7  }
0x1f7: {  	v8 =	vmul.f32 v8, v10;
	v9 =	vbroadcast v4, $0x6;
	v10 =	vadd.s32 v5, v11  }
0x1f8: {  	v11 =	vadd.s32 v6, v11  }
0x1f9: {  	v7 =	vadd.f32 v8, v7;
	v8 =	vadd.s32 v5, v9  }
0x1fa: {  	v9 =	vadd.s32 v6, v9  }
0x1fb: {  	[tilespmem:$0x10E80] =	vst v7  }
0x1fc: {  	v7 =	vld.idx.msk [tilespmem:v10+s23+$0x0], $0xffff  }
0x1fd: {  	v10 =	vld.idx.msk [tilespmem:v11+s23+$0x0], $0xffff  }
0x1fe: {  	v8 =	vld.idx.msk [tilespmem:v8+s24+$0x0], $0xffff  }
0x1ff: {  	v9 =	vld.idx.msk [tilespmem:v9+s24+$0x0], $0xffff;
	_ =	sdelay $0x2  }
0x200: {  	v11 =	vbroadcast v3, $0x7  }
0x201: {  	v7 =	vmul.f32 v8, v7  }
0x202: {  	v8 =	vmul.f32 v9, v10;
	v9 =	vbroadcast v4, $0x7;
	v10 =	vadd.s32 v5, v11  }
0x203: {  	v11 =	vadd.s32 v6, v11  }
0x204: {  	v7 =	vadd.f32 v8, v7;
	v8 =	vadd.s32 v5, v9  }
0x205: {  	v9 =	vadd.s32 v6, v9  }
0x206: {  	[tilespmem:$0x10F00] =	vst v7  }
0x207: {  	v7 =	vld.idx.msk [tilespmem:v10+s25+$0x0], $0xffff  }
0x208: {  	v10 =	vld.idx.msk [tilespmem:v11+s25+$0x0], $0xffff  }
0x209: {  	v8 =	vld.idx.msk [tilespmem:v8+s26+$0x0], $0xffff  }
0x20a: {  	v9 =	vld.idx.msk [tilespmem:v9+s26+$0x0], $0xffff;
	_ =	sdelay $0x4  }
0x20b: {  	v7 =	vmul.f32 v8, v7;
	v8 =	vmul.f32 v9, v10;
	_ =	sdelay $0x1  }
0x20c: {  	v7 =	vadd.f32 v8, v7;
	_ =	sdelay $0x1  }
0x20d: {  	[tilespmem:$0x10F80] =	vst v7  }
0x20e: {  	_ =	swait.ge [sflag:s28], $0x1000  }
0x20f: {  	[sflag:s28] =	ssyncset.done $0x0  }
0x210: {  	[sflag:s28] =	ssyncadd.s32 $0xFFFFF000  }
0x211: {  	_ =	swait.ge [sflag:s29], $0x1000  }
0x212: {  	[sflag:s29] =	ssyncset.done $0x0  }
0x213: {  	[sflag:s29] =	ssyncadd.s32 $0xFFFFF000  }
0x214: {  	_ =	swait.ge [sflag:s28], $0x1000  }
0x215: {  	[sflag:s28] =	ssyncset.done $0x0  }
0x216: {  	[sflag:s28] =	ssyncadd.s32 $0xFFFFF000  }
0x217: {  	_ =	swait.ge [sflag:s29], $0x1000  }
0x218: {  	[sflag:s29] =	ssyncset.done $0x0  }
0x219: {  	[sflag:s29] =	ssyncadd.s32 $0xFFFFF000  }
0x21a: {  	_ =	swait.ge [sflag:s28], $0x1000  }
0x21b: {  	[sflag:s28] =	ssyncset.done $0x0  }
0x21c: {  	[sflag:s28] =	ssyncadd.s32 $0xFFFFF000  }
0x21d: {  	_ =	swait.ge [sflag:s29], $0x1000  }
0x21e: {  	[sflag:s29] =	ssyncset.done $0x0  }
0x21f: {  	v7 =	vbroadcast v3, $0x8;
	[sflag:s29] =	ssyncadd.s32 $0xFFFFF000  }
0x220: {  	_ =	swait.ge [sflag:s28], $0x1000  }
0x221: {  	v8 =	vbroadcast v4, $0x8;
	v9 =	vadd.s32 v5, v7;
	[sflag:s28] =	ssyncset.done $0x0  }
0x222: {  	v7 =	vadd.s32 v6, v7;
	[sflag:s28] =	ssyncadd.s32 $0xFFFFF000  }
0x223: {  	v10 =	vadd.s32 v5, v8;
	_ =	swait.ge [sflag:s29], $0x1000  }
0x224: {  	v8 =	vadd.s32 v6, v8;
	[sflag:s29] =	ssyncset.done $0x0  }
0x225: {  	[sflag:s29] =	ssyncadd.s32 $0xFFFFF000  }
0x226: {  	v9 =	vld.idx.msk [tilespmem:v9+s11+$0x0], $0xffff  }
0x227: {  	v7 =	vld.idx.msk [tilespmem:v7+s11+$0x0], $0xffff  }
0x228: {  	v10 =	vld.idx.msk [tilespmem:v10+s12+$0x0], $0xffff  }
0x229: {  	v8 =	vld.idx.msk [tilespmem:v8+s12+$0x0], $0xffff;
	_ =	sdelay $0x2  }
0x22a: {  	v11 =	vbroadcast v3, $0x9  }
0x22b: {  	v9 =	vmul.f32 v10, v9  }
0x22c: {  	v7 =	vmul.f32 v8, v7;
	v8 =	vbroadcast v4, $0x9;
	v10 =	vadd.s32 v5, v11  }
0x22d: {  	v11 =	vadd.s32 v6, v11  }
0x22e: {  	v7 =	vadd.f32 v7, v9;
	v9 =	vadd.s32 v5, v8  }
0x22f: {  	v8 =	vadd.s32 v6, v8  }
0x230: {  	[tilespmem:$0x11000] =	vst v7  }
0x231: {  	v7 =	vld.idx.msk [tilespmem:v10+s13+$0x0], $0xffff  }
0x232: {  	v10 =	vld.idx.msk [tilespmem:v11+s13+$0x0], $0xffff  }
0x233: {  	v9 =	vld.idx.msk [tilespmem:v9+s14+$0x0], $0xffff  }
0x234: {  	v8 =	vld.idx.msk [tilespmem:v8+s14+$0x0], $0xffff;
	_ =	sdelay $0x2  }
0x235: {  	v11 =	vbroadcast v3, $0xA  }
0x236: {  	v7 =	vmul.f32 v9, v7  }
0x237: {  	v8 =	vmul.f32 v8, v10;
	v9 =	vbroadcast v4, $0xA;
	v10 =	vadd.s32 v5, v11  }
0x238: {  	v11 =	vadd.s32 v6, v11  }
0x239: {  	v7 =	vadd.f32 v8, v7;
	v8 =	vadd.s32 v5, v9  }
0x23a: {  	v9 =	vadd.s32 v6, v9  }
0x23b: {  	[tilespmem:$0x11080] =	vst v7  }
0x23c: {  	v7 =	vld.idx.msk [tilespmem:v10+s15+$0x0], $0xffff  }
0x23d: {  	v10 =	vld.idx.msk [tilespmem:v11+s15+$0x0], $0xffff  }
0x23e: {  	v8 =	vld.idx.msk [tilespmem:v8+s16+$0x0], $0xffff  }
0x23f: {  	v9 =	vld.idx.msk [tilespmem:v9+s16+$0x0], $0xffff;
	_ =	sdelay $0x2  }
0x240: {  	v11 =	vbroadcast v3, $0xB  }
0x241: {  	v7 =	vmul.f32 v8, v7  }
0x242: {  	v8 =	vmul.f32 v9, v10;
	v9 =	vbroadcast v4, $0xB;
	v10 =	vadd.s32 v5, v11  }
0x243: {  	v11 =	vadd.s32 v6, v11  }
0x244: {  	v7 =	vadd.f32 v8, v7;
	v8 =	vadd.s32 v5, v9  }
0x245: {  	v9 =	vadd.s32 v6, v9  }
0x246: {  	[tilespmem:$0x11100] =	vst v7  }
0x247: {  	v7 =	vld.idx.msk [tilespmem:v10+s17+$0x0], $0xffff  }
0x248: {  	v10 =	vld.idx.msk [tilespmem:v11+s17+$0x0], $0xffff  }
0x249: {  	v8 =	vld.idx.msk [tilespmem:v8+s18+$0x0], $0xffff  }
0x24a: {  	v9 =	vld.idx.msk [tilespmem:v9+s18+$0x0], $0xffff;
	_ =	sdelay $0x4  }
0x24b: {  	v7 =	vmul.f32 v8, v7;
	v8 =	vmul.f32 v9, v10;
	_ =	sdelay $0x1  }
0x24c: {  	v7 =	vadd.f32 v8, v7;
	_ =	sdelay $0x1  }
0x24d: {  	[tilespmem:$0x11180] =	vst v7  }
0x24e: {  	_ =	swait.ge [sflag:s30], $0x1000  }
0x24f: {  	[sflag:s30] =	ssyncset.done $0x0  }
0x250: {  	[sflag:s30] =	ssyncadd.s32 $0xFFFFF000  }
0x251: {  	_ =	swait.ge [sflag:s31], $0x1000  }
0x252: {  	[sflag:s31] =	ssyncset.done $0x0  }
0x253: {  	[sflag:s31] =	ssyncadd.s32 $0xFFFFF000  }
0x254: {  	_ =	swait.ge [sflag:s30], $0x1000  }
0x255: {  	[sflag:s30] =	ssyncset.done $0x0  }
0x256: {  	[sflag:s30] =	ssyncadd.s32 $0xFFFFF000  }
0x257: {  	_ =	swait.ge [sflag:s31], $0x1000  }
0x258: {  	[sflag:s31] =	ssyncset.done $0x0  }
0x259: {  	[sflag:s31] =	ssyncadd.s32 $0xFFFFF000  }
0x25a: {  	_ =	swait.ge [sflag:s30], $0x1000  }
0x25b: {  	[sflag:s30] =	ssyncset.done $0x0  }
0x25c: {  	[sflag:s30] =	ssyncadd.s32 $0xFFFFF000  }
0x25d: {  	_ =	swait.ge [sflag:s31], $0x1000  }
0x25e: {  	[sflag:s31] =	ssyncset.done $0x0  }
0x25f: {  	v7 =	vbroadcast v3, $0xC;
	[sflag:s31] =	ssyncadd.s32 $0xFFFFF000  }
0x260: {  	_ =	swait.ge [sflag:s30], $0x1000  }
0x261: {  	v8 =	vbroadcast v4, $0xC;
	v9 =	vadd.s32 v5, v7;
	[sflag:s30] =	ssyncset.done $0x0  }
0x262: {  	v7 =	vadd.s32 v6, v7;
	[sflag:s30] =	ssyncadd.s32 $0xFFFFF000  }
0x263: {  	v10 =	vadd.s32 v5, v8;
	_ =	swait.ge [sflag:s31], $0x1000  }
0x264: {  	v8 =	vadd.s32 v6, v8;
	[sflag:s31] =	ssyncset.done $0x0  }
0x265: {  	[sflag:s31] =	ssyncadd.s32 $0xFFFFF000  }
0x266: {  	v9 =	vld.idx.msk [tilespmem:v9+s19+$0x0], $0xffff  }
0x267: {  	v7 =	vld.idx.msk [tilespmem:v7+s19+$0x0], $0xffff  }
0x268: {  	v10 =	vld.idx.msk [tilespmem:v10+s20+$0x0], $0xffff  }
0x269: {  	v8 =	vld.idx.msk [tilespmem:v8+s20+$0x0], $0xffff;
	_ =	sdelay $0x2  }
0x26a: {  	v11 =	vbroadcast v3, $0xD  }
0x26b: {  	v9 =	vmul.f32 v10, v9  }
0x26c: {  	v7 =	vmul.f32 v8, v7;
	v8 =	vbroadcast v4, $0xD;
	v10 =	vadd.s32 v5, v11  }
0x26d: {  	v11 =	vadd.s32 v6, v11  }
0x26e: {  	v7 =	vadd.f32 v7, v9;
	v9 =	vadd.s32 v5, v8  }
0x26f: {  	v8 =	vadd.s32 v6, v8  }
0x270: {  	[tilespmem:$0x11200] =	vst v7  }
0x271: {  	v7 =	vld.idx.msk [tilespmem:v10+s21+$0x0], $0xffff  }
0x272: {  	v10 =	vld.idx.msk [tilespmem:v11+s21+$0x0], $0xffff  }
0x273: {  	v9 =	vld.idx.msk [tilespmem:v9+s22+$0x0], $0xffff  }
0x274: {  	v8 =	vld.idx.msk [tilespmem:v8+s22+$0x0], $0xffff;
	_ =	sdelay $0x2  }
0x275: {  	v11 =	vbroadcast v3, $0xE  }
0x276: {  	v7 =	vmul.f32 v9, v7  }
0x277: {  	v8 =	vmul.f32 v8, v10;
	v9 =	vbroadcast v4, $0xE;
	v10 =	vadd.s32 v5, v11  }
0x278: {  	v11 =	vadd.s32 v6, v11  }
0x279: {  	v7 =	vadd.f32 v8, v7;
	v8 =	vadd.s32 v5, v9  }
0x27a: {  	v9 =	vadd.s32 v6, v9  }
0x27b: {  	[tilespmem:$0x11280] =	vst v7  }
0x27c: {  	v7 =	vld.idx.msk [tilespmem:v10+s23+$0x0], $0xffff  }
0x27d: {  	v10 =	vld.idx.msk [tilespmem:v11+s23+$0x0], $0xffff  }
0x27e: {  	v8 =	vld.idx.msk [tilespmem:v8+s24+$0x0], $0xffff  }
0x27f: {  	v9 =	vld.idx.msk [tilespmem:v9+s24+$0x0], $0xffff;
	_ =	sdelay $0x2  }
0x280: {  	v3 =	vbroadcast v3, $0xF  }
0x281: {  	v4 =	vbroadcast v4, $0xF  }
0x282: {  	v7 =	vmul.f32 v8, v7;
	v8 =	vmul.f32 v9, v10;
	v9 =	vadd.s32 v5, v3  }
0x283: {  	v3 =	vadd.s32 v6, v3  }
0x284: {  	v7 =	vadd.f32 v8, v7;
	v8 =	vadd.s32 v5, v4  }
0x285: {  	v4 =	vadd.s32 v6, v4  }
0x286: {  	[tilespmem:$0x11300] =	vst v7  }
0x287: {  	v11 =	vld.idx.msk [tilespmem:v9+s25+$0x0], $0xffff  }
0x288: {  	v3 =	vld.idx.msk [tilespmem:v3+s25+$0x0], $0xffff  }
0x289: {  	v7 =	vld.idx.msk [tilespmem:v8+s26+$0x0], $0xffff  }
0x28a: {  	v4 =	vld.idx.msk [tilespmem:v4+s26+$0x0], $0xffff;
	_ =	sdelay $0x4  }
0x28b: {  	v6 =	vmul.f32 v7, v11;
	v3 =	vmul.f32 v4, v3;
	_ =	sdelay $0x1  }
0x28c: {  	v9 =	vor.u32 $0x1, v5;
	v3 =	vadd.f32 v3, v6;
	_ =	sdelay $0x1  }
0x28d: {  	[tilespmem:$0x11380] =	vst v3;
	v3 =	vor.u32 $0x2, v5  }
0x28e: {  	v6 =	vld.idx.msk [tilespmem:v5+s2+$0x0], $0xffff  }
0x28f: {  	v7 =	vor.u32 $0x3, v5  }
0x290: {  	v4 =	vld.idx.msk [tilespmem:v9+s2+$0x0], $0xffff  }
0x291: {  	v8 =	vor.u32 $0x4, v5  }
0x292: {  	v3 =	vld.idx.msk [tilespmem:v3+s2+$0x0], $0xffff  }
0x293: {  	v9 =	vor.u32 $0x5, v5;
	v6 =	vadd.f32 $0.0e+00, v6  }
0x294: {  	v7 =	vld.idx.msk [tilespmem:v7+s2+$0x0], $0xffff  }
0x295: {  	v4 =	vadd.f32 v4, v6;
	v6 =	vor.u32 $0x6, v5  }
0x296: {  	v8 =	vld.idx.msk [tilespmem:v8+s2+$0x0], $0xffff  }
0x297: {  	v3 =	vadd.f32 v3, v4;
	v4 =	vor.u32 $0x7, v5  }
0x298: {  	v9 =	vld.idx.msk [tilespmem:v9+s2+$0x0], $0xffff  }
0x299: {  	v3 =	vadd.f32 v7, v3;
	v7 =	vor.u32 $0x8, v5  }
0x29a: {  	v6 =	vld.idx.msk [tilespmem:v6+s2+$0x0], $0xffff  }
0x29b: {  	v3 =	vadd.f32 v8, v3;
	v8 =	vor.u32 $0x9, v5  }
0x29c: {  	v4 =	vld.idx.msk [tilespmem:v4+s2+$0x0], $0xffff  }
0x29d: {  	v3 =	vadd.f32 v9, v3;
	v9 =	vor.u32 $0xA, v5  }
0x29e: {  	v7 =	vld.idx.msk [tilespmem:v7+s2+$0x0], $0xffff  }
0x29f: {  	v3 =	vadd.f32 v6, v3;
	v6 =	vor.u32 $0xB, v5  }
0x2a0: {  	v8 =	vld.idx.msk [tilespmem:v8+s2+$0x0], $0xffff  }
0x2a1: {  	v3 =	vadd.f32 v4, v3;
	v4 =	vor.u32 $0xC, v5  }
0x2a2: {  	v9 =	vld.idx.msk [tilespmem:v9+s2+$0x0], $0xffff  }
0x2a3: {  	v3 =	vadd.f32 v7, v3;
	v7 =	vor.u32 $0xD, v5  }
0x2a4: {  	v6 =	vld.idx.msk [tilespmem:v6+s2+$0x0], $0xffff  }
0x2a5: {  	v3 =	vadd.f32 v8, v3;
	v8 =	vor.u32 $0xE, v5  }
0x2a6: {  	v4 =	vld.idx.msk [tilespmem:v4+s2+$0x0], $0xffff  }
0x2a7: {  	v5 =	vor.u32 $0xF, v5;
	v3 =	vadd.f32 v9, v3  }
0x2a8: {  	v7 =	vld.idx.msk [tilespmem:v7+s2+$0x0], $0xffff  }
0x2a9: {  	v3 =	vadd.f32 v6, v3  }
0x2aa: {  	v10 =	vld.idx.msk [tilespmem:v8+s2+$0x0], $0xffff  }
0x2ab: {  	v3 =	vadd.f32 v4, v3  }
0x2ac: {  	v11 =	vld.idx.msk [tilespmem:v5+s2+$0x0], $0xffff  }
0x2ad: {  	v3 =	vadd.f32 v7, v3  }
0x2ae: {  	p0 =	sne.s32 s5, $0x7C0  }
.Ltmp0:
0x2af: {  	v3 =	vadd.f32 v10, v3;
	(pc) =	sbr.rel @p0 .LBB2_2-.Ltmp0, $3  }
0x2b0: {  	_ = 	snop  }
0x2b1: {  	v3 =	vadd.f32 v11, v3;
	_ =	sdelay $0x1  }
0x2b2: {  	s5 =	sadd.s32 $0x40, s5;
	[tilespmem:s6+$0x11400] =	vst v3  }
0x2b3: {  	s5 =	rddreg [dreg:$0x6];
	s6 =	simm.s32 $0x11400  }
0x2b4: {  	[hbm4b:s5+s4] =	stream.linear.scatter [tilespmem:s6], [sflag:$0x5], $0x200, $0x38;
	[tilespmem:$0x11600] =	vst v63  }
0x2b5: {  	_ =	swait.ge [sflag:s8], $0x200  }
0x2b6: {  	s3 =	sadd.s32 $0x1, s3;
	s7 =	rddreg [dreg:$0x7]  }
0x2b7: {  	p0 =	sne.s32 s3, s7  }
.Ltmp1:
0x2b8: {  	_ = 	snop;
	(pc) =	sbr.rel @p0 .LBB2_1-.Ltmp1, $3  }
0x2b9: {  	_ =	sdelay $0x1  }
0x2ba: {  	[sflag:s8] =	ssyncset.done $0x0  }
0x2bb: {  	[sflag:s8] =	ssyncadd.s32 $0xFFFFFE00  }
0x2bc: {  	_ =	sfence.sel $0x180000  }
0x2bd: {  	[bflag:$0x0] =	sbarrier.arrive $0xFFFF  }
0x2be: {  	_ =	strace $0x90000047  }
0x2bf: {  	s0 =	stileid.u32;
	[bflag:$0x2] =	sbarrier.arrive $0xFFFF  }
0x2c0: {  	p0 =	sne.s32 s0, $0x0;
	s0 =	rddreg [dreg:$0x4]  }
0x2c1: {  	s0 =	sadd.s32 @!p0 $0x100000, s0  }
0x2c2: {  	[sflag:s0] =	ssyncadd.tile.s32 @!p0 $0x1;
	_ =	shalt  }
.Lfunc_end2:
_tile_overlayer_lowered:
.L_overlay_start_2:
0x2c3: {  	(tag) =	ssettag $0x2  }
0x2c4: {  	s0 =	rddreg [dreg:$0x0];
	s2 =	stileid.u32  }
0x2c5: {  	s1 =	rddreg [dreg:$0x1];
	p0 =	sne.s32 s2, $0x0  }
0x2c6: {  	s3 =	rddreg [dreg:$0x2];
	[bflag:$0x3] =	sbarrier.arrive $0xFFFF;
	s2 =	simm.s32 @!p0 $0x1C05  }
0x2c7: {  	[timem:s3], [sflag:s2] =	dma.local @!p0 [hbm:s0], s1  }
0x2c8: {  	s0 =	simm.s32 @!p0 $0x5  }
0x2c9: {  	_ =	swait.ge @!p0 [sflag:s0], s1  }
0x2ca: {  	s1 =	ssub.s32 @!p0 $0x0, s1;
	[sflag:s0] =	ssyncset.done @!p0 $0x0  }
0x2cb: {  	[sflag:s0] =	ssyncadd.s32 @!p0 s1  }
0x2cc: {  	[bflag:$0x3] =	sbarrier.arrive $0xFFFF  }
0x2cd: {  	_ =	shalt  }

</sc_bundles>
